<compile_context>
chip_gen: v7x
topology: tpu7x:2x2x1
jax: 0.10.2.dev20260603
libtpu: 0.0.44.dev20260713+nightly
codegen_flags: <defaults>
</compile_context>

<pallas_src>
import functools

import jax
import jax.numpy as jnp
from jax import lax
from jax.experimental import pallas as pl
from jax.experimental.pallas import tpu as pltpu
from jax.experimental.pallas import tpu_sc as plsc

N_NODES = 10000
D = 128
N_EDGES = 320000

NC, NS = 2, 16
NW = NC * NS
CHUNK = 128
E_PAD = 327680
NCHUNK = E_PAD // (NW * CHUNK)
EPW = NCHUNK * CHUNK
TOT_CHUNKS = E_PAD // CHUNK
K0, K1 = 112, 48
IBLK = 16
PAD_DST = 10016
ACC_ROWS = 10240
ZROWS = ACC_ROWS // NS
HR, HC = ACC_ROWS // 16, 16


def _deg_sc_body(dst_hbm, out_hbm, idx_v, hist_v):
    c = lax.axis_index("c")
    s = lax.axis_index("s")
    w = c * NS + s

    @pl.loop(0, HR)
    def _(i):
        hist_v[i] = jnp.zeros((16,), jnp.float32)

    pltpu.sync_copy(dst_hbm.at[w], idx_v)
    ones = jnp.full((16,), 1.0, jnp.float32)

    @pl.loop(0, EPW, step=16)
    def _(i):
        vec = idx_v[pl.ds(i, 16)]
        row = lax.shift_right_logical(vec, 4)
        col = lax.bitwise_and(vec, 15)
        plsc.addupdate_scatter(hist_v, [row, col], ones)

    pltpu.sync_copy(hist_v, out_hbm.at[c, s])


PDEPTH = 2


def _segsum_sc_body(g_hbm, src_hbm, dst_hbm, out_hbm,
                    sv, dv, rw0, rw1, acc_sh,
                    si, sg0, sg1, ss0, ss1):
    c = lax.axis_index("c")
    s = lax.axis_index("s")
    rws = (rw0, rw1)
    sgs = (sg0, sg1)
    sss = (ss0, ss1)

    @pl.loop(0, CHUNK)
    def _(i):
        @pl.loop(0, D, step=16)
        def _(k):
            rw0[i, pl.ds(k, 16)] = jnp.zeros((16,), jnp.float32)

    @pl.loop(0, ZROWS // CHUNK)
    def _(k):
        pltpu.sync_copy(rw0, acc_sh.at[pl.ds(s * ZROWS + k * CHUNK, CHUNK)])

    plsc.subcore_barrier()

    def _run(base, nch):
        @pl.loop(0, nch, step=IBLK)
        def _(j):
            jj = base + j
            pltpu.async_copy(src_hbm.at[pl.ds(jj, IBLK)], sv, si).wait()
            pltpu.async_copy(dst_hbm.at[pl.ds(jj, IBLK)], dv, si).wait()
            scat = [None] * IBLK
            for n in range(IBLK):
                p = n % 2
                if n >= 2:
                    scat[n - 2].wait()
                pltpu.async_copy(g_hbm.at[sv.at[n]], rws[p], sgs[p]).wait()
                scat[n] = pltpu.async_copy(rws[p], acc_sh.at[dv.at[n]],
                                           sss[p], add=True)
            scat[IBLK - 2].wait()
            scat[IBLK - 1].wait()

    @pl.when(c == 0)
    def _():
        _run(s * K0, K0)

    @pl.when(c == 1)
    def _():
        _run(NS * K0 + s * K1, K1)

    plsc.subcore_barrier()
    pltpu.sync_copy(acc_sh.at[pl.ds(s * ZROWS, ZROWS)],
                    out_hbm.at[c, pl.ds(s * ZROWS, ZROWS)])



def _tc_degsum_body(degp_ref, dis_ref):
    deg = jnp.sum(degp_ref[...], axis=0) + 1.0
    dis_ref[...] = lax.rsqrt(deg)


def _tc_g1_body(x_ref, w_ref, dis_ref, g_ref):
    h = jnp.dot(x_ref[...], w_ref[...], preferred_element_type=jnp.float32)
    g_ref[...] = h * dis_ref[...]


def _tc_mid_body(accp_ref, g_ref, dis_ref, b1_ref, gnw_ref, gnb_ref,
                 gnms_ref, w2_ref, g2_ref):
    dis = dis_ref[...]
    c1 = ((accp_ref[0, :N_NODES] + accp_ref[1, :N_NODES] + g_ref[...])
          * dis + b1_ref[...])
    mean = jnp.mean(c1, axis=0, keepdims=True)
    o = c1 - mean * gnms_ref[...]
    var = jnp.mean(o * o, axis=0, keepdims=True)
    y = gnw_ref[...] * o / jnp.sqrt(var + 1e-5) + gnb_ref[...]
    y = jnp.maximum(y, 0.0)
    h2 = jnp.dot(y, w2_ref[...], preferred_element_type=jnp.float32)
    g2_ref[...] = h2 * dis


def _tc_out_body(accp_ref, g_ref, dis_ref, b2_ref, out_ref):
    out_ref[...] = ((accp_ref[0, :N_NODES] + accp_ref[1, :N_NODES]
                     + g_ref[...]) * dis_ref[...] + b2_ref[...])


_f32 = jnp.float32

_tc_degsum = pl.pallas_call(
    _tc_degsum_body,
    out_shape=jax.ShapeDtypeStruct((HR, HC), _f32),
)

_tc_g1 = pl.pallas_call(
    _tc_g1_body,
    out_shape=jax.ShapeDtypeStruct((N_NODES, D), _f32),
)

_tc_mid = pl.pallas_call(
    _tc_mid_body,
    out_shape=jax.ShapeDtypeStruct((N_NODES, D), _f32),
)

_tc_out = pl.pallas_call(
    _tc_out_body,
    out_shape=jax.ShapeDtypeStruct((N_NODES, D), _f32),
)


@functools.cache
def _sc_kernels():
    mesh = plsc.VectorSubcoreMesh(core_axis_name="c", subcore_axis_name="s")
    deg = pl.kernel(
        _deg_sc_body,
        mesh=mesh,
        out_type=jax.ShapeDtypeStruct((NC, NS, HR, HC), jnp.float32),
        scratch_types=[
            pltpu.VMEM((EPW,), jnp.int32),
            pltpu.VMEM((HR, HC), jnp.float32),
        ],
        compiler_params=pltpu.CompilerParams(needs_layout_passes=False),
    )
    segsum = pl.kernel(
        _segsum_sc_body,
        mesh=mesh,
        out_type=jax.ShapeDtypeStruct((NC, ACC_ROWS, D), jnp.float32),
        scratch_types=(
            [pltpu.VMEM((IBLK, CHUNK), jnp.int32) for _ in range(2)]
            + [pltpu.VMEM((CHUNK, D), jnp.float32) for _ in range(PDEPTH)]
            + [pltpu.VMEM_SHARED((ACC_ROWS, D), jnp.float32)]
            + [pltpu.SemaphoreType.DMA for _ in range(1 + 2 * PDEPTH)]
        ),
    )
    return deg, segsum



def kernel(x, edge_index, W1, b1, gn_w, gn_b, gn_ms, W2, b2):
    _deg_sc, _segsum_sc = _sc_kernels()
    src = edge_index[0].astype(jnp.int32)
    dst = edge_index[1].astype(jnp.int32)
    pad = E_PAD - N_EDGES
    src_mat = jnp.concatenate(
        [src, jnp.zeros((pad,), jnp.int32)]).reshape(TOT_CHUNKS, CHUNK)
    dst_mat = jnp.concatenate(
        [dst, jnp.full((pad,), PAD_DST, jnp.int32)]).reshape(TOT_CHUNKS, CHUNK)

    degp = _deg_sc(dst_mat.reshape(NW, EPW))
    dis_blk = _tc_degsum(degp.reshape(NW, HR, HC))
    dis_col = dis_blk.reshape(ACC_ROWS, 1)[:N_NODES]

    b1r = b1.reshape(1, D)
    b2r = b2.reshape(1, D)
    gnwr = gn_w.reshape(1, D)
    gnbr = gn_b.reshape(1, D)
    gnmsr = gn_ms.reshape(1, D)

    g1 = _tc_g1(x, W1, dis_col)
    acc1 = _segsum_sc(g1, src_mat, dst_mat)
    g2 = _tc_mid(acc1, g1, dis_col, b1r, gnwr, gnbr, gnmsr, W2)
    acc2 = _segsum_sc(g2, src_mat, dst_mat)
    return _tc_out(acc2, g2, dis_col, b2r)

# --- scband reference (transcript-rebuilt; emitter-appended) ---
"""Pipeline reference for scband-graph-convolutional-network-5987184410883 (READ-ONLY COPY).

The authoritative reference and input builder live on the scoring server;
editing this copy changes nothing except your own understanding.
"""

import jax, jax.numpy as jnp
import numpy as np

N_NODES = 10000
D = 128
N_EDGES = 320000


def gcn_conv(x, edge_index, W, b, num_nodes):
    # GCNConv: x' = D^{-1/2} (A+I) D^{-1/2} (x W) + b
    h = x @ W
    loop = jnp.arange(num_nodes, dtype=edge_index.dtype)
    src = jnp.concatenate([edge_index[0], loop])
    dst = jnp.concatenate([edge_index[1], loop])
    ones = jnp.ones(src.shape[0], dtype=h.dtype)
    deg = jnp.zeros(num_nodes, dtype=h.dtype).at[dst].add(ones)
    deg_inv_sqrt = jnp.where(deg > 0, jax.lax.rsqrt(deg), 0.0)
    norm = deg_inv_sqrt[src] * deg_inv_sqrt[dst]
    msgs = h[src] * norm[:, None]
    out = jnp.zeros((num_nodes, h.shape[1]), dtype=h.dtype).at[dst].add(msgs)
    return out + b


def graph_norm(x, weight, bias, mean_scale, eps=1e-5):
    # PyG GraphNorm with a single graph (batch=None)
    mean = jnp.mean(x, axis=0, keepdims=True)
    out = x - mean * mean_scale
    var = jnp.mean(out * out, axis=0, keepdims=True)
    return weight * out / jnp.sqrt(var + eps) + bias


def setup_inputs(seed: int = 0) -> dict:
    key = jax.random.key(seed)
    ks = jax.random.split(key, 8)
    x = jax.random.normal(ks[0], (N_NODES, D), dtype=jnp.float32)
    edge_index = jax.random.randint(ks[1], (2, N_EDGES), 0, N_NODES, dtype=jnp.int64)
    s = 1.0 / np.sqrt(D)
    W1 = jax.random.uniform(ks[2], (D, D), minval=-s, maxval=s, dtype=jnp.float32)
    b1 = jnp.zeros((D,), dtype=jnp.float32)
    gn_w = jnp.ones((D,), dtype=jnp.float32)
    gn_b = jnp.zeros((D,), dtype=jnp.float32)
    gn_ms = jnp.ones((D,), dtype=jnp.float32)
    W2 = jax.random.uniform(ks[3], (D, D), minval=-s, maxval=s, dtype=jnp.float32)
    b2 = jnp.zeros((D,), dtype=jnp.float32)
    return {"x": x, "edge_index": edge_index, "W1": W1, "b1": b1,
            "gn_w": gn_w, "gn_b": gn_b, "gn_ms": gn_ms, "W2": W2, "b2": b2}


def reference(x, edge_index, W1, b1, gn_w, gn_b, gn_ms, W2, b2):
    # PyG BasicGNN (GCN) with num_layers=2, norm='GraphNorm', act=relu, dropout=0.0.
    # Layer 1: conv -> norm -> relu -> dropout; Layer 2 (last, jk=None): conv only.
    h = gcn_conv(x, edge_index, W1, b1, N_NODES)
    h = graph_norm(h, gn_w, gn_b, gn_ms)
    h = jax.nn.relu(h)
    h = gcn_conv(h, edge_index, W2, b2, N_NODES)
    return h

if __name__ == "__main__":
    import jax
    _d = setup_inputs()
    print(jax.jit(kernel)(*tuple(_d.values())))

</pallas_src>

<mosaic_0001>
#map = affine_map<(d0, d1) -> (0, 0)>
#map1 = affine_map<(d0, d1) -> (0, 0, 0, 0)>
module attributes {stable_mosaic.version = 14 : i64} {
  func.func @_deg_sc_body(%arg0: i32, %arg1: i32, %arg2: memref<32x10240xi32, #tpu.memory_space<hbm>>, %arg3: memref<2x16x640x16xf32, #tpu.memory_space<hbm>>, %arg4: memref<10240xi32, #tpu.memory_space<vmem>>, %arg5: memref<640x16xf32, #tpu.memory_space<vmem>>) attributes {dimension_semantics = [#tpu.dimension_semantics<core_parallel>, #tpu.dimension_semantics<subcore_parallel>], iteration_bounds = array<i64: 2, 16>, scalar_prefetch = 0 : i64, scratch_operands = 2 : i64, tpu.core_type = #tpu.core_type<sc_vector_subcore>, window_params = [{transform_indices = #map}, {transform_indices = #map1}]} {
    %mul3A = arith.constant 16 : i32
    %mul3A_0 = arith.muli %arg0, %mul3A : i32
    %add3A = arith.addi %mul3A_0, %arg1 : i32
    %scan3A = arith.constant 0 : i32
    %scan3A_1 = arith.constant 640 : i32
    %scan3A_2 = arith.addi %scan3A, %scan3A_1 : i32
    %scan3A_3 = arith.constant 1 : i32
    scf.for %scan3A_11 = %scan3A to %scan3A_2 step %scan3A_3  : i32 {
      %mul3A_12 = arith.constant 1 : i32
      %mul3A_13 = arith.muli %scan3A_11, %mul3A_12 : i32
      %add3A_14 = arith.constant 0 : i32
      %add3A_15 = arith.addi %add3A_14, %mul3A_13 : i32
      %broadcast_in_dim3A_16 = arith.constant 0.000000e+00 : f32
      %broadcast_in_dim3A_17 = vector.broadcast %broadcast_in_dim3A_16 : f32 to vector<16xf32>
      %swap3A = arith.index_cast %add3A_15 : i32 to index
      %swap3A_18 = arith.constant 0 : index
      %swap3A_19 = tpu.vector_load %arg5[%swap3A, %swap3A_18] {strides = array<i32>} : memref<640x16xf32, #tpu.memory_space<vmem>>, vector<16xf32>,
      tpu.vector_store %arg5[%swap3A, %swap3A_18], %broadcast_in_dim3A_17 {strides = array<i32>} : memref<640x16xf32, #tpu.memory_space<vmem>>, vector<16xf32>,
    }
    %scan3A_4 = arith.constant 640 : i32
    "tpu.region"() ({
      %run_scoped3A = tpu.sem_alloc : memref<!tpu.dma_semaphore, #tpu.memory_space<semaphore_mem>>
      %dma_start3A = arith.constant 0 : i32
      %dma_start3A_11 = tpu.memref_slice %arg2[%add3A, %dma_start3A] : memref<32x10240xi32, #tpu.memory_space<hbm>> -> memref<1x10240xi32, #tpu.memory_space<hbm>>
      %dma_start3A_12 = tpu.memref_squeeze %dma_start3A_11 : memref<1x10240xi32, #tpu.memory_space<hbm>> -> memref<10240xi32, #tpu.memory_space<hbm>>
      %dma_start3A_13 = arith.constant 0 : i32
      %dma_start3A_14 = tpu.memref_slice %arg2[%add3A, %dma_start3A_13] : memref<32x10240xi32, #tpu.memory_space<hbm>> -> memref<1x10240xi32, #tpu.memory_space<hbm>>
      %dma_start3A_15 = tpu.memref_squeeze %dma_start3A_14 : memref<1x10240xi32, #tpu.memory_space<hbm>> -> memref<10240xi32, #tpu.memory_space<hbm>>
      tpu.enqueue_dma source(%dma_start3A_15 : memref<10240xi32, #tpu.memory_space<hbm>>) target(%arg4 : memref<10240xi32, #tpu.memory_space<vmem>>) target_semaphore(%run_scoped3A : memref<!tpu.dma_semaphore, #tpu.memory_space<semaphore_mem>>)
      %dma_wait3A = arith.constant 0 : i32
      %dma_wait3A_16 = tpu.memref_slice %arg2[%add3A, %dma_wait3A] : memref<32x10240xi32, #tpu.memory_space<hbm>> -> memref<1x10240xi32, #tpu.memory_space<hbm>>
      %dma_wait3A_17 = tpu.memref_squeeze %dma_wait3A_16 : memref<1x10240xi32, #tpu.memory_space<hbm>> -> memref<10240xi32, #tpu.memory_space<hbm>>
      %dma_wait3A_18 = arith.constant 0 : i32
      %dma_wait3A_19 = tpu.memref_slice %arg2[%add3A, %dma_wait3A_18] : memref<32x10240xi32, #tpu.memory_space<hbm>> -> memref<1x10240xi32, #tpu.memory_space<hbm>>
      %dma_wait3A_20 = tpu.memref_squeeze %dma_wait3A_19 : memref<1x10240xi32, #tpu.memory_space<hbm>> -> memref<10240xi32, #tpu.memory_space<hbm>>
      tpu.wait_dma2 semaphore(%run_scoped3A : memref<!tpu.dma_semaphore, #tpu.memory_space<semaphore_mem>>) src(%dma_wait3A_20 : memref<10240xi32, #tpu.memory_space<hbm>>) dst(%arg4 : memref<10240xi32, #tpu.memory_space<vmem>>)
      tpu.yield
    }) : () -> ()
    %broadcast_in_dim3A = arith.constant 1.000000e+00 : f32
    %broadcast_in_dim3A_5 = vector.broadcast %broadcast_in_dim3A : f32 to vector<16xf32>
    %scan3A_6 = arith.constant 0 : i32
    %scan3A_7 = arith.constant 640 : i32
    %scan3A_8 = arith.addi %scan3A_6, %scan3A_7 : i32
    %scan3A_9 = arith.constant 1 : i32
    scf.for %scan3A_11 = %scan3A_6 to %scan3A_8 step %scan3A_9  : i32 {
      %mul3A_12 = arith.constant 16 : i32
      %mul3A_13 = arith.muli %scan3A_11, %mul3A_12 : i32
      %add3A_14 = arith.constant 0 : i32
      %add3A_15 = arith.addi %add3A_14, %mul3A_13 : i32
      %get3A = arith.index_cast %add3A_15 : i32 to index
      %get3A_16 = tpu.vector_load %arg4[%get3A] {strides = array<i32>} : memref<10240xi32, #tpu.memory_space<vmem>>, vector<16xi32>,
      %shift_right_logical3A = arith.constant 4 : i32
      %shift_right_logical3A_17 = vector.broadcast %shift_right_logical3A : i32 to vector<16xi32>
      %shift_right_logical3A_18 = arith.shrui %get3A_16, %shift_right_logical3A_17 : vector<16xi32>
      %and3A = arith.constant 15 : i32
      %and3A_19 = vector.broadcast %and3A : i32 to vector<16xi32>
      %and3A_20 = arith.andi %get3A_16, %and3A_19 : vector<16xi32>
      tpu.vector_store_idx %arg5[%shift_right_logical3A_18, %and3A_20], %broadcast_in_dim3A_5 {add = true} : memref<640x16xf32, #tpu.memory_space<vmem>>[vector<16xi32>, vector<16xi32>], vector<16xf32>,
    }
    %scan3A_10 = arith.constant 640 : i32
    "tpu.region"() ({
      %run_scoped3A = tpu.sem_alloc : memref<!tpu.dma_semaphore, #tpu.memory_space<semaphore_mem>>
      %dma_start3A = arith.constant 0 : i32
      %dma_start3A_11 = arith.constant 0 : i32
      %dma_start3A_12 = tpu.memref_slice %arg3[%arg0, %arg1, %dma_start3A, %dma_start3A_11] : memref<2x16x640x16xf32, #tpu.memory_space<hbm>> -> memref<1x1x640x16xf32, #tpu.memory_space<hbm>>
      %dma_start3A_13 = tpu.memref_squeeze %dma_start3A_12 : memref<1x1x640x16xf32, #tpu.memory_space<hbm>> -> memref<640x16xf32, #tpu.memory_space<hbm>>
      %dma_start3A_14 = arith.constant 0 : i32
      %dma_start3A_15 = arith.constant 0 : i32
      %dma_start3A_16 = tpu.memref_slice %arg3[%arg0, %arg1, %dma_start3A_14, %dma_start3A_15] : memref<2x16x640x16xf32, #tpu.memory_space<hbm>> -> memref<1x1x640x16xf32, #tpu.memory_space<hbm>>
      %dma_start3A_17 = tpu.memref_squeeze %dma_start3A_16 : memref<1x1x640x16xf32, #tpu.memory_space<hbm>> -> memref<640x16xf32, #tpu.memory_space<hbm>>
      tpu.enqueue_dma source(%arg5 : memref<640x16xf32, #tpu.memory_space<vmem>>) target(%dma_start3A_17 : memref<640x16xf32, #tpu.memory_space<hbm>>) target_semaphore(%run_scoped3A : memref<!tpu.dma_semaphore, #tpu.memory_space<semaphore_mem>>)
      %dma_wait3A = arith.constant 0 : i32
      %dma_wait3A_18 = arith.constant 0 : i32
      %dma_wait3A_19 = tpu.memref_slice %arg3[%arg0, %arg1, %dma_wait3A, %dma_wait3A_18] : memref<2x16x640x16xf32, #tpu.memory_space<hbm>> -> memref<1x1x640x16xf32, #tpu.memory_space<hbm>>
      %dma_wait3A_20 = tpu.memref_squeeze %dma_wait3A_19 : memref<1x1x640x16xf32, #tpu.memory_space<hbm>> -> memref<640x16xf32, #tpu.memory_space<hbm>>
      %dma_wait3A_21 = arith.constant 0 : i32
      %dma_wait3A_22 = arith.constant 0 : i32
      %dma_wait3A_23 = tpu.memref_slice %arg3[%arg0, %arg1, %dma_wait3A_21, %dma_wait3A_22] : memref<2x16x640x16xf32, #tpu.memory_space<hbm>> -> memref<1x1x640x16xf32, #tpu.memory_space<hbm>>
      %dma_wait3A_24 = tpu.memref_squeeze %dma_wait3A_23 : memref<1x1x640x16xf32, #tpu.memory_space<hbm>> -> memref<640x16xf32, #tpu.memory_space<hbm>>
      tpu.wait_dma2 semaphore(%run_scoped3A : memref<!tpu.dma_semaphore, #tpu.memory_space<semaphore_mem>>) src(%arg5 : memref<640x16xf32, #tpu.memory_space<vmem>>) dst(%dma_wait3A_24 : memref<640x16xf32, #tpu.memory_space<hbm>>)
      tpu.yield
    }) : () -> ()
    return
  }
}

#map = affine_map<(d0, d1) -> (0, 0)>
#map1 = affine_map<(d0, d1) -> (0, 0, 0)>
module attributes {stable_mosaic.version = 14 : i64} {
  func.func @_segsum_sc_body(%arg0: i32, %arg1: i32, %arg2: memref<10000x128xf32, #tpu.memory_space<hbm>>, %arg3: memref<2560x128xi32, #tpu.memory_space<hbm>>, %arg4: memref<2560x128xi32, #tpu.memory_space<hbm>>, %arg5: memref<2x10240x128xf32, #tpu.memory_space<hbm>>, %arg6: memref<16x128xi32, #tpu.memory_space<vmem>>, %arg7: memref<16x128xi32, #tpu.memory_space<vmem>>, %arg8: memref<128x128xf32, #tpu.memory_space<vmem>>, %arg9: memref<128x128xf32, #tpu.memory_space<vmem>>, %arg10: memref<10240x128xf32, #tpu.memory_space<vmem_shared>>, %arg11: memref<!tpu.dma_semaphore, #tpu.memory_space<semaphore_mem>>, %arg12: memref<!tpu.dma_semaphore, #tpu.memory_space<semaphore_mem>>, %arg13: memref<!tpu.dma_semaphore, #tpu.memory_space<semaphore_mem>>, %arg14: memref<!tpu.dma_semaphore, #tpu.memory_space<semaphore_mem>>, %arg15: memref<!tpu.dma_semaphore, #tpu.memory_space<semaphore_mem>>) attributes {dimension_semantics = [#tpu.dimension_semantics<core_parallel>, #tpu.dimension_semantics<subcore_parallel>], iteration_bounds = array<i64: 2, 16>, scalar_prefetch = 0 : i64, scratch_operands = 10 : i64, tpu.core_type = #tpu.core_type<sc_vector_subcore>, window_params = [{transform_indices = #map}, {transform_indices = #map}, {transform_indices = #map}, {transform_indices = #map1}]} {
    %scan3A = arith.constant 0 : i32
    %scan3A_0 = arith.constant 128 : i32
    %scan3A_1 = arith.addi %scan3A, %scan3A_0 : i32
    %scan3A_2 = arith.constant 1 : i32
    scf.for %scan3A_20 = %scan3A to %scan3A_1 step %scan3A_2  : i32 {
      %mul3A_21 = arith.constant 1 : i32
      %mul3A_22 = arith.muli %scan3A_20, %mul3A_21 : i32
      %add3A = arith.constant 0 : i32
      %add3A_23 = arith.addi %add3A, %mul3A_22 : i32
      %scan3A_24 = arith.constant 0 : i32
      %scan3A_25 = arith.constant 8 : i32
      %scan3A_26 = arith.addi %scan3A_24, %scan3A_25 : i32
      %scan3A_27 = arith.constant 1 : i32
      scf.for %scan3A_29 = %scan3A_24 to %scan3A_26 step %scan3A_27  : i32 {
        %mul3A_30 = arith.constant 16 : i32
        %mul3A_31 = arith.muli %scan3A_29, %mul3A_30 : i32
        %add3A_32 = arith.constant 0 : i32
        %add3A_33 = arith.addi %add3A_32, %mul3A_31 : i32
        %broadcast_in_dim3A = arith.constant 0.000000e+00 : f32
        %broadcast_in_dim3A_34 = vector.broadcast %broadcast_in_dim3A : f32 to vector<16xf32>
        %swap3A = arith.index_cast %add3A_23 : i32 to index
        %swap3A_35 = arith.index_cast %add3A_33 : i32 to index
        %swap3A_36 = tpu.vector_load %arg8[%swap3A, %swap3A_35] {strides = array<i32>} : memref<128x128xf32, #tpu.memory_space<vmem>>, vector<1x16xf32>,
        %swap3A_37 = vector.shape_cast %swap3A_36 : vector<1x16xf32> to vector<16xf32>
        %swap3A_38 = vector.shape_cast %broadcast_in_dim3A_34 : vector<16xf32> to vector<1x16xf32>
        tpu.vector_store %arg8[%swap3A, %swap3A_35], %swap3A_38 {strides = array<i32>} : memref<128x128xf32, #tpu.memory_space<vmem>>, vector<1x16xf32>,
      }
      %scan3A_28 = arith.constant 8 : i32
    }
    %scan3A_3 = arith.constant 128 : i32
    %scan3A_4 = arith.constant 0 : i32
    %scan3A_5 = arith.constant 5 : i32
    %scan3A_6 = arith.addi %scan3A_4, %scan3A_5 : i32
    %scan3A_7 = arith.constant 1 : i32
    scf.for %scan3A_20 = %scan3A_4 to %scan3A_6 step %scan3A_7  : i32 {
      %mul3A_21 = arith.constant 1 : i32
      %mul3A_22 = arith.muli %scan3A_20, %mul3A_21 : i32
      %add3A = arith.constant 0 : i32
      %add3A_23 = arith.addi %add3A, %mul3A_22 : i32
      %mul3A_24 = arith.constant 640 : i32
      %mul3A_25 = arith.muli %arg1, %mul3A_24 : i32
      %mul3A_26 = arith.constant 128 : i32
      %mul3A_27 = arith.muli %add3A_23, %mul3A_26 : i32
      %add3A_28 = arith.addi %mul3A_25, %mul3A_27 : i32
      "tpu.region"() ({
        %run_scoped3A = tpu.sem_alloc : memref<!tpu.dma_semaphore, #tpu.memory_space<semaphore_mem>>
        %dma_start3A = arith.constant 0 : i32
        %dma_start3A_29 = tpu.memref_slice %arg10[%add3A_28, %dma_start3A] : memref<10240x128xf32, #tpu.memory_space<vmem_shared>> -> memref<128x128xf32, #tpu.memory_space<vmem_shared>>
        %dma_start3A_30 = arith.constant 0 : i32
        %dma_start3A_31 = tpu.memref_slice %arg10[%add3A_28, %dma_start3A_30] : memref<10240x128xf32, #tpu.memory_space<vmem_shared>> -> memref<128x128xf32, #tpu.memory_space<vmem_shared>>
        tpu.enqueue_dma source(%arg8 : memref<128x128xf32, #tpu.memory_space<vmem>>) target(%dma_start3A_31 : memref<128x128xf32, #tpu.memory_space<vmem_shared>>) target_semaphore(%run_scoped3A : memref<!tpu.dma_semaphore, #tpu.memory_space<semaphore_mem>>)
        %dma_wait3A = arith.constant 0 : i32
        %dma_wait3A_32 = tpu.memref_slice %arg10[%add3A_28, %dma_wait3A] : memref<10240x128xf32, #tpu.memory_space<vmem_shared>> -> memref<128x128xf32, #tpu.memory_space<vmem_shared>>
        %dma_wait3A_33 = arith.constant 0 : i32
        %dma_wait3A_34 = tpu.memref_slice %arg10[%add3A_28, %dma_wait3A_33] : memref<10240x128xf32, #tpu.memory_space<vmem_shared>> -> memref<128x128xf32, #tpu.memory_space<vmem_shared>>
        tpu.wait_dma2 semaphore(%run_scoped3A : memref<!tpu.dma_semaphore, #tpu.memory_space<semaphore_mem>>) src(%arg8 : memref<128x128xf32, #tpu.memory_space<vmem>>) dst(%dma_wait3A_34 : memref<128x128xf32, #tpu.memory_space<vmem_shared>>)
        tpu.yield
      }) : () -> ()
    }
    %scan3A_8 = arith.constant 5 : i32
    %barrier3A = arith.constant 0 : index
    tpu.barrier barrier_id(%barrier3A)
    %eq3A = arith.constant 0 : i32
    %eq3A_9 = arith.cmpi eq, %arg0, %eq3A : i32
    %convert_element_type3A = arith.extui %eq3A_9 : i1 to i32
    %cond3A = arith.constant 0 : i32
    %cond3A_10 = arith.cmpi ne, %convert_element_type3A, %cond3A : i32
    scf.if %cond3A_10 {
      %mul3A_20 = arith.constant 112 : i32
      %mul3A_21 = arith.muli %arg1, %mul3A_20 : i32
      %scan3A_22 = arith.constant 0 : i32
      %scan3A_23 = arith.constant 7 : i32
      %scan3A_24 = arith.addi %scan3A_22, %scan3A_23 : i32
      %scan3A_25 = arith.constant 1 : i32
      scf.for %scan3A_27 = %scan3A_22 to %scan3A_24 step %scan3A_25  : i32 {
        %mul3A_28 = arith.constant 16 : i32
        %mul3A_29 = arith.muli %scan3A_27, %mul3A_28 : i32
        %add3A = arith.constant 0 : i32
        %add3A_30 = arith.addi %add3A, %mul3A_29 : i32
        %add3A_31 = arith.addi %mul3A_21, %add3A_30 : i32
        %dma_start3A = arith.constant 0 : i32
        %dma_start3A_32 = tpu.memref_slice %arg3[%add3A_31, %dma_start3A] : memref<2560x128xi32, #tpu.memory_space<hbm>> -> memref<16x128xi32, #tpu.memory_space<hbm>>
        %dma_start3A_33 = arith.constant 0 : i32
        %dma_start3A_34 = tpu.memref_slice %arg3[%add3A_31, %dma_start3A_33] : memref<2560x128xi32, #tpu.memory_space<hbm>> -> memref<16x128xi32, #tpu.memory_space<hbm>>
        tpu.enqueue_dma source(%dma_start3A_34 : memref<16x128xi32, #tpu.memory_space<hbm>>) target(%arg6 : memref<16x128xi32, #tpu.memory_space<vmem>>) target_semaphore(%arg11 : memref<!tpu.dma_semaphore, #tpu.memory_space<semaphore_mem>>)
        %dma_wait3A = arith.constant 0 : i32
        %dma_wait3A_35 = tpu.memref_slice %arg3[%add3A_31, %dma_wait3A] : memref<2560x128xi32, #tpu.memory_space<hbm>> -> memref<16x128xi32, #tpu.memory_space<hbm>>
        %dma_wait3A_36 = arith.constant 0 : i32
        %dma_wait3A_37 = tpu.memref_slice %arg3[%add3A_31, %dma_wait3A_36] : memref<2560x128xi32, #tpu.memory_space<hbm>> -> memref<16x128xi32, #tpu.memory_space<hbm>>
        tpu.wait_dma2 semaphore(%arg11 : memref<!tpu.dma_semaphore, #tpu.memory_space<semaphore_mem>>) src(%dma_wait3A_37 : memref<16x128xi32, #tpu.memory_space<hbm>>) dst(%arg6 : memref<16x128xi32, #tpu.memory_space<vmem>>)
        %dma_start3A_38 = arith.constant 0 : i32
        %dma_start3A_39 = tpu.memref_slice %arg4[%add3A_31, %dma_start3A_38] : memref<2560x128xi32, #tpu.memory_space<hbm>> -> memref<16x128xi32, #tpu.memory_space<hbm>>
        %dma_start3A_40 = arith.constant 0 : i32
        %dma_start3A_41 = tpu.memref_slice %arg4[%add3A_31, %dma_start3A_40] : memref<2560x128xi32, #tpu.memory_space<hbm>> -> memref<16x128xi32, #tpu.memory_space<hbm>>
        tpu.enqueue_dma source(%dma_start3A_41 : memref<16x128xi32, #tpu.memory_space<hbm>>) target(%arg7 : memref<16x128xi32, #tpu.memory_space<vmem>>) target_semaphore(%arg11 : memref<!tpu.dma_semaphore, #tpu.memory_space<semaphore_mem>>)
        %dma_wait3A_42 = arith.constant 0 : i32
        %dma_wait3A_43 = tpu.memref_slice %arg4[%add3A_31, %dma_wait3A_42] : memref<2560x128xi32, #tpu.memory_space<hbm>> -> memref<16x128xi32, #tpu.memory_space<hbm>>
        %dma_wait3A_44 = arith.constant 0 : i32
        %dma_wait3A_45 = tpu.memref_slice %arg4[%add3A_31, %dma_wait3A_44] : memref<2560x128xi32, #tpu.memory_space<hbm>> -> memref<16x128xi32, #tpu.memory_space<hbm>>
        tpu.wait_dma2 semaphore(%arg11 : memref<!tpu.dma_semaphore, #tpu.memory_space<semaphore_mem>>) src(%dma_wait3A_45 : memref<16x128xi32, #tpu.memory_space<hbm>>) dst(%arg7 : memref<16x128xi32, #tpu.memory_space<vmem>>)
        %dma_start3A_46 = arith.constant 0 : i32
        %dma_start3A_47 = arith.constant 0 : i32
        %dma_start3A_48 = tpu.memref_slice %arg6[%dma_start3A_46, %dma_start3A_47] : memref<16x128xi32, #tpu.memory_space<vmem>> -> memref<1x128xi32, #tpu.memory_space<vmem>>
        %dma_start3A_49 = tpu.memref_squeeze %dma_start3A_48 : memref<1x128xi32, #tpu.memory_space<vmem>> -> memref<128xi32, #tpu.memory_space<vmem>>
        %dma_start3A_50 = arith.constant 0 : i32
        %dma_start3A_51 = arith.constant 0 : i32
        %dma_start3A_52 = tpu.memref_slice %arg2[%dma_start3A_50, %dma_start3A_51] : memref<10000x128xf32, #tpu.memory_space<hbm>> -> memref<10000x128xf32, #tpu.memory_space<hbm>>
        tpu.enqueue_indirect_dma source(%dma_start3A_52 : memref<10000x128xf32, #tpu.memory_space<hbm>>) target(%arg8 : memref<128x128xf32, #tpu.memory_space<vmem>>) offsets(%dma_start3A_49 : memref<128xi32, #tpu.memory_space<vmem>>) semaphore(%arg12 : memref<!tpu.dma_semaphore, #tpu.memory_space<semaphore_mem>>)
        %dma_wait3A_53 = arith.constant 0 : i32
        %dma_wait3A_54 = arith.constant 0 : i32
        %dma_wait3A_55 = tpu.memref_slice %arg6[%dma_wait3A_53, %dma_wait3A_54] : memref<16x128xi32, #tpu.memory_space<vmem>> -> memref<1x128xi32, #tpu.memory_space<vmem>>
        %dma_wait3A_56 = tpu.memref_squeeze %dma_wait3A_55 : memref<1x128xi32, #tpu.memory_space<vmem>> -> memref<128xi32, #tpu.memory_space<vmem>>
        %dma_wait3A_57 = arith.constant 0 : i32
        %dma_wait3A_58 = arith.constant 0 : i32
        %dma_wait3A_59 = tpu.memref_slice %arg2[%dma_wait3A_57, %dma_wait3A_58] : memref<10000x128xf32, #tpu.memory_space<hbm>> -> memref<10000x128xf32, #tpu.memory_space<hbm>>
        tpu.wait_indirect_dma semaphore(%arg12 : memref<!tpu.dma_semaphore, #tpu.memory_space<semaphore_mem>>) src(%dma_wait3A_59 : memref<10000x128xf32, #tpu.memory_space<hbm>>) dst(%arg8 : memref<128x128xf32, #tpu.memory_space<vmem>>)
        %dma_start3A_60 = arith.constant 0 : i32
        %dma_start3A_61 = arith.constant 0 : i32
        %dma_start3A_62 = tpu.memref_slice %arg7[%dma_start3A_60, %dma_start3A_61] : memref<16x128xi32, #tpu.memory_space<vmem>> -> memref<1x128xi32, #tpu.memory_space<vmem>>
        %dma_start3A_63 = tpu.memref_squeeze %dma_start3A_62 : memref<1x128xi32, #tpu.memory_space<vmem>> -> memref<128xi32, #tpu.memory_space<vmem>>
        %dma_start3A_64 = arith.constant 0 : i32
        %dma_start3A_65 = arith.constant 0 : i32
        %dma_start3A_66 = tpu.memref_slice %arg10[%dma_start3A_64, %dma_start3A_65] : memref<10240x128xf32, #tpu.memory_space<vmem_shared>> -> memref<10240x128xf32, #tpu.memory_space<vmem_shared>>
        tpu.enqueue_indirect_dma source(%arg8 : memref<128x128xf32, #tpu.memory_space<vmem>>) target(%dma_start3A_66 : memref<10240x128xf32, #tpu.memory_space<vmem_shared>>) offsets(%dma_start3A_63 : memref<128xi32, #tpu.memory_space<vmem>>) semaphore(%arg14 : memref<!tpu.dma_semaphore, #tpu.memory_space<semaphore_mem>>) {add = true}
        %dma_start3A_67 = arith.constant 1 : i32
        %dma_start3A_68 = arith.constant 0 : i32
        %dma_start3A_69 = tpu.memref_slice %arg6[%dma_start3A_67, %dma_start3A_68] : memref<16x128xi32, #tpu.memory_space<vmem>> -> memref<1x128xi32, #tpu.memory_space<vmem>>
        %dma_start3A_70 = tpu.memref_squeeze %dma_start3A_69 : memref<1x128xi32, #tpu.memory_space<vmem>> -> memref<128xi32, #tpu.memory_space<vmem>>
        %dma_start3A_71 = arith.constant 0 : i32
        %dma_start3A_72 = arith.constant 0 : i32
        %dma_start3A_73 = tpu.memref_slice %arg2[%dma_start3A_71, %dma_start3A_72] : memref<10000x128xf32, #tpu.memory_space<hbm>> -> memref<10000x128xf32, #tpu.memory_space<hbm>>
        tpu.enqueue_indirect_dma source(%dma_start3A_73 : memref<10000x128xf32, #tpu.memory_space<hbm>>) target(%arg9 : memref<128x128xf32, #tpu.memory_space<vmem>>) offsets(%dma_start3A_70 : memref<128xi32, #tpu.memory_space<vmem>>) semaphore(%arg13 : memref<!tpu.dma_semaphore, #tpu.memory_space<semaphore_mem>>)
        %dma_wait3A_74 = arith.constant 1 : i32
        %dma_wait3A_75 = arith.constant 0 : i32
        %dma_wait3A_76 = tpu.memref_slice %arg6[%dma_wait3A_74, %dma_wait3A_75] : memref<16x128xi32, #tpu.memory_space<vmem>> -> memref<1x128xi32, #tpu.memory_space<vmem>>
        %dma_wait3A_77 = tpu.memref_squeeze %dma_wait3A_76 : memref<1x128xi32, #tpu.memory_space<vmem>> -> memref<128xi32, #tpu.memory_space<vmem>>
        %dma_wait3A_78 = arith.constant 0 : i32
        %dma_wait3A_79 = arith.constant 0 : i32
        %dma_wait3A_80 = tpu.memref_slice %arg2[%dma_wait3A_78, %dma_wait3A_79] : memref<10000x128xf32, #tpu.memory_space<hbm>> -> memref<10000x128xf32, #tpu.memory_space<hbm>>
        tpu.wait_indirect_dma semaphore(%arg13 : memref<!tpu.dma_semaphore, #tpu.memory_space<semaphore_mem>>) src(%dma_wait3A_80 : memref<10000x128xf32, #tpu.memory_space<hbm>>) dst(%arg9 : memref<128x128xf32, #tpu.memory_space<vmem>>)
        %dma_start3A_81 = arith.constant 1 : i32
        %dma_start3A_82 = arith.constant 0 : i32
        %dma_start3A_83 = tpu.memref_slice %arg7[%dma_start3A_81, %dma_start3A_82] : memref<16x128xi32, #tpu.memory_space<vmem>> -> memref<1x128xi32, #tpu.memory_space<vmem>>
        %dma_start3A_84 = tpu.memref_squeeze %dma_start3A_83 : memref<1x128xi32, #tpu.memory_space<vmem>> -> memref<128xi32, #tpu.memory_space<vmem>>
        %dma_start3A_85 = arith.constant 0 : i32
        %dma_start3A_86 = arith.constant 0 : i32
        %dma_start3A_87 = tpu.memref_slice %arg10[%dma_start3A_85, %dma_start3A_86] : memref<10240x128xf32, #tpu.memory_space<vmem_shared>> -> memref<10240x128xf32, #tpu.memory_space<vmem_shared>>
        tpu.enqueue_indirect_dma source(%arg9 : memref<128x128xf32, #tpu.memory_space<vmem>>) target(%dma_start3A_87 : memref<10240x128xf32, #tpu.memory_space<vmem_shared>>) offsets(%dma_start3A_84 : memref<128xi32, #tpu.memory_space<vmem>>) semaphore(%arg15 : memref<!tpu.dma_semaphore, #tpu.memory_space<semaphore_mem>>) {add = true}
        %dma_wait3A_88 = arith.constant 0 : i32
        %dma_wait3A_89 = arith.constant 0 : i32
        %dma_wait3A_90 = tpu.memref_slice %arg7[%dma_wait3A_88, %dma_wait3A_89] : memref<16x128xi32, #tpu.memory_space<vmem>> -> memref<1x128xi32, #tpu.memory_space<vmem>>
        %dma_wait3A_91 = tpu.memref_squeeze %dma_wait3A_90 : memref<1x128xi32, #tpu.memory_space<vmem>> -> memref<128xi32, #tpu.memory_space<vmem>>
        %dma_wait3A_92 = arith.constant 0 : i32
        %dma_wait3A_93 = arith.constant 0 : i32
        %dma_wait3A_94 = tpu.memref_slice %arg10[%dma_wait3A_92, %dma_wait3A_93] : memref<10240x128xf32, #tpu.memory_space<vmem_shared>> -> memref<10240x128xf32, #tpu.memory_space<vmem_shared>>
        tpu.wait_indirect_dma semaphore(%arg14 : memref<!tpu.dma_semaphore, #tpu.memory_space<semaphore_mem>>) src(%arg8 : memref<128x128xf32, #tpu.memory_space<vmem>>) dst(%dma_wait3A_94 : memref<10240x128xf32, #tpu.memory_space<vmem_shared>>)
        %dma_start3A_95 = arith.constant 2 : i32
        %dma_start3A_96 = arith.constant 0 : i32
        %dma_start3A_97 = tpu.memref_slice %arg6[%dma_start3A_95, %dma_start3A_96] : memref<16x128xi32, #tpu.memory_space<vmem>> -> memref<1x128xi32, #tpu.memory_space<vmem>>
        %dma_start3A_98 = tpu.memref_squeeze %dma_start3A_97 : memref<1x128xi32, #tpu.memory_space<vmem>> -> memref<128xi32, #tpu.memory_space<vmem>>
        %dma_start3A_99 = arith.constant 0 : i32
        %dma_start3A_100 = arith.constant 0 : i32
        %dma_start3A_101 = tpu.memref_slice %arg2[%dma_start3A_99, %dma_start3A_100] : memref<10000x128xf32, #tpu.memory_space<hbm>> -> memref<10000x128xf32, #tpu.memory_space<hbm>>
        tpu.enqueue_indirect_dma source(%dma_start3A_101 : memref<10000x128xf32, #tpu.memory_space<hbm>>) target(%arg8 : memref<128x128xf32, #tpu.memory_space<vmem>>) offsets(%dma_start3A_98 : memref<128xi32, #tpu.memory_space<vmem>>) semaphore(%arg12 : memref<!tpu.dma_semaphore, #tpu.memory_space<semaphore_mem>>)
        %dma_wait3A_102 = arith.constant 2 : i32
        %dma_wait3A_103 = arith.constant 0 : i32
        %dma_wait3A_104 = tpu.memref_slice %arg6[%dma_wait3A_102, %dma_wait3A_103] : memref<16x128xi32, #tpu.memory_space<vmem>> -> memref<1x128xi32, #tpu.memory_space<vmem>>
        %dma_wait3A_105 = tpu.memref_squeeze %dma_wait3A_104 : memref<1x128xi32, #tpu.memory_space<vmem>> -> memref<128xi32, #tpu.memory_space<vmem>>
        %dma_wait3A_106 = arith.constant 0 : i32
        %dma_wait3A_107 = arith.constant 0 : i32
        %dma_wait3A_108 = tpu.memref_slice %arg2[%dma_wait3A_106, %dma_wait3A_107] : memref<10000x128xf32, #tpu.memory_space<hbm>> -> memref<10000x128xf32, #tpu.memory_space<hbm>>
        tpu.wait_indirect_dma semaphore(%arg12 : memref<!tpu.dma_semaphore, #tpu.memory_space<semaphore_mem>>) src(%dma_wait3A_108 : memref<10000x128xf32, #tpu.memory_space<hbm>>) dst(%arg8 : memref<128x128xf32, #tpu.memory_space<vmem>>)
        %dma_start3A_109 = arith.constant 2 : i32
        %dma_start3A_110 = arith.constant 0 : i32
        %dma_start3A_111 = tpu.memref_slice %arg7[%dma_start3A_109, %dma_start3A_110] : memref<16x128xi32, #tpu.memory_space<vmem>> -> memref<1x128xi32, #tpu.memory_space<vmem>>
        %dma_start3A_112 = tpu.memref_squeeze %dma_start3A_111 : memref<1x128xi32, #tpu.memory_space<vmem>> -> memref<128xi32, #tpu.memory_space<vmem>>
        %dma_start3A_113 = arith.constant 0 : i32
        %dma_start3A_114 = arith.constant 0 : i32
        %dma_start3A_115 = tpu.memref_slice %arg10[%dma_start3A_113, %dma_start3A_114] : memref<10240x128xf32, #tpu.memory_space<vmem_shared>> -> memref<10240x128xf32, #tpu.memory_space<vmem_shared>>
        tpu.enqueue_indirect_dma source(%arg8 : memref<128x128xf32, #tpu.memory_space<vmem>>) target(%dma_start3A_115 : memref<10240x128xf32, #tpu.memory_space<vmem_shared>>) offsets(%dma_start3A_112 : memref<128xi32, #tpu.memory_space<vmem>>) semaphore(%arg14 : memref<!tpu.dma_semaphore, #tpu.memory_space<semaphore_mem>>) {add = true}
        %dma_wait3A_116 = arith.constant 1 : i32
        %dma_wait3A_117 = arith.constant 0 : i32
        %dma_wait3A_118 = tpu.memref_slice %arg7[%dma_wait3A_116, %dma_wait3A_117] : memref<16x128xi32, #tpu.memory_space<vmem>> -> memref<1x128xi32, #tpu.memory_space<vmem>>
        %dma_wait3A_119 = tpu.memref_squeeze %dma_wait3A_118 : memref<1x128xi32, #tpu.memory_space<vmem>> -> memref<128xi32, #tpu.memory_space<vmem>>
        %dma_wait3A_120 = arith.constant 0 : i32
        %dma_wait3A_121 = arith.constant 0 : i32
        %dma_wait3A_122 = tpu.memref_slice %arg10[%dma_wait3A_120, %dma_wait3A_121] : memref<10240x128xf32, #tpu.memory_space<vmem_shared>> -> memref<10240x128xf32, #tpu.memory_space<vmem_shared>>
        tpu.wait_indirect_dma semaphore(%arg15 : memref<!tpu.dma_semaphore, #tpu.memory_space<semaphore_mem>>) src(%arg9 : memref<128x128xf32, #tpu.memory_space<vmem>>) dst(%dma_wait3A_122 : memref<10240x128xf32, #tpu.memory_space<vmem_shared>>)
        %dma_start3A_123 = arith.constant 3 : i32
        %dma_start3A_124 = arith.constant 0 : i32
        %dma_start3A_125 = tpu.memref_slice %arg6[%dma_start3A_123, %dma_start3A_124] : memref<16x128xi32, #tpu.memory_space<vmem>> -> memref<1x128xi32, #tpu.memory_space<vmem>>
        %dma_start3A_126 = tpu.memref_squeeze %dma_start3A_125 : memref<1x128xi32, #tpu.memory_space<vmem>> -> memref<128xi32, #tpu.memory_space<vmem>>
        %dma_start3A_127 = arith.constant 0 : i32
        %dma_start3A_128 = arith.constant 0 : i32
        %dma_start3A_129 = tpu.memref_slice %arg2[%dma_start3A_127, %dma_start3A_128] : memref<10000x128xf32, #tpu.memory_space<hbm>> -> memref<10000x128xf32, #tpu.memory_space<hbm>>
        tpu.enqueue_indirect_dma source(%dma_start3A_129 : memref<10000x128xf32, #tpu.memory_space<hbm>>) target(%arg9 : memref<128x128xf32, #tpu.memory_space<vmem>>) offsets(%dma_start3A_126 : memref<128xi32, #tpu.memory_space<vmem>>) semaphore(%arg13 : memref<!tpu.dma_semaphore, #tpu.memory_space<semaphore_mem>>)
        %dma_wait3A_130 = arith.constant 3 : i32
        %dma_wait3A_131 = arith.constant 0 : i32
        %dma_wait3A_132 = tpu.memref_slice %arg6[%dma_wait3A_130, %dma_wait3A_131] : memref<16x128xi32, #tpu.memory_space<vmem>> -> memref<1x128xi32, #tpu.memory_space<vmem>>
        %dma_wait3A_133 = tpu.memref_squeeze %dma_wait3A_132 : memref<1x128xi32, #tpu.memory_space<vmem>> -> memref<128xi32, #tpu.memory_space<vmem>>
        %dma_wait3A_134 = arith.constant 0 : i32
        %dma_wait3A_135 = arith.constant 0 : i32
        %dma_wait3A_136 = tpu.memref_slice %arg2[%dma_wait3A_134, %dma_wait3A_135] : memref<10000x128xf32, #tpu.memory_space<hbm>> -> memref<10000x128xf32, #tpu.memory_space<hbm>>
        tpu.wait_indirect_dma semaphore(%arg13 : memref<!tpu.dma_semaphore, #tpu.memory_space<semaphore_mem>>) src(%dma_wait3A_136 : memref<10000x128xf32, #tpu.memory_space<hbm>>) dst(%arg9 : memref<128x128xf32, #tpu.memory_space<vmem>>)
        %dma_start3A_137 = arith.constant 3 : i32
        %dma_start3A_138 = arith.constant 0 : i32
        %dma_start3A_139 = tpu.memref_slice %arg7[%dma_start3A_137, %dma_start3A_138] : memref<16x128xi32, #tpu.memory_space<vmem>> -> memref<1x128xi32, #tpu.memory_space<vmem>>
        %dma_start3A_140 = tpu.memref_squeeze %dma_start3A_139 : memref<1x128xi32, #tpu.memory_space<vmem>> -> memref<128xi32, #tpu.memory_space<vmem>>
        %dma_start3A_141 = arith.constant 0 : i32
        %dma_start3A_142 = arith.constant 0 : i32
        %dma_start3A_143 = tpu.memref_slice %arg10[%dma_start3A_141, %dma_start3A_142] : memref<10240x128xf32, #tpu.memory_space<vmem_shared>> -> memref<10240x128xf32, #tpu.memory_space<vmem_shared>>
        tpu.enqueue_indirect_dma source(%arg9 : memref<128x128xf32, #tpu.memory_space<vmem>>) target(%dma_start3A_143 : memref<10240x128xf32, #tpu.memory_space<vmem_shared>>) offsets(%dma_start3A_140 : memref<128xi32, #tpu.memory_space<vmem>>) semaphore(%arg15 : memref<!tpu.dma_semaphore, #tpu.memory_space<semaphore_mem>>) {add = true}
        %dma_wait3A_144 = arith.constant 2 : i32
        %dma_wait3A_145 = arith.constant 0 : i32
        %dma_wait3A_146 = tpu.memref_slice %arg7[%dma_wait3A_144, %dma_wait3A_145] : memref<16x128xi32, #tpu.memory_space<vmem>> -> memref<1x128xi32, #tpu.memory_space<vmem>>
        %dma_wait3A_147 = tpu.memref_squeeze %dma_wait3A_146 : memref<1x128xi32, #tpu.memory_space<vmem>> -> memref<128xi32, #tpu.memory_space<vmem>>
        %dma_wait3A_148 = arith.constant 0 : i32
        %dma_wait3A_149 = arith.constant 0 : i32
        %dma_wait3A_150 = tpu.memref_slice %arg10[%dma_wait3A_148, %dma_wait3A_149] : memref<10240x128xf32, #tpu.memory_space<vmem_shared>> -> memref<10240x128xf32, #tpu.memory_space<vmem_shared>>
        tpu.wait_indirect_dma semaphore(%arg14 : memref<!tpu.dma_semaphore, #tpu.memory_space<semaphore_mem>>) src(%arg8 : memref<128x128xf32, #tpu.memory_space<vmem>>) dst(%dma_wait3A_150 : memref<10240x128xf32, #tpu.memory_space<vmem_shared>>)
        %dma_start3A_151 = arith.constant 4 : i32
        %dma_start3A_152 = arith.constant 0 : i32
        %dma_start3A_153 = tpu.memref_slice %arg6[%dma_start3A_151, %dma_start3A_152] : memref<16x128xi32, #tpu.memory_space<vmem>> -> memref<1x128xi32, #tpu.memory_space<vmem>>
        %dma_start3A_154 = tpu.memref_squeeze %dma_start3A_153 : memref<1x128xi32, #tpu.memory_space<vmem>> -> memref<128xi32, #tpu.memory_space<vmem>>
        %dma_start3A_155 = arith.constant 0 : i32
        %dma_start3A_156 = arith.constant 0 : i32
        %dma_start3A_157 = tpu.memref_slice %arg2[%dma_start3A_155, %dma_start3A_156] : memref<10000x128xf32, #tpu.memory_space<hbm>> -> memref<10000x128xf32, #tpu.memory_space<hbm>>
        tpu.enqueue_indirect_dma source(%dma_start3A_157 : memref<10000x128xf32, #tpu.memory_space<hbm>>) target(%arg8 : memref<128x128xf32, #tpu.memory_space<vmem>>) offsets(%dma_start3A_154 : memref<128xi32, #tpu.memory_space<vmem>>) semaphore(%arg12 : memref<!tpu.dma_semaphore, #tpu.memory_space<semaphore_mem>>)
        %dma_wait3A_158 = arith.constant 4 : i32
        %dma_wait3A_159 = arith.constant 0 : i32
        %dma_wait3A_160 = tpu.memref_slice %arg6[%dma_wait3A_158, %dma_wait3A_159] : memref<16x128xi32, #tpu.memory_space<vmem>> -> memref<1x128xi32, #tpu.memory_space<vmem>>
        %dma_wait3A_161 = tpu.memref_squeeze %dma_wait3A_160 : memref<1x128xi32, #tpu.memory_space<vmem>> -> memref<128xi32, #tpu.memory_space<vmem>>
        %dma_wait3A_162 = arith.constant 0 : i32
        %dma_wait3A_163 = arith.constant 0 : i32
        %dma_wait3A_164 = tpu.memref_slice %arg2[%dma_wait3A_162, %dma_wait3A_163] : memref<10000x128xf32, #tpu.memory_space<hbm>> -> memref<10000x128xf32, #tpu.memory_space<hbm>>
        tpu.wait_indirect_dma semaphore(%arg12 : memref<!tpu.dma_semaphore, #tpu.memory_space<semaphore_mem>>) src(%dma_wait3A_164 : memref<10000x128xf32, #tpu.memory_space<hbm>>) dst(%arg8 : memref<128x128xf32, #tpu.memory_space<vmem>>)
        %dma_start3A_165 = arith.constant 4 : i32
        %dma_start3A_166 = arith.constant 0 : i32
        %dma_start3A_167 = tpu.memref_slice %arg7[%dma_start3A_165, %dma_start3A_166] : memref<16x128xi32, #tpu.memory_space<vmem>> -> memref<1x128xi32, #tpu.memory_space<vmem>>
        %dma_start3A_168 = tpu.memref_squeeze %dma_start3A_167 : memref<1x128xi32, #tpu.memory_space<vmem>> -> memref<128xi32, #tpu.memory_space<vmem>>
        %dma_start3A_169 = arith.constant 0 : i32
        %dma_start3A_170 = arith.constant 0 : i32
        %dma_start3A_171 = tpu.memref_slice %arg10[%dma_start3A_169, %dma_start3A_170] : memref<10240x128xf32, #tpu.memory_space<vmem_shared>> -> memref<10240x128xf32, #tpu.memory_space<vmem_shared>>
        tpu.enqueue_indirect_dma source(%arg8 : memref<128x128xf32, #tpu.memory_space<vmem>>) target(%dma_start3A_171 : memref<10240x128xf32, #tpu.memory_space<vmem_shared>>) offsets(%dma_start3A_168 : memref<128xi32, #tpu.memory_space<vmem>>) semaphore(%arg14 : memref<!tpu.dma_semaphore, #tpu.memory_space<semaphore_mem>>) {add = true}
        %dma_wait3A_172 = arith.constant 3 : i32
        %dma_wait3A_173 = arith.constant 0 : i32
        %dma_wait3A_174 = tpu.memref_slice %arg7[%dma_wait3A_172, %dma_wait3A_173] : memref<16x128xi32, #tpu.memory_space<vmem>> -> memref<1x128xi32, #tpu.memory_space<vmem>>
        %dma_wait3A_175 = tpu.memref_squeeze %dma_wait3A_174 : memref<1x128xi32, #tpu.memory_space<vmem>> -> memref<128xi32, #tpu.memory_space<vmem>>
        %dma_wait3A_176 = arith.constant 0 : i32
        %dma_wait3A_177 = arith.constant 0 : i32
        %dma_wait3A_178 = tpu.memref_slice %arg10[%dma_wait3A_176, %dma_wait3A_177] : memref<10240x128xf32, #tpu.memory_space<vmem_shared>> -> memref<10240x128xf32, #tpu.memory_space<vmem_shared>>
        tpu.wait_indirect_dma semaphore(%arg15 : memref<!tpu.dma_semaphore, #tpu.memory_space<semaphore_mem>>) src(%arg9 : memref<128x128xf32, #tpu.memory_space<vmem>>) dst(%dma_wait3A_178 : memref<10240x128xf32, #tpu.memory_space<vmem_shared>>)
        %dma_start3A_179 = arith.constant 5 : i32
        %dma_start3A_180 = arith.constant 0 : i32
        %dma_start3A_181 = tpu.memref_slice %arg6[%dma_start3A_179, %dma_start3A_180] : memref<16x128xi32, #tpu.memory_space<vmem>> -> memref<1x128xi32, #tpu.memory_space<vmem>>
        %dma_start3A_182 = tpu.memref_squeeze %dma_start3A_181 : memref<1x128xi32, #tpu.memory_space<vmem>> -> memref<128xi32, #tpu.memory_space<vmem>>
        %dma_start3A_183 = arith.constant 0 : i32
        %dma_start3A_184 = arith.constant 0 : i32
        %dma_start3A_185 = tpu.memref_slice %arg2[%dma_start3A_183, %dma_start3A_184] : memref<10000x128xf32, #tpu.memory_space<hbm>> -> memref<10000x128xf32, #tpu.memory_space<hbm>>
        tpu.enqueue_indirect_dma source(%dma_start3A_185 : memref<10000x128xf32, #tpu.memory_space<hbm>>) target(%arg9 : memref<128x128xf32, #tpu.memory_space<vmem>>) offsets(%dma_start3A_182 : memref<128xi32, #tpu.memory_space<vmem>>) semaphore(%arg13 : memref<!tpu.dma_semaphore, #tpu.memory_space<semaphore_mem>>)
        %dma_wait3A_186 = arith.constant 5 : i32
        %dma_wait3A_187 = arith.constant 0 : i32
        %dma_wait3A_188 = tpu.memref_slice %arg6[%dma_wait3A_186, %dma_wait3A_187] : memref<16x128xi32, #tpu.memory_space<vmem>> -> memref<1x128xi32, #tpu.memory_space<vmem>>
        %dma_wait3A_189 = tpu.memref_squeeze %dma_wait3A_188 : memref<1x128xi32, #tpu.memory_space<vmem>> -> memref<128xi32, #tpu.memory_space<vmem>>
        %dma_wait3A_190 = arith.constant 0 : i32
        %dma_wait3A_191 = arith.constant 0 : i32
        %dma_wait3A_192 = tpu.memref_slice %arg2[%dma_wait3A_190, %dma_wait3A_191] : memref<10000x128xf32, #tpu.memory_space<hbm>> -> memref<10000x128xf32, #tpu.memory_space<hbm>>
        tpu.wait_indirect_dma semaphore(%arg13 : memref<!tpu.dma_semaphore, #tpu.memory_space<semaphore_mem>>) src(%dma_wait3A_192 : memref<10000x128xf32, #tpu.memory_space<hbm>>) dst(%arg9 : memref<128x128xf32, #tpu.memory_space<vmem>>)
        %dma_start3A_193 = arith.constant 5 : i32
        %dma_start3A_194 = arith.constant 0 : i32
        %dma_start3A_195 = tpu.memref_slice %arg7[%dma_start3A_193, %dma_start3A_194] : memref<16x128xi32, #tpu.memory_space<vmem>> -> memref<1x128xi32, #tpu.memory_space<vmem>>
        %dma_start3A_196 = tpu.memref_squeeze %dma_start3A_195 : memref<1x128xi32, #tpu.memory_space<vmem>> -> memref<128xi32, #tpu.memory_space<vmem>>
        %dma_start3A_197 = arith.constant 0 : i32
        %dma_start3A_198 = arith.constant 0 : i32
        %dma_start3A_199 = tpu.memref_slice %arg10[%dma_start3A_197, %dma_start3A_198] : memref<10240x128xf32, #tpu.memory_space<vmem_shared>> -> memref<10240x128xf32, #tpu.memory_space<vmem_shared>>
        tpu.enqueue_indirect_dma source(%arg9 : memref<128x128xf32, #tpu.memory_space<vmem>>) target(%dma_start3A_199 : memref<10240x128xf32, #tpu.memory_space<vmem_shared>>) offsets(%dma_start3A_196 : memref<128xi32, #tpu.memory_space<vmem>>) semaphore(%arg15 : memref<!tpu.dma_semaphore, #tpu.memory_space<semaphore_mem>>) {add = true}
        %dma_wait3A_200 = arith.constant 4 : i32
        %dma_wait3A_201 = arith.constant 0 : i32
        %dma_wait3A_202 = tpu.memref_slice %arg7[%dma_wait3A_200, %dma_wait3A_201] : memref<16x128xi32, #tpu.memory_space<vmem>> -> memref<1x128xi32, #tpu.memory_space<vmem>>
        %dma_wait3A_203 = tpu.memref_squeeze %dma_wait3A_202 : memref<1x128xi32, #tpu.memory_space<vmem>> -> memref<128xi32, #tpu.memory_space<vmem>>
        %dma_wait3A_204 = arith.constant 0 : i32
        %dma_wait3A_205 = arith.constant 0 : i32
        %dma_wait3A_206 = tpu.memref_slice %arg10[%dma_wait3A_204, %dma_wait3A_205] : memref<10240x128xf32, #tpu.memory_space<vmem_shared>> -> memref<10240x128xf32, #tpu.memory_space<vmem_shared>>
        tpu.wait_indirect_dma semaphore(%arg14 : memref<!tpu.dma_semaphore, #tpu.memory_space<semaphore_mem>>) src(%arg8 : memref<128x128xf32, #tpu.memory_space<vmem>>) dst(%dma_wait3A_206 : memref<10240x128xf32, #tpu.memory_space<vmem_shared>>)
        %dma_start3A_207 = arith.constant 6 : i32
        %dma_start3A_208 = arith.constant 0 : i32
        %dma_start3A_209 = tpu.memref_slice %arg6[%dma_start3A_207, %dma_start3A_208] : memref<16x128xi32, #tpu.memory_space<vmem>> -> memref<1x128xi32, #tpu.memory_space<vmem>>
        %dma_start3A_210 = tpu.memref_squeeze %dma_start3A_209 : memref<1x128xi32, #tpu.memory_space<vmem>> -> memref<128xi32, #tpu.memory_space<vmem>>
        %dma_start3A_211 = arith.constant 0 : i32
        %dma_start3A_212 = arith.constant 0 : i32
        %dma_start3A_213 = tpu.memref_slice %arg2[%dma_start3A_211, %dma_start3A_212] : memref<10000x128xf32, #tpu.memory_space<hbm>> -> memref<10000x128xf32, #tpu.memory_space<hbm>>
        tpu.enqueue_indirect_dma source(%dma_start3A_213 : memref<10000x128xf32, #tpu.memory_space<hbm>>) target(%arg8 : memref<128x128xf32, #tpu.memory_space<vmem>>) offsets(%dma_start3A_210 : memref<128xi32, #tpu.memory_space<vmem>>) semaphore(%arg12 : memref<!tpu.dma_semaphore, #tpu.memory_space<semaphore_mem>>)
        %dma_wait3A_214 = arith.constant 6 : i32
        %dma_wait3A_215 = arith.constant 0 : i32
        %dma_wait3A_216 = tpu.memref_slice %arg6[%dma_wait3A_214, %dma_wait3A_215] : memref<16x128xi32, #tpu.memory_space<vmem>> -> memref<1x128xi32, #tpu.memory_space<vmem>>
        %dma_wait3A_217 = tpu.memref_squeeze %dma_wait3A_216 : memref<1x128xi32, #tpu.memory_space<vmem>> -> memref<128xi32, #tpu.memory_space<vmem>>
        %dma_wait3A_218 = arith.constant 0 : i32
        %dma_wait3A_219 = arith.constant 0 : i32
        %dma_wait3A_220 = tpu.memref_slice %arg2[%dma_wait3A_218, %dma_wait3A_219] : memref<10000x128xf32, #tpu.memory_space<hbm>> -> memref<10000x128xf32, #tpu.memory_space<hbm>>
        tpu.wait_indirect_dma semaphore(%arg12 : memref<!tpu.dma_semaphore, #tpu.memory_space<semaphore_mem>>) src(%dma_wait3A_220 : memref<10000x128xf32, #tpu.memory_space<hbm>>) dst(%arg8 : memref<128x128xf32, #tpu.memory_space<vmem>>)
        %dma_start3A_221 = arith.constant 6 : i32
        %dma_start3A_222 = arith.constant 0 : i32
        %dma_start3A_223 = tpu.memref_slice %arg7[%dma_start3A_221, %dma_start3A_222] : memref<16x128xi32, #tpu.memory_space<vmem>> -> memref<1x128xi32, #tpu.memory_space<vmem>>
        %dma_start3A_224 = tpu.memref_squeeze %dma_start3A_223 : memref<1x128xi32, #tpu.memory_space<vmem>> -> memref<128xi32, #tpu.memory_space<vmem>>
        %dma_start3A_225 = arith.constant 0 : i32
        %dma_start3A_226 = arith.constant 0 : i32
        %dma_start3A_227 = tpu.memref_slice %arg10[%dma_start3A_225, %dma_start3A_226] : memref<10240x128xf32, #tpu.memory_space<vmem_shared>> -> memref<10240x128xf32, #tpu.memory_space<vmem_shared>>
        tpu.enqueue_indirect_dma source(%arg8 : memref<128x128xf32, #tpu.memory_space<vmem>>) target(%dma_start3A_227 : memref<10240x128xf32, #tpu.memory_space<vmem_shared>>) offsets(%dma_start3A_224 : memref<128xi32, #tpu.memory_space<vmem>>) semaphore(%arg14 : memref<!tpu.dma_semaphore, #tpu.memory_space<semaphore_mem>>) {add = true}
        %dma_wait3A_228 = arith.constant 5 : i32
        %dma_wait3A_229 = arith.constant 0 : i32
        %dma_wait3A_230 = tpu.memref_slice %arg7[%dma_wait3A_228, %dma_wait3A_229] : memref<16x128xi32, #tpu.memory_space<vmem>> -> memref<1x128xi32, #tpu.memory_space<vmem>>
        %dma_wait3A_231 = tpu.memref_squeeze %dma_wait3A_230 : memref<1x128xi32, #tpu.memory_space<vmem>> -> memref<128xi32, #tpu.memory_space<vmem>>
        %dma_wait3A_232 = arith.constant 0 : i32
        %dma_wait3A_233 = arith.constant 0 : i32
        %dma_wait3A_234 = tpu.memref_slice %arg10[%dma_wait3A_232, %dma_wait3A_233] : memref<10240x128xf32, #tpu.memory_space<vmem_shared>> -> memref<10240x128xf32, #tpu.memory_space<vmem_shared>>
        tpu.wait_indirect_dma semaphore(%arg15 : memref<!tpu.dma_semaphore, #tpu.memory_space<semaphore_mem>>) src(%arg9 : memref<128x128xf32, #tpu.memory_space<vmem>>) dst(%dma_wait3A_234 : memref<10240x128xf32, #tpu.memory_space<vmem_shared>>)
        %dma_start3A_235 = arith.constant 7 : i32
        %dma_start3A_236 = arith.constant 0 : i32
        %dma_start3A_237 = tpu.memref_slice %arg6[%dma_start3A_235, %dma_start3A_236] : memref<16x128xi32, #tpu.memory_space<vmem>> -> memref<1x128xi32, #tpu.memory_space<vmem>>
        %dma_start3A_238 = tpu.memref_squeeze %dma_start3A_237 : memref<1x128xi32, #tpu.memory_space<vmem>> -> memref<128xi32, #tpu.memory_space<vmem>>
        %dma_start3A_239 = arith.constant 0 : i32
        %dma_start3A_240 = arith.constant 0 : i32
        %dma_start3A_241 = tpu.memref_slice %arg2[%dma_start3A_239, %dma_start3A_240] : memref<10000x128xf32, #tpu.memory_space<hbm>> -> memref<10000x128xf32, #tpu.memory_space<hbm>>
        tpu.enqueue_indirect_dma source(%dma_start3A_241 : memref<10000x128xf32, #tpu.memory_space<hbm>>) target(%arg9 : memref<128x128xf32, #tpu.memory_space<vmem>>) offsets(%dma_start3A_238 : memref<128xi32, #tpu.memory_space<vmem>>) semaphore(%arg13 : memref<!tpu.dma_semaphore, #tpu.memory_space<semaphore_mem>>)
        %dma_wait3A_242 = arith.constant 7 : i32
        %dma_wait3A_243 = arith.constant 0 : i32
        %dma_wait3A_244 = tpu.memref_slice %arg6[%dma_wait3A_242, %dma_wait3A_243] : memref<16x128xi32, #tpu.memory_space<vmem>> -> memref<1x128xi32, #tpu.memory_space<vmem>>
        %dma_wait3A_245 = tpu.memref_squeeze %dma_wait3A_244 : memref<1x128xi32, #tpu.memory_space<vmem>> -> memref<128xi32, #tpu.memory_space<vmem>>
        %dma_wait3A_246 = arith.constant 0 : i32
        %dma_wait3A_247 = arith.constant 0 : i32
        %dma_wait3A_248 = tpu.memref_slice %arg2[%dma_wait3A_246, %dma_wait3A_247] : memref<10000x128xf32, #tpu.memory_space<hbm>> -> memref<10000x128xf32, #tpu.memory_space<hbm>>
        tpu.wait_indirect_dma semaphore(%arg13 : memref<!tpu.dma_semaphore, #tpu.memory_space<semaphore_mem>>) src(%dma_wait3A_248 : memref<10000x128xf32, #tpu.memory_space<hbm>>) dst(%arg9 : memref<128x128xf32, #tpu.memory_space<vmem>>)
        %dma_start3A_249 = arith.constant 7 : i32
        %dma_start3A_250 = arith.constant 0 : i32
        %dma_start3A_251 = tpu.memref_slice %arg7[%dma_start3A_249, %dma_start3A_250] : memref<16x128xi32, #tpu.memory_space<vmem>> -> memref<1x128xi32, #tpu.memory_space<vmem>>
        %dma_start3A_252 = tpu.memref_squeeze %dma_start3A_251 : memref<1x128xi32, #tpu.memory_space<vmem>> -> memref<128xi32, #tpu.memory_space<vmem>>
        %dma_start3A_253 = arith.constant 0 : i32
        %dma_start3A_254 = arith.constant 0 : i32
        %dma_start3A_255 = tpu.memref_slice %arg10[%dma_start3A_253, %dma_start3A_254] : memref<10240x128xf32, #tpu.memory_space<vmem_shared>> -> memref<10240x128xf32, #tpu.memory_space<vmem_shared>>
        tpu.enqueue_indirect_dma source(%arg9 : memref<128x128xf32, #tpu.memory_space<vmem>>) target(%dma_start3A_255 : memref<10240x128xf32, #tpu.memory_space<vmem_shared>>) offsets(%dma_start3A_252 : memref<128xi32, #tpu.memory_space<vmem>>) semaphore(%arg15 : memref<!tpu.dma_semaphore, #tpu.memory_space<semaphore_mem>>) {add = true}
        %dma_wait3A_256 = arith.constant 6 : i32
        %dma_wait3A_257 = arith.constant 0 : i32
        %dma_wait3A_258 = tpu.memref_slice %arg7[%dma_wait3A_256, %dma_wait3A_257] : memref<16x128xi32, #tpu.memory_space<vmem>> -> memref<1x128xi32, #tpu.memory_space<vmem>>
        %dma_wait3A_259 = tpu.memref_squeeze %dma_wait3A_258 : memref<1x128xi32, #tpu.memory_space<vmem>> -> memref<128xi32, #tpu.memory_space<vmem>>
        %dma_wait3A_260 = arith.constant 0 : i32
        %dma_wait3A_261 = arith.constant 0 : i32
        %dma_wait3A_262 = tpu.memref_slice %arg10[%dma_wait3A_260, %dma_wait3A_261] : memref<10240x128xf32, #tpu.memory_space<vmem_shared>> -> memref<10240x128xf32, #tpu.memory_space<vmem_shared>>
        tpu.wait_indirect_dma semaphore(%arg14 : memref<!tpu.dma_semaphore, #tpu.memory_space<semaphore_mem>>) src(%arg8 : memref<128x128xf32, #tpu.memory_space<vmem>>) dst(%dma_wait3A_262 : memref<10240x128xf32, #tpu.memory_space<vmem_shared>>)
        %dma_start3A_263 = arith.constant 8 : i32
        %dma_start3A_264 = arith.constant 0 : i32
        %dma_start3A_265 = tpu.memref_slice %arg6[%dma_start3A_263, %dma_start3A_264] : memref<16x128xi32, #tpu.memory_space<vmem>> -> memref<1x128xi32, #tpu.memory_space<vmem>>
        %dma_start3A_266 = tpu.memref_squeeze %dma_start3A_265 : memref<1x128xi32, #tpu.memory_space<vmem>> -> memref<128xi32, #tpu.memory_space<vmem>>
        %dma_start3A_267 = arith.constant 0 : i32
        %dma_start3A_268 = arith.constant 0 : i32
        %dma_start3A_269 = tpu.memref_slice %arg2[%dma_start3A_267, %dma_start3A_268] : memref<10000x128xf32, #tpu.memory_space<hbm>> -> memref<10000x128xf32, #tpu.memory_space<hbm>>
        tpu.enqueue_indirect_dma source(%dma_start3A_269 : memref<10000x128xf32, #tpu.memory_space<hbm>>) target(%arg8 : memref<128x128xf32, #tpu.memory_space<vmem>>) offsets(%dma_start3A_266 : memref<128xi32, #tpu.memory_space<vmem>>) semaphore(%arg12 : memref<!tpu.dma_semaphore, #tpu.memory_space<semaphore_mem>>)
        %dma_wait3A_270 = arith.constant 8 : i32
        %dma_wait3A_271 = arith.constant 0 : i32
        %dma_wait3A_272 = tpu.memref_slice %arg6[%dma_wait3A_270, %dma_wait3A_271] : memref<16x128xi32, #tpu.memory_space<vmem>> -> memref<1x128xi32, #tpu.memory_space<vmem>>
        %dma_wait3A_273 = tpu.memref_squeeze %dma_wait3A_272 : memref<1x128xi32, #tpu.memory_space<vmem>> -> memref<128xi32, #tpu.memory_space<vmem>>
        %dma_wait3A_274 = arith.constant 0 : i32
        %dma_wait3A_275 = arith.constant 0 : i32
        %dma_wait3A_276 = tpu.memref_slice %arg2[%dma_wait3A_274, %dma_wait3A_275] : memref<10000x128xf32, #tpu.memory_space<hbm>> -> memref<10000x128xf32, #tpu.memory_space<hbm>>
        tpu.wait_indirect_dma semaphore(%arg12 : memref<!tpu.dma_semaphore, #tpu.memory_space<semaphore_mem>>) src(%dma_wait3A_276 : memref<10000x128xf32, #tpu.memory_space<hbm>>) dst(%arg8 : memref<128x128xf32, #tpu.memory_space<vmem>>)
        %dma_start3A_277 = arith.constant 8 : i32
        %dma_start3A_278 = arith.constant 0 : i32
        %dma_start3A_279 = tpu.memref_slice %arg7[%dma_start3A_277, %dma_start3A_278] : memref<16x128xi32, #tpu.memory_space<vmem>> -> memref<1x128xi32, #tpu.memory_space<vmem>>
        %dma_start3A_280 = tpu.memref_squeeze %dma_start3A_279 : memref<1x128xi32, #tpu.memory_space<vmem>> -> memref<128xi32, #tpu.memory_space<vmem>>
        %dma_start3A_281 = arith.constant 0 : i32
        %dma_start3A_282 = arith.constant 0 : i32
        %dma_start3A_283 = tpu.memref_slice %arg10[%dma_start3A_281, %dma_start3A_282] : memref<10240x128xf32, #tpu.memory_space<vmem_shared>> -> memref<10240x128xf32, #tpu.memory_space<vmem_shared>>
        tpu.enqueue_indirect_dma source(%arg8 : memref<128x128xf32, #tpu.memory_space<vmem>>) target(%dma_start3A_283 : memref<10240x128xf32, #tpu.memory_space<vmem_shared>>) offsets(%dma_start3A_280 : memref<128xi32, #tpu.memory_space<vmem>>) semaphore(%arg14 : memref<!tpu.dma_semaphore, #tpu.memory_space<semaphore_mem>>) {add = true}
        %dma_wait3A_284 = arith.constant 7 : i32
        %dma_wait3A_285 = arith.constant 0 : i32
        %dma_wait3A_286 = tpu.memref_slice %arg7[%dma_wait3A_284, %dma_wait3A_285] : memref<16x128xi32, #tpu.memory_space<vmem>> -> memref<1x128xi32, #tpu.memory_space<vmem>>
        %dma_wait3A_287 = tpu.memref_squeeze %dma_wait3A_286 : memref<1x128xi32, #tpu.memory_space<vmem>> -> memref<128xi32, #tpu.memory_space<vmem>>
        %dma_wait3A_288 = arith.constant 0 : i32
        %dma_wait3A_289 = arith.constant 0 : i32
        %dma_wait3A_290 = tpu.memref_slice %arg10[%dma_wait3A_288, %dma_wait3A_289] : memref<10240x128xf32, #tpu.memory_space<vmem_shared>> -> memref<10240x128xf32, #tpu.memory_space<vmem_shared>>
        tpu.wait_indirect_dma semaphore(%arg15 : memref<!tpu.dma_semaphore, #tpu.memory_space<semaphore_mem>>) src(%arg9 : memref<128x128xf32, #tpu.memory_space<vmem>>) dst(%dma_wait3A_290 : memref<10240x128xf32, #tpu.memory_space<vmem_shared>>)
        %dma_start3A_291 = arith.constant 9 : i32
        %dma_start3A_292 = arith.constant 0 : i32
        %dma_start3A_293 = tpu.memref_slice %arg6[%dma_start3A_291, %dma_start3A_292] : memref<16x128xi32, #tpu.memory_space<vmem>> -> memref<1x128xi32, #tpu.memory_space<vmem>>
        %dma_start3A_294 = tpu.memref_squeeze %dma_start3A_293 : memref<1x128xi32, #tpu.memory_space<vmem>> -> memref<128xi32, #tpu.memory_space<vmem>>
        %dma_start3A_295 = arith.constant 0 : i32
        %dma_start3A_296 = arith.constant 0 : i32
        %dma_start3A_297 = tpu.memref_slice %arg2[%dma_start3A_295, %dma_start3A_296] : memref<10000x128xf32, #tpu.memory_space<hbm>> -> memref<10000x128xf32, #tpu.memory_space<hbm>>
        tpu.enqueue_indirect_dma source(%dma_start3A_297 : memref<10000x128xf32, #tpu.memory_space<hbm>>) target(%arg9 : memref<128x128xf32, #tpu.memory_space<vmem>>) offsets(%dma_start3A_294 : memref<128xi32, #tpu.memory_space<vmem>>) semaphore(%arg13 : memref<!tpu.dma_semaphore, #tpu.memory_space<semaphore_mem>>)
        %dma_wait3A_298 = arith.constant 9 : i32
        %dma_wait3A_299 = arith.constant 0 : i32
        %dma_wait3A_300 = tpu.memref_slice %arg6[%dma_wait3A_298, %dma_wait3A_299] : memref<16x128xi32, #tpu.memory_space<vmem>> -> memref<1x128xi32, #tpu.memory_space<vmem>>
        %dma_wait3A_301 = tpu.memref_squeeze %dma_wait3A_300 : memref<1x128xi32, #tpu.memory_space<vmem>> -> memref<128xi32, #tpu.memory_space<vmem>>
        %dma_wait3A_302 = arith.constant 0 : i32
        %dma_wait3A_303 = arith.constant 0 : i32
        %dma_wait3A_304 = tpu.memref_slice %arg2[%dma_wait3A_302, %dma_wait3A_303] : memref<10000x128xf32, #tpu.memory_space<hbm>> -> memref<10000x128xf32, #tpu.memory_space<hbm>>
        tpu.wait_indirect_dma semaphore(%arg13 : memref<!tpu.dma_semaphore, #tpu.memory_space<semaphore_mem>>) src(%dma_wait3A_304 : memref<10000x128xf32, #tpu.memory_space<hbm>>) dst(%arg9 : memref<128x128xf32, #tpu.memory_space<vmem>>)
        %dma_start3A_305 = arith.constant 9 : i32
        %dma_start3A_306 = arith.constant 0 : i32
        %dma_start3A_307 = tpu.memref_slice %arg7[%dma_start3A_305, %dma_start3A_306] : memref<16x128xi32, #tpu.memory_space<vmem>> -> memref<1x128xi32, #tpu.memory_space<vmem>>
        %dma_start3A_308 = tpu.memref_squeeze %dma_start3A_307 : memref<1x128xi32, #tpu.memory_space<vmem>> -> memref<128xi32, #tpu.memory_space<vmem>>
        %dma_start3A_309 = arith.constant 0 : i32
        %dma_start3A_310 = arith.constant 0 : i32
        %dma_start3A_311 = tpu.memref_slice %arg10[%dma_start3A_309, %dma_start3A_310] : memref<10240x128xf32, #tpu.memory_space<vmem_shared>> -> memref<10240x128xf32, #tpu.memory_space<vmem_shared>>
        tpu.enqueue_indirect_dma source(%arg9 : memref<128x128xf32, #tpu.memory_space<vmem>>) target(%dma_start3A_311 : memref<10240x128xf32, #tpu.memory_space<vmem_shared>>) offsets(%dma_start3A_308 : memref<128xi32, #tpu.memory_space<vmem>>) semaphore(%arg15 : memref<!tpu.dma_semaphore, #tpu.memory_space<semaphore_mem>>) {add = true}
        %dma_wait3A_312 = arith.constant 8 : i32
        %dma_wait3A_313 = arith.constant 0 : i32
        %dma_wait3A_314 = tpu.memref_slice %arg7[%dma_wait3A_312, %dma_wait3A_313] : memref<16x128xi32, #tpu.memory_space<vmem>> -> memref<1x128xi32, #tpu.memory_space<vmem>>
        %dma_wait3A_315 = tpu.memref_squeeze %dma_wait3A_314 : memref<1x128xi32, #tpu.memory_space<vmem>> -> memref<128xi32, #tpu.memory_space<vmem>>
        %dma_wait3A_316 = arith.constant 0 : i32
        %dma_wait3A_317 = arith.constant 0 : i32
        %dma_wait3A_318 = tpu.memref_slice %arg10[%dma_wait3A_316, %dma_wait3A_317] : memref<10240x128xf32, #tpu.memory_space<vmem_shared>> -> memref<10240x128xf32, #tpu.memory_space<vmem_shared>>
        tpu.wait_indirect_dma semaphore(%arg14 : memref<!tpu.dma_semaphore, #tpu.memory_space<semaphore_mem>>) src(%arg8 : memref<128x128xf32, #tpu.memory_space<vmem>>) dst(%dma_wait3A_318 : memref<10240x128xf32, #tpu.memory_space<vmem_shared>>)
        %dma_start3A_319 = arith.constant 10 : i32
        %dma_start3A_320 = arith.constant 0 : i32
        %dma_start3A_321 = tpu.memref_slice %arg6[%dma_start3A_319, %dma_start3A_320] : memref<16x128xi32, #tpu.memory_space<vmem>> -> memref<1x128xi32, #tpu.memory_space<vmem>>
        %dma_start3A_322 = tpu.memref_squeeze %dma_start3A_321 : memref<1x128xi32, #tpu.memory_space<vmem>> -> memref<128xi32, #tpu.memory_space<vmem>>
        %dma_start3A_323 = arith.constant 0 : i32
        %dma_start3A_324 = arith.constant 0 : i32
        %dma_start3A_325 = tpu.memref_slice %arg2[%dma_start3A_323, %dma_start3A_324] : memref<10000x128xf32, #tpu.memory_space<hbm>> -> memref<10000x128xf32, #tpu.memory_space<hbm>>
        tpu.enqueue_indirect_dma source(%dma_start3A_325 : memref<10000x128xf32, #tpu.memory_space<hbm>>) target(%arg8 : memref<128x128xf32, #tpu.memory_space<vmem>>) offsets(%dma_start3A_322 : memref<128xi32, #tpu.memory_space<vmem>>) semaphore(%arg12 : memref<!tpu.dma_semaphore, #tpu.memory_space<semaphore_mem>>)
        %dma_wait3A_326 = arith.constant 10 : i32
        %dma_wait3A_327 = arith.constant 0 : i32
        %dma_wait3A_328 = tpu.memref_slice %arg6[%dma_wait3A_326, %dma_wait3A_327] : memref<16x128xi32, #tpu.memory_space<vmem>> -> memref<1x128xi32, #tpu.memory_space<vmem>>
        %dma_wait3A_329 = tpu.memref_squeeze %dma_wait3A_328 : memref<1x128xi32, #tpu.memory_space<vmem>> -> memref<128xi32, #tpu.memory_space<vmem>>
        %dma_wait3A_330 = arith.constant 0 : i32
        %dma_wait3A_331 = arith.constant 0 : i32
        %dma_wait3A_332 = tpu.memref_slice %arg2[%dma_wait3A_330, %dma_wait3A_331] : memref<10000x128xf32, #tpu.memory_space<hbm>> -> memref<10000x128xf32, #tpu.memory_space<hbm>>
        tpu.wait_indirect_dma semaphore(%arg12 : memref<!tpu.dma_semaphore, #tpu.memory_space<semaphore_mem>>) src(%dma_wait3A_332 : memref<10000x128xf32, #tpu.memory_space<hbm>>) dst(%arg8 : memref<128x128xf32, #tpu.memory_space<vmem>>)
        %dma_start3A_333 = arith.constant 10 : i32
        %dma_start3A_334 = arith.constant 0 : i32
        %dma_start3A_335 = tpu.memref_slice %arg7[%dma_start3A_333, %dma_start3A_334] : memref<16x128xi32, #tpu.memory_space<vmem>> -> memref<1x128xi32, #tpu.memory_space<vmem>>
        %dma_start3A_336 = tpu.memref_squeeze %dma_start3A_335 : memref<1x128xi32, #tpu.memory_space<vmem>> -> memref<128xi32, #tpu.memory_space<vmem>>
        %dma_start3A_337 = arith.constant 0 : i32
        %dma_start3A_338 = arith.constant 0 : i32
        %dma_start3A_339 = tpu.memref_slice %arg10[%dma_start3A_337, %dma_start3A_338] : memref<10240x128xf32, #tpu.memory_space<vmem_shared>> -> memref<10240x128xf32, #tpu.memory_space<vmem_shared>>
        tpu.enqueue_indirect_dma source(%arg8 : memref<128x128xf32, #tpu.memory_space<vmem>>) target(%dma_start3A_339 : memref<10240x128xf32, #tpu.memory_space<vmem_shared>>) offsets(%dma_start3A_336 : memref<128xi32, #tpu.memory_space<vmem>>) semaphore(%arg14 : memref<!tpu.dma_semaphore, #tpu.memory_space<semaphore_mem>>) {add = true}
        %dma_wait3A_340 = arith.constant 9 : i32
        %dma_wait3A_341 = arith.constant 0 : i32
        %dma_wait3A_342 = tpu.memref_slice %arg7[%dma_wait3A_340, %dma_wait3A_341] : memref<16x128xi32, #tpu.memory_space<vmem>> -> memref<1x128xi32, #tpu.memory_space<vmem>>
        %dma_wait3A_343 = tpu.memref_squeeze %dma_wait3A_342 : memref<1x128xi32, #tpu.memory_space<vmem>> -> memref<128xi32, #tpu.memory_space<vmem>>
        %dma_wait3A_344 = arith.constant 0 : i32
        %dma_wait3A_345 = arith.constant 0 : i32
        %dma_wait3A_346 = tpu.memref_slice %arg10[%dma_wait3A_344, %dma_wait3A_345] : memref<10240x128xf32, #tpu.memory_space<vmem_shared>> -> memref<10240x128xf32, #tpu.memory_space<vmem_shared>>
        tpu.wait_indirect_dma semaphore(%arg15 : memref<!tpu.dma_semaphore, #tpu.memory_space<semaphore_mem>>) src(%arg9 : memref<128x128xf32, #tpu.memory_space<vmem>>) dst(%dma_wait3A_346 : memref<10240x128xf32, #tpu.memory_space<vmem_shared>>)
        %dma_start3A_347 = arith.constant 11 : i32
        %dma_start3A_348 = arith.constant 0 : i32
        %dma_start3A_349 = tpu.memref_slice %arg6[%dma_start3A_347, %dma_start3A_348] : memref<16x128xi32, #tpu.memory_space<vmem>> -> memref<1x128xi32, #tpu.memory_space<vmem>>
        %dma_start3A_350 = tpu.memref_squeeze %dma_start3A_349 : memref<1x128xi32, #tpu.memory_space<vmem>> -> memref<128xi32, #tpu.memory_space<vmem>>
        %dma_start3A_351 = arith.constant 0 : i32
        %dma_start3A_352 = arith.constant 0 : i32
        %dma_start3A_353 = tpu.memref_slice %arg2[%dma_start3A_351, %dma_start3A_352] : memref<10000x128xf32, #tpu.memory_space<hbm>> -> memref<10000x128xf32, #tpu.memory_space<hbm>>
        tpu.enqueue_indirect_dma source(%dma_start3A_353 : memref<10000x128xf32, #tpu.memory_space<hbm>>) target(%arg9 : memref<128x128xf32, #tpu.memory_space<vmem>>) offsets(%dma_start3A_350 : memref<128xi32, #tpu.memory_space<vmem>>) semaphore(%arg13 : memref<!tpu.dma_semaphore, #tpu.memory_space<semaphore_mem>>)
        %dma_wait3A_354 = arith.constant 11 : i32
        %dma_wait3A_355 = arith.constant 0 : i32
        %dma_wait3A_356 = tpu.memref_slice %arg6[%dma_wait3A_354, %dma_wait3A_355] : memref<16x128xi32, #tpu.memory_space<vmem>> -> memref<1x128xi32, #tpu.memory_space<vmem>>
        %dma_wait3A_357 = tpu.memref_squeeze %dma_wait3A_356 : memref<1x128xi32, #tpu.memory_space<vmem>> -> memref<128xi32, #tpu.memory_space<vmem>>
        %dma_wait3A_358 = arith.constant 0 : i32
        %dma_wait3A_359 = arith.constant 0 : i32
        %dma_wait3A_360 = tpu.memref_slice %arg2[%dma_wait3A_358, %dma_wait3A_359] : memref<10000x128xf32, #tpu.memory_space<hbm>> -> memref<10000x128xf32, #tpu.memory_space<hbm>>
        tpu.wait_indirect_dma semaphore(%arg13 : memref<!tpu.dma_semaphore, #tpu.memory_space<semaphore_mem>>) src(%dma_wait3A_360 : memref<10000x128xf32, #tpu.memory_space<hbm>>) dst(%arg9 : memref<128x128xf32, #tpu.memory_space<vmem>>)
        %dma_start3A_361 = arith.constant 11 : i32
        %dma_start3A_362 = arith.constant 0 : i32
        %dma_start3A_363 = tpu.memref_slice %arg7[%dma_start3A_361, %dma_start3A_362] : memref<16x128xi32, #tpu.memory_space<vmem>> -> memref<1x128xi32, #tpu.memory_space<vmem>>
        %dma_start3A_364 = tpu.memref_squeeze %dma_start3A_363 : memref<1x128xi32, #tpu.memory_space<vmem>> -> memref<128xi32, #tpu.memory_space<vmem>>
        %dma_start3A_365 = arith.constant 0 : i32
        %dma_start3A_366 = arith.constant 0 : i32
        %dma_start3A_367 = tpu.memref_slice %arg10[%dma_start3A_365, %dma_start3A_366] : memref<10240x128xf32, #tpu.memory_space<vmem_shared>> -> memref<10240x128xf32, #tpu.memory_space<vmem_shared>>
        tpu.enqueue_indirect_dma source(%arg9 : memref<128x128xf32, #tpu.memory_space<vmem>>) target(%dma_start3A_367 : memref<10240x128xf32, #tpu.memory_space<vmem_shared>>) offsets(%dma_start3A_364 : memref<128xi32, #tpu.memory_space<vmem>>) semaphore(%arg15 : memref<!tpu.dma_semaphore, #tpu.memory_space<semaphore_mem>>) {add = true}
        %dma_wait3A_368 = arith.constant 10 : i32
        %dma_wait3A_369 = arith.constant 0 : i32
        %dma_wait3A_370 = tpu.memref_slice %arg7[%dma_wait3A_368, %dma_wait3A_369] : memref<16x128xi32, #tpu.memory_space<vmem>> -> memref<1x128xi32, #tpu.memory_space<vmem>>
        %dma_wait3A_371 = tpu.memref_squeeze %dma_wait3A_370 : memref<1x128xi32, #tpu.memory_space<vmem>> -> memref<128xi32, #tpu.memory_space<vmem>>
        %dma_wait3A_372 = arith.constant 0 : i32
        %dma_wait3A_373 = arith.constant 0 : i32
        %dma_wait3A_374 = tpu.memref_slice %arg10[%dma_wait3A_372, %dma_wait3A_373] : memref<10240x128xf32, #tpu.memory_space<vmem_shared>> -> memref<10240x128xf32, #tpu.memory_space<vmem_shared>>
        tpu.wait_indirect_dma semaphore(%arg14 : memref<!tpu.dma_semaphore, #tpu.memory_space<semaphore_mem>>) src(%arg8 : memref<128x128xf32, #tpu.memory_space<vmem>>) dst(%dma_wait3A_374 : memref<10240x128xf32, #tpu.memory_space<vmem_shared>>)
        %dma_start3A_375 = arith.constant 12 : i32
        %dma_start3A_376 = arith.constant 0 : i32
        %dma_start3A_377 = tpu.memref_slice %arg6[%dma_start3A_375, %dma_start3A_376] : memref<16x128xi32, #tpu.memory_space<vmem>> -> memref<1x128xi32, #tpu.memory_space<vmem>>
        %dma_start3A_378 = tpu.memref_squeeze %dma_start3A_377 : memref<1x128xi32, #tpu.memory_space<vmem>> -> memref<128xi32, #tpu.memory_space<vmem>>
        %dma_start3A_379 = arith.constant 0 : i32
        %dma_start3A_380 = arith.constant 0 : i32
        %dma_start3A_381 = tpu.memref_slice %arg2[%dma_start3A_379, %dma_start3A_380] : memref<10000x128xf32, #tpu.memory_space<hbm>> -> memref<10000x128xf32, #tpu.memory_space<hbm>>
        tpu.enqueue_indirect_dma source(%dma_start3A_381 : memref<10000x128xf32, #tpu.memory_space<hbm>>) target(%arg8 : memref<128x128xf32, #tpu.memory_space<vmem>>) offsets(%dma_start3A_378 : memref<128xi32, #tpu.memory_space<vmem>>) semaphore(%arg12 : memref<!tpu.dma_semaphore, #tpu.memory_space<semaphore_mem>>)
        %dma_wait3A_382 = arith.constant 12 : i32
        %dma_wait3A_383 = arith.constant 0 : i32
        %dma_wait3A_384 = tpu.memref_slice %arg6[%dma_wait3A_382, %dma_wait3A_383] : memref<16x128xi32, #tpu.memory_space<vmem>> -> memref<1x128xi32, #tpu.memory_space<vmem>>
        %dma_wait3A_385 = tpu.memref_squeeze %dma_wait3A_384 : memref<1x128xi32, #tpu.memory_space<vmem>> -> memref<128xi32, #tpu.memory_space<vmem>>
        %dma_wait3A_386 = arith.constant 0 : i32
        %dma_wait3A_387 = arith.constant 0 : i32
        %dma_wait3A_388 = tpu.memref_slice %arg2[%dma_wait3A_386, %dma_wait3A_387] : memref<10000x128xf32, #tpu.memory_space<hbm>> -> memref<10000x128xf32, #tpu.memory_space<hbm>>
        tpu.wait_indirect_dma semaphore(%arg12 : memref<!tpu.dma_semaphore, #tpu.memory_space<semaphore_mem>>) src(%dma_wait3A_388 : memref<10000x128xf32, #tpu.memory_space<hbm>>) dst(%arg8 : memref<128x128xf32, #tpu.memory_space<vmem>>)
        %dma_start3A_389 = arith.constant 12 : i32
        %dma_start3A_390 = arith.constant 0 : i32
        %dma_start3A_391 = tpu.memref_slice %arg7[%dma_start3A_389, %dma_start3A_390] : memref<16x128xi32, #tpu.memory_space<vmem>> -> memref<1x128xi32, #tpu.memory_space<vmem>>
        %dma_start3A_392 = tpu.memref_squeeze %dma_start3A_391 : memref<1x128xi32, #tpu.memory_space<vmem>> -> memref<128xi32, #tpu.memory_space<vmem>>
        %dma_start3A_393 = arith.constant 0 : i32
        %dma_start3A_394 = arith.constant 0 : i32
        %dma_start3A_395 = tpu.memref_slice %arg10[%dma_start3A_393, %dma_start3A_394] : memref<10240x128xf32, #tpu.memory_space<vmem_shared>> -> memref<10240x128xf32, #tpu.memory_space<vmem_shared>>
        tpu.enqueue_indirect_dma source(%arg8 : memref<128x128xf32, #tpu.memory_space<vmem>>) target(%dma_start3A_395 : memref<10240x128xf32, #tpu.memory_space<vmem_shared>>) offsets(%dma_start3A_392 : memref<128xi32, #tpu.memory_space<vmem>>) semaphore(%arg14 : memref<!tpu.dma_semaphore, #tpu.memory_space<semaphore_mem>>) {add = true}
        %dma_wait3A_396 = arith.constant 11 : i32
        %dma_wait3A_397 = arith.constant 0 : i32
        %dma_wait3A_398 = tpu.memref_slice %arg7[%dma_wait3A_396, %dma_wait3A_397] : memref<16x128xi32, #tpu.memory_space<vmem>> -> memref<1x128xi32, #tpu.memory_space<vmem>>
        %dma_wait3A_399 = tpu.memref_squeeze %dma_wait3A_398 : memref<1x128xi32, #tpu.memory_space<vmem>> -> memref<128xi32, #tpu.memory_space<vmem>>
        %dma_wait3A_400 = arith.constant 0 : i32
        %dma_wait3A_401 = arith.constant 0 : i32
        %dma_wait3A_402 = tpu.memref_slice %arg10[%dma_wait3A_400, %dma_wait3A_401] : memref<10240x128xf32, #tpu.memory_space<vmem_shared>> -> memref<10240x128xf32, #tpu.memory_space<vmem_shared>>
        tpu.wait_indirect_dma semaphore(%arg15 : memref<!tpu.dma_semaphore, #tpu.memory_space<semaphore_mem>>) src(%arg9 : memref<128x128xf32, #tpu.memory_space<vmem>>) dst(%dma_wait3A_402 : memref<10240x128xf32, #tpu.memory_space<vmem_shared>>)
        %dma_start3A_403 = arith.constant 13 : i32
        %dma_start3A_404 = arith.constant 0 : i32
        %dma_start3A_405 = tpu.memref_slice %arg6[%dma_start3A_403, %dma_start3A_404] : memref<16x128xi32, #tpu.memory_space<vmem>> -> memref<1x128xi32, #tpu.memory_space<vmem>>
        %dma_start3A_406 = tpu.memref_squeeze %dma_start3A_405 : memref<1x128xi32, #tpu.memory_space<vmem>> -> memref<128xi32, #tpu.memory_space<vmem>>
        %dma_start3A_407 = arith.constant 0 : i32
        %dma_start3A_408 = arith.constant 0 : i32
        %dma_start3A_409 = tpu.memref_slice %arg2[%dma_start3A_407, %dma_start3A_408] : memref<10000x128xf32, #tpu.memory_space<hbm>> -> memref<10000x128xf32, #tpu.memory_space<hbm>>
        tpu.enqueue_indirect_dma source(%dma_start3A_409 : memref<10000x128xf32, #tpu.memory_space<hbm>>) target(%arg9 : memref<128x128xf32, #tpu.memory_space<vmem>>) offsets(%dma_start3A_406 : memref<128xi32, #tpu.memory_space<vmem>>) semaphore(%arg13 : memref<!tpu.dma_semaphore, #tpu.memory_space<semaphore_mem>>)
        %dma_wait3A_410 = arith.constant 13 : i32
        %dma_wait3A_411 = arith.constant 0 : i32
        %dma_wait3A_412 = tpu.memref_slice %arg6[%dma_wait3A_410, %dma_wait3A_411] : memref<16x128xi32, #tpu.memory_space<vmem>> -> memref<1x128xi32, #tpu.memory_space<vmem>>
        %dma_wait3A_413 = tpu.memref_squeeze %dma_wait3A_412 : memref<1x128xi32, #tpu.memory_space<vmem>> -> memref<128xi32, #tpu.memory_space<vmem>>
        %dma_wait3A_414 = arith.constant 0 : i32
        %dma_wait3A_415 = arith.constant 0 : i32
        %dma_wait3A_416 = tpu.memref_slice %arg2[%dma_wait3A_414, %dma_wait3A_415] : memref<10000x128xf32, #tpu.memory_space<hbm>> -> memref<10000x128xf32, #tpu.memory_space<hbm>>
        tpu.wait_indirect_dma semaphore(%arg13 : memref<!tpu.dma_semaphore, #tpu.memory_space<semaphore_mem>>) src(%dma_wait3A_416 : memref<10000x128xf32, #tpu.memory_space<hbm>>) dst(%arg9 : memref<128x128xf32, #tpu.memory_space<vmem>>)
        %dma_start3A_417 = arith.constant 13 : i32
        %dma_start3A_418 = arith.constant 0 : i32
        %dma_start3A_419 = tpu.memref_slice %arg7[%dma_start3A_417, %dma_start3A_418] : memref<16x128xi32, #tpu.memory_space<vmem>> -> memref<1x128xi32, #tpu.memory_space<vmem>>
        %dma_start3A_420 = tpu.memref_squeeze %dma_start3A_419 : memref<1x128xi32, #tpu.memory_space<vmem>> -> memref<128xi32, #tpu.memory_space<vmem>>
        %dma_start3A_421 = arith.constant 0 : i32
        %dma_start3A_422 = arith.constant 0 : i32
        %dma_start3A_423 = tpu.memref_slice %arg10[%dma_start3A_421, %dma_start3A_422] : memref<10240x128xf32, #tpu.memory_space<vmem_shared>> -> memref<10240x128xf32, #tpu.memory_space<vmem_shared>>
        tpu.enqueue_indirect_dma source(%arg9 : memref<128x128xf32, #tpu.memory_space<vmem>>) target(%dma_start3A_423 : memref<10240x128xf32, #tpu.memory_space<vmem_shared>>) offsets(%dma_start3A_420 : memref<128xi32, #tpu.memory_space<vmem>>) semaphore(%arg15 : memref<!tpu.dma_semaphore, #tpu.memory_space<semaphore_mem>>) {add = true}
        %dma_wait3A_424 = arith.constant 12 : i32
        %dma_wait3A_425 = arith.constant 0 : i32
        %dma_wait3A_426 = tpu.memref_slice %arg7[%dma_wait3A_424, %dma_wait3A_425] : memref<16x128xi32, #tpu.memory_space<vmem>> -> memref<1x128xi32, #tpu.memory_space<vmem>>
        %dma_wait3A_427 = tpu.memref_squeeze %dma_wait3A_426 : memref<1x128xi32, #tpu.memory_space<vmem>> -> memref<128xi32, #tpu.memory_space<vmem>>
        %dma_wait3A_428 = arith.constant 0 : i32
        %dma_wait3A_429 = arith.constant 0 : i32
        %dma_wait3A_430 = tpu.memref_slice %arg10[%dma_wait3A_428, %dma_wait3A_429] : memref<10240x128xf32, #tpu.memory_space<vmem_shared>> -> memref<10240x128xf32, #tpu.memory_space<vmem_shared>>
        tpu.wait_indirect_dma semaphore(%arg14 : memref<!tpu.dma_semaphore, #tpu.memory_space<semaphore_mem>>) src(%arg8 : memref<128x128xf32, #tpu.memory_space<vmem>>) dst(%dma_wait3A_430 : memref<10240x128xf32, #tpu.memory_space<vmem_shared>>)
        %dma_start3A_431 = arith.constant 14 : i32
        %dma_start3A_432 = arith.constant 0 : i32
        %dma_start3A_433 = tpu.memref_slice %arg6[%dma_start3A_431, %dma_start3A_432] : memref<16x128xi32, #tpu.memory_space<vmem>> -> memref<1x128xi32, #tpu.memory_space<vmem>>
        %dma_start3A_434 = tpu.memref_squeeze %dma_start3A_433 : memref<1x128xi32, #tpu.memory_space<vmem>> -> memref<128xi32, #tpu.memory_space<vmem>>
        %dma_start3A_435 = arith.constant 0 : i32
        %dma_start3A_436 = arith.constant 0 : i32
        %dma_start3A_437 = tpu.memref_slice %arg2[%dma_start3A_435, %dma_start3A_436] : memref<10000x128xf32, #tpu.memory_space<hbm>> -> memref<10000x128xf32, #tpu.memory_space<hbm>>
        tpu.enqueue_indirect_dma source(%dma_start3A_437 : memref<10000x128xf32, #tpu.memory_space<hbm>>) target(%arg8 : memref<128x128xf32, #tpu.memory_space<vmem>>) offsets(%dma_start3A_434 : memref<128xi32, #tpu.memory_space<vmem>>) semaphore(%arg12 : memref<!tpu.dma_semaphore, #tpu.memory_space<semaphore_mem>>)
        %dma_wait3A_438 = arith.constant 14 : i32
        %dma_wait3A_439 = arith.constant 0 : i32
        %dma_wait3A_440 = tpu.memref_slice %arg6[%dma_wait3A_438, %dma_wait3A_439] : memref<16x128xi32, #tpu.memory_space<vmem>> -> memref<1x128xi32, #tpu.memory_space<vmem>>
        %dma_wait3A_441 = tpu.memref_squeeze %dma_wait3A_440 : memref<1x128xi32, #tpu.memory_space<vmem>> -> memref<128xi32, #tpu.memory_space<vmem>>
        %dma_wait3A_442 = arith.constant 0 : i32
        %dma_wait3A_443 = arith.constant 0 : i32
        %dma_wait3A_444 = tpu.memref_slice %arg2[%dma_wait3A_442, %dma_wait3A_443] : memref<10000x128xf32, #tpu.memory_space<hbm>> -> memref<10000x128xf32, #tpu.memory_space<hbm>>
        tpu.wait_indirect_dma semaphore(%arg12 : memref<!tpu.dma_semaphore, #tpu.memory_space<semaphore_mem>>) src(%dma_wait3A_444 : memref<10000x128xf32, #tpu.memory_space<hbm>>) dst(%arg8 : memref<128x128xf32, #tpu.memory_space<vmem>>)
        %dma_start3A_445 = arith.constant 14 : i32
        %dma_start3A_446 = arith.constant 0 : i32
        %dma_start3A_447 = tpu.memref_slice %arg7[%dma_start3A_445, %dma_start3A_446] : memref<16x128xi32, #tpu.memory_space<vmem>> -> memref<1x128xi32, #tpu.memory_space<vmem>>
        %dma_start3A_448 = tpu.memref_squeeze %dma_start3A_447 : memref<1x128xi32, #tpu.memory_space<vmem>> -> memref<128xi32, #tpu.memory_space<vmem>>
        %dma_start3A_449 = arith.constant 0 : i32
        %dma_start3A_450 = arith.constant 0 : i32
        %dma_start3A_451 = tpu.memref_slice %arg10[%dma_start3A_449, %dma_start3A_450] : memref<10240x128xf32, #tpu.memory_space<vmem_shared>> -> memref<10240x128xf32, #tpu.memory_space<vmem_shared>>
        tpu.enqueue_indirect_dma source(%arg8 : memref<128x128xf32, #tpu.memory_space<vmem>>) target(%dma_start3A_451 : memref<10240x128xf32, #tpu.memory_space<vmem_shared>>) offsets(%dma_start3A_448 : memref<128xi32, #tpu.memory_space<vmem>>) semaphore(%arg14 : memref<!tpu.dma_semaphore, #tpu.memory_space<semaphore_mem>>) {add = true}
        %dma_wait3A_452 = arith.constant 13 : i32
        %dma_wait3A_453 = arith.constant 0 : i32
        %dma_wait3A_454 = tpu.memref_slice %arg7[%dma_wait3A_452, %dma_wait3A_453] : memref<16x128xi32, #tpu.memory_space<vmem>> -> memref<1x128xi32, #tpu.memory_space<vmem>>
        %dma_wait3A_455 = tpu.memref_squeeze %dma_wait3A_454 : memref<1x128xi32, #tpu.memory_space<vmem>> -> memref<128xi32, #tpu.memory_space<vmem>>
        %dma_wait3A_456 = arith.constant 0 : i32
        %dma_wait3A_457 = arith.constant 0 : i32
        %dma_wait3A_458 = tpu.memref_slice %arg10[%dma_wait3A_456, %dma_wait3A_457] : memref<10240x128xf32, #tpu.memory_space<vmem_shared>> -> memref<10240x128xf32, #tpu.memory_space<vmem_shared>>
        tpu.wait_indirect_dma semaphore(%arg15 : memref<!tpu.dma_semaphore, #tpu.memory_space<semaphore_mem>>) src(%arg9 : memref<128x128xf32, #tpu.memory_space<vmem>>) dst(%dma_wait3A_458 : memref<10240x128xf32, #tpu.memory_space<vmem_shared>>)
        %dma_start3A_459 = arith.constant 15 : i32
        %dma_start3A_460 = arith.constant 0 : i32
        %dma_start3A_461 = tpu.memref_slice %arg6[%dma_start3A_459, %dma_start3A_460] : memref<16x128xi32, #tpu.memory_space<vmem>> -> memref<1x128xi32, #tpu.memory_space<vmem>>
        %dma_start3A_462 = tpu.memref_squeeze %dma_start3A_461 : memref<1x128xi32, #tpu.memory_space<vmem>> -> memref<128xi32, #tpu.memory_space<vmem>>
        %dma_start3A_463 = arith.constant 0 : i32
        %dma_start3A_464 = arith.constant 0 : i32
        %dma_start3A_465 = tpu.memref_slice %arg2[%dma_start3A_463, %dma_start3A_464] : memref<10000x128xf32, #tpu.memory_space<hbm>> -> memref<10000x128xf32, #tpu.memory_space<hbm>>
        tpu.enqueue_indirect_dma source(%dma_start3A_465 : memref<10000x128xf32, #tpu.memory_space<hbm>>) target(%arg9 : memref<128x128xf32, #tpu.memory_space<vmem>>) offsets(%dma_start3A_462 : memref<128xi32, #tpu.memory_space<vmem>>) semaphore(%arg13 : memref<!tpu.dma_semaphore, #tpu.memory_space<semaphore_mem>>)
        %dma_wait3A_466 = arith.constant 15 : i32
        %dma_wait3A_467 = arith.constant 0 : i32
        %dma_wait3A_468 = tpu.memref_slice %arg6[%dma_wait3A_466, %dma_wait3A_467] : memref<16x128xi32, #tpu.memory_space<vmem>> -> memref<1x128xi32, #tpu.memory_space<vmem>>
        %dma_wait3A_469 = tpu.memref_squeeze %dma_wait3A_468 : memref<1x128xi32, #tpu.memory_space<vmem>> -> memref<128xi32, #tpu.memory_space<vmem>>
        %dma_wait3A_470 = arith.constant 0 : i32
        %dma_wait3A_471 = arith.constant 0 : i32
        %dma_wait3A_472 = tpu.memref_slice %arg2[%dma_wait3A_470, %dma_wait3A_471] : memref<10000x128xf32, #tpu.memory_space<hbm>> -> memref<10000x128xf32, #tpu.memory_space<hbm>>
        tpu.wait_indirect_dma semaphore(%arg13 : memref<!tpu.dma_semaphore, #tpu.memory_space<semaphore_mem>>) src(%dma_wait3A_472 : memref<10000x128xf32, #tpu.memory_space<hbm>>) dst(%arg9 : memref<128x128xf32, #tpu.memory_space<vmem>>)
        %dma_start3A_473 = arith.constant 15 : i32
        %dma_start3A_474 = arith.constant 0 : i32
        %dma_start3A_475 = tpu.memref_slice %arg7[%dma_start3A_473, %dma_start3A_474] : memref<16x128xi32, #tpu.memory_space<vmem>> -> memref<1x128xi32, #tpu.memory_space<vmem>>
        %dma_start3A_476 = tpu.memref_squeeze %dma_start3A_475 : memref<1x128xi32, #tpu.memory_space<vmem>> -> memref<128xi32, #tpu.memory_space<vmem>>
        %dma_start3A_477 = arith.constant 0 : i32
        %dma_start3A_478 = arith.constant 0 : i32
        %dma_start3A_479 = tpu.memref_slice %arg10[%dma_start3A_477, %dma_start3A_478] : memref<10240x128xf32, #tpu.memory_space<vmem_shared>> -> memref<10240x128xf32, #tpu.memory_space<vmem_shared>>
        tpu.enqueue_indirect_dma source(%arg9 : memref<128x128xf32, #tpu.memory_space<vmem>>) target(%dma_start3A_479 : memref<10240x128xf32, #tpu.memory_space<vmem_shared>>) offsets(%dma_start3A_476 : memref<128xi32, #tpu.memory_space<vmem>>) semaphore(%arg15 : memref<!tpu.dma_semaphore, #tpu.memory_space<semaphore_mem>>) {add = true}
        %dma_wait3A_480 = arith.constant 14 : i32
        %dma_wait3A_481 = arith.constant 0 : i32
        %dma_wait3A_482 = tpu.memref_slice %arg7[%dma_wait3A_480, %dma_wait3A_481] : memref<16x128xi32, #tpu.memory_space<vmem>> -> memref<1x128xi32, #tpu.memory_space<vmem>>
        %dma_wait3A_483 = tpu.memref_squeeze %dma_wait3A_482 : memref<1x128xi32, #tpu.memory_space<vmem>> -> memref<128xi32, #tpu.memory_space<vmem>>
        %dma_wait3A_484 = arith.constant 0 : i32
        %dma_wait3A_485 = arith.constant 0 : i32
        %dma_wait3A_486 = tpu.memref_slice %arg10[%dma_wait3A_484, %dma_wait3A_485] : memref<10240x128xf32, #tpu.memory_space<vmem_shared>> -> memref<10240x128xf32, #tpu.memory_space<vmem_shared>>
        tpu.wait_indirect_dma semaphore(%arg14 : memref<!tpu.dma_semaphore, #tpu.memory_space<semaphore_mem>>) src(%arg8 : memref<128x128xf32, #tpu.memory_space<vmem>>) dst(%dma_wait3A_486 : memref<10240x128xf32, #tpu.memory_space<vmem_shared>>)
        %dma_wait3A_487 = arith.constant 15 : i32
        %dma_wait3A_488 = arith.constant 0 : i32
        %dma_wait3A_489 = tpu.memref_slice %arg7[%dma_wait3A_487, %dma_wait3A_488] : memref<16x128xi32, #tpu.memory_space<vmem>> -> memref<1x128xi32, #tpu.memory_space<vmem>>
        %dma_wait3A_490 = tpu.memref_squeeze %dma_wait3A_489 : memref<1x128xi32, #tpu.memory_space<vmem>> -> memref<128xi32, #tpu.memory_space<vmem>>
        %dma_wait3A_491 = arith.constant 0 : i32
        %dma_wait3A_492 = arith.constant 0 : i32
        %dma_wait3A_493 = tpu.memref_slice %arg10[%dma_wait3A_491, %dma_wait3A_492] : memref<10240x128xf32, #tpu.memory_space<vmem_shared>> -> memref<10240x128xf32, #tpu.memory_space<vmem_shared>>
        tpu.wait_indirect_dma semaphore(%arg15 : memref<!tpu.dma_semaphore, #tpu.memory_space<semaphore_mem>>) src(%arg9 : memref<128x128xf32, #tpu.memory_space<vmem>>) dst(%dma_wait3A_493 : memref<10240x128xf32, #tpu.memory_space<vmem_shared>>)
      }
      %scan3A_26 = arith.constant 7 : i32
    } else {
    }
    %eq3A_11 = arith.constant 1 : i32
    %eq3A_12 = arith.cmpi eq, %arg0, %eq3A_11 : i32
    %convert_element_type3A_13 = arith.extui %eq3A_12 : i1 to i32
    %cond3A_14 = arith.constant 0 : i32
    %cond3A_15 = arith.cmpi ne, %convert_element_type3A_13, %cond3A_14 : i32
    scf.if %cond3A_15 {
      %mul3A_20 = arith.constant 48 : i32
      %mul3A_21 = arith.muli %arg1, %mul3A_20 : i32
      %add3A = arith.constant 1792 : i32
      %add3A_22 = arith.addi %add3A, %mul3A_21 : i32
      %scan3A_23 = arith.constant 0 : i32
      %scan3A_24 = arith.constant 3 : i32
      %scan3A_25 = arith.addi %scan3A_23, %scan3A_24 : i32
      %scan3A_26 = arith.constant 1 : i32
      scf.for %scan3A_28 = %scan3A_23 to %scan3A_25 step %scan3A_26  : i32 {
        %mul3A_29 = arith.constant 16 : i32
        %mul3A_30 = arith.muli %scan3A_28, %mul3A_29 : i32
        %add3A_31 = arith.constant 0 : i32
        %add3A_32 = arith.addi %add3A_31, %mul3A_30 : i32
        %add3A_33 = arith.addi %add3A_22, %add3A_32 : i32
        %dma_start3A = arith.constant 0 : i32
        %dma_start3A_34 = tpu.memref_slice %arg3[%add3A_33, %dma_start3A] : memref<2560x128xi32, #tpu.memory_space<hbm>> -> memref<16x128xi32, #tpu.memory_space<hbm>>
        %dma_start3A_35 = arith.constant 0 : i32
        %dma_start3A_36 = tpu.memref_slice %arg3[%add3A_33, %dma_start3A_35] : memref<2560x128xi32, #tpu.memory_space<hbm>> -> memref<16x128xi32, #tpu.memory_space<hbm>>
        tpu.enqueue_dma source(%dma_start3A_36 : memref<16x128xi32, #tpu.memory_space<hbm>>) target(%arg6 : memref<16x128xi32, #tpu.memory_space<vmem>>) target_semaphore(%arg11 : memref<!tpu.dma_semaphore, #tpu.memory_space<semaphore_mem>>)
        %dma_wait3A = arith.constant 0 : i32
        %dma_wait3A_37 = tpu.memref_slice %arg3[%add3A_33, %dma_wait3A] : memref<2560x128xi32, #tpu.memory_space<hbm>> -> memref<16x128xi32, #tpu.memory_space<hbm>>
        %dma_wait3A_38 = arith.constant 0 : i32
        %dma_wait3A_39 = tpu.memref_slice %arg3[%add3A_33, %dma_wait3A_38] : memref<2560x128xi32, #tpu.memory_space<hbm>> -> memref<16x128xi32, #tpu.memory_space<hbm>>
        tpu.wait_dma2 semaphore(%arg11 : memref<!tpu.dma_semaphore, #tpu.memory_space<semaphore_mem>>) src(%dma_wait3A_39 : memref<16x128xi32, #tpu.memory_space<hbm>>) dst(%arg6 : memref<16x128xi32, #tpu.memory_space<vmem>>)
        %dma_start3A_40 = arith.constant 0 : i32
        %dma_start3A_41 = tpu.memref_slice %arg4[%add3A_33, %dma_start3A_40] : memref<2560x128xi32, #tpu.memory_space<hbm>> -> memref<16x128xi32, #tpu.memory_space<hbm>>
        %dma_start3A_42 = arith.constant 0 : i32
        %dma_start3A_43 = tpu.memref_slice %arg4[%add3A_33, %dma_start3A_42] : memref<2560x128xi32, #tpu.memory_space<hbm>> -> memref<16x128xi32, #tpu.memory_space<hbm>>
        tpu.enqueue_dma source(%dma_start3A_43 : memref<16x128xi32, #tpu.memory_space<hbm>>) target(%arg7 : memref<16x128xi32, #tpu.memory_space<vmem>>) target_semaphore(%arg11 : memref<!tpu.dma_semaphore, #tpu.memory_space<semaphore_mem>>)
        %dma_wait3A_44 = arith.constant 0 : i32
        %dma_wait3A_45 = tpu.memref_slice %arg4[%add3A_33, %dma_wait3A_44] : memref<2560x128xi32, #tpu.memory_space<hbm>> -> memref<16x128xi32, #tpu.memory_space<hbm>>
        %dma_wait3A_46 = arith.constant 0 : i32
        %dma_wait3A_47 = tpu.memref_slice %arg4[%add3A_33, %dma_wait3A_46] : memref<2560x128xi32, #tpu.memory_space<hbm>> -> memref<16x128xi32, #tpu.memory_space<hbm>>
        tpu.wait_dma2 semaphore(%arg11 : memref<!tpu.dma_semaphore, #tpu.memory_space<semaphore_mem>>) src(%dma_wait3A_47 : memref<16x128xi32, #tpu.memory_space<hbm>>) dst(%arg7 : memref<16x128xi32, #tpu.memory_space<vmem>>)
        %dma_start3A_48 = arith.constant 0 : i32
        %dma_start3A_49 = arith.constant 0 : i32
        %dma_start3A_50 = tpu.memref_slice %arg6[%dma_start3A_48, %dma_start3A_49] : memref<16x128xi32, #tpu.memory_space<vmem>> -> memref<1x128xi32, #tpu.memory_space<vmem>>
        %dma_start3A_51 = tpu.memref_squeeze %dma_start3A_50 : memref<1x128xi32, #tpu.memory_space<vmem>> -> memref<128xi32, #tpu.memory_space<vmem>>
        %dma_start3A_52 = arith.constant 0 : i32
        %dma_start3A_53 = arith.constant 0 : i32
        %dma_start3A_54 = tpu.memref_slice %arg2[%dma_start3A_52, %dma_start3A_53] : memref<10000x128xf32, #tpu.memory_space<hbm>> -> memref<10000x128xf32, #tpu.memory_space<hbm>>
        tpu.enqueue_indirect_dma source(%dma_start3A_54 : memref<10000x128xf32, #tpu.memory_space<hbm>>) target(%arg8 : memref<128x128xf32, #tpu.memory_space<vmem>>) offsets(%dma_start3A_51 : memref<128xi32, #tpu.memory_space<vmem>>) semaphore(%arg12 : memref<!tpu.dma_semaphore, #tpu.memory_space<semaphore_mem>>)
        %dma_wait3A_55 = arith.constant 0 : i32
        %dma_wait3A_56 = arith.constant 0 : i32
        %dma_wait3A_57 = tpu.memref_slice %arg6[%dma_wait3A_55, %dma_wait3A_56] : memref<16x128xi32, #tpu.memory_space<vmem>> -> memref<1x128xi32, #tpu.memory_space<vmem>>
        %dma_wait3A_58 = tpu.memref_squeeze %dma_wait3A_57 : memref<1x128xi32, #tpu.memory_space<vmem>> -> memref<128xi32, #tpu.memory_space<vmem>>
        %dma_wait3A_59 = arith.constant 0 : i32
        %dma_wait3A_60 = arith.constant 0 : i32
        %dma_wait3A_61 = tpu.memref_slice %arg2[%dma_wait3A_59, %dma_wait3A_60] : memref<10000x128xf32, #tpu.memory_space<hbm>> -> memref<10000x128xf32, #tpu.memory_space<hbm>>
        tpu.wait_indirect_dma semaphore(%arg12 : memref<!tpu.dma_semaphore, #tpu.memory_space<semaphore_mem>>) src(%dma_wait3A_61 : memref<10000x128xf32, #tpu.memory_space<hbm>>) dst(%arg8 : memref<128x128xf32, #tpu.memory_space<vmem>>)
        %dma_start3A_62 = arith.constant 0 : i32
        %dma_start3A_63 = arith.constant 0 : i32
        %dma_start3A_64 = tpu.memref_slice %arg7[%dma_start3A_62, %dma_start3A_63] : memref<16x128xi32, #tpu.memory_space<vmem>> -> memref<1x128xi32, #tpu.memory_space<vmem>>
        %dma_start3A_65 = tpu.memref_squeeze %dma_start3A_64 : memref<1x128xi32, #tpu.memory_space<vmem>> -> memref<128xi32, #tpu.memory_space<vmem>>
        %dma_start3A_66 = arith.constant 0 : i32
        %dma_start3A_67 = arith.constant 0 : i32
        %dma_start3A_68 = tpu.memref_slice %arg10[%dma_start3A_66, %dma_start3A_67] : memref<10240x128xf32, #tpu.memory_space<vmem_shared>> -> memref<10240x128xf32, #tpu.memory_space<vmem_shared>>
        tpu.enqueue_indirect_dma source(%arg8 : memref<128x128xf32, #tpu.memory_space<vmem>>) target(%dma_start3A_68 : memref<10240x128xf32, #tpu.memory_space<vmem_shared>>) offsets(%dma_start3A_65 : memref<128xi32, #tpu.memory_space<vmem>>) semaphore(%arg14 : memref<!tpu.dma_semaphore, #tpu.memory_space<semaphore_mem>>) {add = true}
        %dma_start3A_69 = arith.constant 1 : i32
        %dma_start3A_70 = arith.constant 0 : i32
        %dma_start3A_71 = tpu.memref_slice %arg6[%dma_start3A_69, %dma_start3A_70] : memref<16x128xi32, #tpu.memory_space<vmem>> -> memref<1x128xi32, #tpu.memory_space<vmem>>
        %dma_start3A_72 = tpu.memref_squeeze %dma_start3A_71 : memref<1x128xi32, #tpu.memory_space<vmem>> -> memref<128xi32, #tpu.memory_space<vmem>>
        %dma_start3A_73 = arith.constant 0 : i32
        %dma_start3A_74 = arith.constant 0 : i32
        %dma_start3A_75 = tpu.memref_slice %arg2[%dma_start3A_73, %dma_start3A_74] : memref<10000x128xf32, #tpu.memory_space<hbm>> -> memref<10000x128xf32, #tpu.memory_space<hbm>>
        tpu.enqueue_indirect_dma source(%dma_start3A_75 : memref<10000x128xf32, #tpu.memory_space<hbm>>) target(%arg9 : memref<128x128xf32, #tpu.memory_space<vmem>>) offsets(%dma_start3A_72 : memref<128xi32, #tpu.memory_space<vmem>>) semaphore(%arg13 : memref<!tpu.dma_semaphore, #tpu.memory_space<semaphore_mem>>)
        %dma_wait3A_76 = arith.constant 1 : i32
        %dma_wait3A_77 = arith.constant 0 : i32
        %dma_wait3A_78 = tpu.memref_slice %arg6[%dma_wait3A_76, %dma_wait3A_77] : memref<16x128xi32, #tpu.memory_space<vmem>> -> memref<1x128xi32, #tpu.memory_space<vmem>>
        %dma_wait3A_79 = tpu.memref_squeeze %dma_wait3A_78 : memref<1x128xi32, #tpu.memory_space<vmem>> -> memref<128xi32, #tpu.memory_space<vmem>>
        %dma_wait3A_80 = arith.constant 0 : i32
        %dma_wait3A_81 = arith.constant 0 : i32
        %dma_wait3A_82 = tpu.memref_slice %arg2[%dma_wait3A_80, %dma_wait3A_81] : memref<10000x128xf32, #tpu.memory_space<hbm>> -> memref<10000x128xf32, #tpu.memory_space<hbm>>
        tpu.wait_indirect_dma semaphore(%arg13 : memref<!tpu.dma_semaphore, #tpu.memory_space<semaphore_mem>>) src(%dma_wait3A_82 : memref<10000x128xf32, #tpu.memory_space<hbm>>) dst(%arg9 : memref<128x128xf32, #tpu.memory_space<vmem>>)
        %dma_start3A_83 = arith.constant 1 : i32
        %dma_start3A_84 = arith.constant 0 : i32
        %dma_start3A_85 = tpu.memref_slice %arg7[%dma_start3A_83, %dma_start3A_84] : memref<16x128xi32, #tpu.memory_space<vmem>> -> memref<1x128xi32, #tpu.memory_space<vmem>>
        %dma_start3A_86 = tpu.memref_squeeze %dma_start3A_85 : memref<1x128xi32, #tpu.memory_space<vmem>> -> memref<128xi32, #tpu.memory_space<vmem>>
        %dma_start3A_87 = arith.constant 0 : i32
        %dma_start3A_88 = arith.constant 0 : i32
        %dma_start3A_89 = tpu.memref_slice %arg10[%dma_start3A_87, %dma_start3A_88] : memref<10240x128xf32, #tpu.memory_space<vmem_shared>> -> memref<10240x128xf32, #tpu.memory_space<vmem_shared>>
        tpu.enqueue_indirect_dma source(%arg9 : memref<128x128xf32, #tpu.memory_space<vmem>>) target(%dma_start3A_89 : memref<10240x128xf32, #tpu.memory_space<vmem_shared>>) offsets(%dma_start3A_86 : memref<128xi32, #tpu.memory_space<vmem>>) semaphore(%arg15 : memref<!tpu.dma_semaphore, #tpu.memory_space<semaphore_mem>>) {add = true}
        %dma_wait3A_90 = arith.constant 0 : i32
        %dma_wait3A_91 = arith.constant 0 : i32
        %dma_wait3A_92 = tpu.memref_slice %arg7[%dma_wait3A_90, %dma_wait3A_91] : memref<16x128xi32, #tpu.memory_space<vmem>> -> memref<1x128xi32, #tpu.memory_space<vmem>>
        %dma_wait3A_93 = tpu.memref_squeeze %dma_wait3A_92 : memref<1x128xi32, #tpu.memory_space<vmem>> -> memref<128xi32, #tpu.memory_space<vmem>>
        %dma_wait3A_94 = arith.constant 0 : i32
        %dma_wait3A_95 = arith.constant 0 : i32
        %dma_wait3A_96 = tpu.memref_slice %arg10[%dma_wait3A_94, %dma_wait3A_95] : memref<10240x128xf32, #tpu.memory_space<vmem_shared>> -> memref<10240x128xf32, #tpu.memory_space<vmem_shared>>
        tpu.wait_indirect_dma semaphore(%arg14 : memref<!tpu.dma_semaphore, #tpu.memory_space<semaphore_mem>>) src(%arg8 : memref<128x128xf32, #tpu.memory_space<vmem>>) dst(%dma_wait3A_96 : memref<10240x128xf32, #tpu.memory_space<vmem_shared>>)
        %dma_start3A_97 = arith.constant 2 : i32
        %dma_start3A_98 = arith.constant 0 : i32
        %dma_start3A_99 = tpu.memref_slice %arg6[%dma_start3A_97, %dma_start3A_98] : memref<16x128xi32, #tpu.memory_space<vmem>> -> memref<1x128xi32, #tpu.memory_space<vmem>>
        %dma_start3A_100 = tpu.memref_squeeze %dma_start3A_99 : memref<1x128xi32, #tpu.memory_space<vmem>> -> memref<128xi32, #tpu.memory_space<vmem>>
        %dma_start3A_101 = arith.constant 0 : i32
        %dma_start3A_102 = arith.constant 0 : i32
        %dma_start3A_103 = tpu.memref_slice %arg2[%dma_start3A_101, %dma_start3A_102] : memref<10000x128xf32, #tpu.memory_space<hbm>> -> memref<10000x128xf32, #tpu.memory_space<hbm>>
        tpu.enqueue_indirect_dma source(%dma_start3A_103 : memref<10000x128xf32, #tpu.memory_space<hbm>>) target(%arg8 : memref<128x128xf32, #tpu.memory_space<vmem>>) offsets(%dma_start3A_100 : memref<128xi32, #tpu.memory_space<vmem>>) semaphore(%arg12 : memref<!tpu.dma_semaphore, #tpu.memory_space<semaphore_mem>>)
        %dma_wait3A_104 = arith.constant 2 : i32
        %dma_wait3A_105 = arith.constant 0 : i32
        %dma_wait3A_106 = tpu.memref_slice %arg6[%dma_wait3A_104, %dma_wait3A_105] : memref<16x128xi32, #tpu.memory_space<vmem>> -> memref<1x128xi32, #tpu.memory_space<vmem>>
        %dma_wait3A_107 = tpu.memref_squeeze %dma_wait3A_106 : memref<1x128xi32, #tpu.memory_space<vmem>> -> memref<128xi32, #tpu.memory_space<vmem>>
        %dma_wait3A_108 = arith.constant 0 : i32
        %dma_wait3A_109 = arith.constant 0 : i32
        %dma_wait3A_110 = tpu.memref_slice %arg2[%dma_wait3A_108, %dma_wait3A_109] : memref<10000x128xf32, #tpu.memory_space<hbm>> -> memref<10000x128xf32, #tpu.memory_space<hbm>>
        tpu.wait_indirect_dma semaphore(%arg12 : memref<!tpu.dma_semaphore, #tpu.memory_space<semaphore_mem>>) src(%dma_wait3A_110 : memref<10000x128xf32, #tpu.memory_space<hbm>>) dst(%arg8 : memref<128x128xf32, #tpu.memory_space<vmem>>)
        %dma_start3A_111 = arith.constant 2 : i32
        %dma_start3A_112 = arith.constant 0 : i32
        %dma_start3A_113 = tpu.memref_slice %arg7[%dma_start3A_111, %dma_start3A_112] : memref<16x128xi32, #tpu.memory_space<vmem>> -> memref<1x128xi32, #tpu.memory_space<vmem>>
        %dma_start3A_114 = tpu.memref_squeeze %dma_start3A_113 : memref<1x128xi32, #tpu.memory_space<vmem>> -> memref<128xi32, #tpu.memory_space<vmem>>
        %dma_start3A_115 = arith.constant 0 : i32
        %dma_start3A_116 = arith.constant 0 : i32
        %dma_start3A_117 = tpu.memref_slice %arg10[%dma_start3A_115, %dma_start3A_116] : memref<10240x128xf32, #tpu.memory_space<vmem_shared>> -> memref<10240x128xf32, #tpu.memory_space<vmem_shared>>
        tpu.enqueue_indirect_dma source(%arg8 : memref<128x128xf32, #tpu.memory_space<vmem>>) target(%dma_start3A_117 : memref<10240x128xf32, #tpu.memory_space<vmem_shared>>) offsets(%dma_start3A_114 : memref<128xi32, #tpu.memory_space<vmem>>) semaphore(%arg14 : memref<!tpu.dma_semaphore, #tpu.memory_space<semaphore_mem>>) {add = true}
        %dma_wait3A_118 = arith.constant 1 : i32
        %dma_wait3A_119 = arith.constant 0 : i32
        %dma_wait3A_120 = tpu.memref_slice %arg7[%dma_wait3A_118, %dma_wait3A_119] : memref<16x128xi32, #tpu.memory_space<vmem>> -> memref<1x128xi32, #tpu.memory_space<vmem>>
        %dma_wait3A_121 = tpu.memref_squeeze %dma_wait3A_120 : memref<1x128xi32, #tpu.memory_space<vmem>> -> memref<128xi32, #tpu.memory_space<vmem>>
        %dma_wait3A_122 = arith.constant 0 : i32
        %dma_wait3A_123 = arith.constant 0 : i32
        %dma_wait3A_124 = tpu.memref_slice %arg10[%dma_wait3A_122, %dma_wait3A_123] : memref<10240x128xf32, #tpu.memory_space<vmem_shared>> -> memref<10240x128xf32, #tpu.memory_space<vmem_shared>>
        tpu.wait_indirect_dma semaphore(%arg15 : memref<!tpu.dma_semaphore, #tpu.memory_space<semaphore_mem>>) src(%arg9 : memref<128x128xf32, #tpu.memory_space<vmem>>) dst(%dma_wait3A_124 : memref<10240x128xf32, #tpu.memory_space<vmem_shared>>)
        %dma_start3A_125 = arith.constant 3 : i32
        %dma_start3A_126 = arith.constant 0 : i32
        %dma_start3A_127 = tpu.memref_slice %arg6[%dma_start3A_125, %dma_start3A_126] : memref<16x128xi32, #tpu.memory_space<vmem>> -> memref<1x128xi32, #tpu.memory_space<vmem>>
        %dma_start3A_128 = tpu.memref_squeeze %dma_start3A_127 : memref<1x128xi32, #tpu.memory_space<vmem>> -> memref<128xi32, #tpu.memory_space<vmem>>
        %dma_start3A_129 = arith.constant 0 : i32
        %dma_start3A_130 = arith.constant 0 : i32
        %dma_start3A_131 = tpu.memref_slice %arg2[%dma_start3A_129, %dma_start3A_130] : memref<10000x128xf32, #tpu.memory_space<hbm>> -> memref<10000x128xf32, #tpu.memory_space<hbm>>
        tpu.enqueue_indirect_dma source(%dma_start3A_131 : memref<10000x128xf32, #tpu.memory_space<hbm>>) target(%arg9 : memref<128x128xf32, #tpu.memory_space<vmem>>) offsets(%dma_start3A_128 : memref<128xi32, #tpu.memory_space<vmem>>) semaphore(%arg13 : memref<!tpu.dma_semaphore, #tpu.memory_space<semaphore_mem>>)
        %dma_wait3A_132 = arith.constant 3 : i32
        %dma_wait3A_133 = arith.constant 0 : i32
        %dma_wait3A_134 = tpu.memref_slice %arg6[%dma_wait3A_132, %dma_wait3A_133] : memref<16x128xi32, #tpu.memory_space<vmem>> -> memref<1x128xi32, #tpu.memory_space<vmem>>
        %dma_wait3A_135 = tpu.memref_squeeze %dma_wait3A_134 : memref<1x128xi32, #tpu.memory_space<vmem>> -> memref<128xi32, #tpu.memory_space<vmem>>
        %dma_wait3A_136 = arith.constant 0 : i32
        %dma_wait3A_137 = arith.constant 0 : i32
        %dma_wait3A_138 = tpu.memref_slice %arg2[%dma_wait3A_136, %dma_wait3A_137] : memref<10000x128xf32, #tpu.memory_space<hbm>> -> memref<10000x128xf32, #tpu.memory_space<hbm>>
        tpu.wait_indirect_dma semaphore(%arg13 : memref<!tpu.dma_semaphore, #tpu.memory_space<semaphore_mem>>) src(%dma_wait3A_138 : memref<10000x128xf32, #tpu.memory_space<hbm>>) dst(%arg9 : memref<128x128xf32, #tpu.memory_space<vmem>>)
        %dma_start3A_139 = arith.constant 3 : i32
        %dma_start3A_140 = arith.constant 0 : i32
        %dma_start3A_141 = tpu.memref_slice %arg7[%dma_start3A_139, %dma_start3A_140] : memref<16x128xi32, #tpu.memory_space<vmem>> -> memref<1x128xi32, #tpu.memory_space<vmem>>
        %dma_start3A_142 = tpu.memref_squeeze %dma_start3A_141 : memref<1x128xi32, #tpu.memory_space<vmem>> -> memref<128xi32, #tpu.memory_space<vmem>>
        %dma_start3A_143 = arith.constant 0 : i32
        %dma_start3A_144 = arith.constant 0 : i32
        %dma_start3A_145 = tpu.memref_slice %arg10[%dma_start3A_143, %dma_start3A_144] : memref<10240x128xf32, #tpu.memory_space<vmem_shared>> -> memref<10240x128xf32, #tpu.memory_space<vmem_shared>>
        tpu.enqueue_indirect_dma source(%arg9 : memref<128x128xf32, #tpu.memory_space<vmem>>) target(%dma_start3A_145 : memref<10240x128xf32, #tpu.memory_space<vmem_shared>>) offsets(%dma_start3A_142 : memref<128xi32, #tpu.memory_space<vmem>>) semaphore(%arg15 : memref<!tpu.dma_semaphore, #tpu.memory_space<semaphore_mem>>) {add = true}
        %dma_wait3A_146 = arith.constant 2 : i32
        %dma_wait3A_147 = arith.constant 0 : i32
        %dma_wait3A_148 = tpu.memref_slice %arg7[%dma_wait3A_146, %dma_wait3A_147] : memref<16x128xi32, #tpu.memory_space<vmem>> -> memref<1x128xi32, #tpu.memory_space<vmem>>
        %dma_wait3A_149 = tpu.memref_squeeze %dma_wait3A_148 : memref<1x128xi32, #tpu.memory_space<vmem>> -> memref<128xi32, #tpu.memory_space<vmem>>
        %dma_wait3A_150 = arith.constant 0 : i32
        %dma_wait3A_151 = arith.constant 0 : i32
        %dma_wait3A_152 = tpu.memref_slice %arg10[%dma_wait3A_150, %dma_wait3A_151] : memref<10240x128xf32, #tpu.memory_space<vmem_shared>> -> memref<10240x128xf32, #tpu.memory_space<vmem_shared>>
        tpu.wait_indirect_dma semaphore(%arg14 : memref<!tpu.dma_semaphore, #tpu.memory_space<semaphore_mem>>) src(%arg8 : memref<128x128xf32, #tpu.memory_space<vmem>>) dst(%dma_wait3A_152 : memref<10240x128xf32, #tpu.memory_space<vmem_shared>>)
        %dma_start3A_153 = arith.constant 4 : i32
        %dma_start3A_154 = arith.constant 0 : i32
        %dma_start3A_155 = tpu.memref_slice %arg6[%dma_start3A_153, %dma_start3A_154] : memref<16x128xi32, #tpu.memory_space<vmem>> -> memref<1x128xi32, #tpu.memory_space<vmem>>
        %dma_start3A_156 = tpu.memref_squeeze %dma_start3A_155 : memref<1x128xi32, #tpu.memory_space<vmem>> -> memref<128xi32, #tpu.memory_space<vmem>>
        %dma_start3A_157 = arith.constant 0 : i32
        %dma_start3A_158 = arith.constant 0 : i32
        %dma_start3A_159 = tpu.memref_slice %arg2[%dma_start3A_157, %dma_start3A_158] : memref<10000x128xf32, #tpu.memory_space<hbm>> -> memref<10000x128xf32, #tpu.memory_space<hbm>>
        tpu.enqueue_indirect_dma source(%dma_start3A_159 : memref<10000x128xf32, #tpu.memory_space<hbm>>) target(%arg8 : memref<128x128xf32, #tpu.memory_space<vmem>>) offsets(%dma_start3A_156 : memref<128xi32, #tpu.memory_space<vmem>>) semaphore(%arg12 : memref<!tpu.dma_semaphore, #tpu.memory_space<semaphore_mem>>)
        %dma_wait3A_160 = arith.constant 4 : i32
        %dma_wait3A_161 = arith.constant 0 : i32
        %dma_wait3A_162 = tpu.memref_slice %arg6[%dma_wait3A_160, %dma_wait3A_161] : memref<16x128xi32, #tpu.memory_space<vmem>> -> memref<1x128xi32, #tpu.memory_space<vmem>>
        %dma_wait3A_163 = tpu.memref_squeeze %dma_wait3A_162 : memref<1x128xi32, #tpu.memory_space<vmem>> -> memref<128xi32, #tpu.memory_space<vmem>>
        %dma_wait3A_164 = arith.constant 0 : i32
        %dma_wait3A_165 = arith.constant 0 : i32
        %dma_wait3A_166 = tpu.memref_slice %arg2[%dma_wait3A_164, %dma_wait3A_165] : memref<10000x128xf32, #tpu.memory_space<hbm>> -> memref<10000x128xf32, #tpu.memory_space<hbm>>
        tpu.wait_indirect_dma semaphore(%arg12 : memref<!tpu.dma_semaphore, #tpu.memory_space<semaphore_mem>>) src(%dma_wait3A_166 : memref<10000x128xf32, #tpu.memory_space<hbm>>) dst(%arg8 : memref<128x128xf32, #tpu.memory_space<vmem>>)
        %dma_start3A_167 = arith.constant 4 : i32
        %dma_start3A_168 = arith.constant 0 : i32
        %dma_start3A_169 = tpu.memref_slice %arg7[%dma_start3A_167, %dma_start3A_168] : memref<16x128xi32, #tpu.memory_space<vmem>> -> memref<1x128xi32, #tpu.memory_space<vmem>>
        %dma_start3A_170 = tpu.memref_squeeze %dma_start3A_169 : memref<1x128xi32, #tpu.memory_space<vmem>> -> memref<128xi32, #tpu.memory_space<vmem>>
        %dma_start3A_171 = arith.constant 0 : i32
        %dma_start3A_172 = arith.constant 0 : i32
        %dma_start3A_173 = tpu.memref_slice %arg10[%dma_start3A_171, %dma_start3A_172] : memref<10240x128xf32, #tpu.memory_space<vmem_shared>> -> memref<10240x128xf32, #tpu.memory_space<vmem_shared>>
        tpu.enqueue_indirect_dma source(%arg8 : memref<128x128xf32, #tpu.memory_space<vmem>>) target(%dma_start3A_173 : memref<10240x128xf32, #tpu.memory_space<vmem_shared>>) offsets(%dma_start3A_170 : memref<128xi32, #tpu.memory_space<vmem>>) semaphore(%arg14 : memref<!tpu.dma_semaphore, #tpu.memory_space<semaphore_mem>>) {add = true}
        %dma_wait3A_174 = arith.constant 3 : i32
        %dma_wait3A_175 = arith.constant 0 : i32
        %dma_wait3A_176 = tpu.memref_slice %arg7[%dma_wait3A_174, %dma_wait3A_175] : memref<16x128xi32, #tpu.memory_space<vmem>> -> memref<1x128xi32, #tpu.memory_space<vmem>>
        %dma_wait3A_177 = tpu.memref_squeeze %dma_wait3A_176 : memref<1x128xi32, #tpu.memory_space<vmem>> -> memref<128xi32, #tpu.memory_space<vmem>>
        %dma_wait3A_178 = arith.constant 0 : i32
        %dma_wait3A_179 = arith.constant 0 : i32
        %dma_wait3A_180 = tpu.memref_slice %arg10[%dma_wait3A_178, %dma_wait3A_179] : memref<10240x128xf32, #tpu.memory_space<vmem_shared>> -> memref<10240x128xf32, #tpu.memory_space<vmem_shared>>
        tpu.wait_indirect_dma semaphore(%arg15 : memref<!tpu.dma_semaphore, #tpu.memory_space<semaphore_mem>>) src(%arg9 : memref<128x128xf32, #tpu.memory_space<vmem>>) dst(%dma_wait3A_180 : memref<10240x128xf32, #tpu.memory_space<vmem_shared>>)
        %dma_start3A_181 = arith.constant 5 : i32
        %dma_start3A_182 = arith.constant 0 : i32
        %dma_start3A_183 = tpu.memref_slice %arg6[%dma_start3A_181, %dma_start3A_182] : memref<16x128xi32, #tpu.memory_space<vmem>> -> memref<1x128xi32, #tpu.memory_space<vmem>>
        %dma_start3A_184 = tpu.memref_squeeze %dma_start3A_183 : memref<1x128xi32, #tpu.memory_space<vmem>> -> memref<128xi32, #tpu.memory_space<vmem>>
        %dma_start3A_185 = arith.constant 0 : i32
        %dma_start3A_186 = arith.constant 0 : i32
        %dma_start3A_187 = tpu.memref_slice %arg2[%dma_start3A_185, %dma_start3A_186] : memref<10000x128xf32, #tpu.memory_space<hbm>> -> memref<10000x128xf32, #tpu.memory_space<hbm>>
        tpu.enqueue_indirect_dma source(%dma_start3A_187 : memref<10000x128xf32, #tpu.memory_space<hbm>>) target(%arg9 : memref<128x128xf32, #tpu.memory_space<vmem>>) offsets(%dma_start3A_184 : memref<128xi32, #tpu.memory_space<vmem>>) semaphore(%arg13 : memref<!tpu.dma_semaphore, #tpu.memory_space<semaphore_mem>>)
        %dma_wait3A_188 = arith.constant 5 : i32
        %dma_wait3A_189 = arith.constant 0 : i32
        %dma_wait3A_190 = tpu.memref_slice %arg6[%dma_wait3A_188, %dma_wait3A_189] : memref<16x128xi32, #tpu.memory_space<vmem>> -> memref<1x128xi32, #tpu.memory_space<vmem>>
        %dma_wait3A_191 = tpu.memref_squeeze %dma_wait3A_190 : memref<1x128xi32, #tpu.memory_space<vmem>> -> memref<128xi32, #tpu.memory_space<vmem>>
        %dma_wait3A_192 = arith.constant 0 : i32
        %dma_wait3A_193 = arith.constant 0 : i32
        %dma_wait3A_194 = tpu.memref_slice %arg2[%dma_wait3A_192, %dma_wait3A_193] : memref<10000x128xf32, #tpu.memory_space<hbm>> -> memref<10000x128xf32, #tpu.memory_space<hbm>>
        tpu.wait_indirect_dma semaphore(%arg13 : memref<!tpu.dma_semaphore, #tpu.memory_space<semaphore_mem>>) src(%dma_wait3A_194 : memref<10000x128xf32, #tpu.memory_space<hbm>>) dst(%arg9 : memref<128x128xf32, #tpu.memory_space<vmem>>)
        %dma_start3A_195 = arith.constant 5 : i32
        %dma_start3A_196 = arith.constant 0 : i32
        %dma_start3A_197 = tpu.memref_slice %arg7[%dma_start3A_195, %dma_start3A_196] : memref<16x128xi32, #tpu.memory_space<vmem>> -> memref<1x128xi32, #tpu.memory_space<vmem>>
        %dma_start3A_198 = tpu.memref_squeeze %dma_start3A_197 : memref<1x128xi32, #tpu.memory_space<vmem>> -> memref<128xi32, #tpu.memory_space<vmem>>
        %dma_start3A_199 = arith.constant 0 : i32
        %dma_start3A_200 = arith.constant 0 : i32
        %dma_start3A_201 = tpu.memref_slice %arg10[%dma_start3A_199, %dma_start3A_200] : memref<10240x128xf32, #tpu.memory_space<vmem_shared>> -> memref<10240x128xf32, #tpu.memory_space<vmem_shared>>
        tpu.enqueue_indirect_dma source(%arg9 : memref<128x128xf32, #tpu.memory_space<vmem>>) target(%dma_start3A_201 : memref<10240x128xf32, #tpu.memory_space<vmem_shared>>) offsets(%dma_start3A_198 : memref<128xi32, #tpu.memory_space<vmem>>) semaphore(%arg15 : memref<!tpu.dma_semaphore, #tpu.memory_space<semaphore_mem>>) {add = true}
        %dma_wait3A_202 = arith.constant 4 : i32
        %dma_wait3A_203 = arith.constant 0 : i32
        %dma_wait3A_204 = tpu.memref_slice %arg7[%dma_wait3A_202, %dma_wait3A_203] : memref<16x128xi32, #tpu.memory_space<vmem>> -> memref<1x128xi32, #tpu.memory_space<vmem>>
        %dma_wait3A_205 = tpu.memref_squeeze %dma_wait3A_204 : memref<1x128xi32, #tpu.memory_space<vmem>> -> memref<128xi32, #tpu.memory_space<vmem>>
        %dma_wait3A_206 = arith.constant 0 : i32
        %dma_wait3A_207 = arith.constant 0 : i32
        %dma_wait3A_208 = tpu.memref_slice %arg10[%dma_wait3A_206, %dma_wait3A_207] : memref<10240x128xf32, #tpu.memory_space<vmem_shared>> -> memref<10240x128xf32, #tpu.memory_space<vmem_shared>>
        tpu.wait_indirect_dma semaphore(%arg14 : memref<!tpu.dma_semaphore, #tpu.memory_space<semaphore_mem>>) src(%arg8 : memref<128x128xf32, #tpu.memory_space<vmem>>) dst(%dma_wait3A_208 : memref<10240x128xf32, #tpu.memory_space<vmem_shared>>)
        %dma_start3A_209 = arith.constant 6 : i32
        %dma_start3A_210 = arith.constant 0 : i32
        %dma_start3A_211 = tpu.memref_slice %arg6[%dma_start3A_209, %dma_start3A_210] : memref<16x128xi32, #tpu.memory_space<vmem>> -> memref<1x128xi32, #tpu.memory_space<vmem>>
        %dma_start3A_212 = tpu.memref_squeeze %dma_start3A_211 : memref<1x128xi32, #tpu.memory_space<vmem>> -> memref<128xi32, #tpu.memory_space<vmem>>
        %dma_start3A_213 = arith.constant 0 : i32
        %dma_start3A_214 = arith.constant 0 : i32
        %dma_start3A_215 = tpu.memref_slice %arg2[%dma_start3A_213, %dma_start3A_214] : memref<10000x128xf32, #tpu.memory_space<hbm>> -> memref<10000x128xf32, #tpu.memory_space<hbm>>
        tpu.enqueue_indirect_dma source(%dma_start3A_215 : memref<10000x128xf32, #tpu.memory_space<hbm>>) target(%arg8 : memref<128x128xf32, #tpu.memory_space<vmem>>) offsets(%dma_start3A_212 : memref<128xi32, #tpu.memory_space<vmem>>) semaphore(%arg12 : memref<!tpu.dma_semaphore, #tpu.memory_space<semaphore_mem>>)
        %dma_wait3A_216 = arith.constant 6 : i32
        %dma_wait3A_217 = arith.constant 0 : i32
        %dma_wait3A_218 = tpu.memref_slice %arg6[%dma_wait3A_216, %dma_wait3A_217] : memref<16x128xi32, #tpu.memory_space<vmem>> -> memref<1x128xi32, #tpu.memory_space<vmem>>
        %dma_wait3A_219 = tpu.memref_squeeze %dma_wait3A_218 : memref<1x128xi32, #tpu.memory_space<vmem>> -> memref<128xi32, #tpu.memory_space<vmem>>
        %dma_wait3A_220 = arith.constant 0 : i32
        %dma_wait3A_221 = arith.constant 0 : i32
        %dma_wait3A_222 = tpu.memref_slice %arg2[%dma_wait3A_220, %dma_wait3A_221] : memref<10000x128xf32, #tpu.memory_space<hbm>> -> memref<10000x128xf32, #tpu.memory_space<hbm>>
        tpu.wait_indirect_dma semaphore(%arg12 : memref<!tpu.dma_semaphore, #tpu.memory_space<semaphore_mem>>) src(%dma_wait3A_222 : memref<10000x128xf32, #tpu.memory_space<hbm>>) dst(%arg8 : memref<128x128xf32, #tpu.memory_space<vmem>>)
        %dma_start3A_223 = arith.constant 6 : i32
        %dma_start3A_224 = arith.constant 0 : i32
        %dma_start3A_225 = tpu.memref_slice %arg7[%dma_start3A_223, %dma_start3A_224] : memref<16x128xi32, #tpu.memory_space<vmem>> -> memref<1x128xi32, #tpu.memory_space<vmem>>
        %dma_start3A_226 = tpu.memref_squeeze %dma_start3A_225 : memref<1x128xi32, #tpu.memory_space<vmem>> -> memref<128xi32, #tpu.memory_space<vmem>>
        %dma_start3A_227 = arith.constant 0 : i32
        %dma_start3A_228 = arith.constant 0 : i32
        %dma_start3A_229 = tpu.memref_slice %arg10[%dma_start3A_227, %dma_start3A_228] : memref<10240x128xf32, #tpu.memory_space<vmem_shared>> -> memref<10240x128xf32, #tpu.memory_space<vmem_shared>>
        tpu.enqueue_indirect_dma source(%arg8 : memref<128x128xf32, #tpu.memory_space<vmem>>) target(%dma_start3A_229 : memref<10240x128xf32, #tpu.memory_space<vmem_shared>>) offsets(%dma_start3A_226 : memref<128xi32, #tpu.memory_space<vmem>>) semaphore(%arg14 : memref<!tpu.dma_semaphore, #tpu.memory_space<semaphore_mem>>) {add = true}
        %dma_wait3A_230 = arith.constant 5 : i32
        %dma_wait3A_231 = arith.constant 0 : i32
        %dma_wait3A_232 = tpu.memref_slice %arg7[%dma_wait3A_230, %dma_wait3A_231] : memref<16x128xi32, #tpu.memory_space<vmem>> -> memref<1x128xi32, #tpu.memory_space<vmem>>
        %dma_wait3A_233 = tpu.memref_squeeze %dma_wait3A_232 : memref<1x128xi32, #tpu.memory_space<vmem>> -> memref<128xi32, #tpu.memory_space<vmem>>
        %dma_wait3A_234 = arith.constant 0 : i32
        %dma_wait3A_235 = arith.constant 0 : i32
        %dma_wait3A_236 = tpu.memref_slice %arg10[%dma_wait3A_234, %dma_wait3A_235] : memref<10240x128xf32, #tpu.memory_space<vmem_shared>> -> memref<10240x128xf32, #tpu.memory_space<vmem_shared>>
        tpu.wait_indirect_dma semaphore(%arg15 : memref<!tpu.dma_semaphore, #tpu.memory_space<semaphore_mem>>) src(%arg9 : memref<128x128xf32, #tpu.memory_space<vmem>>) dst(%dma_wait3A_236 : memref<10240x128xf32, #tpu.memory_space<vmem_shared>>)
        %dma_start3A_237 = arith.constant 7 : i32
        %dma_start3A_238 = arith.constant 0 : i32
        %dma_start3A_239 = tpu.memref_slice %arg6[%dma_start3A_237, %dma_start3A_238] : memref<16x128xi32, #tpu.memory_space<vmem>> -> memref<1x128xi32, #tpu.memory_space<vmem>>
        %dma_start3A_240 = tpu.memref_squeeze %dma_start3A_239 : memref<1x128xi32, #tpu.memory_space<vmem>> -> memref<128xi32, #tpu.memory_space<vmem>>
        %dma_start3A_241 = arith.constant 0 : i32
        %dma_start3A_242 = arith.constant 0 : i32
        %dma_start3A_243 = tpu.memref_slice %arg2[%dma_start3A_241, %dma_start3A_242] : memref<10000x128xf32, #tpu.memory_space<hbm>> -> memref<10000x128xf32, #tpu.memory_space<hbm>>
        tpu.enqueue_indirect_dma source(%dma_start3A_243 : memref<10000x128xf32, #tpu.memory_space<hbm>>) target(%arg9 : memref<128x128xf32, #tpu.memory_space<vmem>>) offsets(%dma_start3A_240 : memref<128xi32, #tpu.memory_space<vmem>>) semaphore(%arg13 : memref<!tpu.dma_semaphore, #tpu.memory_space<semaphore_mem>>)
        %dma_wait3A_244 = arith.constant 7 : i32
        %dma_wait3A_245 = arith.constant 0 : i32
        %dma_wait3A_246 = tpu.memref_slice %arg6[%dma_wait3A_244, %dma_wait3A_245] : memref<16x128xi32, #tpu.memory_space<vmem>> -> memref<1x128xi32, #tpu.memory_space<vmem>>
        %dma_wait3A_247 = tpu.memref_squeeze %dma_wait3A_246 : memref<1x128xi32, #tpu.memory_space<vmem>> -> memref<128xi32, #tpu.memory_space<vmem>>
        %dma_wait3A_248 = arith.constant 0 : i32
        %dma_wait3A_249 = arith.constant 0 : i32
        %dma_wait3A_250 = tpu.memref_slice %arg2[%dma_wait3A_248, %dma_wait3A_249] : memref<10000x128xf32, #tpu.memory_space<hbm>> -> memref<10000x128xf32, #tpu.memory_space<hbm>>
        tpu.wait_indirect_dma semaphore(%arg13 : memref<!tpu.dma_semaphore, #tpu.memory_space<semaphore_mem>>) src(%dma_wait3A_250 : memref<10000x128xf32, #tpu.memory_space<hbm>>) dst(%arg9 : memref<128x128xf32, #tpu.memory_space<vmem>>)
        %dma_start3A_251 = arith.constant 7 : i32
        %dma_start3A_252 = arith.constant 0 : i32
        %dma_start3A_253 = tpu.memref_slice %arg7[%dma_start3A_251, %dma_start3A_252] : memref<16x128xi32, #tpu.memory_space<vmem>> -> memref<1x128xi32, #tpu.memory_space<vmem>>
        %dma_start3A_254 = tpu.memref_squeeze %dma_start3A_253 : memref<1x128xi32, #tpu.memory_space<vmem>> -> memref<128xi32, #tpu.memory_space<vmem>>
        %dma_start3A_255 = arith.constant 0 : i32
        %dma_start3A_256 = arith.constant 0 : i32
        %dma_start3A_257 = tpu.memref_slice %arg10[%dma_start3A_255, %dma_start3A_256] : memref<10240x128xf32, #tpu.memory_space<vmem_shared>> -> memref<10240x128xf32, #tpu.memory_space<vmem_shared>>
        tpu.enqueue_indirect_dma source(%arg9 : memref<128x128xf32, #tpu.memory_space<vmem>>) target(%dma_start3A_257 : memref<10240x128xf32, #tpu.memory_space<vmem_shared>>) offsets(%dma_start3A_254 : memref<128xi32, #tpu.memory_space<vmem>>) semaphore(%arg15 : memref<!tpu.dma_semaphore, #tpu.memory_space<semaphore_mem>>) {add = true}
        %dma_wait3A_258 = arith.constant 6 : i32
        %dma_wait3A_259 = arith.constant 0 : i32
        %dma_wait3A_260 = tpu.memref_slice %arg7[%dma_wait3A_258, %dma_wait3A_259] : memref<16x128xi32, #tpu.memory_space<vmem>> -> memref<1x128xi32, #tpu.memory_space<vmem>>
        %dma_wait3A_261 = tpu.memref_squeeze %dma_wait3A_260 : memref<1x128xi32, #tpu.memory_space<vmem>> -> memref<128xi32, #tpu.memory_space<vmem>>
        %dma_wait3A_262 = arith.constant 0 : i32
        %dma_wait3A_263 = arith.constant 0 : i32
        %dma_wait3A_264 = tpu.memref_slice %arg10[%dma_wait3A_262, %dma_wait3A_263] : memref<10240x128xf32, #tpu.memory_space<vmem_shared>> -> memref<10240x128xf32, #tpu.memory_space<vmem_shared>>
        tpu.wait_indirect_dma semaphore(%arg14 : memref<!tpu.dma_semaphore, #tpu.memory_space<semaphore_mem>>) src(%arg8 : memref<128x128xf32, #tpu.memory_space<vmem>>) dst(%dma_wait3A_264 : memref<10240x128xf32, #tpu.memory_space<vmem_shared>>)
        %dma_start3A_265 = arith.constant 8 : i32
        %dma_start3A_266 = arith.constant 0 : i32
        %dma_start3A_267 = tpu.memref_slice %arg6[%dma_start3A_265, %dma_start3A_266] : memref<16x128xi32, #tpu.memory_space<vmem>> -> memref<1x128xi32, #tpu.memory_space<vmem>>
        %dma_start3A_268 = tpu.memref_squeeze %dma_start3A_267 : memref<1x128xi32, #tpu.memory_space<vmem>> -> memref<128xi32, #tpu.memory_space<vmem>>
        %dma_start3A_269 = arith.constant 0 : i32
        %dma_start3A_270 = arith.constant 0 : i32
        %dma_start3A_271 = tpu.memref_slice %arg2[%dma_start3A_269, %dma_start3A_270] : memref<10000x128xf32, #tpu.memory_space<hbm>> -> memref<10000x128xf32, #tpu.memory_space<hbm>>
        tpu.enqueue_indirect_dma source(%dma_start3A_271 : memref<10000x128xf32, #tpu.memory_space<hbm>>) target(%arg8 : memref<128x128xf32, #tpu.memory_space<vmem>>) offsets(%dma_start3A_268 : memref<128xi32, #tpu.memory_space<vmem>>) semaphore(%arg12 : memref<!tpu.dma_semaphore, #tpu.memory_space<semaphore_mem>>)
        %dma_wait3A_272 = arith.constant 8 : i32
        %dma_wait3A_273 = arith.constant 0 : i32
        %dma_wait3A_274 = tpu.memref_slice %arg6[%dma_wait3A_272, %dma_wait3A_273] : memref<16x128xi32, #tpu.memory_space<vmem>> -> memref<1x128xi32, #tpu.memory_space<vmem>>
        %dma_wait3A_275 = tpu.memref_squeeze %dma_wait3A_274 : memref<1x128xi32, #tpu.memory_space<vmem>> -> memref<128xi32, #tpu.memory_space<vmem>>
        %dma_wait3A_276 = arith.constant 0 : i32
        %dma_wait3A_277 = arith.constant 0 : i32
        %dma_wait3A_278 = tpu.memref_slice %arg2[%dma_wait3A_276, %dma_wait3A_277] : memref<10000x128xf32, #tpu.memory_space<hbm>> -> memref<10000x128xf32, #tpu.memory_space<hbm>>
        tpu.wait_indirect_dma semaphore(%arg12 : memref<!tpu.dma_semaphore, #tpu.memory_space<semaphore_mem>>) src(%dma_wait3A_278 : memref<10000x128xf32, #tpu.memory_space<hbm>>) dst(%arg8 : memref<128x128xf32, #tpu.memory_space<vmem>>)
        %dma_start3A_279 = arith.constant 8 : i32
        %dma_start3A_280 = arith.constant 0 : i32
        %dma_start3A_281 = tpu.memref_slice %arg7[%dma_start3A_279, %dma_start3A_280] : memref<16x128xi32, #tpu.memory_space<vmem>> -> memref<1x128xi32, #tpu.memory_space<vmem>>
        %dma_start3A_282 = tpu.memref_squeeze %dma_start3A_281 : memref<1x128xi32, #tpu.memory_space<vmem>> -> memref<128xi32, #tpu.memory_space<vmem>>
        %dma_start3A_283 = arith.constant 0 : i32
        %dma_start3A_284 = arith.constant 0 : i32
        %dma_start3A_285 = tpu.memref_slice %arg10[%dma_start3A_283, %dma_start3A_284] : memref<10240x128xf32, #tpu.memory_space<vmem_shared>> -> memref<10240x128xf32, #tpu.memory_space<vmem_shared>>
        tpu.enqueue_indirect_dma source(%arg8 : memref<128x128xf32, #tpu.memory_space<vmem>>) target(%dma_start3A_285 : memref<10240x128xf32, #tpu.memory_space<vmem_shared>>) offsets(%dma_start3A_282 : memref<128xi32, #tpu.memory_space<vmem>>) semaphore(%arg14 : memref<!tpu.dma_semaphore, #tpu.memory_space<semaphore_mem>>) {add = true}
        %dma_wait3A_286 = arith.constant 7 : i32
        %dma_wait3A_287 = arith.constant 0 : i32
        %dma_wait3A_288 = tpu.memref_slice %arg7[%dma_wait3A_286, %dma_wait3A_287] : memref<16x128xi32, #tpu.memory_space<vmem>> -> memref<1x128xi32, #tpu.memory_space<vmem>>
        %dma_wait3A_289 = tpu.memref_squeeze %dma_wait3A_288 : memref<1x128xi32, #tpu.memory_space<vmem>> -> memref<128xi32, #tpu.memory_space<vmem>>
        %dma_wait3A_290 = arith.constant 0 : i32
        %dma_wait3A_291 = arith.constant 0 : i32
        %dma_wait3A_292 = tpu.memref_slice %arg10[%dma_wait3A_290, %dma_wait3A_291] : memref<10240x128xf32, #tpu.memory_space<vmem_shared>> -> memref<10240x128xf32, #tpu.memory_space<vmem_shared>>
        tpu.wait_indirect_dma semaphore(%arg15 : memref<!tpu.dma_semaphore, #tpu.memory_space<semaphore_mem>>) src(%arg9 : memref<128x128xf32, #tpu.memory_space<vmem>>) dst(%dma_wait3A_292 : memref<10240x128xf32, #tpu.memory_space<vmem_shared>>)
        %dma_start3A_293 = arith.constant 9 : i32
        %dma_start3A_294 = arith.constant 0 : i32
        %dma_start3A_295 = tpu.memref_slice %arg6[%dma_start3A_293, %dma_start3A_294] : memref<16x128xi32, #tpu.memory_space<vmem>> -> memref<1x128xi32, #tpu.memory_space<vmem>>
        %dma_start3A_296 = tpu.memref_squeeze %dma_start3A_295 : memref<1x128xi32, #tpu.memory_space<vmem>> -> memref<128xi32, #tpu.memory_space<vmem>>
        %dma_start3A_297 = arith.constant 0 : i32
        %dma_start3A_298 = arith.constant 0 : i32
        %dma_start3A_299 = tpu.memref_slice %arg2[%dma_start3A_297, %dma_start3A_298] : memref<10000x128xf32, #tpu.memory_space<hbm>> -> memref<10000x128xf32, #tpu.memory_space<hbm>>
        tpu.enqueue_indirect_dma source(%dma_start3A_299 : memref<10000x128xf32, #tpu.memory_space<hbm>>) target(%arg9 : memref<128x128xf32, #tpu.memory_space<vmem>>) offsets(%dma_start3A_296 : memref<128xi32, #tpu.memory_space<vmem>>) semaphore(%arg13 : memref<!tpu.dma_semaphore, #tpu.memory_space<semaphore_mem>>)
        %dma_wait3A_300 = arith.constant 9 : i32
        %dma_wait3A_301 = arith.constant 0 : i32
        %dma_wait3A_302 = tpu.memref_slice %arg6[%dma_wait3A_300, %dma_wait3A_301] : memref<16x128xi32, #tpu.memory_space<vmem>> -> memref<1x128xi32, #tpu.memory_space<vmem>>
        %dma_wait3A_303 = tpu.memref_squeeze %dma_wait3A_302 : memref<1x128xi32, #tpu.memory_space<vmem>> -> memref<128xi32, #tpu.memory_space<vmem>>
        %dma_wait3A_304 = arith.constant 0 : i32
        %dma_wait3A_305 = arith.constant 0 : i32
        %dma_wait3A_306 = tpu.memref_slice %arg2[%dma_wait3A_304, %dma_wait3A_305] : memref<10000x128xf32, #tpu.memory_space<hbm>> -> memref<10000x128xf32, #tpu.memory_space<hbm>>
        tpu.wait_indirect_dma semaphore(%arg13 : memref<!tpu.dma_semaphore, #tpu.memory_space<semaphore_mem>>) src(%dma_wait3A_306 : memref<10000x128xf32, #tpu.memory_space<hbm>>) dst(%arg9 : memref<128x128xf32, #tpu.memory_space<vmem>>)
        %dma_start3A_307 = arith.constant 9 : i32
        %dma_start3A_308 = arith.constant 0 : i32
        %dma_start3A_309 = tpu.memref_slice %arg7[%dma_start3A_307, %dma_start3A_308] : memref<16x128xi32, #tpu.memory_space<vmem>> -> memref<1x128xi32, #tpu.memory_space<vmem>>
        %dma_start3A_310 = tpu.memref_squeeze %dma_start3A_309 : memref<1x128xi32, #tpu.memory_space<vmem>> -> memref<128xi32, #tpu.memory_space<vmem>>
        %dma_start3A_311 = arith.constant 0 : i32
        %dma_start3A_312 = arith.constant 0 : i32
        %dma_start3A_313 = tpu.memref_slice %arg10[%dma_start3A_311, %dma_start3A_312] : memref<10240x128xf32, #tpu.memory_space<vmem_shared>> -> memref<10240x128xf32, #tpu.memory_space<vmem_shared>>
        tpu.enqueue_indirect_dma source(%arg9 : memref<128x128xf32, #tpu.memory_space<vmem>>) target(%dma_start3A_313 : memref<10240x128xf32, #tpu.memory_space<vmem_shared>>) offsets(%dma_start3A_310 : memref<128xi32, #tpu.memory_space<vmem>>) semaphore(%arg15 : memref<!tpu.dma_semaphore, #tpu.memory_space<semaphore_mem>>) {add = true}
        %dma_wait3A_314 = arith.constant 8 : i32
        %dma_wait3A_315 = arith.constant 0 : i32
        %dma_wait3A_316 = tpu.memref_slice %arg7[%dma_wait3A_314, %dma_wait3A_315] : memref<16x128xi32, #tpu.memory_space<vmem>> -> memref<1x128xi32, #tpu.memory_space<vmem>>
        %dma_wait3A_317 = tpu.memref_squeeze %dma_wait3A_316 : memref<1x128xi32, #tpu.memory_space<vmem>> -> memref<128xi32, #tpu.memory_space<vmem>>
        %dma_wait3A_318 = arith.constant 0 : i32
        %dma_wait3A_319 = arith.constant 0 : i32
        %dma_wait3A_320 = tpu.memref_slice %arg10[%dma_wait3A_318, %dma_wait3A_319] : memref<10240x128xf32, #tpu.memory_space<vmem_shared>> -> memref<10240x128xf32, #tpu.memory_space<vmem_shared>>
        tpu.wait_indirect_dma semaphore(%arg14 : memref<!tpu.dma_semaphore, #tpu.memory_space<semaphore_mem>>) src(%arg8 : memref<128x128xf32, #tpu.memory_space<vmem>>) dst(%dma_wait3A_320 : memref<10240x128xf32, #tpu.memory_space<vmem_shared>>)
        %dma_start3A_321 = arith.constant 10 : i32
        %dma_start3A_322 = arith.constant 0 : i32
        %dma_start3A_323 = tpu.memref_slice %arg6[%dma_start3A_321, %dma_start3A_322] : memref<16x128xi32, #tpu.memory_space<vmem>> -> memref<1x128xi32, #tpu.memory_space<vmem>>
        %dma_start3A_324 = tpu.memref_squeeze %dma_start3A_323 : memref<1x128xi32, #tpu.memory_space<vmem>> -> memref<128xi32, #tpu.memory_space<vmem>>
        %dma_start3A_325 = arith.constant 0 : i32
        %dma_start3A_326 = arith.constant 0 : i32
        %dma_start3A_327 = tpu.memref_slice %arg2[%dma_start3A_325, %dma_start3A_326] : memref<10000x128xf32, #tpu.memory_space<hbm>> -> memref<10000x128xf32, #tpu.memory_space<hbm>>
        tpu.enqueue_indirect_dma source(%dma_start3A_327 : memref<10000x128xf32, #tpu.memory_space<hbm>>) target(%arg8 : memref<128x128xf32, #tpu.memory_space<vmem>>) offsets(%dma_start3A_324 : memref<128xi32, #tpu.memory_space<vmem>>) semaphore(%arg12 : memref<!tpu.dma_semaphore, #tpu.memory_space<semaphore_mem>>)
        %dma_wait3A_328 = arith.constant 10 : i32
        %dma_wait3A_329 = arith.constant 0 : i32
        %dma_wait3A_330 = tpu.memref_slice %arg6[%dma_wait3A_328, %dma_wait3A_329] : memref<16x128xi32, #tpu.memory_space<vmem>> -> memref<1x128xi32, #tpu.memory_space<vmem>>
        %dma_wait3A_331 = tpu.memref_squeeze %dma_wait3A_330 : memref<1x128xi32, #tpu.memory_space<vmem>> -> memref<128xi32, #tpu.memory_space<vmem>>
        %dma_wait3A_332 = arith.constant 0 : i32
        %dma_wait3A_333 = arith.constant 0 : i32
        %dma_wait3A_334 = tpu.memref_slice %arg2[%dma_wait3A_332, %dma_wait3A_333] : memref<10000x128xf32, #tpu.memory_space<hbm>> -> memref<10000x128xf32, #tpu.memory_space<hbm>>
        tpu.wait_indirect_dma semaphore(%arg12 : memref<!tpu.dma_semaphore, #tpu.memory_space<semaphore_mem>>) src(%dma_wait3A_334 : memref<10000x128xf32, #tpu.memory_space<hbm>>) dst(%arg8 : memref<128x128xf32, #tpu.memory_space<vmem>>)
        %dma_start3A_335 = arith.constant 10 : i32
        %dma_start3A_336 = arith.constant 0 : i32
        %dma_start3A_337 = tpu.memref_slice %arg7[%dma_start3A_335, %dma_start3A_336] : memref<16x128xi32, #tpu.memory_space<vmem>> -> memref<1x128xi32, #tpu.memory_space<vmem>>
        %dma_start3A_338 = tpu.memref_squeeze %dma_start3A_337 : memref<1x128xi32, #tpu.memory_space<vmem>> -> memref<128xi32, #tpu.memory_space<vmem>>
        %dma_start3A_339 = arith.constant 0 : i32
        %dma_start3A_340 = arith.constant 0 : i32
        %dma_start3A_341 = tpu.memref_slice %arg10[%dma_start3A_339, %dma_start3A_340] : memref<10240x128xf32, #tpu.memory_space<vmem_shared>> -> memref<10240x128xf32, #tpu.memory_space<vmem_shared>>
        tpu.enqueue_indirect_dma source(%arg8 : memref<128x128xf32, #tpu.memory_space<vmem>>) target(%dma_start3A_341 : memref<10240x128xf32, #tpu.memory_space<vmem_shared>>) offsets(%dma_start3A_338 : memref<128xi32, #tpu.memory_space<vmem>>) semaphore(%arg14 : memref<!tpu.dma_semaphore, #tpu.memory_space<semaphore_mem>>) {add = true}
        %dma_wait3A_342 = arith.constant 9 : i32
        %dma_wait3A_343 = arith.constant 0 : i32
        %dma_wait3A_344 = tpu.memref_slice %arg7[%dma_wait3A_342, %dma_wait3A_343] : memref<16x128xi32, #tpu.memory_space<vmem>> -> memref<1x128xi32, #tpu.memory_space<vmem>>
        %dma_wait3A_345 = tpu.memref_squeeze %dma_wait3A_344 : memref<1x128xi32, #tpu.memory_space<vmem>> -> memref<128xi32, #tpu.memory_space<vmem>>
        %dma_wait3A_346 = arith.constant 0 : i32
        %dma_wait3A_347 = arith.constant 0 : i32
        %dma_wait3A_348 = tpu.memref_slice %arg10[%dma_wait3A_346, %dma_wait3A_347] : memref<10240x128xf32, #tpu.memory_space<vmem_shared>> -> memref<10240x128xf32, #tpu.memory_space<vmem_shared>>
        tpu.wait_indirect_dma semaphore(%arg15 : memref<!tpu.dma_semaphore, #tpu.memory_space<semaphore_mem>>) src(%arg9 : memref<128x128xf32, #tpu.memory_space<vmem>>) dst(%dma_wait3A_348 : memref<10240x128xf32, #tpu.memory_space<vmem_shared>>)
        %dma_start3A_349 = arith.constant 11 : i32
        %dma_start3A_350 = arith.constant 0 : i32
        %dma_start3A_351 = tpu.memref_slice %arg6[%dma_start3A_349, %dma_start3A_350] : memref<16x128xi32, #tpu.memory_space<vmem>> -> memref<1x128xi32, #tpu.memory_space<vmem>>
        %dma_start3A_352 = tpu.memref_squeeze %dma_start3A_351 : memref<1x128xi32, #tpu.memory_space<vmem>> -> memref<128xi32, #tpu.memory_space<vmem>>
        %dma_start3A_353 = arith.constant 0 : i32
        %dma_start3A_354 = arith.constant 0 : i32
        %dma_start3A_355 = tpu.memref_slice %arg2[%dma_start3A_353, %dma_start3A_354] : memref<10000x128xf32, #tpu.memory_space<hbm>> -> memref<10000x128xf32, #tpu.memory_space<hbm>>
        tpu.enqueue_indirect_dma source(%dma_start3A_355 : memref<10000x128xf32, #tpu.memory_space<hbm>>) target(%arg9 : memref<128x128xf32, #tpu.memory_space<vmem>>) offsets(%dma_start3A_352 : memref<128xi32, #tpu.memory_space<vmem>>) semaphore(%arg13 : memref<!tpu.dma_semaphore, #tpu.memory_space<semaphore_mem>>)
        %dma_wait3A_356 = arith.constant 11 : i32
        %dma_wait3A_357 = arith.constant 0 : i32
        %dma_wait3A_358 = tpu.memref_slice %arg6[%dma_wait3A_356, %dma_wait3A_357] : memref<16x128xi32, #tpu.memory_space<vmem>> -> memref<1x128xi32, #tpu.memory_space<vmem>>
        %dma_wait3A_359 = tpu.memref_squeeze %dma_wait3A_358 : memref<1x128xi32, #tpu.memory_space<vmem>> -> memref<128xi32, #tpu.memory_space<vmem>>
        %dma_wait3A_360 = arith.constant 0 : i32
        %dma_wait3A_361 = arith.constant 0 : i32
        %dma_wait3A_362 = tpu.memref_slice %arg2[%dma_wait3A_360, %dma_wait3A_361] : memref<10000x128xf32, #tpu.memory_space<hbm>> -> memref<10000x128xf32, #tpu.memory_space<hbm>>
        tpu.wait_indirect_dma semaphore(%arg13 : memref<!tpu.dma_semaphore, #tpu.memory_space<semaphore_mem>>) src(%dma_wait3A_362 : memref<10000x128xf32, #tpu.memory_space<hbm>>) dst(%arg9 : memref<128x128xf32, #tpu.memory_space<vmem>>)
        %dma_start3A_363 = arith.constant 11 : i32
        %dma_start3A_364 = arith.constant 0 : i32
        %dma_start3A_365 = tpu.memref_slice %arg7[%dma_start3A_363, %dma_start3A_364] : memref<16x128xi32, #tpu.memory_space<vmem>> -> memref<1x128xi32, #tpu.memory_space<vmem>>
        %dma_start3A_366 = tpu.memref_squeeze %dma_start3A_365 : memref<1x128xi32, #tpu.memory_space<vmem>> -> memref<128xi32, #tpu.memory_space<vmem>>
        %dma_start3A_367 = arith.constant 0 : i32
        %dma_start3A_368 = arith.constant 0 : i32
        %dma_start3A_369 = tpu.memref_slice %arg10[%dma_start3A_367, %dma_start3A_368] : memref<10240x128xf32, #tpu.memory_space<vmem_shared>> -> memref<10240x128xf32, #tpu.memory_space<vmem_shared>>
        tpu.enqueue_indirect_dma source(%arg9 : memref<128x128xf32, #tpu.memory_space<vmem>>) target(%dma_start3A_369 : memref<10240x128xf32, #tpu.memory_space<vmem_shared>>) offsets(%dma_start3A_366 : memref<128xi32, #tpu.memory_space<vmem>>) semaphore(%arg15 : memref<!tpu.dma_semaphore, #tpu.memory_space<semaphore_mem>>) {add = true}
        %dma_wait3A_370 = arith.constant 10 : i32
        %dma_wait3A_371 = arith.constant 0 : i32
        %dma_wait3A_372 = tpu.memref_slice %arg7[%dma_wait3A_370, %dma_wait3A_371] : memref<16x128xi32, #tpu.memory_space<vmem>> -> memref<1x128xi32, #tpu.memory_space<vmem>>
        %dma_wait3A_373 = tpu.memref_squeeze %dma_wait3A_372 : memref<1x128xi32, #tpu.memory_space<vmem>> -> memref<128xi32, #tpu.memory_space<vmem>>
        %dma_wait3A_374 = arith.constant 0 : i32
        %dma_wait3A_375 = arith.constant 0 : i32
        %dma_wait3A_376 = tpu.memref_slice %arg10[%dma_wait3A_374, %dma_wait3A_375] : memref<10240x128xf32, #tpu.memory_space<vmem_shared>> -> memref<10240x128xf32, #tpu.memory_space<vmem_shared>>
        tpu.wait_indirect_dma semaphore(%arg14 : memref<!tpu.dma_semaphore, #tpu.memory_space<semaphore_mem>>) src(%arg8 : memref<128x128xf32, #tpu.memory_space<vmem>>) dst(%dma_wait3A_376 : memref<10240x128xf32, #tpu.memory_space<vmem_shared>>)
        %dma_start3A_377 = arith.constant 12 : i32
        %dma_start3A_378 = arith.constant 0 : i32
        %dma_start3A_379 = tpu.memref_slice %arg6[%dma_start3A_377, %dma_start3A_378] : memref<16x128xi32, #tpu.memory_space<vmem>> -> memref<1x128xi32, #tpu.memory_space<vmem>>
        %dma_start3A_380 = tpu.memref_squeeze %dma_start3A_379 : memref<1x128xi32, #tpu.memory_space<vmem>> -> memref<128xi32, #tpu.memory_space<vmem>>
        %dma_start3A_381 = arith.constant 0 : i32
        %dma_start3A_382 = arith.constant 0 : i32
        %dma_start3A_383 = tpu.memref_slice %arg2[%dma_start3A_381, %dma_start3A_382] : memref<10000x128xf32, #tpu.memory_space<hbm>> -> memref<10000x128xf32, #tpu.memory_space<hbm>>
        tpu.enqueue_indirect_dma source(%dma_start3A_383 : memref<10000x128xf32, #tpu.memory_space<hbm>>) target(%arg8 : memref<128x128xf32, #tpu.memory_space<vmem>>) offsets(%dma_start3A_380 : memref<128xi32, #tpu.memory_space<vmem>>) semaphore(%arg12 : memref<!tpu.dma_semaphore, #tpu.memory_space<semaphore_mem>>)
        %dma_wait3A_384 = arith.constant 12 : i32
        %dma_wait3A_385 = arith.constant 0 : i32
        %dma_wait3A_386 = tpu.memref_slice %arg6[%dma_wait3A_384, %dma_wait3A_385] : memref<16x128xi32, #tpu.memory_space<vmem>> -> memref<1x128xi32, #tpu.memory_space<vmem>>
        %dma_wait3A_387 = tpu.memref_squeeze %dma_wait3A_386 : memref<1x128xi32, #tpu.memory_space<vmem>> -> memref<128xi32, #tpu.memory_space<vmem>>
        %dma_wait3A_388 = arith.constant 0 : i32
        %dma_wait3A_389 = arith.constant 0 : i32
        %dma_wait3A_390 = tpu.memref_slice %arg2[%dma_wait3A_388, %dma_wait3A_389] : memref<10000x128xf32, #tpu.memory_space<hbm>> -> memref<10000x128xf32, #tpu.memory_space<hbm>>
        tpu.wait_indirect_dma semaphore(%arg12 : memref<!tpu.dma_semaphore, #tpu.memory_space<semaphore_mem>>) src(%dma_wait3A_390 : memref<10000x128xf32, #tpu.memory_space<hbm>>) dst(%arg8 : memref<128x128xf32, #tpu.memory_space<vmem>>)
        %dma_start3A_391 = arith.constant 12 : i32
        %dma_start3A_392 = arith.constant 0 : i32
        %dma_start3A_393 = tpu.memref_slice %arg7[%dma_start3A_391, %dma_start3A_392] : memref<16x128xi32, #tpu.memory_space<vmem>> -> memref<1x128xi32, #tpu.memory_space<vmem>>
        %dma_start3A_394 = tpu.memref_squeeze %dma_start3A_393 : memref<1x128xi32, #tpu.memory_space<vmem>> -> memref<128xi32, #tpu.memory_space<vmem>>
        %dma_start3A_395 = arith.constant 0 : i32
        %dma_start3A_396 = arith.constant 0 : i32
        %dma_start3A_397 = tpu.memref_slice %arg10[%dma_start3A_395, %dma_start3A_396] : memref<10240x128xf32, #tpu.memory_space<vmem_shared>> -> memref<10240x128xf32, #tpu.memory_space<vmem_shared>>
        tpu.enqueue_indirect_dma source(%arg8 : memref<128x128xf32, #tpu.memory_space<vmem>>) target(%dma_start3A_397 : memref<10240x128xf32, #tpu.memory_space<vmem_shared>>) offsets(%dma_start3A_394 : memref<128xi32, #tpu.memory_space<vmem>>) semaphore(%arg14 : memref<!tpu.dma_semaphore, #tpu.memory_space<semaphore_mem>>) {add = true}
        %dma_wait3A_398 = arith.constant 11 : i32
        %dma_wait3A_399 = arith.constant 0 : i32
        %dma_wait3A_400 = tpu.memref_slice %arg7[%dma_wait3A_398, %dma_wait3A_399] : memref<16x128xi32, #tpu.memory_space<vmem>> -> memref<1x128xi32, #tpu.memory_space<vmem>>
        %dma_wait3A_401 = tpu.memref_squeeze %dma_wait3A_400 : memref<1x128xi32, #tpu.memory_space<vmem>> -> memref<128xi32, #tpu.memory_space<vmem>>
        %dma_wait3A_402 = arith.constant 0 : i32
        %dma_wait3A_403 = arith.constant 0 : i32
        %dma_wait3A_404 = tpu.memref_slice %arg10[%dma_wait3A_402, %dma_wait3A_403] : memref<10240x128xf32, #tpu.memory_space<vmem_shared>> -> memref<10240x128xf32, #tpu.memory_space<vmem_shared>>
        tpu.wait_indirect_dma semaphore(%arg15 : memref<!tpu.dma_semaphore, #tpu.memory_space<semaphore_mem>>) src(%arg9 : memref<128x128xf32, #tpu.memory_space<vmem>>) dst(%dma_wait3A_404 : memref<10240x128xf32, #tpu.memory_space<vmem_shared>>)
        %dma_start3A_405 = arith.constant 13 : i32
        %dma_start3A_406 = arith.constant 0 : i32
        %dma_start3A_407 = tpu.memref_slice %arg6[%dma_start3A_405, %dma_start3A_406] : memref<16x128xi32, #tpu.memory_space<vmem>> -> memref<1x128xi32, #tpu.memory_space<vmem>>
        %dma_start3A_408 = tpu.memref_squeeze %dma_start3A_407 : memref<1x128xi32, #tpu.memory_space<vmem>> -> memref<128xi32, #tpu.memory_space<vmem>>
        %dma_start3A_409 = arith.constant 0 : i32
        %dma_start3A_410 = arith.constant 0 : i32
        %dma_start3A_411 = tpu.memref_slice %arg2[%dma_start3A_409, %dma_start3A_410] : memref<10000x128xf32, #tpu.memory_space<hbm>> -> memref<10000x128xf32, #tpu.memory_space<hbm>>
        tpu.enqueue_indirect_dma source(%dma_start3A_411 : memref<10000x128xf32, #tpu.memory_space<hbm>>) target(%arg9 : memref<128x128xf32, #tpu.memory_space<vmem>>) offsets(%dma_start3A_408 : memref<128xi32, #tpu.memory_space<vmem>>) semaphore(%arg13 : memref<!tpu.dma_semaphore, #tpu.memory_space<semaphore_mem>>)
        %dma_wait3A_412 = arith.constant 13 : i32
        %dma_wait3A_413 = arith.constant 0 : i32
        %dma_wait3A_414 = tpu.memref_slice %arg6[%dma_wait3A_412, %dma_wait3A_413] : memref<16x128xi32, #tpu.memory_space<vmem>> -> memref<1x128xi32, #tpu.memory_space<vmem>>
        %dma_wait3A_415 = tpu.memref_squeeze %dma_wait3A_414 : memref<1x128xi32, #tpu.memory_space<vmem>> -> memref<128xi32, #tpu.memory_space<vmem>>
        %dma_wait3A_416 = arith.constant 0 : i32
        %dma_wait3A_417 = arith.constant 0 : i32
        %dma_wait3A_418 = tpu.memref_slice %arg2[%dma_wait3A_416, %dma_wait3A_417] : memref<10000x128xf32, #tpu.memory_space<hbm>> -> memref<10000x128xf32, #tpu.memory_space<hbm>>
        tpu.wait_indirect_dma semaphore(%arg13 : memref<!tpu.dma_semaphore, #tpu.memory_space<semaphore_mem>>) src(%dma_wait3A_418 : memref<10000x128xf32, #tpu.memory_space<hbm>>) dst(%arg9 : memref<128x128xf32, #tpu.memory_space<vmem>>)
        %dma_start3A_419 = arith.constant 13 : i32
        %dma_start3A_420 = arith.constant 0 : i32
        %dma_start3A_421 = tpu.memref_slice %arg7[%dma_start3A_419, %dma_start3A_420] : memref<16x128xi32, #tpu.memory_space<vmem>> -> memref<1x128xi32, #tpu.memory_space<vmem>>
        %dma_start3A_422 = tpu.memref_squeeze %dma_start3A_421 : memref<1x128xi32, #tpu.memory_space<vmem>> -> memref<128xi32, #tpu.memory_space<vmem>>
        %dma_start3A_423 = arith.constant 0 : i32
        %dma_start3A_424 = arith.constant 0 : i32
        %dma_start3A_425 = tpu.memref_slice %arg10[%dma_start3A_423, %dma_start3A_424] : memref<10240x128xf32, #tpu.memory_space<vmem_shared>> -> memref<10240x128xf32, #tpu.memory_space<vmem_shared>>
        tpu.enqueue_indirect_dma source(%arg9 : memref<128x128xf32, #tpu.memory_space<vmem>>) target(%dma_start3A_425 : memref<10240x128xf32, #tpu.memory_space<vmem_shared>>) offsets(%dma_start3A_422 : memref<128xi32, #tpu.memory_space<vmem>>) semaphore(%arg15 : memref<!tpu.dma_semaphore, #tpu.memory_space<semaphore_mem>>) {add = true}
        %dma_wait3A_426 = arith.constant 12 : i32
        %dma_wait3A_427 = arith.constant 0 : i32
        %dma_wait3A_428 = tpu.memref_slice %arg7[%dma_wait3A_426, %dma_wait3A_427] : memref<16x128xi32, #tpu.memory_space<vmem>> -> memref<1x128xi32, #tpu.memory_space<vmem>>
        %dma_wait3A_429 = tpu.memref_squeeze %dma_wait3A_428 : memref<1x128xi32, #tpu.memory_space<vmem>> -> memref<128xi32, #tpu.memory_space<vmem>>
        %dma_wait3A_430 = arith.constant 0 : i32
        %dma_wait3A_431 = arith.constant 0 : i32
        %dma_wait3A_432 = tpu.memref_slice %arg10[%dma_wait3A_430, %dma_wait3A_431] : memref<10240x128xf32, #tpu.memory_space<vmem_shared>> -> memref<10240x128xf32, #tpu.memory_space<vmem_shared>>
        tpu.wait_indirect_dma semaphore(%arg14 : memref<!tpu.dma_semaphore, #tpu.memory_space<semaphore_mem>>) src(%arg8 : memref<128x128xf32, #tpu.memory_space<vmem>>) dst(%dma_wait3A_432 : memref<10240x128xf32, #tpu.memory_space<vmem_shared>>)
        %dma_start3A_433 = arith.constant 14 : i32
        %dma_start3A_434 = arith.constant 0 : i32
        %dma_start3A_435 = tpu.memref_slice %arg6[%dma_start3A_433, %dma_start3A_434] : memref<16x128xi32, #tpu.memory_space<vmem>> -> memref<1x128xi32, #tpu.memory_space<vmem>>
        %dma_start3A_436 = tpu.memref_squeeze %dma_start3A_435 : memref<1x128xi32, #tpu.memory_space<vmem>> -> memref<128xi32, #tpu.memory_space<vmem>>
        %dma_start3A_437 = arith.constant 0 : i32
        %dma_start3A_438 = arith.constant 0 : i32
        %dma_start3A_439 = tpu.memref_slice %arg2[%dma_start3A_437, %dma_start3A_438] : memref<10000x128xf32, #tpu.memory_space<hbm>> -> memref<10000x128xf32, #tpu.memory_space<hbm>>
        tpu.enqueue_indirect_dma source(%dma_start3A_439 : memref<10000x128xf32, #tpu.memory_space<hbm>>) target(%arg8 : memref<128x128xf32, #tpu.memory_space<vmem>>) offsets(%dma_start3A_436 : memref<128xi32, #tpu.memory_space<vmem>>) semaphore(%arg12 : memref<!tpu.dma_semaphore, #tpu.memory_space<semaphore_mem>>)
        %dma_wait3A_440 = arith.constant 14 : i32
        %dma_wait3A_441 = arith.constant 0 : i32
        %dma_wait3A_442 = tpu.memref_slice %arg6[%dma_wait3A_440, %dma_wait3A_441] : memref<16x128xi32, #tpu.memory_space<vmem>> -> memref<1x128xi32, #tpu.memory_space<vmem>>
        %dma_wait3A_443 = tpu.memref_squeeze %dma_wait3A_442 : memref<1x128xi32, #tpu.memory_space<vmem>> -> memref<128xi32, #tpu.memory_space<vmem>>
        %dma_wait3A_444 = arith.constant 0 : i32
        %dma_wait3A_445 = arith.constant 0 : i32
        %dma_wait3A_446 = tpu.memref_slice %arg2[%dma_wait3A_444, %dma_wait3A_445] : memref<10000x128xf32, #tpu.memory_space<hbm>> -> memref<10000x128xf32, #tpu.memory_space<hbm>>
        tpu.wait_indirect_dma semaphore(%arg12 : memref<!tpu.dma_semaphore, #tpu.memory_space<semaphore_mem>>) src(%dma_wait3A_446 : memref<10000x128xf32, #tpu.memory_space<hbm>>) dst(%arg8 : memref<128x128xf32, #tpu.memory_space<vmem>>)
        %dma_start3A_447 = arith.constant 14 : i32
        %dma_start3A_448 = arith.constant 0 : i32
        %dma_start3A_449 = tpu.memref_slice %arg7[%dma_start3A_447, %dma_start3A_448] : memref<16x128xi32, #tpu.memory_space<vmem>> -> memref<1x128xi32, #tpu.memory_space<vmem>>
        %dma_start3A_450 = tpu.memref_squeeze %dma_start3A_449 : memref<1x128xi32, #tpu.memory_space<vmem>> -> memref<128xi32, #tpu.memory_space<vmem>>
        %dma_start3A_451 = arith.constant 0 : i32
        %dma_start3A_452 = arith.constant 0 : i32
        %dma_start3A_453 = tpu.memref_slice %arg10[%dma_start3A_451, %dma_start3A_452] : memref<10240x128xf32, #tpu.memory_space<vmem_shared>> -> memref<10240x128xf32, #tpu.memory_space<vmem_shared>>
        tpu.enqueue_indirect_dma source(%arg8 : memref<128x128xf32, #tpu.memory_space<vmem>>) target(%dma_start3A_453 : memref<10240x128xf32, #tpu.memory_space<vmem_shared>>) offsets(%dma_start3A_450 : memref<128xi32, #tpu.memory_space<vmem>>) semaphore(%arg14 : memref<!tpu.dma_semaphore, #tpu.memory_space<semaphore_mem>>) {add = true}
        %dma_wait3A_454 = arith.constant 13 : i32
        %dma_wait3A_455 = arith.constant 0 : i32
        %dma_wait3A_456 = tpu.memref_slice %arg7[%dma_wait3A_454, %dma_wait3A_455] : memref<16x128xi32, #tpu.memory_space<vmem>> -> memref<1x128xi32, #tpu.memory_space<vmem>>
        %dma_wait3A_457 = tpu.memref_squeeze %dma_wait3A_456 : memref<1x128xi32, #tpu.memory_space<vmem>> -> memref<128xi32, #tpu.memory_space<vmem>>
        %dma_wait3A_458 = arith.constant 0 : i32
        %dma_wait3A_459 = arith.constant 0 : i32
        %dma_wait3A_460 = tpu.memref_slice %arg10[%dma_wait3A_458, %dma_wait3A_459] : memref<10240x128xf32, #tpu.memory_space<vmem_shared>> -> memref<10240x128xf32, #tpu.memory_space<vmem_shared>>
        tpu.wait_indirect_dma semaphore(%arg15 : memref<!tpu.dma_semaphore, #tpu.memory_space<semaphore_mem>>) src(%arg9 : memref<128x128xf32, #tpu.memory_space<vmem>>) dst(%dma_wait3A_460 : memref<10240x128xf32, #tpu.memory_space<vmem_shared>>)
        %dma_start3A_461 = arith.constant 15 : i32
        %dma_start3A_462 = arith.constant 0 : i32
        %dma_start3A_463 = tpu.memref_slice %arg6[%dma_start3A_461, %dma_start3A_462] : memref<16x128xi32, #tpu.memory_space<vmem>> -> memref<1x128xi32, #tpu.memory_space<vmem>>
        %dma_start3A_464 = tpu.memref_squeeze %dma_start3A_463 : memref<1x128xi32, #tpu.memory_space<vmem>> -> memref<128xi32, #tpu.memory_space<vmem>>
        %dma_start3A_465 = arith.constant 0 : i32
        %dma_start3A_466 = arith.constant 0 : i32
        %dma_start3A_467 = tpu.memref_slice %arg2[%dma_start3A_465, %dma_start3A_466] : memref<10000x128xf32, #tpu.memory_space<hbm>> -> memref<10000x128xf32, #tpu.memory_space<hbm>>
        tpu.enqueue_indirect_dma source(%dma_start3A_467 : memref<10000x128xf32, #tpu.memory_space<hbm>>) target(%arg9 : memref<128x128xf32, #tpu.memory_space<vmem>>) offsets(%dma_start3A_464 : memref<128xi32, #tpu.memory_space<vmem>>) semaphore(%arg13 : memref<!tpu.dma_semaphore, #tpu.memory_space<semaphore_mem>>)
        %dma_wait3A_468 = arith.constant 15 : i32
        %dma_wait3A_469 = arith.constant 0 : i32
        %dma_wait3A_470 = tpu.memref_slice %arg6[%dma_wait3A_468, %dma_wait3A_469] : memref<16x128xi32, #tpu.memory_space<vmem>> -> memref<1x128xi32, #tpu.memory_space<vmem>>
        %dma_wait3A_471 = tpu.memref_squeeze %dma_wait3A_470 : memref<1x128xi32, #tpu.memory_space<vmem>> -> memref<128xi32, #tpu.memory_space<vmem>>
        %dma_wait3A_472 = arith.constant 0 : i32
        %dma_wait3A_473 = arith.constant 0 : i32
        %dma_wait3A_474 = tpu.memref_slice %arg2[%dma_wait3A_472, %dma_wait3A_473] : memref<10000x128xf32, #tpu.memory_space<hbm>> -> memref<10000x128xf32, #tpu.memory_space<hbm>>
        tpu.wait_indirect_dma semaphore(%arg13 : memref<!tpu.dma_semaphore, #tpu.memory_space<semaphore_mem>>) src(%dma_wait3A_474 : memref<10000x128xf32, #tpu.memory_space<hbm>>) dst(%arg9 : memref<128x128xf32, #tpu.memory_space<vmem>>)
        %dma_start3A_475 = arith.constant 15 : i32
        %dma_start3A_476 = arith.constant 0 : i32
        %dma_start3A_477 = tpu.memref_slice %arg7[%dma_start3A_475, %dma_start3A_476] : memref<16x128xi32, #tpu.memory_space<vmem>> -> memref<1x128xi32, #tpu.memory_space<vmem>>
        %dma_start3A_478 = tpu.memref_squeeze %dma_start3A_477 : memref<1x128xi32, #tpu.memory_space<vmem>> -> memref<128xi32, #tpu.memory_space<vmem>>
        %dma_start3A_479 = arith.constant 0 : i32
        %dma_start3A_480 = arith.constant 0 : i32
        %dma_start3A_481 = tpu.memref_slice %arg10[%dma_start3A_479, %dma_start3A_480] : memref<10240x128xf32, #tpu.memory_space<vmem_shared>> -> memref<10240x128xf32, #tpu.memory_space<vmem_shared>>
        tpu.enqueue_indirect_dma source(%arg9 : memref<128x128xf32, #tpu.memory_space<vmem>>) target(%dma_start3A_481 : memref<10240x128xf32, #tpu.memory_space<vmem_shared>>) offsets(%dma_start3A_478 : memref<128xi32, #tpu.memory_space<vmem>>) semaphore(%arg15 : memref<!tpu.dma_semaphore, #tpu.memory_space<semaphore_mem>>) {add = true}
        %dma_wait3A_482 = arith.constant 14 : i32
        %dma_wait3A_483 = arith.constant 0 : i32
        %dma_wait3A_484 = tpu.memref_slice %arg7[%dma_wait3A_482, %dma_wait3A_483] : memref<16x128xi32, #tpu.memory_space<vmem>> -> memref<1x128xi32, #tpu.memory_space<vmem>>
        %dma_wait3A_485 = tpu.memref_squeeze %dma_wait3A_484 : memref<1x128xi32, #tpu.memory_space<vmem>> -> memref<128xi32, #tpu.memory_space<vmem>>
        %dma_wait3A_486 = arith.constant 0 : i32
        %dma_wait3A_487 = arith.constant 0 : i32
        %dma_wait3A_488 = tpu.memref_slice %arg10[%dma_wait3A_486, %dma_wait3A_487] : memref<10240x128xf32, #tpu.memory_space<vmem_shared>> -> memref<10240x128xf32, #tpu.memory_space<vmem_shared>>
        tpu.wait_indirect_dma semaphore(%arg14 : memref<!tpu.dma_semaphore, #tpu.memory_space<semaphore_mem>>) src(%arg8 : memref<128x128xf32, #tpu.memory_space<vmem>>) dst(%dma_wait3A_488 : memref<10240x128xf32, #tpu.memory_space<vmem_shared>>)
        %dma_wait3A_489 = arith.constant 15 : i32
        %dma_wait3A_490 = arith.constant 0 : i32
        %dma_wait3A_491 = tpu.memref_slice %arg7[%dma_wait3A_489, %dma_wait3A_490] : memref<16x128xi32, #tpu.memory_space<vmem>> -> memref<1x128xi32, #tpu.memory_space<vmem>>
        %dma_wait3A_492 = tpu.memref_squeeze %dma_wait3A_491 : memref<1x128xi32, #tpu.memory_space<vmem>> -> memref<128xi32, #tpu.memory_space<vmem>>
        %dma_wait3A_493 = arith.constant 0 : i32
        %dma_wait3A_494 = arith.constant 0 : i32
        %dma_wait3A_495 = tpu.memref_slice %arg10[%dma_wait3A_493, %dma_wait3A_494] : memref<10240x128xf32, #tpu.memory_space<vmem_shared>> -> memref<10240x128xf32, #tpu.memory_space<vmem_shared>>
        tpu.wait_indirect_dma semaphore(%arg15 : memref<!tpu.dma_semaphore, #tpu.memory_space<semaphore_mem>>) src(%arg9 : memref<128x128xf32, #tpu.memory_space<vmem>>) dst(%dma_wait3A_495 : memref<10240x128xf32, #tpu.memory_space<vmem_shared>>)
      }
      %scan3A_27 = arith.constant 3 : i32
    } else {
    }
    %barrier3A_16 = arith.constant 0 : index
    tpu.barrier barrier_id(%barrier3A_16)
    %mul3A = arith.constant 640 : i32
    %mul3A_17 = arith.muli %arg1, %mul3A : i32
    %mul3A_18 = arith.constant 640 : i32
    %mul3A_19 = arith.muli %arg1, %mul3A_18 : i32
    "tpu.region"() ({
      %run_scoped3A = tpu.sem_alloc : memref<!tpu.dma_semaphore, #tpu.memory_space<semaphore_mem>>
      %dma_start3A = arith.constant 0 : i32
      %dma_start3A_20 = tpu.memref_slice %arg5[%arg0, %mul3A_19, %dma_start3A] : memref<2x10240x128xf32, #tpu.memory_space<hbm>> -> memref<1x640x128xf32, #tpu.memory_space<hbm>>
      %dma_start3A_21 = tpu.memref_squeeze %dma_start3A_20 : memref<1x640x128xf32, #tpu.memory_space<hbm>> -> memref<640x128xf32, #tpu.memory_space<hbm>>
      %dma_start3A_22 = arith.constant 0 : i32
      %dma_start3A_23 = tpu.memref_slice %arg10[%mul3A_17, %dma_start3A_22] : memref<10240x128xf32, #tpu.memory_space<vmem_shared>> -> memref<640x128xf32, #tpu.memory_space<vmem_shared>>
      tpu.enqueue_dma source(%dma_start3A_23 : memref<640x128xf32, #tpu.memory_space<vmem_shared>>) target(%dma_start3A_21 : memref<640x128xf32, #tpu.memory_space<hbm>>) target_semaphore(%run_scoped3A : memref<!tpu.dma_semaphore, #tpu.memory_space<semaphore_mem>>)
      %dma_wait3A = arith.constant 0 : i32
      %dma_wait3A_24 = tpu.memref_slice %arg5[%arg0, %mul3A_19, %dma_wait3A] : memref<2x10240x128xf32, #tpu.memory_space<hbm>> -> memref<1x640x128xf32, #tpu.memory_space<hbm>>
      %dma_wait3A_25 = tpu.memref_squeeze %dma_wait3A_24 : memref<1x640x128xf32, #tpu.memory_space<hbm>> -> memref<640x128xf32, #tpu.memory_space<hbm>>
      %dma_wait3A_26 = arith.constant 0 : i32
      %dma_wait3A_27 = tpu.memref_slice %arg10[%mul3A_17, %dma_wait3A_26] : memref<10240x128xf32, #tpu.memory_space<vmem_shared>> -> memref<640x128xf32, #tpu.memory_space<vmem_shared>>
      tpu.wait_dma2 semaphore(%run_scoped3A : memref<!tpu.dma_semaphore, #tpu.memory_space<semaphore_mem>>) src(%dma_wait3A_27 : memref<640x128xf32, #tpu.memory_space<vmem_shared>>) dst(%dma_wait3A_25 : memref<640x128xf32, #tpu.memory_space<hbm>>)
      tpu.yield
    }) : () -> ()
    return
  }
}

#map = affine_map<(d0, d1) -> (0, 0)>
#map1 = affine_map<(d0, d1) -> (0, 0, 0)>
module attributes {stable_mosaic.version = 14 : i64} {
  func.func @_segsum_sc_body(%arg0: i32, %arg1: i32, %arg2: memref<10000x128xf32, #tpu.memory_space<hbm>>, %arg3: memref<2560x128xi32, #tpu.memory_space<hbm>>, %arg4: memref<2560x128xi32, #tpu.memory_space<hbm>>, %arg5: memref<2x10240x128xf32, #tpu.memory_space<hbm>>, %arg6: memref<16x128xi32, #tpu.memory_space<vmem>>, %arg7: memref<16x128xi32, #tpu.memory_space<vmem>>, %arg8: memref<128x128xf32, #tpu.memory_space<vmem>>, %arg9: memref<128x128xf32, #tpu.memory_space<vmem>>, %arg10: memref<10240x128xf32, #tpu.memory_space<vmem_shared>>, %arg11: memref<!tpu.dma_semaphore, #tpu.memory_space<semaphore_mem>>, %arg12: memref<!tpu.dma_semaphore, #tpu.memory_space<semaphore_mem>>, %arg13: memref<!tpu.dma_semaphore, #tpu.memory_space<semaphore_mem>>, %arg14: memref<!tpu.dma_semaphore, #tpu.memory_space<semaphore_mem>>, %arg15: memref<!tpu.dma_semaphore, #tpu.memory_space<semaphore_mem>>) attributes {dimension_semantics = [#tpu.dimension_semantics<core_parallel>, #tpu.dimension_semantics<subcore_parallel>], iteration_bounds = array<i64: 2, 16>, scalar_prefetch = 0 : i64, scratch_operands = 10 : i64, tpu.core_type = #tpu.core_type<sc_vector_subcore>, window_params = [{transform_indices = #map}, {transform_indices = #map}, {transform_indices = #map}, {transform_indices = #map1}]} {
    %scan3A = arith.constant 0 : i32
    %scan3A_0 = arith.constant 128 : i32
    %scan3A_1 = arith.addi %scan3A, %scan3A_0 : i32
    %scan3A_2 = arith.constant 1 : i32
    scf.for %scan3A_20 = %scan3A to %scan3A_1 step %scan3A_2  : i32 {
      %mul3A_21 = arith.constant 1 : i32
      %mul3A_22 = arith.muli %scan3A_20, %mul3A_21 : i32
      %add3A = arith.constant 0 : i32
      %add3A_23 = arith.addi %add3A, %mul3A_22 : i32
      %scan3A_24 = arith.constant 0 : i32
      %scan3A_25 = arith.constant 8 : i32
      %scan3A_26 = arith.addi %scan3A_24, %scan3A_25 : i32
      %scan3A_27 = arith.constant 1 : i32
      scf.for %scan3A_29 = %scan3A_24 to %scan3A_26 step %scan3A_27  : i32 {
        %mul3A_30 = arith.constant 16 : i32
        %mul3A_31 = arith.muli %scan3A_29, %mul3A_30 : i32
        %add3A_32 = arith.constant 0 : i32
        %add3A_33 = arith.addi %add3A_32, %mul3A_31 : i32
        %broadcast_in_dim3A = arith.constant 0.000000e+00 : f32
        %broadcast_in_dim3A_34 = vector.broadcast %broadcast_in_dim3A : f32 to vector<16xf32>
        %swap3A = arith.index_cast %add3A_23 : i32 to index
        %swap3A_35 = arith.index_cast %add3A_33 : i32 to index
        %swap3A_36 = tpu.vector_load %arg8[%swap3A, %swap3A_35] {strides = array<i32>} : memref<128x128xf32, #tpu.memory_space<vmem>>, vector<1x16xf32>,
        %swap3A_37 = vector.shape_cast %swap3A_36 : vector<1x16xf32> to vector<16xf32>
        %swap3A_38 = vector.shape_cast %broadcast_in_dim3A_34 : vector<16xf32> to vector<1x16xf32>
        tpu.vector_store %arg8[%swap3A, %swap3A_35], %swap3A_38 {strides = array<i32>} : memref<128x128xf32, #tpu.memory_space<vmem>>, vector<1x16xf32>,
      }
      %scan3A_28 = arith.constant 8 : i32
    }
    %scan3A_3 = arith.constant 128 : i32
    %scan3A_4 = arith.constant 0 : i32
    %scan3A_5 = arith.constant 5 : i32
    %scan3A_6 = arith.addi %scan3A_4, %scan3A_5 : i32
    %scan3A_7 = arith.constant 1 : i32
    scf.for %scan3A_20 = %scan3A_4 to %scan3A_6 step %scan3A_7  : i32 {
      %mul3A_21 = arith.constant 1 : i32
      %mul3A_22 = arith.muli %scan3A_20, %mul3A_21 : i32
      %add3A = arith.constant 0 : i32
      %add3A_23 = arith.addi %add3A, %mul3A_22 : i32
      %mul3A_24 = arith.constant 640 : i32
      %mul3A_25 = arith.muli %arg1, %mul3A_24 : i32
      %mul3A_26 = arith.constant 128 : i32
      %mul3A_27 = arith.muli %add3A_23, %mul3A_26 : i32
      %add3A_28 = arith.addi %mul3A_25, %mul3A_27 : i32
      "tpu.region"() ({
        %run_scoped3A = tpu.sem_alloc : memref<!tpu.dma_semaphore, #tpu.memory_space<semaphore_mem>>
        %dma_start3A = arith.constant 0 : i32
        %dma_start3A_29 = tpu.memref_slice %arg10[%add3A_28, %dma_start3A] : memref<10240x128xf32, #tpu.memory_space<vmem_shared>> -> memref<128x128xf32, #tpu.memory_space<vmem_shared>>
        %dma_start3A_30 = arith.constant 0 : i32
        %dma_start3A_31 = tpu.memref_slice %arg10[%add3A_28, %dma_start3A_30] : memref<10240x128xf32, #tpu.memory_space<vmem_shared>> -> memref<128x128xf32, #tpu.memory_space<vmem_shared>>
        tpu.enqueue_dma source(%arg8 : memref<128x128xf32, #tpu.memory_space<vmem>>) target(%dma_start3A_31 : memref<128x128xf32, #tpu.memory_space<vmem_shared>>) target_semaphore(%run_scoped3A : memref<!tpu.dma_semaphore, #tpu.memory_space<semaphore_mem>>)
        %dma_wait3A = arith.constant 0 : i32
        %dma_wait3A_32 = tpu.memref_slice %arg10[%add3A_28, %dma_wait3A] : memref<10240x128xf32, #tpu.memory_space<vmem_shared>> -> memref<128x128xf32, #tpu.memory_space<vmem_shared>>
        %dma_wait3A_33 = arith.constant 0 : i32
        %dma_wait3A_34 = tpu.memref_slice %arg10[%add3A_28, %dma_wait3A_33] : memref<10240x128xf32, #tpu.memory_space<vmem_shared>> -> memref<128x128xf32, #tpu.memory_space<vmem_shared>>
        tpu.wait_dma2 semaphore(%run_scoped3A : memref<!tpu.dma_semaphore, #tpu.memory_space<semaphore_mem>>) src(%arg8 : memref<128x128xf32, #tpu.memory_space<vmem>>) dst(%dma_wait3A_34 : memref<128x128xf32, #tpu.memory_space<vmem_shared>>)
        tpu.yield
      }) : () -> ()
    }
    %scan3A_8 = arith.constant 5 : i32
    %barrier3A = arith.constant 0 : index
    tpu.barrier barrier_id(%barrier3A)
    %eq3A = arith.constant 0 : i32
    %eq3A_9 = arith.cmpi eq, %arg0, %eq3A : i32
    %convert_element_type3A = arith.extui %eq3A_9 : i1 to i32
    %cond3A = arith.constant 0 : i32
    %cond3A_10 = arith.cmpi ne, %convert_element_type3A, %cond3A : i32
    scf.if %cond3A_10 {
      %mul3A_20 = arith.constant 112 : i32
      %mul3A_21 = arith.muli %arg1, %mul3A_20 : i32
      %scan3A_22 = arith.constant 0 : i32
      %scan3A_23 = arith.constant 7 : i32
      %scan3A_24 = arith.addi %scan3A_22, %scan3A_23 : i32
      %scan3A_25 = arith.constant 1 : i32
      scf.for %scan3A_27 = %scan3A_22 to %scan3A_24 step %scan3A_25  : i32 {
        %mul3A_28 = arith.constant 16 : i32
        %mul3A_29 = arith.muli %scan3A_27, %mul3A_28 : i32
        %add3A = arith.constant 0 : i32
        %add3A_30 = arith.addi %add3A, %mul3A_29 : i32
        %add3A_31 = arith.addi %mul3A_21, %add3A_30 : i32
        %dma_start3A = arith.constant 0 : i32
        %dma_start3A_32 = tpu.memref_slice %arg3[%add3A_31, %dma_start3A] : memref<2560x128xi32, #tpu.memory_space<hbm>> -> memref<16x128xi32, #tpu.memory_space<hbm>>
        %dma_start3A_33 = arith.constant 0 : i32
        %dma_start3A_34 = tpu.memref_slice %arg3[%add3A_31, %dma_start3A_33] : memref<2560x128xi32, #tpu.memory_space<hbm>> -> memref<16x128xi32, #tpu.memory_space<hbm>>
        tpu.enqueue_dma source(%dma_start3A_34 : memref<16x128xi32, #tpu.memory_space<hbm>>) target(%arg6 : memref<16x128xi32, #tpu.memory_space<vmem>>) target_semaphore(%arg11 : memref<!tpu.dma_semaphore, #tpu.memory_space<semaphore_mem>>)
        %dma_wait3A = arith.constant 0 : i32
        %dma_wait3A_35 = tpu.memref_slice %arg3[%add3A_31, %dma_wait3A] : memref<2560x128xi32, #tpu.memory_space<hbm>> -> memref<16x128xi32, #tpu.memory_space<hbm>>
        %dma_wait3A_36 = arith.constant 0 : i32
        %dma_wait3A_37 = tpu.memref_slice %arg3[%add3A_31, %dma_wait3A_36] : memref<2560x128xi32, #tpu.memory_space<hbm>> -> memref<16x128xi32, #tpu.memory_space<hbm>>
        tpu.wait_dma2 semaphore(%arg11 : memref<!tpu.dma_semaphore, #tpu.memory_space<semaphore_mem>>) src(%dma_wait3A_37 : memref<16x128xi32, #tpu.memory_space<hbm>>) dst(%arg6 : memref<16x128xi32, #tpu.memory_space<vmem>>)
        %dma_start3A_38 = arith.constant 0 : i32
        %dma_start3A_39 = tpu.memref_slice %arg4[%add3A_31, %dma_start3A_38] : memref<2560x128xi32, #tpu.memory_space<hbm>> -> memref<16x128xi32, #tpu.memory_space<hbm>>
        %dma_start3A_40 = arith.constant 0 : i32
        %dma_start3A_41 = tpu.memref_slice %arg4[%add3A_31, %dma_start3A_40] : memref<2560x128xi32, #tpu.memory_space<hbm>> -> memref<16x128xi32, #tpu.memory_space<hbm>>
        tpu.enqueue_dma source(%dma_start3A_41 : memref<16x128xi32, #tpu.memory_space<hbm>>) target(%arg7 : memref<16x128xi32, #tpu.memory_space<vmem>>) target_semaphore(%arg11 : memref<!tpu.dma_semaphore, #tpu.memory_space<semaphore_mem>>)
        %dma_wait3A_42 = arith.constant 0 : i32
        %dma_wait3A_43 = tpu.memref_slice %arg4[%add3A_31, %dma_wait3A_42] : memref<2560x128xi32, #tpu.memory_space<hbm>> -> memref<16x128xi32, #tpu.memory_space<hbm>>
        %dma_wait3A_44 = arith.constant 0 : i32
        %dma_wait3A_45 = tpu.memref_slice %arg4[%add3A_31, %dma_wait3A_44] : memref<2560x128xi32, #tpu.memory_space<hbm>> -> memref<16x128xi32, #tpu.memory_space<hbm>>
        tpu.wait_dma2 semaphore(%arg11 : memref<!tpu.dma_semaphore, #tpu.memory_space<semaphore_mem>>) src(%dma_wait3A_45 : memref<16x128xi32, #tpu.memory_space<hbm>>) dst(%arg7 : memref<16x128xi32, #tpu.memory_space<vmem>>)
        %dma_start3A_46 = arith.constant 0 : i32
        %dma_start3A_47 = arith.constant 0 : i32
        %dma_start3A_48 = tpu.memref_slice %arg6[%dma_start3A_46, %dma_start3A_47] : memref<16x128xi32, #tpu.memory_space<vmem>> -> memref<1x128xi32, #tpu.memory_space<vmem>>
        %dma_start3A_49 = tpu.memref_squeeze %dma_start3A_48 : memref<1x128xi32, #tpu.memory_space<vmem>> -> memref<128xi32, #tpu.memory_space<vmem>>
        %dma_start3A_50 = arith.constant 0 : i32
        %dma_start3A_51 = arith.constant 0 : i32
        %dma_start3A_52 = tpu.memref_slice %arg2[%dma_start3A_50, %dma_start3A_51] : memref<10000x128xf32, #tpu.memory_space<hbm>> -> memref<10000x128xf32, #tpu.memory_space<hbm>>
        tpu.enqueue_indirect_dma source(%dma_start3A_52 : memref<10000x128xf32, #tpu.memory_space<hbm>>) target(%arg8 : memref<128x128xf32, #tpu.memory_space<vmem>>) offsets(%dma_start3A_49 : memref<128xi32, #tpu.memory_space<vmem>>) semaphore(%arg12 : memref<!tpu.dma_semaphore, #tpu.memory_space<semaphore_mem>>)
        %dma_wait3A_53 = arith.constant 0 : i32
        %dma_wait3A_54 = arith.constant 0 : i32
        %dma_wait3A_55 = tpu.memref_slice %arg6[%dma_wait3A_53, %dma_wait3A_54] : memref<16x128xi32, #tpu.memory_space<vmem>> -> memref<1x128xi32, #tpu.memory_space<vmem>>
        %dma_wait3A_56 = tpu.memref_squeeze %dma_wait3A_55 : memref<1x128xi32, #tpu.memory_space<vmem>> -> memref<128xi32, #tpu.memory_space<vmem>>
        %dma_wait3A_57 = arith.constant 0 : i32
        %dma_wait3A_58 = arith.constant 0 : i32
        %dma_wait3A_59 = tpu.memref_slice %arg2[%dma_wait3A_57, %dma_wait3A_58] : memref<10000x128xf32, #tpu.memory_space<hbm>> -> memref<10000x128xf32, #tpu.memory_space<hbm>>
        tpu.wait_indirect_dma semaphore(%arg12 : memref<!tpu.dma_semaphore, #tpu.memory_space<semaphore_mem>>) src(%dma_wait3A_59 : memref<10000x128xf32, #tpu.memory_space<hbm>>) dst(%arg8 : memref<128x128xf32, #tpu.memory_space<vmem>>)
        %dma_start3A_60 = arith.constant 0 : i32
        %dma_start3A_61 = arith.constant 0 : i32
        %dma_start3A_62 = tpu.memref_slice %arg7[%dma_start3A_60, %dma_start3A_61] : memref<16x128xi32, #tpu.memory_space<vmem>> -> memref<1x128xi32, #tpu.memory_space<vmem>>
        %dma_start3A_63 = tpu.memref_squeeze %dma_start3A_62 : memref<1x128xi32, #tpu.memory_space<vmem>> -> memref<128xi32, #tpu.memory_space<vmem>>
        %dma_start3A_64 = arith.constant 0 : i32
        %dma_start3A_65 = arith.constant 0 : i32
        %dma_start3A_66 = tpu.memref_slice %arg10[%dma_start3A_64, %dma_start3A_65] : memref<10240x128xf32, #tpu.memory_space<vmem_shared>> -> memref<10240x128xf32, #tpu.memory_space<vmem_shared>>
        tpu.enqueue_indirect_dma source(%arg8 : memref<128x128xf32, #tpu.memory_space<vmem>>) target(%dma_start3A_66 : memref<10240x128xf32, #tpu.memory_space<vmem_shared>>) offsets(%dma_start3A_63 : memref<128xi32, #tpu.memory_space<vmem>>) semaphore(%arg14 : memref<!tpu.dma_semaphore, #tpu.memory_space<semaphore_mem>>) {add = true}
        %dma_start3A_67 = arith.constant 1 : i32
        %dma_start3A_68 = arith.constant 0 : i32
        %dma_start3A_69 = tpu.memref_slice %arg6[%dma_start3A_67, %dma_start3A_68] : memref<16x128xi32, #tpu.memory_space<vmem>> -> memref<1x128xi32, #tpu.memory_space<vmem>>
        %dma_start3A_70 = tpu.memref_squeeze %dma_start3A_69 : memref<1x128xi32, #tpu.memory_space<vmem>> -> memref<128xi32, #tpu.memory_space<vmem>>
        %dma_start3A_71 = arith.constant 0 : i32
        %dma_start3A_72 = arith.constant 0 : i32
        %dma_start3A_73 = tpu.memref_slice %arg2[%dma_start3A_71, %dma_start3A_72] : memref<10000x128xf32, #tpu.memory_space<hbm>> -> memref<10000x128xf32, #tpu.memory_space<hbm>>
        tpu.enqueue_indirect_dma source(%dma_start3A_73 : memref<10000x128xf32, #tpu.memory_space<hbm>>) target(%arg9 : memref<128x128xf32, #tpu.memory_space<vmem>>) offsets(%dma_start3A_70 : memref<128xi32, #tpu.memory_space<vmem>>) semaphore(%arg13 : memref<!tpu.dma_semaphore, #tpu.memory_space<semaphore_mem>>)
        %dma_wait3A_74 = arith.constant 1 : i32
        %dma_wait3A_75 = arith.constant 0 : i32
        %dma_wait3A_76 = tpu.memref_slice %arg6[%dma_wait3A_74, %dma_wait3A_75] : memref<16x128xi32, #tpu.memory_space<vmem>> -> memref<1x128xi32, #tpu.memory_space<vmem>>
        %dma_wait3A_77 = tpu.memref_squeeze %dma_wait3A_76 : memref<1x128xi32, #tpu.memory_space<vmem>> -> memref<128xi32, #tpu.memory_space<vmem>>
        %dma_wait3A_78 = arith.constant 0 : i32
        %dma_wait3A_79 = arith.constant 0 : i32
        %dma_wait3A_80 = tpu.memref_slice %arg2[%dma_wait3A_78, %dma_wait3A_79] : memref<10000x128xf32, #tpu.memory_space<hbm>> -> memref<10000x128xf32, #tpu.memory_space<hbm>>
        tpu.wait_indirect_dma semaphore(%arg13 : memref<!tpu.dma_semaphore, #tpu.memory_space<semaphore_mem>>) src(%dma_wait3A_80 : memref<10000x128xf32, #tpu.memory_space<hbm>>) dst(%arg9 : memref<128x128xf32, #tpu.memory_space<vmem>>)
        %dma_start3A_81 = arith.constant 1 : i32
        %dma_start3A_82 = arith.constant 0 : i32
        %dma_start3A_83 = tpu.memref_slice %arg7[%dma_start3A_81, %dma_start3A_82] : memref<16x128xi32, #tpu.memory_space<vmem>> -> memref<1x128xi32, #tpu.memory_space<vmem>>
        %dma_start3A_84 = tpu.memref_squeeze %dma_start3A_83 : memref<1x128xi32, #tpu.memory_space<vmem>> -> memref<128xi32, #tpu.memory_space<vmem>>
        %dma_start3A_85 = arith.constant 0 : i32
        %dma_start3A_86 = arith.constant 0 : i32
        %dma_start3A_87 = tpu.memref_slice %arg10[%dma_start3A_85, %dma_start3A_86] : memref<10240x128xf32, #tpu.memory_space<vmem_shared>> -> memref<10240x128xf32, #tpu.memory_space<vmem_shared>>
        tpu.enqueue_indirect_dma source(%arg9 : memref<128x128xf32, #tpu.memory_space<vmem>>) target(%dma_start3A_87 : memref<10240x128xf32, #tpu.memory_space<vmem_shared>>) offsets(%dma_start3A_84 : memref<128xi32, #tpu.memory_space<vmem>>) semaphore(%arg15 : memref<!tpu.dma_semaphore, #tpu.memory_space<semaphore_mem>>) {add = true}
        %dma_wait3A_88 = arith.constant 0 : i32
        %dma_wait3A_89 = arith.constant 0 : i32
        %dma_wait3A_90 = tpu.memref_slice %arg7[%dma_wait3A_88, %dma_wait3A_89] : memref<16x128xi32, #tpu.memory_space<vmem>> -> memref<1x128xi32, #tpu.memory_space<vmem>>
        %dma_wait3A_91 = tpu.memref_squeeze %dma_wait3A_90 : memref<1x128xi32, #tpu.memory_space<vmem>> -> memref<128xi32, #tpu.memory_space<vmem>>
        %dma_wait3A_92 = arith.constant 0 : i32
        %dma_wait3A_93 = arith.constant 0 : i32
        %dma_wait3A_94 = tpu.memref_slice %arg10[%dma_wait3A_92, %dma_wait3A_93] : memref<10240x128xf32, #tpu.memory_space<vmem_shared>> -> memref<10240x128xf32, #tpu.memory_space<vmem_shared>>
        tpu.wait_indirect_dma semaphore(%arg14 : memref<!tpu.dma_semaphore, #tpu.memory_space<semaphore_mem>>) src(%arg8 : memref<128x128xf32, #tpu.memory_space<vmem>>) dst(%dma_wait3A_94 : memref<10240x128xf32, #tpu.memory_space<vmem_shared>>)
        %dma_start3A_95 = arith.constant 2 : i32
        %dma_start3A_96 = arith.constant 0 : i32
        %dma_start3A_97 = tpu.memref_slice %arg6[%dma_start3A_95, %dma_start3A_96] : memref<16x128xi32, #tpu.memory_space<vmem>> -> memref<1x128xi32, #tpu.memory_space<vmem>>
        %dma_start3A_98 = tpu.memref_squeeze %dma_start3A_97 : memref<1x128xi32, #tpu.memory_space<vmem>> -> memref<128xi32, #tpu.memory_space<vmem>>
        %dma_start3A_99 = arith.constant 0 : i32
        %dma_start3A_100 = arith.constant 0 : i32
        %dma_start3A_101 = tpu.memref_slice %arg2[%dma_start3A_99, %dma_start3A_100] : memref<10000x128xf32, #tpu.memory_space<hbm>> -> memref<10000x128xf32, #tpu.memory_space<hbm>>
        tpu.enqueue_indirect_dma source(%dma_start3A_101 : memref<10000x128xf32, #tpu.memory_space<hbm>>) target(%arg8 : memref<128x128xf32, #tpu.memory_space<vmem>>) offsets(%dma_start3A_98 : memref<128xi32, #tpu.memory_space<vmem>>) semaphore(%arg12 : memref<!tpu.dma_semaphore, #tpu.memory_space<semaphore_mem>>)
        %dma_wait3A_102 = arith.constant 2 : i32
        %dma_wait3A_103 = arith.constant 0 : i32
        %dma_wait3A_104 = tpu.memref_slice %arg6[%dma_wait3A_102, %dma_wait3A_103] : memref<16x128xi32, #tpu.memory_space<vmem>> -> memref<1x128xi32, #tpu.memory_space<vmem>>
        %dma_wait3A_105 = tpu.memref_squeeze %dma_wait3A_104 : memref<1x128xi32, #tpu.memory_space<vmem>> -> memref<128xi32, #tpu.memory_space<vmem>>
        %dma_wait3A_106 = arith.constant 0 : i32
        %dma_wait3A_107 = arith.constant 0 : i32
        %dma_wait3A_108 = tpu.memref_slice %arg2[%dma_wait3A_106, %dma_wait3A_107] : memref<10000x128xf32, #tpu.memory_space<hbm>> -> memref<10000x128xf32, #tpu.memory_space<hbm>>
        tpu.wait_indirect_dma semaphore(%arg12 : memref<!tpu.dma_semaphore, #tpu.memory_space<semaphore_mem>>) src(%dma_wait3A_108 : memref<10000x128xf32, #tpu.memory_space<hbm>>) dst(%arg8 : memref<128x128xf32, #tpu.memory_space<vmem>>)
        %dma_start3A_109 = arith.constant 2 : i32
        %dma_start3A_110 = arith.constant 0 : i32
        %dma_start3A_111 = tpu.memref_slice %arg7[%dma_start3A_109, %dma_start3A_110] : memref<16x128xi32, #tpu.memory_space<vmem>> -> memref<1x128xi32, #tpu.memory_space<vmem>>
        %dma_start3A_112 = tpu.memref_squeeze %dma_start3A_111 : memref<1x128xi32, #tpu.memory_space<vmem>> -> memref<128xi32, #tpu.memory_space<vmem>>
        %dma_start3A_113 = arith.constant 0 : i32
        %dma_start3A_114 = arith.constant 0 : i32
        %dma_start3A_115 = tpu.memref_slice %arg10[%dma_start3A_113, %dma_start3A_114] : memref<10240x128xf32, #tpu.memory_space<vmem_shared>> -> memref<10240x128xf32, #tpu.memory_space<vmem_shared>>
        tpu.enqueue_indirect_dma source(%arg8 : memref<128x128xf32, #tpu.memory_space<vmem>>) target(%dma_start3A_115 : memref<10240x128xf32, #tpu.memory_space<vmem_shared>>) offsets(%dma_start3A_112 : memref<128xi32, #tpu.memory_space<vmem>>) semaphore(%arg14 : memref<!tpu.dma_semaphore, #tpu.memory_space<semaphore_mem>>) {add = true}
        %dma_wait3A_116 = arith.constant 1 : i32
        %dma_wait3A_117 = arith.constant 0 : i32
        %dma_wait3A_118 = tpu.memref_slice %arg7[%dma_wait3A_116, %dma_wait3A_117] : memref<16x128xi32, #tpu.memory_space<vmem>> -> memref<1x128xi32, #tpu.memory_space<vmem>>
        %dma_wait3A_119 = tpu.memref_squeeze %dma_wait3A_118 : memref<1x128xi32, #tpu.memory_space<vmem>> -> memref<128xi32, #tpu.memory_space<vmem>>
        %dma_wait3A_120 = arith.constant 0 : i32
        %dma_wait3A_121 = arith.constant 0 : i32
        %dma_wait3A_122 = tpu.memref_slice %arg10[%dma_wait3A_120, %dma_wait3A_121] : memref<10240x128xf32, #tpu.memory_space<vmem_shared>> -> memref<10240x128xf32, #tpu.memory_space<vmem_shared>>
        tpu.wait_indirect_dma semaphore(%arg15 : memref<!tpu.dma_semaphore, #tpu.memory_space<semaphore_mem>>) src(%arg9 : memref<128x128xf32, #tpu.memory_space<vmem>>) dst(%dma_wait3A_122 : memref<10240x128xf32, #tpu.memory_space<vmem_shared>>)
        %dma_start3A_123 = arith.constant 3 : i32
        %dma_start3A_124 = arith.constant 0 : i32
        %dma_start3A_125 = tpu.memref_slice %arg6[%dma_start3A_123, %dma_start3A_124] : memref<16x128xi32, #tpu.memory_space<vmem>> -> memref<1x128xi32, #tpu.memory_space<vmem>>
        %dma_start3A_126 = tpu.memref_squeeze %dma_start3A_125 : memref<1x128xi32, #tpu.memory_space<vmem>> -> memref<128xi32, #tpu.memory_space<vmem>>
        %dma_start3A_127 = arith.constant 0 : i32
        %dma_start3A_128 = arith.constant 0 : i32
        %dma_start3A_129 = tpu.memref_slice %arg2[%dma_start3A_127, %dma_start3A_128] : memref<10000x128xf32, #tpu.memory_space<hbm>> -> memref<10000x128xf32, #tpu.memory_space<hbm>>
        tpu.enqueue_indirect_dma source(%dma_start3A_129 : memref<10000x128xf32, #tpu.memory_space<hbm>>) target(%arg9 : memref<128x128xf32, #tpu.memory_space<vmem>>) offsets(%dma_start3A_126 : memref<128xi32, #tpu.memory_space<vmem>>) semaphore(%arg13 : memref<!tpu.dma_semaphore, #tpu.memory_space<semaphore_mem>>)
        %dma_wait3A_130 = arith.constant 3 : i32
        %dma_wait3A_131 = arith.constant 0 : i32
        %dma_wait3A_132 = tpu.memref_slice %arg6[%dma_wait3A_130, %dma_wait3A_131] : memref<16x128xi32, #tpu.memory_space<vmem>> -> memref<1x128xi32, #tpu.memory_space<vmem>>
        %dma_wait3A_133 = tpu.memref_squeeze %dma_wait3A_132 : memref<1x128xi32, #tpu.memory_space<vmem>> -> memref<128xi32, #tpu.memory_space<vmem>>
        %dma_wait3A_134 = arith.constant 0 : i32
        %dma_wait3A_135 = arith.constant 0 : i32
        %dma_wait3A_136 = tpu.memref_slice %arg2[%dma_wait3A_134, %dma_wait3A_135] : memref<10000x128xf32, #tpu.memory_space<hbm>> -> memref<10000x128xf32, #tpu.memory_space<hbm>>
        tpu.wait_indirect_dma semaphore(%arg13 : memref<!tpu.dma_semaphore, #tpu.memory_space<semaphore_mem>>) src(%dma_wait3A_136 : memref<10000x128xf32, #tpu.memory_space<hbm>>) dst(%arg9 : memref<128x128xf32, #tpu.memory_space<vmem>>)
        %dma_start3A_137 = arith.constant 3 : i32
        %dma_start3A_138 = arith.constant 0 : i32
        %dma_start3A_139 = tpu.memref_slice %arg7[%dma_start3A_137, %dma_start3A_138] : memref<16x128xi32, #tpu.memory_space<vmem>> -> memref<1x128xi32, #tpu.memory_space<vmem>>
        %dma_start3A_140 = tpu.memref_squeeze %dma_start3A_139 : memref<1x128xi32, #tpu.memory_space<vmem>> -> memref<128xi32, #tpu.memory_space<vmem>>
        %dma_start3A_141 = arith.constant 0 : i32
        %dma_start3A_142 = arith.constant 0 : i32
        %dma_start3A_143 = tpu.memref_slice %arg10[%dma_start3A_141, %dma_start3A_142] : memref<10240x128xf32, #tpu.memory_space<vmem_shared>> -> memref<10240x128xf32, #tpu.memory_space<vmem_shared>>
        tpu.enqueue_indirect_dma source(%arg9 : memref<128x128xf32, #tpu.memory_space<vmem>>) target(%dma_start3A_143 : memref<10240x128xf32, #tpu.memory_space<vmem_shared>>) offsets(%dma_start3A_140 : memref<128xi32, #tpu.memory_space<vmem>>) semaphore(%arg15 : memref<!tpu.dma_semaphore, #tpu.memory_space<semaphore_mem>>) {add = true}
        %dma_wait3A_144 = arith.constant 2 : i32
        %dma_wait3A_145 = arith.constant 0 : i32
        %dma_wait3A_146 = tpu.memref_slice %arg7[%dma_wait3A_144, %dma_wait3A_145] : memref<16x128xi32, #tpu.memory_space<vmem>> -> memref<1x128xi32, #tpu.memory_space<vmem>>
        %dma_wait3A_147 = tpu.memref_squeeze %dma_wait3A_146 : memref<1x128xi32, #tpu.memory_space<vmem>> -> memref<128xi32, #tpu.memory_space<vmem>>
        %dma_wait3A_148 = arith.constant 0 : i32
        %dma_wait3A_149 = arith.constant 0 : i32
        %dma_wait3A_150 = tpu.memref_slice %arg10[%dma_wait3A_148, %dma_wait3A_149] : memref<10240x128xf32, #tpu.memory_space<vmem_shared>> -> memref<10240x128xf32, #tpu.memory_space<vmem_shared>>
        tpu.wait_indirect_dma semaphore(%arg14 : memref<!tpu.dma_semaphore, #tpu.memory_space<semaphore_mem>>) src(%arg8 : memref<128x128xf32, #tpu.memory_space<vmem>>) dst(%dma_wait3A_150 : memref<10240x128xf32, #tpu.memory_space<vmem_shared>>)
        %dma_start3A_151 = arith.constant 4 : i32
        %dma_start3A_152 = arith.constant 0 : i32
        %dma_start3A_153 = tpu.memref_slice %arg6[%dma_start3A_151, %dma_start3A_152] : memref<16x128xi32, #tpu.memory_space<vmem>> -> memref<1x128xi32, #tpu.memory_space<vmem>>
        %dma_start3A_154 = tpu.memref_squeeze %dma_start3A_153 : memref<1x128xi32, #tpu.memory_space<vmem>> -> memref<128xi32, #tpu.memory_space<vmem>>
        %dma_start3A_155 = arith.constant 0 : i32
        %dma_start3A_156 = arith.constant 0 : i32
        %dma_start3A_157 = tpu.memref_slice %arg2[%dma_start3A_155, %dma_start3A_156] : memref<10000x128xf32, #tpu.memory_space<hbm>> -> memref<10000x128xf32, #tpu.memory_space<hbm>>
        tpu.enqueue_indirect_dma source(%dma_start3A_157 : memref<10000x128xf32, #tpu.memory_space<hbm>>) target(%arg8 : memref<128x128xf32, #tpu.memory_space<vmem>>) offsets(%dma_start3A_154 : memref<128xi32, #tpu.memory_space<vmem>>) semaphore(%arg12 : memref<!tpu.dma_semaphore, #tpu.memory_space<semaphore_mem>>)
        %dma_wait3A_158 = arith.constant 4 : i32
        %dma_wait3A_159 = arith.constant 0 : i32
        %dma_wait3A_160 = tpu.memref_slice %arg6[%dma_wait3A_158, %dma_wait3A_159] : memref<16x128xi32, #tpu.memory_space<vmem>> -> memref<1x128xi32, #tpu.memory_space<vmem>>
        %dma_wait3A_161 = tpu.memref_squeeze %dma_wait3A_160 : memref<1x128xi32, #tpu.memory_space<vmem>> -> memref<128xi32, #tpu.memory_space<vmem>>
        %dma_wait3A_162 = arith.constant 0 : i32
        %dma_wait3A_163 = arith.constant 0 : i32
        %dma_wait3A_164 = tpu.memref_slice %arg2[%dma_wait3A_162, %dma_wait3A_163] : memref<10000x128xf32, #tpu.memory_space<hbm>> -> memref<10000x128xf32, #tpu.memory_space<hbm>>
        tpu.wait_indirect_dma semaphore(%arg12 : memref<!tpu.dma_semaphore, #tpu.memory_space<semaphore_mem>>) src(%dma_wait3A_164 : memref<10000x128xf32, #tpu.memory_space<hbm>>) dst(%arg8 : memref<128x128xf32, #tpu.memory_space<vmem>>)
        %dma_start3A_165 = arith.constant 4 : i32
        %dma_start3A_166 = arith.constant 0 : i32
        %dma_start3A_167 = tpu.memref_slice %arg7[%dma_start3A_165, %dma_start3A_166] : memref<16x128xi32, #tpu.memory_space<vmem>> -> memref<1x128xi32, #tpu.memory_space<vmem>>
        %dma_start3A_168 = tpu.memref_squeeze %dma_start3A_167 : memref<1x128xi32, #tpu.memory_space<vmem>> -> memref<128xi32, #tpu.memory_space<vmem>>
        %dma_start3A_169 = arith.constant 0 : i32
        %dma_start3A_170 = arith.constant 0 : i32
        %dma_start3A_171 = tpu.memref_slice %arg10[%dma_start3A_169, %dma_start3A_170] : memref<10240x128xf32, #tpu.memory_space<vmem_shared>> -> memref<10240x128xf32, #tpu.memory_space<vmem_shared>>
        tpu.enqueue_indirect_dma source(%arg8 : memref<128x128xf32, #tpu.memory_space<vmem>>) target(%dma_start3A_171 : memref<10240x128xf32, #tpu.memory_space<vmem_shared>>) offsets(%dma_start3A_168 : memref<128xi32, #tpu.memory_space<vmem>>) semaphore(%arg14 : memref<!tpu.dma_semaphore, #tpu.memory_space<semaphore_mem>>) {add = true}
        %dma_wait3A_172 = arith.constant 3 : i32
        %dma_wait3A_173 = arith.constant 0 : i32
        %dma_wait3A_174 = tpu.memref_slice %arg7[%dma_wait3A_172, %dma_wait3A_173] : memref<16x128xi32, #tpu.memory_space<vmem>> -> memref<1x128xi32, #tpu.memory_space<vmem>>
        %dma_wait3A_175 = tpu.memref_squeeze %dma_wait3A_174 : memref<1x128xi32, #tpu.memory_space<vmem>> -> memref<128xi32, #tpu.memory_space<vmem>>
        %dma_wait3A_176 = arith.constant 0 : i32
        %dma_wait3A_177 = arith.constant 0 : i32
        %dma_wait3A_178 = tpu.memref_slice %arg10[%dma_wait3A_176, %dma_wait3A_177] : memref<10240x128xf32, #tpu.memory_space<vmem_shared>> -> memref<10240x128xf32, #tpu.memory_space<vmem_shared>>
        tpu.wait_indirect_dma semaphore(%arg15 : memref<!tpu.dma_semaphore, #tpu.memory_space<semaphore_mem>>) src(%arg9 : memref<128x128xf32, #tpu.memory_space<vmem>>) dst(%dma_wait3A_178 : memref<10240x128xf32, #tpu.memory_space<vmem_shared>>)
        %dma_start3A_179 = arith.constant 5 : i32
        %dma_start3A_180 = arith.constant 0 : i32
        %dma_start3A_181 = tpu.memref_slice %arg6[%dma_start3A_179, %dma_start3A_180] : memref<16x128xi32, #tpu.memory_space<vmem>> -> memref<1x128xi32, #tpu.memory_space<vmem>>
        %dma_start3A_182 = tpu.memref_squeeze %dma_start3A_181 : memref<1x128xi32, #tpu.memory_space<vmem>> -> memref<128xi32, #tpu.memory_space<vmem>>
        %dma_start3A_183 = arith.constant 0 : i32
        %dma_start3A_184 = arith.constant 0 : i32
        %dma_start3A_185 = tpu.memref_slice %arg2[%dma_start3A_183, %dma_start3A_184] : memref<10000x128xf32, #tpu.memory_space<hbm>> -> memref<10000x128xf32, #tpu.memory_space<hbm>>
        tpu.enqueue_indirect_dma source(%dma_start3A_185 : memref<10000x128xf32, #tpu.memory_space<hbm>>) target(%arg9 : memref<128x128xf32, #tpu.memory_space<vmem>>) offsets(%dma_start3A_182 : memref<128xi32, #tpu.memory_space<vmem>>) semaphore(%arg13 : memref<!tpu.dma_semaphore, #tpu.memory_space<semaphore_mem>>)
        %dma_wait3A_186 = arith.constant 5 : i32
        %dma_wait3A_187 = arith.constant 0 : i32
        %dma_wait3A_188 = tpu.memref_slice %arg6[%dma_wait3A_186, %dma_wait3A_187] : memref<16x128xi32, #tpu.memory_space<vmem>> -> memref<1x128xi32, #tpu.memory_space<vmem>>
        %dma_wait3A_189 = tpu.memref_squeeze %dma_wait3A_188 : memref<1x128xi32, #tpu.memory_space<vmem>> -> memref<128xi32, #tpu.memory_space<vmem>>
        %dma_wait3A_190 = arith.constant 0 : i32
        %dma_wait3A_191 = arith.constant 0 : i32
        %dma_wait3A_192 = tpu.memref_slice %arg2[%dma_wait3A_190, %dma_wait3A_191] : memref<10000x128xf32, #tpu.memory_space<hbm>> -> memref<10000x128xf32, #tpu.memory_space<hbm>>
        tpu.wait_indirect_dma semaphore(%arg13 : memref<!tpu.dma_semaphore, #tpu.memory_space<semaphore_mem>>) src(%dma_wait3A_192 : memref<10000x128xf32, #tpu.memory_space<hbm>>) dst(%arg9 : memref<128x128xf32, #tpu.memory_space<vmem>>)
        %dma_start3A_193 = arith.constant 5 : i32
        %dma_start3A_194 = arith.constant 0 : i32
        %dma_start3A_195 = tpu.memref_slice %arg7[%dma_start3A_193, %dma_start3A_194] : memref<16x128xi32, #tpu.memory_space<vmem>> -> memref<1x128xi32, #tpu.memory_space<vmem>>
        %dma_start3A_196 = tpu.memref_squeeze %dma_start3A_195 : memref<1x128xi32, #tpu.memory_space<vmem>> -> memref<128xi32, #tpu.memory_space<vmem>>
        %dma_start3A_197 = arith.constant 0 : i32
        %dma_start3A_198 = arith.constant 0 : i32
        %dma_start3A_199 = tpu.memref_slice %arg10[%dma_start3A_197, %dma_start3A_198] : memref<10240x128xf32, #tpu.memory_space<vmem_shared>> -> memref<10240x128xf32, #tpu.memory_space<vmem_shared>>
        tpu.enqueue_indirect_dma source(%arg9 : memref<128x128xf32, #tpu.memory_space<vmem>>) target(%dma_start3A_199 : memref<10240x128xf32, #tpu.memory_space<vmem_shared>>) offsets(%dma_start3A_196 : memref<128xi32, #tpu.memory_space<vmem>>) semaphore(%arg15 : memref<!tpu.dma_semaphore, #tpu.memory_space<semaphore_mem>>) {add = true}
        %dma_wait3A_200 = arith.constant 4 : i32
        %dma_wait3A_201 = arith.constant 0 : i32
        %dma_wait3A_202 = tpu.memref_slice %arg7[%dma_wait3A_200, %dma_wait3A_201] : memref<16x128xi32, #tpu.memory_space<vmem>> -> memref<1x128xi32, #tpu.memory_space<vmem>>
        %dma_wait3A_203 = tpu.memref_squeeze %dma_wait3A_202 : memref<1x128xi32, #tpu.memory_space<vmem>> -> memref<128xi32, #tpu.memory_space<vmem>>
        %dma_wait3A_204 = arith.constant 0 : i32
        %dma_wait3A_205 = arith.constant 0 : i32
        %dma_wait3A_206 = tpu.memref_slice %arg10[%dma_wait3A_204, %dma_wait3A_205] : memref<10240x128xf32, #tpu.memory_space<vmem_shared>> -> memref<10240x128xf32, #tpu.memory_space<vmem_shared>>
        tpu.wait_indirect_dma semaphore(%arg14 : memref<!tpu.dma_semaphore, #tpu.memory_space<semaphore_mem>>) src(%arg8 : memref<128x128xf32, #tpu.memory_space<vmem>>) dst(%dma_wait3A_206 : memref<10240x128xf32, #tpu.memory_space<vmem_shared>>)
        %dma_start3A_207 = arith.constant 6 : i32
        %dma_start3A_208 = arith.constant 0 : i32
        %dma_start3A_209 = tpu.memref_slice %arg6[%dma_start3A_207, %dma_start3A_208] : memref<16x128xi32, #tpu.memory_space<vmem>> -> memref<1x128xi32, #tpu.memory_space<vmem>>
        %dma_start3A_210 = tpu.memref_squeeze %dma_start3A_209 : memref<1x128xi32, #tpu.memory_space<vmem>> -> memref<128xi32, #tpu.memory_space<vmem>>
        %dma_start3A_211 = arith.constant 0 : i32
        %dma_start3A_212 = arith.constant 0 : i32
        %dma_start3A_213 = tpu.memref_slice %arg2[%dma_start3A_211, %dma_start3A_212] : memref<10000x128xf32, #tpu.memory_space<hbm>> -> memref<10000x128xf32, #tpu.memory_space<hbm>>
        tpu.enqueue_indirect_dma source(%dma_start3A_213 : memref<10000x128xf32, #tpu.memory_space<hbm>>) target(%arg8 : memref<128x128xf32, #tpu.memory_space<vmem>>) offsets(%dma_start3A_210 : memref<128xi32, #tpu.memory_space<vmem>>) semaphore(%arg12 : memref<!tpu.dma_semaphore, #tpu.memory_space<semaphore_mem>>)
        %dma_wait3A_214 = arith.constant 6 : i32
        %dma_wait3A_215 = arith.constant 0 : i32
        %dma_wait3A_216 = tpu.memref_slice %arg6[%dma_wait3A_214, %dma_wait3A_215] : memref<16x128xi32, #tpu.memory_space<vmem>> -> memref<1x128xi32, #tpu.memory_space<vmem>>
        %dma_wait3A_217 = tpu.memref_squeeze %dma_wait3A_216 : memref<1x128xi32, #tpu.memory_space<vmem>> -> memref<128xi32, #tpu.memory_space<vmem>>
        %dma_wait3A_218 = arith.constant 0 : i32
        %dma_wait3A_219 = arith.constant 0 : i32
        %dma_wait3A_220 = tpu.memref_slice %arg2[%dma_wait3A_218, %dma_wait3A_219] : memref<10000x128xf32, #tpu.memory_space<hbm>> -> memref<10000x128xf32, #tpu.memory_space<hbm>>
        tpu.wait_indirect_dma semaphore(%arg12 : memref<!tpu.dma_semaphore, #tpu.memory_space<semaphore_mem>>) src(%dma_wait3A_220 : memref<10000x128xf32, #tpu.memory_space<hbm>>) dst(%arg8 : memref<128x128xf32, #tpu.memory_space<vmem>>)
        %dma_start3A_221 = arith.constant 6 : i32
        %dma_start3A_222 = arith.constant 0 : i32
        %dma_start3A_223 = tpu.memref_slice %arg7[%dma_start3A_221, %dma_start3A_222] : memref<16x128xi32, #tpu.memory_space<vmem>> -> memref<1x128xi32, #tpu.memory_space<vmem>>
        %dma_start3A_224 = tpu.memref_squeeze %dma_start3A_223 : memref<1x128xi32, #tpu.memory_space<vmem>> -> memref<128xi32, #tpu.memory_space<vmem>>
        %dma_start3A_225 = arith.constant 0 : i32
        %dma_start3A_226 = arith.constant 0 : i32
        %dma_start3A_227 = tpu.memref_slice %arg10[%dma_start3A_225, %dma_start3A_226] : memref<10240x128xf32, #tpu.memory_space<vmem_shared>> -> memref<10240x128xf32, #tpu.memory_space<vmem_shared>>
        tpu.enqueue_indirect_dma source(%arg8 : memref<128x128xf32, #tpu.memory_space<vmem>>) target(%dma_start3A_227 : memref<10240x128xf32, #tpu.memory_space<vmem_shared>>) offsets(%dma_start3A_224 : memref<128xi32, #tpu.memory_space<vmem>>) semaphore(%arg14 : memref<!tpu.dma_semaphore, #tpu.memory_space<semaphore_mem>>) {add = true}
        %dma_wait3A_228 = arith.constant 5 : i32
        %dma_wait3A_229 = arith.constant 0 : i32
        %dma_wait3A_230 = tpu.memref_slice %arg7[%dma_wait3A_228, %dma_wait3A_229] : memref<16x128xi32, #tpu.memory_space<vmem>> -> memref<1x128xi32, #tpu.memory_space<vmem>>
        %dma_wait3A_231 = tpu.memref_squeeze %dma_wait3A_230 : memref<1x128xi32, #tpu.memory_space<vmem>> -> memref<128xi32, #tpu.memory_space<vmem>>
        %dma_wait3A_232 = arith.constant 0 : i32
        %dma_wait3A_233 = arith.constant 0 : i32
        %dma_wait3A_234 = tpu.memref_slice %arg10[%dma_wait3A_232, %dma_wait3A_233] : memref<10240x128xf32, #tpu.memory_space<vmem_shared>> -> memref<10240x128xf32, #tpu.memory_space<vmem_shared>>
        tpu.wait_indirect_dma semaphore(%arg15 : memref<!tpu.dma_semaphore, #tpu.memory_space<semaphore_mem>>) src(%arg9 : memref<128x128xf32, #tpu.memory_space<vmem>>) dst(%dma_wait3A_234 : memref<10240x128xf32, #tpu.memory_space<vmem_shared>>)
        %dma_start3A_235 = arith.constant 7 : i32
        %dma_start3A_236 = arith.constant 0 : i32
        %dma_start3A_237 = tpu.memref_slice %arg6[%dma_start3A_235, %dma_start3A_236] : memref<16x128xi32, #tpu.memory_space<vmem>> -> memref<1x128xi32, #tpu.memory_space<vmem>>
        %dma_start3A_238 = tpu.memref_squeeze %dma_start3A_237 : memref<1x128xi32, #tpu.memory_space<vmem>> -> memref<128xi32, #tpu.memory_space<vmem>>
        %dma_start3A_239 = arith.constant 0 : i32
        %dma_start3A_240 = arith.constant 0 : i32
        %dma_start3A_241 = tpu.memref_slice %arg2[%dma_start3A_239, %dma_start3A_240] : memref<10000x128xf32, #tpu.memory_space<hbm>> -> memref<10000x128xf32, #tpu.memory_space<hbm>>
        tpu.enqueue_indirect_dma source(%dma_start3A_241 : memref<10000x128xf32, #tpu.memory_space<hbm>>) target(%arg9 : memref<128x128xf32, #tpu.memory_space<vmem>>) offsets(%dma_start3A_238 : memref<128xi32, #tpu.memory_space<vmem>>) semaphore(%arg13 : memref<!tpu.dma_semaphore, #tpu.memory_space<semaphore_mem>>)
        %dma_wait3A_242 = arith.constant 7 : i32
        %dma_wait3A_243 = arith.constant 0 : i32
        %dma_wait3A_244 = tpu.memref_slice %arg6[%dma_wait3A_242, %dma_wait3A_243] : memref<16x128xi32, #tpu.memory_space<vmem>> -> memref<1x128xi32, #tpu.memory_space<vmem>>
        %dma_wait3A_245 = tpu.memref_squeeze %dma_wait3A_244 : memref<1x128xi32, #tpu.memory_space<vmem>> -> memref<128xi32, #tpu.memory_space<vmem>>
        %dma_wait3A_246 = arith.constant 0 : i32
        %dma_wait3A_247 = arith.constant 0 : i32
        %dma_wait3A_248 = tpu.memref_slice %arg2[%dma_wait3A_246, %dma_wait3A_247] : memref<10000x128xf32, #tpu.memory_space<hbm>> -> memref<10000x128xf32, #tpu.memory_space<hbm>>
        tpu.wait_indirect_dma semaphore(%arg13 : memref<!tpu.dma_semaphore, #tpu.memory_space<semaphore_mem>>) src(%dma_wait3A_248 : memref<10000x128xf32, #tpu.memory_space<hbm>>) dst(%arg9 : memref<128x128xf32, #tpu.memory_space<vmem>>)
        %dma_start3A_249 = arith.constant 7 : i32
        %dma_start3A_250 = arith.constant 0 : i32
        %dma_start3A_251 = tpu.memref_slice %arg7[%dma_start3A_249, %dma_start3A_250] : memref<16x128xi32, #tpu.memory_space<vmem>> -> memref<1x128xi32, #tpu.memory_space<vmem>>
        %dma_start3A_252 = tpu.memref_squeeze %dma_start3A_251 : memref<1x128xi32, #tpu.memory_space<vmem>> -> memref<128xi32, #tpu.memory_space<vmem>>
        %dma_start3A_253 = arith.constant 0 : i32
        %dma_start3A_254 = arith.constant 0 : i32
        %dma_start3A_255 = tpu.memref_slice %arg10[%dma_start3A_253, %dma_start3A_254] : memref<10240x128xf32, #tpu.memory_space<vmem_shared>> -> memref<10240x128xf32, #tpu.memory_space<vmem_shared>>
        tpu.enqueue_indirect_dma source(%arg9 : memref<128x128xf32, #tpu.memory_space<vmem>>) target(%dma_start3A_255 : memref<10240x128xf32, #tpu.memory_space<vmem_shared>>) offsets(%dma_start3A_252 : memref<128xi32, #tpu.memory_space<vmem>>) semaphore(%arg15 : memref<!tpu.dma_semaphore, #tpu.memory_space<semaphore_mem>>) {add = true}
        %dma_wait3A_256 = arith.constant 6 : i32
        %dma_wait3A_257 = arith.constant 0 : i32
        %dma_wait3A_258 = tpu.memref_slice %arg7[%dma_wait3A_256, %dma_wait3A_257] : memref<16x128xi32, #tpu.memory_space<vmem>> -> memref<1x128xi32, #tpu.memory_space<vmem>>
        %dma_wait3A_259 = tpu.memref_squeeze %dma_wait3A_258 : memref<1x128xi32, #tpu.memory_space<vmem>> -> memref<128xi32, #tpu.memory_space<vmem>>
        %dma_wait3A_260 = arith.constant 0 : i32
        %dma_wait3A_261 = arith.constant 0 : i32
        %dma_wait3A_262 = tpu.memref_slice %arg10[%dma_wait3A_260, %dma_wait3A_261] : memref<10240x128xf32, #tpu.memory_space<vmem_shared>> -> memref<10240x128xf32, #tpu.memory_space<vmem_shared>>
        tpu.wait_indirect_dma semaphore(%arg14 : memref<!tpu.dma_semaphore, #tpu.memory_space<semaphore_mem>>) src(%arg8 : memref<128x128xf32, #tpu.memory_space<vmem>>) dst(%dma_wait3A_262 : memref<10240x128xf32, #tpu.memory_space<vmem_shared>>)
        %dma_start3A_263 = arith.constant 8 : i32
        %dma_start3A_264 = arith.constant 0 : i32
        %dma_start3A_265 = tpu.memref_slice %arg6[%dma_start3A_263, %dma_start3A_264] : memref<16x128xi32, #tpu.memory_space<vmem>> -> memref<1x128xi32, #tpu.memory_space<vmem>>
        %dma_start3A_266 = tpu.memref_squeeze %dma_start3A_265 : memref<1x128xi32, #tpu.memory_space<vmem>> -> memref<128xi32, #tpu.memory_space<vmem>>
        %dma_start3A_267 = arith.constant 0 : i32
        %dma_start3A_268 = arith.constant 0 : i32
        %dma_start3A_269 = tpu.memref_slice %arg2[%dma_start3A_267, %dma_start3A_268] : memref<10000x128xf32, #tpu.memory_space<hbm>> -> memref<10000x128xf32, #tpu.memory_space<hbm>>
        tpu.enqueue_indirect_dma source(%dma_start3A_269 : memref<10000x128xf32, #tpu.memory_space<hbm>>) target(%arg8 : memref<128x128xf32, #tpu.memory_space<vmem>>) offsets(%dma_start3A_266 : memref<128xi32, #tpu.memory_space<vmem>>) semaphore(%arg12 : memref<!tpu.dma_semaphore, #tpu.memory_space<semaphore_mem>>)
        %dma_wait3A_270 = arith.constant 8 : i32
        %dma_wait3A_271 = arith.constant 0 : i32
        %dma_wait3A_272 = tpu.memref_slice %arg6[%dma_wait3A_270, %dma_wait3A_271] : memref<16x128xi32, #tpu.memory_space<vmem>> -> memref<1x128xi32, #tpu.memory_space<vmem>>
        %dma_wait3A_273 = tpu.memref_squeeze %dma_wait3A_272 : memref<1x128xi32, #tpu.memory_space<vmem>> -> memref<128xi32, #tpu.memory_space<vmem>>
        %dma_wait3A_274 = arith.constant 0 : i32
        %dma_wait3A_275 = arith.constant 0 : i32
        %dma_wait3A_276 = tpu.memref_slice %arg2[%dma_wait3A_274, %dma_wait3A_275] : memref<10000x128xf32, #tpu.memory_space<hbm>> -> memref<10000x128xf32, #tpu.memory_space<hbm>>
        tpu.wait_indirect_dma semaphore(%arg12 : memref<!tpu.dma_semaphore, #tpu.memory_space<semaphore_mem>>) src(%dma_wait3A_276 : memref<10000x128xf32, #tpu.memory_space<hbm>>) dst(%arg8 : memref<128x128xf32, #tpu.memory_space<vmem>>)
        %dma_start3A_277 = arith.constant 8 : i32
        %dma_start3A_278 = arith.constant 0 : i32
        %dma_start3A_279 = tpu.memref_slice %arg7[%dma_start3A_277, %dma_start3A_278] : memref<16x128xi32, #tpu.memory_space<vmem>> -> memref<1x128xi32, #tpu.memory_space<vmem>>
        %dma_start3A_280 = tpu.memref_squeeze %dma_start3A_279 : memref<1x128xi32, #tpu.memory_space<vmem>> -> memref<128xi32, #tpu.memory_space<vmem>>
        %dma_start3A_281 = arith.constant 0 : i32
        %dma_start3A_282 = arith.constant 0 : i32
        %dma_start3A_283 = tpu.memref_slice %arg10[%dma_start3A_281, %dma_start3A_282] : memref<10240x128xf32, #tpu.memory_space<vmem_shared>> -> memref<10240x128xf32, #tpu.memory_space<vmem_shared>>
        tpu.enqueue_indirect_dma source(%arg8 : memref<128x128xf32, #tpu.memory_space<vmem>>) target(%dma_start3A_283 : memref<10240x128xf32, #tpu.memory_space<vmem_shared>>) offsets(%dma_start3A_280 : memref<128xi32, #tpu.memory_space<vmem>>) semaphore(%arg14 : memref<!tpu.dma_semaphore, #tpu.memory_space<semaphore_mem>>) {add = true}
        %dma_wait3A_284 = arith.constant 7 : i32
        %dma_wait3A_285 = arith.constant 0 : i32
        %dma_wait3A_286 = tpu.memref_slice %arg7[%dma_wait3A_284, %dma_wait3A_285] : memref<16x128xi32, #tpu.memory_space<vmem>> -> memref<1x128xi32, #tpu.memory_space<vmem>>
        %dma_wait3A_287 = tpu.memref_squeeze %dma_wait3A_286 : memref<1x128xi32, #tpu.memory_space<vmem>> -> memref<128xi32, #tpu.memory_space<vmem>>
        %dma_wait3A_288 = arith.constant 0 : i32
        %dma_wait3A_289 = arith.constant 0 : i32
        %dma_wait3A_290 = tpu.memref_slice %arg10[%dma_wait3A_288, %dma_wait3A_289] : memref<10240x128xf32, #tpu.memory_space<vmem_shared>> -> memref<10240x128xf32, #tpu.memory_space<vmem_shared>>
        tpu.wait_indirect_dma semaphore(%arg15 : memref<!tpu.dma_semaphore, #tpu.memory_space<semaphore_mem>>) src(%arg9 : memref<128x128xf32, #tpu.memory_space<vmem>>) dst(%dma_wait3A_290 : memref<10240x128xf32, #tpu.memory_space<vmem_shared>>)
        %dma_start3A_291 = arith.constant 9 : i32
        %dma_start3A_292 = arith.constant 0 : i32
        %dma_start3A_293 = tpu.memref_slice %arg6[%dma_start3A_291, %dma_start3A_292] : memref<16x128xi32, #tpu.memory_space<vmem>> -> memref<1x128xi32, #tpu.memory_space<vmem>>
        %dma_start3A_294 = tpu.memref_squeeze %dma_start3A_293 : memref<1x128xi32, #tpu.memory_space<vmem>> -> memref<128xi32, #tpu.memory_space<vmem>>
        %dma_start3A_295 = arith.constant 0 : i32
        %dma_start3A_296 = arith.constant 0 : i32
        %dma_start3A_297 = tpu.memref_slice %arg2[%dma_start3A_295, %dma_start3A_296] : memref<10000x128xf32, #tpu.memory_space<hbm>> -> memref<10000x128xf32, #tpu.memory_space<hbm>>
        tpu.enqueue_indirect_dma source(%dma_start3A_297 : memref<10000x128xf32, #tpu.memory_space<hbm>>) target(%arg9 : memref<128x128xf32, #tpu.memory_space<vmem>>) offsets(%dma_start3A_294 : memref<128xi32, #tpu.memory_space<vmem>>) semaphore(%arg13 : memref<!tpu.dma_semaphore, #tpu.memory_space<semaphore_mem>>)
        %dma_wait3A_298 = arith.constant 9 : i32
        %dma_wait3A_299 = arith.constant 0 : i32
        %dma_wait3A_300 = tpu.memref_slice %arg6[%dma_wait3A_298, %dma_wait3A_299] : memref<16x128xi32, #tpu.memory_space<vmem>> -> memref<1x128xi32, #tpu.memory_space<vmem>>
        %dma_wait3A_301 = tpu.memref_squeeze %dma_wait3A_300 : memref<1x128xi32, #tpu.memory_space<vmem>> -> memref<128xi32, #tpu.memory_space<vmem>>
        %dma_wait3A_302 = arith.constant 0 : i32
        %dma_wait3A_303 = arith.constant 0 : i32
        %dma_wait3A_304 = tpu.memref_slice %arg2[%dma_wait3A_302, %dma_wait3A_303] : memref<10000x128xf32, #tpu.memory_space<hbm>> -> memref<10000x128xf32, #tpu.memory_space<hbm>>
        tpu.wait_indirect_dma semaphore(%arg13 : memref<!tpu.dma_semaphore, #tpu.memory_space<semaphore_mem>>) src(%dma_wait3A_304 : memref<10000x128xf32, #tpu.memory_space<hbm>>) dst(%arg9 : memref<128x128xf32, #tpu.memory_space<vmem>>)
        %dma_start3A_305 = arith.constant 9 : i32
        %dma_start3A_306 = arith.constant 0 : i32
        %dma_start3A_307 = tpu.memref_slice %arg7[%dma_start3A_305, %dma_start3A_306] : memref<16x128xi32, #tpu.memory_space<vmem>> -> memref<1x128xi32, #tpu.memory_space<vmem>>
        %dma_start3A_308 = tpu.memref_squeeze %dma_start3A_307 : memref<1x128xi32, #tpu.memory_space<vmem>> -> memref<128xi32, #tpu.memory_space<vmem>>
        %dma_start3A_309 = arith.constant 0 : i32
        %dma_start3A_310 = arith.constant 0 : i32
        %dma_start3A_311 = tpu.memref_slice %arg10[%dma_start3A_309, %dma_start3A_310] : memref<10240x128xf32, #tpu.memory_space<vmem_shared>> -> memref<10240x128xf32, #tpu.memory_space<vmem_shared>>
        tpu.enqueue_indirect_dma source(%arg9 : memref<128x128xf32, #tpu.memory_space<vmem>>) target(%dma_start3A_311 : memref<10240x128xf32, #tpu.memory_space<vmem_shared>>) offsets(%dma_start3A_308 : memref<128xi32, #tpu.memory_space<vmem>>) semaphore(%arg15 : memref<!tpu.dma_semaphore, #tpu.memory_space<semaphore_mem>>) {add = true}
        %dma_wait3A_312 = arith.constant 8 : i32
        %dma_wait3A_313 = arith.constant 0 : i32
        %dma_wait3A_314 = tpu.memref_slice %arg7[%dma_wait3A_312, %dma_wait3A_313] : memref<16x128xi32, #tpu.memory_space<vmem>> -> memref<1x128xi32, #tpu.memory_space<vmem>>
        %dma_wait3A_315 = tpu.memref_squeeze %dma_wait3A_314 : memref<1x128xi32, #tpu.memory_space<vmem>> -> memref<128xi32, #tpu.memory_space<vmem>>
        %dma_wait3A_316 = arith.constant 0 : i32
        %dma_wait3A_317 = arith.constant 0 : i32
        %dma_wait3A_318 = tpu.memref_slice %arg10[%dma_wait3A_316, %dma_wait3A_317] : memref<10240x128xf32, #tpu.memory_space<vmem_shared>> -> memref<10240x128xf32, #tpu.memory_space<vmem_shared>>
        tpu.wait_indirect_dma semaphore(%arg14 : memref<!tpu.dma_semaphore, #tpu.memory_space<semaphore_mem>>) src(%arg8 : memref<128x128xf32, #tpu.memory_space<vmem>>) dst(%dma_wait3A_318 : memref<10240x128xf32, #tpu.memory_space<vmem_shared>>)
        %dma_start3A_319 = arith.constant 10 : i32
        %dma_start3A_320 = arith.constant 0 : i32
        %dma_start3A_321 = tpu.memref_slice %arg6[%dma_start3A_319, %dma_start3A_320] : memref<16x128xi32, #tpu.memory_space<vmem>> -> memref<1x128xi32, #tpu.memory_space<vmem>>
        %dma_start3A_322 = tpu.memref_squeeze %dma_start3A_321 : memref<1x128xi32, #tpu.memory_space<vmem>> -> memref<128xi32, #tpu.memory_space<vmem>>
        %dma_start3A_323 = arith.constant 0 : i32
        %dma_start3A_324 = arith.constant 0 : i32
        %dma_start3A_325 = tpu.memref_slice %arg2[%dma_start3A_323, %dma_start3A_324] : memref<10000x128xf32, #tpu.memory_space<hbm>> -> memref<10000x128xf32, #tpu.memory_space<hbm>>
        tpu.enqueue_indirect_dma source(%dma_start3A_325 : memref<10000x128xf32, #tpu.memory_space<hbm>>) target(%arg8 : memref<128x128xf32, #tpu.memory_space<vmem>>) offsets(%dma_start3A_322 : memref<128xi32, #tpu.memory_space<vmem>>) semaphore(%arg12 : memref<!tpu.dma_semaphore, #tpu.memory_space<semaphore_mem>>)
        %dma_wait3A_326 = arith.constant 10 : i32
        %dma_wait3A_327 = arith.constant 0 : i32
        %dma_wait3A_328 = tpu.memref_slice %arg6[%dma_wait3A_326, %dma_wait3A_327] : memref<16x128xi32, #tpu.memory_space<vmem>> -> memref<1x128xi32, #tpu.memory_space<vmem>>
        %dma_wait3A_329 = tpu.memref_squeeze %dma_wait3A_328 : memref<1x128xi32, #tpu.memory_space<vmem>> -> memref<128xi32, #tpu.memory_space<vmem>>
        %dma_wait3A_330 = arith.constant 0 : i32
        %dma_wait3A_331 = arith.constant 0 : i32
        %dma_wait3A_332 = tpu.memref_slice %arg2[%dma_wait3A_330, %dma_wait3A_331] : memref<10000x128xf32, #tpu.memory_space<hbm>> -> memref<10000x128xf32, #tpu.memory_space<hbm>>
        tpu.wait_indirect_dma semaphore(%arg12 : memref<!tpu.dma_semaphore, #tpu.memory_space<semaphore_mem>>) src(%dma_wait3A_332 : memref<10000x128xf32, #tpu.memory_space<hbm>>) dst(%arg8 : memref<128x128xf32, #tpu.memory_space<vmem>>)
        %dma_start3A_333 = arith.constant 10 : i32
        %dma_start3A_334 = arith.constant 0 : i32
        %dma_start3A_335 = tpu.memref_slice %arg7[%dma_start3A_333, %dma_start3A_334] : memref<16x128xi32, #tpu.memory_space<vmem>> -> memref<1x128xi32, #tpu.memory_space<vmem>>
        %dma_start3A_336 = tpu.memref_squeeze %dma_start3A_335 : memref<1x128xi32, #tpu.memory_space<vmem>> -> memref<128xi32, #tpu.memory_space<vmem>>
        %dma_start3A_337 = arith.constant 0 : i32
        %dma_start3A_338 = arith.constant 0 : i32
        %dma_start3A_339 = tpu.memref_slice %arg10[%dma_start3A_337, %dma_start3A_338] : memref<10240x128xf32, #tpu.memory_space<vmem_shared>> -> memref<10240x128xf32, #tpu.memory_space<vmem_shared>>
        tpu.enqueue_indirect_dma source(%arg8 : memref<128x128xf32, #tpu.memory_space<vmem>>) target(%dma_start3A_339 : memref<10240x128xf32, #tpu.memory_space<vmem_shared>>) offsets(%dma_start3A_336 : memref<128xi32, #tpu.memory_space<vmem>>) semaphore(%arg14 : memref<!tpu.dma_semaphore, #tpu.memory_space<semaphore_mem>>) {add = true}
        %dma_wait3A_340 = arith.constant 9 : i32
        %dma_wait3A_341 = arith.constant 0 : i32
        %dma_wait3A_342 = tpu.memref_slice %arg7[%dma_wait3A_340, %dma_wait3A_341] : memref<16x128xi32, #tpu.memory_space<vmem>> -> memref<1x128xi32, #tpu.memory_space<vmem>>
        %dma_wait3A_343 = tpu.memref_squeeze %dma_wait3A_342 : memref<1x128xi32, #tpu.memory_space<vmem>> -> memref<128xi32, #tpu.memory_space<vmem>>
        %dma_wait3A_344 = arith.constant 0 : i32
        %dma_wait3A_345 = arith.constant 0 : i32
        %dma_wait3A_346 = tpu.memref_slice %arg10[%dma_wait3A_344, %dma_wait3A_345] : memref<10240x128xf32, #tpu.memory_space<vmem_shared>> -> memref<10240x128xf32, #tpu.memory_space<vmem_shared>>
        tpu.wait_indirect_dma semaphore(%arg15 : memref<!tpu.dma_semaphore, #tpu.memory_space<semaphore_mem>>) src(%arg9 : memref<128x128xf32, #tpu.memory_space<vmem>>) dst(%dma_wait3A_346 : memref<10240x128xf32, #tpu.memory_space<vmem_shared>>)
        %dma_start3A_347 = arith.constant 11 : i32
        %dma_start3A_348 = arith.constant 0 : i32
        %dma_start3A_349 = tpu.memref_slice %arg6[%dma_start3A_347, %dma_start3A_348] : memref<16x128xi32, #tpu.memory_space<vmem>> -> memref<1x128xi32, #tpu.memory_space<vmem>>
        %dma_start3A_350 = tpu.memref_squeeze %dma_start3A_349 : memref<1x128xi32, #tpu.memory_space<vmem>> -> memref<128xi32, #tpu.memory_space<vmem>>
        %dma_start3A_351 = arith.constant 0 : i32
        %dma_start3A_352 = arith.constant 0 : i32
        %dma_start3A_353 = tpu.memref_slice %arg2[%dma_start3A_351, %dma_start3A_352] : memref<10000x128xf32, #tpu.memory_space<hbm>> -> memref<10000x128xf32, #tpu.memory_space<hbm>>
        tpu.enqueue_indirect_dma source(%dma_start3A_353 : memref<10000x128xf32, #tpu.memory_space<hbm>>) target(%arg9 : memref<128x128xf32, #tpu.memory_space<vmem>>) offsets(%dma_start3A_350 : memref<128xi32, #tpu.memory_space<vmem>>) semaphore(%arg13 : memref<!tpu.dma_semaphore, #tpu.memory_space<semaphore_mem>>)
        %dma_wait3A_354 = arith.constant 11 : i32
        %dma_wait3A_355 = arith.constant 0 : i32
        %dma_wait3A_356 = tpu.memref_slice %arg6[%dma_wait3A_354, %dma_wait3A_355] : memref<16x128xi32, #tpu.memory_space<vmem>> -> memref<1x128xi32, #tpu.memory_space<vmem>>
        %dma_wait3A_357 = tpu.memref_squeeze %dma_wait3A_356 : memref<1x128xi32, #tpu.memory_space<vmem>> -> memref<128xi32, #tpu.memory_space<vmem>>
        %dma_wait3A_358 = arith.constant 0 : i32
        %dma_wait3A_359 = arith.constant 0 : i32
        %dma_wait3A_360 = tpu.memref_slice %arg2[%dma_wait3A_358, %dma_wait3A_359] : memref<10000x128xf32, #tpu.memory_space<hbm>> -> memref<10000x128xf32, #tpu.memory_space<hbm>>
        tpu.wait_indirect_dma semaphore(%arg13 : memref<!tpu.dma_semaphore, #tpu.memory_space<semaphore_mem>>) src(%dma_wait3A_360 : memref<10000x128xf32, #tpu.memory_space<hbm>>) dst(%arg9 : memref<128x128xf32, #tpu.memory_space<vmem>>)
        %dma_start3A_361 = arith.constant 11 : i32
        %dma_start3A_362 = arith.constant 0 : i32
        %dma_start3A_363 = tpu.memref_slice %arg7[%dma_start3A_361, %dma_start3A_362] : memref<16x128xi32, #tpu.memory_space<vmem>> -> memref<1x128xi32, #tpu.memory_space<vmem>>
        %dma_start3A_364 = tpu.memref_squeeze %dma_start3A_363 : memref<1x128xi32, #tpu.memory_space<vmem>> -> memref<128xi32, #tpu.memory_space<vmem>>
        %dma_start3A_365 = arith.constant 0 : i32
        %dma_start3A_366 = arith.constant 0 : i32
        %dma_start3A_367 = tpu.memref_slice %arg10[%dma_start3A_365, %dma_start3A_366] : memref<10240x128xf32, #tpu.memory_space<vmem_shared>> -> memref<10240x128xf32, #tpu.memory_space<vmem_shared>>
        tpu.enqueue_indirect_dma source(%arg9 : memref<128x128xf32, #tpu.memory_space<vmem>>) target(%dma_start3A_367 : memref<10240x128xf32, #tpu.memory_space<vmem_shared>>) offsets(%dma_start3A_364 : memref<128xi32, #tpu.memory_space<vmem>>) semaphore(%arg15 : memref<!tpu.dma_semaphore, #tpu.memory_space<semaphore_mem>>) {add = true}
        %dma_wait3A_368 = arith.constant 10 : i32
        %dma_wait3A_369 = arith.constant 0 : i32
        %dma_wait3A_370 = tpu.memref_slice %arg7[%dma_wait3A_368, %dma_wait3A_369] : memref<16x128xi32, #tpu.memory_space<vmem>> -> memref<1x128xi32, #tpu.memory_space<vmem>>
        %dma_wait3A_371 = tpu.memref_squeeze %dma_wait3A_370 : memref<1x128xi32, #tpu.memory_space<vmem>> -> memref<128xi32, #tpu.memory_space<vmem>>
        %dma_wait3A_372 = arith.constant 0 : i32
        %dma_wait3A_373 = arith.constant 0 : i32
        %dma_wait3A_374 = tpu.memref_slice %arg10[%dma_wait3A_372, %dma_wait3A_373] : memref<10240x128xf32, #tpu.memory_space<vmem_shared>> -> memref<10240x128xf32, #tpu.memory_space<vmem_shared>>
        tpu.wait_indirect_dma semaphore(%arg14 : memref<!tpu.dma_semaphore, #tpu.memory_space<semaphore_mem>>) src(%arg8 : memref<128x128xf32, #tpu.memory_space<vmem>>) dst(%dma_wait3A_374 : memref<10240x128xf32, #tpu.memory_space<vmem_shared>>)
        %dma_start3A_375 = arith.constant 12 : i32
        %dma_start3A_376 = arith.constant 0 : i32
        %dma_start3A_377 = tpu.memref_slice %arg6[%dma_start3A_375, %dma_start3A_376] : memref<16x128xi32, #tpu.memory_space<vmem>> -> memref<1x128xi32, #tpu.memory_space<vmem>>
        %dma_start3A_378 = tpu.memref_squeeze %dma_start3A_377 : memref<1x128xi32, #tpu.memory_space<vmem>> -> memref<128xi32, #tpu.memory_space<vmem>>
        %dma_start3A_379 = arith.constant 0 : i32
        %dma_start3A_380 = arith.constant 0 : i32
        %dma_start3A_381 = tpu.memref_slice %arg2[%dma_start3A_379, %dma_start3A_380] : memref<10000x128xf32, #tpu.memory_space<hbm>> -> memref<10000x128xf32, #tpu.memory_space<hbm>>
        tpu.enqueue_indirect_dma source(%dma_start3A_381 : memref<10000x128xf32, #tpu.memory_space<hbm>>) target(%arg8 : memref<128x128xf32, #tpu.memory_space<vmem>>) offsets(%dma_start3A_378 : memref<128xi32, #tpu.memory_space<vmem>>) semaphore(%arg12 : memref<!tpu.dma_semaphore, #tpu.memory_space<semaphore_mem>>)
        %dma_wait3A_382 = arith.constant 12 : i32
        %dma_wait3A_383 = arith.constant 0 : i32
        %dma_wait3A_384 = tpu.memref_slice %arg6[%dma_wait3A_382, %dma_wait3A_383] : memref<16x128xi32, #tpu.memory_space<vmem>> -> memref<1x128xi32, #tpu.memory_space<vmem>>
        %dma_wait3A_385 = tpu.memref_squeeze %dma_wait3A_384 : memref<1x128xi32, #tpu.memory_space<vmem>> -> memref<128xi32, #tpu.memory_space<vmem>>
        %dma_wait3A_386 = arith.constant 0 : i32
        %dma_wait3A_387 = arith.constant 0 : i32
        %dma_wait3A_388 = tpu.memref_slice %arg2[%dma_wait3A_386, %dma_wait3A_387] : memref<10000x128xf32, #tpu.memory_space<hbm>> -> memref<10000x128xf32, #tpu.memory_space<hbm>>
        tpu.wait_indirect_dma semaphore(%arg12 : memref<!tpu.dma_semaphore, #tpu.memory_space<semaphore_mem>>) src(%dma_wait3A_388 : memref<10000x128xf32, #tpu.memory_space<hbm>>) dst(%arg8 : memref<128x128xf32, #tpu.memory_space<vmem>>)
        %dma_start3A_389 = arith.constant 12 : i32
        %dma_start3A_390 = arith.constant 0 : i32
        %dma_start3A_391 = tpu.memref_slice %arg7[%dma_start3A_389, %dma_start3A_390] : memref<16x128xi32, #tpu.memory_space<vmem>> -> memref<1x128xi32, #tpu.memory_space<vmem>>
        %dma_start3A_392 = tpu.memref_squeeze %dma_start3A_391 : memref<1x128xi32, #tpu.memory_space<vmem>> -> memref<128xi32, #tpu.memory_space<vmem>>
        %dma_start3A_393 = arith.constant 0 : i32
        %dma_start3A_394 = arith.constant 0 : i32
        %dma_start3A_395 = tpu.memref_slice %arg10[%dma_start3A_393, %dma_start3A_394] : memref<10240x128xf32, #tpu.memory_space<vmem_shared>> -> memref<10240x128xf32, #tpu.memory_space<vmem_shared>>
        tpu.enqueue_indirect_dma source(%arg8 : memref<128x128xf32, #tpu.memory_space<vmem>>) target(%dma_start3A_395 : memref<10240x128xf32, #tpu.memory_space<vmem_shared>>) offsets(%dma_start3A_392 : memref<128xi32, #tpu.memory_space<vmem>>) semaphore(%arg14 : memref<!tpu.dma_semaphore, #tpu.memory_space<semaphore_mem>>) {add = true}
        %dma_wait3A_396 = arith.constant 11 : i32
        %dma_wait3A_397 = arith.constant 0 : i32
        %dma_wait3A_398 = tpu.memref_slice %arg7[%dma_wait3A_396, %dma_wait3A_397] : memref<16x128xi32, #tpu.memory_space<vmem>> -> memref<1x128xi32, #tpu.memory_space<vmem>>
        %dma_wait3A_399 = tpu.memref_squeeze %dma_wait3A_398 : memref<1x128xi32, #tpu.memory_space<vmem>> -> memref<128xi32, #tpu.memory_space<vmem>>
        %dma_wait3A_400 = arith.constant 0 : i32
        %dma_wait3A_401 = arith.constant 0 : i32
        %dma_wait3A_402 = tpu.memref_slice %arg10[%dma_wait3A_400, %dma_wait3A_401] : memref<10240x128xf32, #tpu.memory_space<vmem_shared>> -> memref<10240x128xf32, #tpu.memory_space<vmem_shared>>
        tpu.wait_indirect_dma semaphore(%arg15 : memref<!tpu.dma_semaphore, #tpu.memory_space<semaphore_mem>>) src(%arg9 : memref<128x128xf32, #tpu.memory_space<vmem>>) dst(%dma_wait3A_402 : memref<10240x128xf32, #tpu.memory_space<vmem_shared>>)
        %dma_start3A_403 = arith.constant 13 : i32
        %dma_start3A_404 = arith.constant 0 : i32
        %dma_start3A_405 = tpu.memref_slice %arg6[%dma_start3A_403, %dma_start3A_404] : memref<16x128xi32, #tpu.memory_space<vmem>> -> memref<1x128xi32, #tpu.memory_space<vmem>>
        %dma_start3A_406 = tpu.memref_squeeze %dma_start3A_405 : memref<1x128xi32, #tpu.memory_space<vmem>> -> memref<128xi32, #tpu.memory_space<vmem>>
        %dma_start3A_407 = arith.constant 0 : i32
        %dma_start3A_408 = arith.constant 0 : i32
        %dma_start3A_409 = tpu.memref_slice %arg2[%dma_start3A_407, %dma_start3A_408] : memref<10000x128xf32, #tpu.memory_space<hbm>> -> memref<10000x128xf32, #tpu.memory_space<hbm>>
        tpu.enqueue_indirect_dma source(%dma_start3A_409 : memref<10000x128xf32, #tpu.memory_space<hbm>>) target(%arg9 : memref<128x128xf32, #tpu.memory_space<vmem>>) offsets(%dma_start3A_406 : memref<128xi32, #tpu.memory_space<vmem>>) semaphore(%arg13 : memref<!tpu.dma_semaphore, #tpu.memory_space<semaphore_mem>>)
        %dma_wait3A_410 = arith.constant 13 : i32
        %dma_wait3A_411 = arith.constant 0 : i32
        %dma_wait3A_412 = tpu.memref_slice %arg6[%dma_wait3A_410, %dma_wait3A_411] : memref<16x128xi32, #tpu.memory_space<vmem>> -> memref<1x128xi32, #tpu.memory_space<vmem>>
        %dma_wait3A_413 = tpu.memref_squeeze %dma_wait3A_412 : memref<1x128xi32, #tpu.memory_space<vmem>> -> memref<128xi32, #tpu.memory_space<vmem>>
        %dma_wait3A_414 = arith.constant 0 : i32
        %dma_wait3A_415 = arith.constant 0 : i32
        %dma_wait3A_416 = tpu.memref_slice %arg2[%dma_wait3A_414, %dma_wait3A_415] : memref<10000x128xf32, #tpu.memory_space<hbm>> -> memref<10000x128xf32, #tpu.memory_space<hbm>>
        tpu.wait_indirect_dma semaphore(%arg13 : memref<!tpu.dma_semaphore, #tpu.memory_space<semaphore_mem>>) src(%dma_wait3A_416 : memref<10000x128xf32, #tpu.memory_space<hbm>>) dst(%arg9 : memref<128x128xf32, #tpu.memory_space<vmem>>)
        %dma_start3A_417 = arith.constant 13 : i32
        %dma_start3A_418 = arith.constant 0 : i32
        %dma_start3A_419 = tpu.memref_slice %arg7[%dma_start3A_417, %dma_start3A_418] : memref<16x128xi32, #tpu.memory_space<vmem>> -> memref<1x128xi32, #tpu.memory_space<vmem>>
        %dma_start3A_420 = tpu.memref_squeeze %dma_start3A_419 : memref<1x128xi32, #tpu.memory_space<vmem>> -> memref<128xi32, #tpu.memory_space<vmem>>
        %dma_start3A_421 = arith.constant 0 : i32
        %dma_start3A_422 = arith.constant 0 : i32
        %dma_start3A_423 = tpu.memref_slice %arg10[%dma_start3A_421, %dma_start3A_422] : memref<10240x128xf32, #tpu.memory_space<vmem_shared>> -> memref<10240x128xf32, #tpu.memory_space<vmem_shared>>
        tpu.enqueue_indirect_dma source(%arg9 : memref<128x128xf32, #tpu.memory_space<vmem>>) target(%dma_start3A_423 : memref<10240x128xf32, #tpu.memory_space<vmem_shared>>) offsets(%dma_start3A_420 : memref<128xi32, #tpu.memory_space<vmem>>) semaphore(%arg15 : memref<!tpu.dma_semaphore, #tpu.memory_space<semaphore_mem>>) {add = true}
        %dma_wait3A_424 = arith.constant 12 : i32
        %dma_wait3A_425 = arith.constant 0 : i32
        %dma_wait3A_426 = tpu.memref_slice %arg7[%dma_wait3A_424, %dma_wait3A_425] : memref<16x128xi32, #tpu.memory_space<vmem>> -> memref<1x128xi32, #tpu.memory_space<vmem>>
        %dma_wait3A_427 = tpu.memref_squeeze %dma_wait3A_426 : memref<1x128xi32, #tpu.memory_space<vmem>> -> memref<128xi32, #tpu.memory_space<vmem>>
        %dma_wait3A_428 = arith.constant 0 : i32
        %dma_wait3A_429 = arith.constant 0 : i32
        %dma_wait3A_430 = tpu.memref_slice %arg10[%dma_wait3A_428, %dma_wait3A_429] : memref<10240x128xf32, #tpu.memory_space<vmem_shared>> -> memref<10240x128xf32, #tpu.memory_space<vmem_shared>>
        tpu.wait_indirect_dma semaphore(%arg14 : memref<!tpu.dma_semaphore, #tpu.memory_space<semaphore_mem>>) src(%arg8 : memref<128x128xf32, #tpu.memory_space<vmem>>) dst(%dma_wait3A_430 : memref<10240x128xf32, #tpu.memory_space<vmem_shared>>)
        %dma_start3A_431 = arith.constant 14 : i32
        %dma_start3A_432 = arith.constant 0 : i32
        %dma_start3A_433 = tpu.memref_slice %arg6[%dma_start3A_431, %dma_start3A_432] : memref<16x128xi32, #tpu.memory_space<vmem>> -> memref<1x128xi32, #tpu.memory_space<vmem>>
        %dma_start3A_434 = tpu.memref_squeeze %dma_start3A_433 : memref<1x128xi32, #tpu.memory_space<vmem>> -> memref<128xi32, #tpu.memory_space<vmem>>
        %dma_start3A_435 = arith.constant 0 : i32
        %dma_start3A_436 = arith.constant 0 : i32
        %dma_start3A_437 = tpu.memref_slice %arg2[%dma_start3A_435, %dma_start3A_436] : memref<10000x128xf32, #tpu.memory_space<hbm>> -> memref<10000x128xf32, #tpu.memory_space<hbm>>
        tpu.enqueue_indirect_dma source(%dma_start3A_437 : memref<10000x128xf32, #tpu.memory_space<hbm>>) target(%arg8 : memref<128x128xf32, #tpu.memory_space<vmem>>) offsets(%dma_start3A_434 : memref<128xi32, #tpu.memory_space<vmem>>) semaphore(%arg12 : memref<!tpu.dma_semaphore, #tpu.memory_space<semaphore_mem>>)
        %dma_wait3A_438 = arith.constant 14 : i32
        %dma_wait3A_439 = arith.constant 0 : i32
        %dma_wait3A_440 = tpu.memref_slice %arg6[%dma_wait3A_438, %dma_wait3A_439] : memref<16x128xi32, #tpu.memory_space<vmem>> -> memref<1x128xi32, #tpu.memory_space<vmem>>
        %dma_wait3A_441 = tpu.memref_squeeze %dma_wait3A_440 : memref<1x128xi32, #tpu.memory_space<vmem>> -> memref<128xi32, #tpu.memory_space<vmem>>
        %dma_wait3A_442 = arith.constant 0 : i32
        %dma_wait3A_443 = arith.constant 0 : i32
        %dma_wait3A_444 = tpu.memref_slice %arg2[%dma_wait3A_442, %dma_wait3A_443] : memref<10000x128xf32, #tpu.memory_space<hbm>> -> memref<10000x128xf32, #tpu.memory_space<hbm>>
        tpu.wait_indirect_dma semaphore(%arg12 : memref<!tpu.dma_semaphore, #tpu.memory_space<semaphore_mem>>) src(%dma_wait3A_444 : memref<10000x128xf32, #tpu.memory_space<hbm>>) dst(%arg8 : memref<128x128xf32, #tpu.memory_space<vmem>>)
        %dma_start3A_445 = arith.constant 14 : i32
        %dma_start3A_446 = arith.constant 0 : i32
        %dma_start3A_447 = tpu.memref_slice %arg7[%dma_start3A_445, %dma_start3A_446] : memref<16x128xi32, #tpu.memory_space<vmem>> -> memref<1x128xi32, #tpu.memory_space<vmem>>
        %dma_start3A_448 = tpu.memref_squeeze %dma_start3A_447 : memref<1x128xi32, #tpu.memory_space<vmem>> -> memref<128xi32, #tpu.memory_space<vmem>>
        %dma_start3A_449 = arith.constant 0 : i32
        %dma_start3A_450 = arith.constant 0 : i32
        %dma_start3A_451 = tpu.memref_slice %arg10[%dma_start3A_449, %dma_start3A_450] : memref<10240x128xf32, #tpu.memory_space<vmem_shared>> -> memref<10240x128xf32, #tpu.memory_space<vmem_shared>>
        tpu.enqueue_indirect_dma source(%arg8 : memref<128x128xf32, #tpu.memory_space<vmem>>) target(%dma_start3A_451 : memref<10240x128xf32, #tpu.memory_space<vmem_shared>>) offsets(%dma_start3A_448 : memref<128xi32, #tpu.memory_space<vmem>>) semaphore(%arg14 : memref<!tpu.dma_semaphore, #tpu.memory_space<semaphore_mem>>) {add = true}
        %dma_wait3A_452 = arith.constant 13 : i32
        %dma_wait3A_453 = arith.constant 0 : i32
        %dma_wait3A_454 = tpu.memref_slice %arg7[%dma_wait3A_452, %dma_wait3A_453] : memref<16x128xi32, #tpu.memory_space<vmem>> -> memref<1x128xi32, #tpu.memory_space<vmem>>
        %dma_wait3A_455 = tpu.memref_squeeze %dma_wait3A_454 : memref<1x128xi32, #tpu.memory_space<vmem>> -> memref<128xi32, #tpu.memory_space<vmem>>
        %dma_wait3A_456 = arith.constant 0 : i32
        %dma_wait3A_457 = arith.constant 0 : i32
        %dma_wait3A_458 = tpu.memref_slice %arg10[%dma_wait3A_456, %dma_wait3A_457] : memref<10240x128xf32, #tpu.memory_space<vmem_shared>> -> memref<10240x128xf32, #tpu.memory_space<vmem_shared>>
        tpu.wait_indirect_dma semaphore(%arg15 : memref<!tpu.dma_semaphore, #tpu.memory_space<semaphore_mem>>) src(%arg9 : memref<128x128xf32, #tpu.memory_space<vmem>>) dst(%dma_wait3A_458 : memref<10240x128xf32, #tpu.memory_space<vmem_shared>>)
        %dma_start3A_459 = arith.constant 15 : i32
        %dma_start3A_460 = arith.constant 0 : i32
        %dma_start3A_461 = tpu.memref_slice %arg6[%dma_start3A_459, %dma_start3A_460] : memref<16x128xi32, #tpu.memory_space<vmem>> -> memref<1x128xi32, #tpu.memory_space<vmem>>
        %dma_start3A_462 = tpu.memref_squeeze %dma_start3A_461 : memref<1x128xi32, #tpu.memory_space<vmem>> -> memref<128xi32, #tpu.memory_space<vmem>>
        %dma_start3A_463 = arith.constant 0 : i32
        %dma_start3A_464 = arith.constant 0 : i32
        %dma_start3A_465 = tpu.memref_slice %arg2[%dma_start3A_463, %dma_start3A_464] : memref<10000x128xf32, #tpu.memory_space<hbm>> -> memref<10000x128xf32, #tpu.memory_space<hbm>>
        tpu.enqueue_indirect_dma source(%dma_start3A_465 : memref<10000x128xf32, #tpu.memory_space<hbm>>) target(%arg9 : memref<128x128xf32, #tpu.memory_space<vmem>>) offsets(%dma_start3A_462 : memref<128xi32, #tpu.memory_space<vmem>>) semaphore(%arg13 : memref<!tpu.dma_semaphore, #tpu.memory_space<semaphore_mem>>)
        %dma_wait3A_466 = arith.constant 15 : i32
        %dma_wait3A_467 = arith.constant 0 : i32
        %dma_wait3A_468 = tpu.memref_slice %arg6[%dma_wait3A_466, %dma_wait3A_467] : memref<16x128xi32, #tpu.memory_space<vmem>> -> memref<1x128xi32, #tpu.memory_space<vmem>>
        %dma_wait3A_469 = tpu.memref_squeeze %dma_wait3A_468 : memref<1x128xi32, #tpu.memory_space<vmem>> -> memref<128xi32, #tpu.memory_space<vmem>>
        %dma_wait3A_470 = arith.constant 0 : i32
        %dma_wait3A_471 = arith.constant 0 : i32
        %dma_wait3A_472 = tpu.memref_slice %arg2[%dma_wait3A_470, %dma_wait3A_471] : memref<10000x128xf32, #tpu.memory_space<hbm>> -> memref<10000x128xf32, #tpu.memory_space<hbm>>
        tpu.wait_indirect_dma semaphore(%arg13 : memref<!tpu.dma_semaphore, #tpu.memory_space<semaphore_mem>>) src(%dma_wait3A_472 : memref<10000x128xf32, #tpu.memory_space<hbm>>) dst(%arg9 : memref<128x128xf32, #tpu.memory_space<vmem>>)
        %dma_start3A_473 = arith.constant 15 : i32
        %dma_start3A_474 = arith.constant 0 : i32
        %dma_start3A_475 = tpu.memref_slice %arg7[%dma_start3A_473, %dma_start3A_474] : memref<16x128xi32, #tpu.memory_space<vmem>> -> memref<1x128xi32, #tpu.memory_space<vmem>>
        %dma_start3A_476 = tpu.memref_squeeze %dma_start3A_475 : memref<1x128xi32, #tpu.memory_space<vmem>> -> memref<128xi32, #tpu.memory_space<vmem>>
        %dma_start3A_477 = arith.constant 0 : i32
        %dma_start3A_478 = arith.constant 0 : i32
        %dma_start3A_479 = tpu.memref_slice %arg10[%dma_start3A_477, %dma_start3A_478] : memref<10240x128xf32, #tpu.memory_space<vmem_shared>> -> memref<10240x128xf32, #tpu.memory_space<vmem_shared>>
        tpu.enqueue_indirect_dma source(%arg9 : memref<128x128xf32, #tpu.memory_space<vmem>>) target(%dma_start3A_479 : memref<10240x128xf32, #tpu.memory_space<vmem_shared>>) offsets(%dma_start3A_476 : memref<128xi32, #tpu.memory_space<vmem>>) semaphore(%arg15 : memref<!tpu.dma_semaphore, #tpu.memory_space<semaphore_mem>>) {add = true}
        %dma_wait3A_480 = arith.constant 14 : i32
        %dma_wait3A_481 = arith.constant 0 : i32
        %dma_wait3A_482 = tpu.memref_slice %arg7[%dma_wait3A_480, %dma_wait3A_481] : memref<16x128xi32, #tpu.memory_space<vmem>> -> memref<1x128xi32, #tpu.memory_space<vmem>>
        %dma_wait3A_483 = tpu.memref_squeeze %dma_wait3A_482 : memref<1x128xi32, #tpu.memory_space<vmem>> -> memref<128xi32, #tpu.memory_space<vmem>>
        %dma_wait3A_484 = arith.constant 0 : i32
        %dma_wait3A_485 = arith.constant 0 : i32
        %dma_wait3A_486 = tpu.memref_slice %arg10[%dma_wait3A_484, %dma_wait3A_485] : memref<10240x128xf32, #tpu.memory_space<vmem_shared>> -> memref<10240x128xf32, #tpu.memory_space<vmem_shared>>
        tpu.wait_indirect_dma semaphore(%arg14 : memref<!tpu.dma_semaphore, #tpu.memory_space<semaphore_mem>>) src(%arg8 : memref<128x128xf32, #tpu.memory_space<vmem>>) dst(%dma_wait3A_486 : memref<10240x128xf32, #tpu.memory_space<vmem_shared>>)
        %dma_wait3A_487 = arith.constant 15 : i32
        %dma_wait3A_488 = arith.constant 0 : i32
        %dma_wait3A_489 = tpu.memref_slice %arg7[%dma_wait3A_487, %dma_wait3A_488] : memref<16x128xi32, #tpu.memory_space<vmem>> -> memref<1x128xi32, #tpu.memory_space<vmem>>
        %dma_wait3A_490 = tpu.memref_squeeze %dma_wait3A_489 : memref<1x128xi32, #tpu.memory_space<vmem>> -> memref<128xi32, #tpu.memory_space<vmem>>
        %dma_wait3A_491 = arith.constant 0 : i32
        %dma_wait3A_492 = arith.constant 0 : i32
        %dma_wait3A_493 = tpu.memref_slice %arg10[%dma_wait3A_491, %dma_wait3A_492] : memref<10240x128xf32, #tpu.memory_space<vmem_shared>> -> memref<10240x128xf32, #tpu.memory_space<vmem_shared>>
        tpu.wait_indirect_dma semaphore(%arg15 : memref<!tpu.dma_semaphore, #tpu.memory_space<semaphore_mem>>) src(%arg9 : memref<128x128xf32, #tpu.memory_space<vmem>>) dst(%dma_wait3A_493 : memref<10240x128xf32, #tpu.memory_space<vmem_shared>>)
      }
      %scan3A_26 = arith.constant 7 : i32
    } else {
    }
    %eq3A_11 = arith.constant 1 : i32
    %eq3A_12 = arith.cmpi eq, %arg0, %eq3A_11 : i32
    %convert_element_type3A_13 = arith.extui %eq3A_12 : i1 to i32
    %cond3A_14 = arith.constant 0 : i32
    %cond3A_15 = arith.cmpi ne, %convert_element_type3A_13, %cond3A_14 : i32
    scf.if %cond3A_15 {
      %mul3A_20 = arith.constant 48 : i32
      %mul3A_21 = arith.muli %arg1, %mul3A_20 : i32
      %add3A = arith.constant 1792 : i32
      %add3A_22 = arith.addi %add3A, %mul3A_21 : i32
      %scan3A_23 = arith.constant 0 : i32
      %scan3A_24 = arith.constant 3 : i32
      %scan3A_25 = arith.addi %scan3A_23, %scan3A_24 : i32
      %scan3A_26 = arith.constant 1 : i32
      scf.for %scan3A_28 = %scan3A_23 to %scan3A_25 step %scan3A_26  : i32 {
        %mul3A_29 = arith.constant 16 : i32
        %mul3A_30 = arith.muli %scan3A_28, %mul3A_29 : i32
        %add3A_31 = arith.constant 0 : i32
        %add3A_32 = arith.addi %add3A_31, %mul3A_30 : i32
        %add3A_33 = arith.addi %add3A_22, %add3A_32 : i32
        %dma_start3A = arith.constant 0 : i32
        %dma_start3A_34 = tpu.memref_slice %arg3[%add3A_33, %dma_start3A] : memref<2560x128xi32, #tpu.memory_space<hbm>> -> memref<16x128xi32, #tpu.memory_space<hbm>>
        %dma_start3A_35 = arith.constant 0 : i32
        %dma_start3A_36 = tpu.memref_slice %arg3[%add3A_33, %dma_start3A_35] : memref<2560x128xi32, #tpu.memory_space<hbm>> -> memref<16x128xi32, #tpu.memory_space<hbm>>
        tpu.enqueue_dma source(%dma_start3A_36 : memref<16x128xi32, #tpu.memory_space<hbm>>) target(%arg6 : memref<16x128xi32, #tpu.memory_space<vmem>>) target_semaphore(%arg11 : memref<!tpu.dma_semaphore, #tpu.memory_space<semaphore_mem>>)
        %dma_wait3A = arith.constant 0 : i32
        %dma_wait3A_37 = tpu.memref_slice %arg3[%add3A_33, %dma_wait3A] : memref<2560x128xi32, #tpu.memory_space<hbm>> -> memref<16x128xi32, #tpu.memory_space<hbm>>
        %dma_wait3A_38 = arith.constant 0 : i32
        %dma_wait3A_39 = tpu.memref_slice %arg3[%add3A_33, %dma_wait3A_38] : memref<2560x128xi32, #tpu.memory_space<hbm>> -> memref<16x128xi32, #tpu.memory_space<hbm>>
        tpu.wait_dma2 semaphore(%arg11 : memref<!tpu.dma_semaphore, #tpu.memory_space<semaphore_mem>>) src(%dma_wait3A_39 : memref<16x128xi32, #tpu.memory_space<hbm>>) dst(%arg6 : memref<16x128xi32, #tpu.memory_space<vmem>>)
        %dma_start3A_40 = arith.constant 0 : i32
        %dma_start3A_41 = tpu.memref_slice %arg4[%add3A_33, %dma_start3A_40] : memref<2560x128xi32, #tpu.memory_space<hbm>> -> memref<16x128xi32, #tpu.memory_space<hbm>>
        %dma_start3A_42 = arith.constant 0 : i32
        %dma_start3A_43 = tpu.memref_slice %arg4[%add3A_33, %dma_start3A_42] : memref<2560x128xi32, #tpu.memory_space<hbm>> -> memref<16x128xi32, #tpu.memory_space<hbm>>
        tpu.enqueue_dma source(%dma_start3A_43 : memref<16x128xi32, #tpu.memory_space<hbm>>) target(%arg7 : memref<16x128xi32, #tpu.memory_space<vmem>>) target_semaphore(%arg11 : memref<!tpu.dma_semaphore, #tpu.memory_space<semaphore_mem>>)
        %dma_wait3A_44 = arith.constant 0 : i32
        %dma_wait3A_45 = tpu.memref_slice %arg4[%add3A_33, %dma_wait3A_44] : memref<2560x128xi32, #tpu.memory_space<hbm>> -> memref<16x128xi32, #tpu.memory_space<hbm>>
        %dma_wait3A_46 = arith.constant 0 : i32
        %dma_wait3A_47 = tpu.memref_slice %arg4[%add3A_33, %dma_wait3A_46] : memref<2560x128xi32, #tpu.memory_space<hbm>> -> memref<16x128xi32, #tpu.memory_space<hbm>>
        tpu.wait_dma2 semaphore(%arg11 : memref<!tpu.dma_semaphore, #tpu.memory_space<semaphore_mem>>) src(%dma_wait3A_47 : memref<16x128xi32, #tpu.memory_space<hbm>>) dst(%arg7 : memref<16x128xi32, #tpu.memory_space<vmem>>)
        %dma_start3A_48 = arith.constant 0 : i32
        %dma_start3A_49 = arith.constant 0 : i32
        %dma_start3A_50 = tpu.memref_slice %arg6[%dma_start3A_48, %dma_start3A_49] : memref<16x128xi32, #tpu.memory_space<vmem>> -> memref<1x128xi32, #tpu.memory_space<vmem>>
        %dma_start3A_51 = tpu.memref_squeeze %dma_start3A_50 : memref<1x128xi32, #tpu.memory_space<vmem>> -> memref<128xi32, #tpu.memory_space<vmem>>
        %dma_start3A_52 = arith.constant 0 : i32
        %dma_start3A_53 = arith.constant 0 : i32
        %dma_start3A_54 = tpu.memref_slice %arg2[%dma_start3A_52, %dma_start3A_53] : memref<10000x128xf32, #tpu.memory_space<hbm>> -> memref<10000x128xf32, #tpu.memory_space<hbm>>
        tpu.enqueue_indirect_dma source(%dma_start3A_54 : memref<10000x128xf32, #tpu.memory_space<hbm>>) target(%arg8 : memref<128x128xf32, #tpu.memory_space<vmem>>) offsets(%dma_start3A_51 : memref<128xi32, #tpu.memory_space<vmem>>) semaphore(%arg12 : memref<!tpu.dma_semaphore, #tpu.memory_space<semaphore_mem>>)
        %dma_wait3A_55 = arith.constant 0 : i32
        %dma_wait3A_56 = arith.constant 0 : i32
        %dma_wait3A_57 = tpu.memref_slice %arg6[%dma_wait3A_55, %dma_wait3A_56] : memref<16x128xi32, #tpu.memory_space<vmem>> -> memref<1x128xi32, #tpu.memory_space<vmem>>
        %dma_wait3A_58 = tpu.memref_squeeze %dma_wait3A_57 : memref<1x128xi32, #tpu.memory_space<vmem>> -> memref<128xi32, #tpu.memory_space<vmem>>
        %dma_wait3A_59 = arith.constant 0 : i32
        %dma_wait3A_60 = arith.constant 0 : i32
        %dma_wait3A_61 = tpu.memref_slice %arg2[%dma_wait3A_59, %dma_wait3A_60] : memref<10000x128xf32, #tpu.memory_space<hbm>> -> memref<10000x128xf32, #tpu.memory_space<hbm>>
        tpu.wait_indirect_dma semaphore(%arg12 : memref<!tpu.dma_semaphore, #tpu.memory_space<semaphore_mem>>) src(%dma_wait3A_61 : memref<10000x128xf32, #tpu.memory_space<hbm>>) dst(%arg8 : memref<128x128xf32, #tpu.memory_space<vmem>>)
        %dma_start3A_62 = arith.constant 0 : i32
        %dma_start3A_63 = arith.constant 0 : i32
        %dma_start3A_64 = tpu.memref_slice %arg7[%dma_start3A_62, %dma_start3A_63] : memref<16x128xi32, #tpu.memory_space<vmem>> -> memref<1x128xi32, #tpu.memory_space<vmem>>
        %dma_start3A_65 = tpu.memref_squeeze %dma_start3A_64 : memref<1x128xi32, #tpu.memory_space<vmem>> -> memref<128xi32, #tpu.memory_space<vmem>>
        %dma_start3A_66 = arith.constant 0 : i32
        %dma_start3A_67 = arith.constant 0 : i32
        %dma_start3A_68 = tpu.memref_slice %arg10[%dma_start3A_66, %dma_start3A_67] : memref<10240x128xf32, #tpu.memory_space<vmem_shared>> -> memref<10240x128xf32, #tpu.memory_space<vmem_shared>>
        tpu.enqueue_indirect_dma source(%arg8 : memref<128x128xf32, #tpu.memory_space<vmem>>) target(%dma_start3A_68 : memref<10240x128xf32, #tpu.memory_space<vmem_shared>>) offsets(%dma_start3A_65 : memref<128xi32, #tpu.memory_space<vmem>>) semaphore(%arg14 : memref<!tpu.dma_semaphore, #tpu.memory_space<semaphore_mem>>) {add = true}
        %dma_start3A_69 = arith.constant 1 : i32
        %dma_start3A_70 = arith.constant 0 : i32
        %dma_start3A_71 = tpu.memref_slice %arg6[%dma_start3A_69, %dma_start3A_70] : memref<16x128xi32, #tpu.memory_space<vmem>> -> memref<1x128xi32, #tpu.memory_space<vmem>>
        %dma_start3A_72 = tpu.memref_squeeze %dma_start3A_71 : memref<1x128xi32, #tpu.memory_space<vmem>> -> memref<128xi32, #tpu.memory_space<vmem>>
        %dma_start3A_73 = arith.constant 0 : i32
        %dma_start3A_74 = arith.constant 0 : i32
        %dma_start3A_75 = tpu.memref_slice %arg2[%dma_start3A_73, %dma_start3A_74] : memref<10000x128xf32, #tpu.memory_space<hbm>> -> memref<10000x128xf32, #tpu.memory_space<hbm>>
        tpu.enqueue_indirect_dma source(%dma_start3A_75 : memref<10000x128xf32, #tpu.memory_space<hbm>>) target(%arg9 : memref<128x128xf32, #tpu.memory_space<vmem>>) offsets(%dma_start3A_72 : memref<128xi32, #tpu.memory_space<vmem>>) semaphore(%arg13 : memref<!tpu.dma_semaphore, #tpu.memory_space<semaphore_mem>>)
        %dma_wait3A_76 = arith.constant 1 : i32
        %dma_wait3A_77 = arith.constant 0 : i32
        %dma_wait3A_78 = tpu.memref_slice %arg6[%dma_wait3A_76, %dma_wait3A_77] : memref<16x128xi32, #tpu.memory_space<vmem>> -> memref<1x128xi32, #tpu.memory_space<vmem>>
        %dma_wait3A_79 = tpu.memref_squeeze %dma_wait3A_78 : memref<1x128xi32, #tpu.memory_space<vmem>> -> memref<128xi32, #tpu.memory_space<vmem>>
        %dma_wait3A_80 = arith.constant 0 : i32
        %dma_wait3A_81 = arith.constant 0 : i32
        %dma_wait3A_82 = tpu.memref_slice %arg2[%dma_wait3A_80, %dma_wait3A_81] : memref<10000x128xf32, #tpu.memory_space<hbm>> -> memref<10000x128xf32, #tpu.memory_space<hbm>>
        tpu.wait_indirect_dma semaphore(%arg13 : memref<!tpu.dma_semaphore, #tpu.memory_space<semaphore_mem>>) src(%dma_wait3A_82 : memref<10000x128xf32, #tpu.memory_space<hbm>>) dst(%arg9 : memref<128x128xf32, #tpu.memory_space<vmem>>)
        %dma_start3A_83 = arith.constant 1 : i32
        %dma_start3A_84 = arith.constant 0 : i32
        %dma_start3A_85 = tpu.memref_slice %arg7[%dma_start3A_83, %dma_start3A_84] : memref<16x128xi32, #tpu.memory_space<vmem>> -> memref<1x128xi32, #tpu.memory_space<vmem>>
        %dma_start3A_86 = tpu.memref_squeeze %dma_start3A_85 : memref<1x128xi32, #tpu.memory_space<vmem>> -> memref<128xi32, #tpu.memory_space<vmem>>
        %dma_start3A_87 = arith.constant 0 : i32
        %dma_start3A_88 = arith.constant 0 : i32
        %dma_start3A_89 = tpu.memref_slice %arg10[%dma_start3A_87, %dma_start3A_88] : memref<10240x128xf32, #tpu.memory_space<vmem_shared>> -> memref<10240x128xf32, #tpu.memory_space<vmem_shared>>
        tpu.enqueue_indirect_dma source(%arg9 : memref<128x128xf32, #tpu.memory_space<vmem>>) target(%dma_start3A_89 : memref<10240x128xf32, #tpu.memory_space<vmem_shared>>) offsets(%dma_start3A_86 : memref<128xi32, #tpu.memory_space<vmem>>) semaphore(%arg15 : memref<!tpu.dma_semaphore, #tpu.memory_space<semaphore_mem>>) {add = true}
        %dma_wait3A_90 = arith.constant 0 : i32
        %dma_wait3A_91 = arith.constant 0 : i32
        %dma_wait3A_92 = tpu.memref_slice %arg7[%dma_wait3A_90, %dma_wait3A_91] : memref<16x128xi32, #tpu.memory_space<vmem>> -> memref<1x128xi32, #tpu.memory_space<vmem>>
        %dma_wait3A_93 = tpu.memref_squeeze %dma_wait3A_92 : memref<1x128xi32, #tpu.memory_space<vmem>> -> memref<128xi32, #tpu.memory_space<vmem>>
        %dma_wait3A_94 = arith.constant 0 : i32
        %dma_wait3A_95 = arith.constant 0 : i32
        %dma_wait3A_96 = tpu.memref_slice %arg10[%dma_wait3A_94, %dma_wait3A_95] : memref<10240x128xf32, #tpu.memory_space<vmem_shared>> -> memref<10240x128xf32, #tpu.memory_space<vmem_shared>>
        tpu.wait_indirect_dma semaphore(%arg14 : memref<!tpu.dma_semaphore, #tpu.memory_space<semaphore_mem>>) src(%arg8 : memref<128x128xf32, #tpu.memory_space<vmem>>) dst(%dma_wait3A_96 : memref<10240x128xf32, #tpu.memory_space<vmem_shared>>)
        %dma_start3A_97 = arith.constant 2 : i32
        %dma_start3A_98 = arith.constant 0 : i32
        %dma_start3A_99 = tpu.memref_slice %arg6[%dma_start3A_97, %dma_start3A_98] : memref<16x128xi32, #tpu.memory_space<vmem>> -> memref<1x128xi32, #tpu.memory_space<vmem>>
        %dma_start3A_100 = tpu.memref_squeeze %dma_start3A_99 : memref<1x128xi32, #tpu.memory_space<vmem>> -> memref<128xi32, #tpu.memory_space<vmem>>
        %dma_start3A_101 = arith.constant 0 : i32
        %dma_start3A_102 = arith.constant 0 : i32
        %dma_start3A_103 = tpu.memref_slice %arg2[%dma_start3A_101, %dma_start3A_102] : memref<10000x128xf32, #tpu.memory_space<hbm>> -> memref<10000x128xf32, #tpu.memory_space<hbm>>
        tpu.enqueue_indirect_dma source(%dma_start3A_103 : memref<10000x128xf32, #tpu.memory_space<hbm>>) target(%arg8 : memref<128x128xf32, #tpu.memory_space<vmem>>) offsets(%dma_start3A_100 : memref<128xi32, #tpu.memory_space<vmem>>) semaphore(%arg12 : memref<!tpu.dma_semaphore, #tpu.memory_space<semaphore_mem>>)
        %dma_wait3A_104 = arith.constant 2 : i32
        %dma_wait3A_105 = arith.constant 0 : i32
        %dma_wait3A_106 = tpu.memref_slice %arg6[%dma_wait3A_104, %dma_wait3A_105] : memref<16x128xi32, #tpu.memory_space<vmem>> -> memref<1x128xi32, #tpu.memory_space<vmem>>
        %dma_wait3A_107 = tpu.memref_squeeze %dma_wait3A_106 : memref<1x128xi32, #tpu.memory_space<vmem>> -> memref<128xi32, #tpu.memory_space<vmem>>
        %dma_wait3A_108 = arith.constant 0 : i32
        %dma_wait3A_109 = arith.constant 0 : i32
        %dma_wait3A_110 = tpu.memref_slice %arg2[%dma_wait3A_108, %dma_wait3A_109] : memref<10000x128xf32, #tpu.memory_space<hbm>> -> memref<10000x128xf32, #tpu.memory_space<hbm>>
        tpu.wait_indirect_dma semaphore(%arg12 : memref<!tpu.dma_semaphore, #tpu.memory_space<semaphore_mem>>) src(%dma_wait3A_110 : memref<10000x128xf32, #tpu.memory_space<hbm>>) dst(%arg8 : memref<128x128xf32, #tpu.memory_space<vmem>>)
        %dma_start3A_111 = arith.constant 2 : i32
        %dma_start3A_112 = arith.constant 0 : i32
        %dma_start3A_113 = tpu.memref_slice %arg7[%dma_start3A_111, %dma_start3A_112] : memref<16x128xi32, #tpu.memory_space<vmem>> -> memref<1x128xi32, #tpu.memory_space<vmem>>
        %dma_start3A_114 = tpu.memref_squeeze %dma_start3A_113 : memref<1x128xi32, #tpu.memory_space<vmem>> -> memref<128xi32, #tpu.memory_space<vmem>>
        %dma_start3A_115 = arith.constant 0 : i32
        %dma_start3A_116 = arith.constant 0 : i32
        %dma_start3A_117 = tpu.memref_slice %arg10[%dma_start3A_115, %dma_start3A_116] : memref<10240x128xf32, #tpu.memory_space<vmem_shared>> -> memref<10240x128xf32, #tpu.memory_space<vmem_shared>>
        tpu.enqueue_indirect_dma source(%arg8 : memref<128x128xf32, #tpu.memory_space<vmem>>) target(%dma_start3A_117 : memref<10240x128xf32, #tpu.memory_space<vmem_shared>>) offsets(%dma_start3A_114 : memref<128xi32, #tpu.memory_space<vmem>>) semaphore(%arg14 : memref<!tpu.dma_semaphore, #tpu.memory_space<semaphore_mem>>) {add = true}
        %dma_wait3A_118 = arith.constant 1 : i32
        %dma_wait3A_119 = arith.constant 0 : i32
        %dma_wait3A_120 = tpu.memref_slice %arg7[%dma_wait3A_118, %dma_wait3A_119] : memref<16x128xi32, #tpu.memory_space<vmem>> -> memref<1x128xi32, #tpu.memory_space<vmem>>
        %dma_wait3A_121 = tpu.memref_squeeze %dma_wait3A_120 : memref<1x128xi32, #tpu.memory_space<vmem>> -> memref<128xi32, #tpu.memory_space<vmem>>
        %dma_wait3A_122 = arith.constant 0 : i32
        %dma_wait3A_123 = arith.constant 0 : i32
        %dma_wait3A_124 = tpu.memref_slice %arg10[%dma_wait3A_122, %dma_wait3A_123] : memref<10240x128xf32, #tpu.memory_space<vmem_shared>> -> memref<10240x128xf32, #tpu.memory_space<vmem_shared>>
        tpu.wait_indirect_dma semaphore(%arg15 : memref<!tpu.dma_semaphore, #tpu.memory_space<semaphore_mem>>) src(%arg9 : memref<128x128xf32, #tpu.memory_space<vmem>>) dst(%dma_wait3A_124 : memref<10240x128xf32, #tpu.memory_space<vmem_shared>>)
        %dma_start3A_125 = arith.constant 3 : i32
        %dma_start3A_126 = arith.constant 0 : i32
        %dma_start3A_127 = tpu.memref_slice %arg6[%dma_start3A_125, %dma_start3A_126] : memref<16x128xi32, #tpu.memory_space<vmem>> -> memref<1x128xi32, #tpu.memory_space<vmem>>
        %dma_start3A_128 = tpu.memref_squeeze %dma_start3A_127 : memref<1x128xi32, #tpu.memory_space<vmem>> -> memref<128xi32, #tpu.memory_space<vmem>>
        %dma_start3A_129 = arith.constant 0 : i32
        %dma_start3A_130 = arith.constant 0 : i32
        %dma_start3A_131 = tpu.memref_slice %arg2[%dma_start3A_129, %dma_start3A_130] : memref<10000x128xf32, #tpu.memory_space<hbm>> -> memref<10000x128xf32, #tpu.memory_space<hbm>>
        tpu.enqueue_indirect_dma source(%dma_start3A_131 : memref<10000x128xf32, #tpu.memory_space<hbm>>) target(%arg9 : memref<128x128xf32, #tpu.memory_space<vmem>>) offsets(%dma_start3A_128 : memref<128xi32, #tpu.memory_space<vmem>>) semaphore(%arg13 : memref<!tpu.dma_semaphore, #tpu.memory_space<semaphore_mem>>)
        %dma_wait3A_132 = arith.constant 3 : i32
        %dma_wait3A_133 = arith.constant 0 : i32
        %dma_wait3A_134 = tpu.memref_slice %arg6[%dma_wait3A_132, %dma_wait3A_133] : memref<16x128xi32, #tpu.memory_space<vmem>> -> memref<1x128xi32, #tpu.memory_space<vmem>>
        %dma_wait3A_135 = tpu.memref_squeeze %dma_wait3A_134 : memref<1x128xi32, #tpu.memory_space<vmem>> -> memref<128xi32, #tpu.memory_space<vmem>>
        %dma_wait3A_136 = arith.constant 0 : i32
        %dma_wait3A_137 = arith.constant 0 : i32
        %dma_wait3A_138 = tpu.memref_slice %arg2[%dma_wait3A_136, %dma_wait3A_137] : memref<10000x128xf32, #tpu.memory_space<hbm>> -> memref<10000x128xf32, #tpu.memory_space<hbm>>
        tpu.wait_indirect_dma semaphore(%arg13 : memref<!tpu.dma_semaphore, #tpu.memory_space<semaphore_mem>>) src(%dma_wait3A_138 : memref<10000x128xf32, #tpu.memory_space<hbm>>) dst(%arg9 : memref<128x128xf32, #tpu.memory_space<vmem>>)
        %dma_start3A_139 = arith.constant 3 : i32
        %dma_start3A_140 = arith.constant 0 : i32
        %dma_start3A_141 = tpu.memref_slice %arg7[%dma_start3A_139, %dma_start3A_140] : memref<16x128xi32, #tpu.memory_space<vmem>> -> memref<1x128xi32, #tpu.memory_space<vmem>>
        %dma_start3A_142 = tpu.memref_squeeze %dma_start3A_141 : memref<1x128xi32, #tpu.memory_space<vmem>> -> memref<128xi32, #tpu.memory_space<vmem>>
        %dma_start3A_143 = arith.constant 0 : i32
        %dma_start3A_144 = arith.constant 0 : i32
        %dma_start3A_145 = tpu.memref_slice %arg10[%dma_start3A_143, %dma_start3A_144] : memref<10240x128xf32, #tpu.memory_space<vmem_shared>> -> memref<10240x128xf32, #tpu.memory_space<vmem_shared>>
        tpu.enqueue_indirect_dma source(%arg9 : memref<128x128xf32, #tpu.memory_space<vmem>>) target(%dma_start3A_145 : memref<10240x128xf32, #tpu.memory_space<vmem_shared>>) offsets(%dma_start3A_142 : memref<128xi32, #tpu.memory_space<vmem>>) semaphore(%arg15 : memref<!tpu.dma_semaphore, #tpu.memory_space<semaphore_mem>>) {add = true}
        %dma_wait3A_146 = arith.constant 2 : i32
        %dma_wait3A_147 = arith.constant 0 : i32
        %dma_wait3A_148 = tpu.memref_slice %arg7[%dma_wait3A_146, %dma_wait3A_147] : memref<16x128xi32, #tpu.memory_space<vmem>> -> memref<1x128xi32, #tpu.memory_space<vmem>>
        %dma_wait3A_149 = tpu.memref_squeeze %dma_wait3A_148 : memref<1x128xi32, #tpu.memory_space<vmem>> -> memref<128xi32, #tpu.memory_space<vmem>>
        %dma_wait3A_150 = arith.constant 0 : i32
        %dma_wait3A_151 = arith.constant 0 : i32
        %dma_wait3A_152 = tpu.memref_slice %arg10[%dma_wait3A_150, %dma_wait3A_151] : memref<10240x128xf32, #tpu.memory_space<vmem_shared>> -> memref<10240x128xf32, #tpu.memory_space<vmem_shared>>
        tpu.wait_indirect_dma semaphore(%arg14 : memref<!tpu.dma_semaphore, #tpu.memory_space<semaphore_mem>>) src(%arg8 : memref<128x128xf32, #tpu.memory_space<vmem>>) dst(%dma_wait3A_152 : memref<10240x128xf32, #tpu.memory_space<vmem_shared>>)
        %dma_start3A_153 = arith.constant 4 : i32
        %dma_start3A_154 = arith.constant 0 : i32
        %dma_start3A_155 = tpu.memref_slice %arg6[%dma_start3A_153, %dma_start3A_154] : memref<16x128xi32, #tpu.memory_space<vmem>> -> memref<1x128xi32, #tpu.memory_space<vmem>>
        %dma_start3A_156 = tpu.memref_squeeze %dma_start3A_155 : memref<1x128xi32, #tpu.memory_space<vmem>> -> memref<128xi32, #tpu.memory_space<vmem>>
        %dma_start3A_157 = arith.constant 0 : i32
        %dma_start3A_158 = arith.constant 0 : i32
        %dma_start3A_159 = tpu.memref_slice %arg2[%dma_start3A_157, %dma_start3A_158] : memref<10000x128xf32, #tpu.memory_space<hbm>> -> memref<10000x128xf32, #tpu.memory_space<hbm>>
        tpu.enqueue_indirect_dma source(%dma_start3A_159 : memref<10000x128xf32, #tpu.memory_space<hbm>>) target(%arg8 : memref<128x128xf32, #tpu.memory_space<vmem>>) offsets(%dma_start3A_156 : memref<128xi32, #tpu.memory_space<vmem>>) semaphore(%arg12 : memref<!tpu.dma_semaphore, #tpu.memory_space<semaphore_mem>>)
        %dma_wait3A_160 = arith.constant 4 : i32
        %dma_wait3A_161 = arith.constant 0 : i32
        %dma_wait3A_162 = tpu.memref_slice %arg6[%dma_wait3A_160, %dma_wait3A_161] : memref<16x128xi32, #tpu.memory_space<vmem>> -> memref<1x128xi32, #tpu.memory_space<vmem>>
        %dma_wait3A_163 = tpu.memref_squeeze %dma_wait3A_162 : memref<1x128xi32, #tpu.memory_space<vmem>> -> memref<128xi32, #tpu.memory_space<vmem>>
        %dma_wait3A_164 = arith.constant 0 : i32
        %dma_wait3A_165 = arith.constant 0 : i32
        %dma_wait3A_166 = tpu.memref_slice %arg2[%dma_wait3A_164, %dma_wait3A_165] : memref<10000x128xf32, #tpu.memory_space<hbm>> -> memref<10000x128xf32, #tpu.memory_space<hbm>>
        tpu.wait_indirect_dma semaphore(%arg12 : memref<!tpu.dma_semaphore, #tpu.memory_space<semaphore_mem>>) src(%dma_wait3A_166 : memref<10000x128xf32, #tpu.memory_space<hbm>>) dst(%arg8 : memref<128x128xf32, #tpu.memory_space<vmem>>)
        %dma_start3A_167 = arith.constant 4 : i32
        %dma_start3A_168 = arith.constant 0 : i32
        %dma_start3A_169 = tpu.memref_slice %arg7[%dma_start3A_167, %dma_start3A_168] : memref<16x128xi32, #tpu.memory_space<vmem>> -> memref<1x128xi32, #tpu.memory_space<vmem>>
        %dma_start3A_170 = tpu.memref_squeeze %dma_start3A_169 : memref<1x128xi32, #tpu.memory_space<vmem>> -> memref<128xi32, #tpu.memory_space<vmem>>
        %dma_start3A_171 = arith.constant 0 : i32
        %dma_start3A_172 = arith.constant 0 : i32
        %dma_start3A_173 = tpu.memref_slice %arg10[%dma_start3A_171, %dma_start3A_172] : memref<10240x128xf32, #tpu.memory_space<vmem_shared>> -> memref<10240x128xf32, #tpu.memory_space<vmem_shared>>
        tpu.enqueue_indirect_dma source(%arg8 : memref<128x128xf32, #tpu.memory_space<vmem>>) target(%dma_start3A_173 : memref<10240x128xf32, #tpu.memory_space<vmem_shared>>) offsets(%dma_start3A_170 : memref<128xi32, #tpu.memory_space<vmem>>) semaphore(%arg14 : memref<!tpu.dma_semaphore, #tpu.memory_space<semaphore_mem>>) {add = true}
        %dma_wait3A_174 = arith.constant 3 : i32
        %dma_wait3A_175 = arith.constant 0 : i32
        %dma_wait3A_176 = tpu.memref_slice %arg7[%dma_wait3A_174, %dma_wait3A_175] : memref<16x128xi32, #tpu.memory_space<vmem>> -> memref<1x128xi32, #tpu.memory_space<vmem>>
        %dma_wait3A_177 = tpu.memref_squeeze %dma_wait3A_176 : memref<1x128xi32, #tpu.memory_space<vmem>> -> memref<128xi32, #tpu.memory_space<vmem>>
        %dma_wait3A_178 = arith.constant 0 : i32
        %dma_wait3A_179 = arith.constant 0 : i32
        %dma_wait3A_180 = tpu.memref_slice %arg10[%dma_wait3A_178, %dma_wait3A_179] : memref<10240x128xf32, #tpu.memory_space<vmem_shared>> -> memref<10240x128xf32, #tpu.memory_space<vmem_shared>>
        tpu.wait_indirect_dma semaphore(%arg15 : memref<!tpu.dma_semaphore, #tpu.memory_space<semaphore_mem>>) src(%arg9 : memref<128x128xf32, #tpu.memory_space<vmem>>) dst(%dma_wait3A_180 : memref<10240x128xf32, #tpu.memory_space<vmem_shared>>)
        %dma_start3A_181 = arith.constant 5 : i32
        %dma_start3A_182 = arith.constant 0 : i32
        %dma_start3A_183 = tpu.memref_slice %arg6[%dma_start3A_181, %dma_start3A_182] : memref<16x128xi32, #tpu.memory_space<vmem>> -> memref<1x128xi32, #tpu.memory_space<vmem>>
        %dma_start3A_184 = tpu.memref_squeeze %dma_start3A_183 : memref<1x128xi32, #tpu.memory_space<vmem>> -> memref<128xi32, #tpu.memory_space<vmem>>
        %dma_start3A_185 = arith.constant 0 : i32
        %dma_start3A_186 = arith.constant 0 : i32
        %dma_start3A_187 = tpu.memref_slice %arg2[%dma_start3A_185, %dma_start3A_186] : memref<10000x128xf32, #tpu.memory_space<hbm>> -> memref<10000x128xf32, #tpu.memory_space<hbm>>
        tpu.enqueue_indirect_dma source(%dma_start3A_187 : memref<10000x128xf32, #tpu.memory_space<hbm>>) target(%arg9 : memref<128x128xf32, #tpu.memory_space<vmem>>) offsets(%dma_start3A_184 : memref<128xi32, #tpu.memory_space<vmem>>) semaphore(%arg13 : memref<!tpu.dma_semaphore, #tpu.memory_space<semaphore_mem>>)
        %dma_wait3A_188 = arith.constant 5 : i32
        %dma_wait3A_189 = arith.constant 0 : i32
        %dma_wait3A_190 = tpu.memref_slice %arg6[%dma_wait3A_188, %dma_wait3A_189] : memref<16x128xi32, #tpu.memory_space<vmem>> -> memref<1x128xi32, #tpu.memory_space<vmem>>
        %dma_wait3A_191 = tpu.memref_squeeze %dma_wait3A_190 : memref<1x128xi32, #tpu.memory_space<vmem>> -> memref<128xi32, #tpu.memory_space<vmem>>
        %dma_wait3A_192 = arith.constant 0 : i32
        %dma_wait3A_193 = arith.constant 0 : i32
        %dma_wait3A_194 = tpu.memref_slice %arg2[%dma_wait3A_192, %dma_wait3A_193] : memref<10000x128xf32, #tpu.memory_space<hbm>> -> memref<10000x128xf32, #tpu.memory_space<hbm>>
        tpu.wait_indirect_dma semaphore(%arg13 : memref<!tpu.dma_semaphore, #tpu.memory_space<semaphore_mem>>) src(%dma_wait3A_194 : memref<10000x128xf32, #tpu.memory_space<hbm>>) dst(%arg9 : memref<128x128xf32, #tpu.memory_space<vmem>>)
        %dma_start3A_195 = arith.constant 5 : i32
        %dma_start3A_196 = arith.constant 0 : i32
        %dma_start3A_197 = tpu.memref_slice %arg7[%dma_start3A_195, %dma_start3A_196] : memref<16x128xi32, #tpu.memory_space<vmem>> -> memref<1x128xi32, #tpu.memory_space<vmem>>
        %dma_start3A_198 = tpu.memref_squeeze %dma_start3A_197 : memref<1x128xi32, #tpu.memory_space<vmem>> -> memref<128xi32, #tpu.memory_space<vmem>>
        %dma_start3A_199 = arith.constant 0 : i32
        %dma_start3A_200 = arith.constant 0 : i32
        %dma_start3A_201 = tpu.memref_slice %arg10[%dma_start3A_199, %dma_start3A_200] : memref<10240x128xf32, #tpu.memory_space<vmem_shared>> -> memref<10240x128xf32, #tpu.memory_space<vmem_shared>>
        tpu.enqueue_indirect_dma source(%arg9 : memref<128x128xf32, #tpu.memory_space<vmem>>) target(%dma_start3A_201 : memref<10240x128xf32, #tpu.memory_space<vmem_shared>>) offsets(%dma_start3A_198 : memref<128xi32, #tpu.memory_space<vmem>>) semaphore(%arg15 : memref<!tpu.dma_semaphore, #tpu.memory_space<semaphore_mem>>) {add = true}
        %dma_wait3A_202 = arith.constant 4 : i32
        %dma_wait3A_203 = arith.constant 0 : i32
        %dma_wait3A_204 = tpu.memref_slice %arg7[%dma_wait3A_202, %dma_wait3A_203] : memref<16x128xi32, #tpu.memory_space<vmem>> -> memref<1x128xi32, #tpu.memory_space<vmem>>
        %dma_wait3A_205 = tpu.memref_squeeze %dma_wait3A_204 : memref<1x128xi32, #tpu.memory_space<vmem>> -> memref<128xi32, #tpu.memory_space<vmem>>
        %dma_wait3A_206 = arith.constant 0 : i32
        %dma_wait3A_207 = arith.constant 0 : i32
        %dma_wait3A_208 = tpu.memref_slice %arg10[%dma_wait3A_206, %dma_wait3A_207] : memref<10240x128xf32, #tpu.memory_space<vmem_shared>> -> memref<10240x128xf32, #tpu.memory_space<vmem_shared>>
        tpu.wait_indirect_dma semaphore(%arg14 : memref<!tpu.dma_semaphore, #tpu.memory_space<semaphore_mem>>) src(%arg8 : memref<128x128xf32, #tpu.memory_space<vmem>>) dst(%dma_wait3A_208 : memref<10240x128xf32, #tpu.memory_space<vmem_shared>>)
        %dma_start3A_209 = arith.constant 6 : i32
        %dma_start3A_210 = arith.constant 0 : i32
        %dma_start3A_211 = tpu.memref_slice %arg6[%dma_start3A_209, %dma_start3A_210] : memref<16x128xi32, #tpu.memory_space<vmem>> -> memref<1x128xi32, #tpu.memory_space<vmem>>
        %dma_start3A_212 = tpu.memref_squeeze %dma_start3A_211 : memref<1x128xi32, #tpu.memory_space<vmem>> -> memref<128xi32, #tpu.memory_space<vmem>>
        %dma_start3A_213 = arith.constant 0 : i32
        %dma_start3A_214 = arith.constant 0 : i32
        %dma_start3A_215 = tpu.memref_slice %arg2[%dma_start3A_213, %dma_start3A_214] : memref<10000x128xf32, #tpu.memory_space<hbm>> -> memref<10000x128xf32, #tpu.memory_space<hbm>>
        tpu.enqueue_indirect_dma source(%dma_start3A_215 : memref<10000x128xf32, #tpu.memory_space<hbm>>) target(%arg8 : memref<128x128xf32, #tpu.memory_space<vmem>>) offsets(%dma_start3A_212 : memref<128xi32, #tpu.memory_space<vmem>>) semaphore(%arg12 : memref<!tpu.dma_semaphore, #tpu.memory_space<semaphore_mem>>)
        %dma_wait3A_216 = arith.constant 6 : i32
        %dma_wait3A_217 = arith.constant 0 : i32
        %dma_wait3A_218 = tpu.memref_slice %arg6[%dma_wait3A_216, %dma_wait3A_217] : memref<16x128xi32, #tpu.memory_space<vmem>> -> memref<1x128xi32, #tpu.memory_space<vmem>>
        %dma_wait3A_219 = tpu.memref_squeeze %dma_wait3A_218 : memref<1x128xi32, #tpu.memory_space<vmem>> -> memref<128xi32, #tpu.memory_space<vmem>>
        %dma_wait3A_220 = arith.constant 0 : i32
        %dma_wait3A_221 = arith.constant 0 : i32
        %dma_wait3A_222 = tpu.memref_slice %arg2[%dma_wait3A_220, %dma_wait3A_221] : memref<10000x128xf32, #tpu.memory_space<hbm>> -> memref<10000x128xf32, #tpu.memory_space<hbm>>
        tpu.wait_indirect_dma semaphore(%arg12 : memref<!tpu.dma_semaphore, #tpu.memory_space<semaphore_mem>>) src(%dma_wait3A_222 : memref<10000x128xf32, #tpu.memory_space<hbm>>) dst(%arg8 : memref<128x128xf32, #tpu.memory_space<vmem>>)
        %dma_start3A_223 = arith.constant 6 : i32
        %dma_start3A_224 = arith.constant 0 : i32
        %dma_start3A_225 = tpu.memref_slice %arg7[%dma_start3A_223, %dma_start3A_224] : memref<16x128xi32, #tpu.memory_space<vmem>> -> memref<1x128xi32, #tpu.memory_space<vmem>>
        %dma_start3A_226 = tpu.memref_squeeze %dma_start3A_225 : memref<1x128xi32, #tpu.memory_space<vmem>> -> memref<128xi32, #tpu.memory_space<vmem>>
        %dma_start3A_227 = arith.constant 0 : i32
        %dma_start3A_228 = arith.constant 0 : i32
        %dma_start3A_229 = tpu.memref_slice %arg10[%dma_start3A_227, %dma_start3A_228] : memref<10240x128xf32, #tpu.memory_space<vmem_shared>> -> memref<10240x128xf32, #tpu.memory_space<vmem_shared>>
        tpu.enqueue_indirect_dma source(%arg8 : memref<128x128xf32, #tpu.memory_space<vmem>>) target(%dma_start3A_229 : memref<10240x128xf32, #tpu.memory_space<vmem_shared>>) offsets(%dma_start3A_226 : memref<128xi32, #tpu.memory_space<vmem>>) semaphore(%arg14 : memref<!tpu.dma_semaphore, #tpu.memory_space<semaphore_mem>>) {add = true}
        %dma_wait3A_230 = arith.constant 5 : i32
        %dma_wait3A_231 = arith.constant 0 : i32
        %dma_wait3A_232 = tpu.memref_slice %arg7[%dma_wait3A_230, %dma_wait3A_231] : memref<16x128xi32, #tpu.memory_space<vmem>> -> memref<1x128xi32, #tpu.memory_space<vmem>>
        %dma_wait3A_233 = tpu.memref_squeeze %dma_wait3A_232 : memref<1x128xi32, #tpu.memory_space<vmem>> -> memref<128xi32, #tpu.memory_space<vmem>>
        %dma_wait3A_234 = arith.constant 0 : i32
        %dma_wait3A_235 = arith.constant 0 : i32
        %dma_wait3A_236 = tpu.memref_slice %arg10[%dma_wait3A_234, %dma_wait3A_235] : memref<10240x128xf32, #tpu.memory_space<vmem_shared>> -> memref<10240x128xf32, #tpu.memory_space<vmem_shared>>
        tpu.wait_indirect_dma semaphore(%arg15 : memref<!tpu.dma_semaphore, #tpu.memory_space<semaphore_mem>>) src(%arg9 : memref<128x128xf32, #tpu.memory_space<vmem>>) dst(%dma_wait3A_236 : memref<10240x128xf32, #tpu.memory_space<vmem_shared>>)
        %dma_start3A_237 = arith.constant 7 : i32
        %dma_start3A_238 = arith.constant 0 : i32
        %dma_start3A_239 = tpu.memref_slice %arg6[%dma_start3A_237, %dma_start3A_238] : memref<16x128xi32, #tpu.memory_space<vmem>> -> memref<1x128xi32, #tpu.memory_space<vmem>>
        %dma_start3A_240 = tpu.memref_squeeze %dma_start3A_239 : memref<1x128xi32, #tpu.memory_space<vmem>> -> memref<128xi32, #tpu.memory_space<vmem>>
        %dma_start3A_241 = arith.constant 0 : i32
        %dma_start3A_242 = arith.constant 0 : i32
        %dma_start3A_243 = tpu.memref_slice %arg2[%dma_start3A_241, %dma_start3A_242] : memref<10000x128xf32, #tpu.memory_space<hbm>> -> memref<10000x128xf32, #tpu.memory_space<hbm>>
        tpu.enqueue_indirect_dma source(%dma_start3A_243 : memref<10000x128xf32, #tpu.memory_space<hbm>>) target(%arg9 : memref<128x128xf32, #tpu.memory_space<vmem>>) offsets(%dma_start3A_240 : memref<128xi32, #tpu.memory_space<vmem>>) semaphore(%arg13 : memref<!tpu.dma_semaphore, #tpu.memory_space<semaphore_mem>>)
        %dma_wait3A_244 = arith.constant 7 : i32
        %dma_wait3A_245 = arith.constant 0 : i32
        %dma_wait3A_246 = tpu.memref_slice %arg6[%dma_wait3A_244, %dma_wait3A_245] : memref<16x128xi32, #tpu.memory_space<vmem>> -> memref<1x128xi32, #tpu.memory_space<vmem>>
        %dma_wait3A_247 = tpu.memref_squeeze %dma_wait3A_246 : memref<1x128xi32, #tpu.memory_space<vmem>> -> memref<128xi32, #tpu.memory_space<vmem>>
        %dma_wait3A_248 = arith.constant 0 : i32
        %dma_wait3A_249 = arith.constant 0 : i32
        %dma_wait3A_250 = tpu.memref_slice %arg2[%dma_wait3A_248, %dma_wait3A_249] : memref<10000x128xf32, #tpu.memory_space<hbm>> -> memref<10000x128xf32, #tpu.memory_space<hbm>>
        tpu.wait_indirect_dma semaphore(%arg13 : memref<!tpu.dma_semaphore, #tpu.memory_space<semaphore_mem>>) src(%dma_wait3A_250 : memref<10000x128xf32, #tpu.memory_space<hbm>>) dst(%arg9 : memref<128x128xf32, #tpu.memory_space<vmem>>)
        %dma_start3A_251 = arith.constant 7 : i32
        %dma_start3A_252 = arith.constant 0 : i32
        %dma_start3A_253 = tpu.memref_slice %arg7[%dma_start3A_251, %dma_start3A_252] : memref<16x128xi32, #tpu.memory_space<vmem>> -> memref<1x128xi32, #tpu.memory_space<vmem>>
        %dma_start3A_254 = tpu.memref_squeeze %dma_start3A_253 : memref<1x128xi32, #tpu.memory_space<vmem>> -> memref<128xi32, #tpu.memory_space<vmem>>
        %dma_start3A_255 = arith.constant 0 : i32
        %dma_start3A_256 = arith.constant 0 : i32
        %dma_start3A_257 = tpu.memref_slice %arg10[%dma_start3A_255, %dma_start3A_256] : memref<10240x128xf32, #tpu.memory_space<vmem_shared>> -> memref<10240x128xf32, #tpu.memory_space<vmem_shared>>
        tpu.enqueue_indirect_dma source(%arg9 : memref<128x128xf32, #tpu.memory_space<vmem>>) target(%dma_start3A_257 : memref<10240x128xf32, #tpu.memory_space<vmem_shared>>) offsets(%dma_start3A_254 : memref<128xi32, #tpu.memory_space<vmem>>) semaphore(%arg15 : memref<!tpu.dma_semaphore, #tpu.memory_space<semaphore_mem>>) {add = true}
        %dma_wait3A_258 = arith.constant 6 : i32
        %dma_wait3A_259 = arith.constant 0 : i32
        %dma_wait3A_260 = tpu.memref_slice %arg7[%dma_wait3A_258, %dma_wait3A_259] : memref<16x128xi32, #tpu.memory_space<vmem>> -> memref<1x128xi32, #tpu.memory_space<vmem>>
        %dma_wait3A_261 = tpu.memref_squeeze %dma_wait3A_260 : memref<1x128xi32, #tpu.memory_space<vmem>> -> memref<128xi32, #tpu.memory_space<vmem>>
        %dma_wait3A_262 = arith.constant 0 : i32
        %dma_wait3A_263 = arith.constant 0 : i32
        %dma_wait3A_264 = tpu.memref_slice %arg10[%dma_wait3A_262, %dma_wait3A_263] : memref<10240x128xf32, #tpu.memory_space<vmem_shared>> -> memref<10240x128xf32, #tpu.memory_space<vmem_shared>>
        tpu.wait_indirect_dma semaphore(%arg14 : memref<!tpu.dma_semaphore, #tpu.memory_space<semaphore_mem>>) src(%arg8 : memref<128x128xf32, #tpu.memory_space<vmem>>) dst(%dma_wait3A_264 : memref<10240x128xf32, #tpu.memory_space<vmem_shared>>)
        %dma_start3A_265 = arith.constant 8 : i32
        %dma_start3A_266 = arith.constant 0 : i32
        %dma_start3A_267 = tpu.memref_slice %arg6[%dma_start3A_265, %dma_start3A_266] : memref<16x128xi32, #tpu.memory_space<vmem>> -> memref<1x128xi32, #tpu.memory_space<vmem>>
        %dma_start3A_268 = tpu.memref_squeeze %dma_start3A_267 : memref<1x128xi32, #tpu.memory_space<vmem>> -> memref<128xi32, #tpu.memory_space<vmem>>
        %dma_start3A_269 = arith.constant 0 : i32
        %dma_start3A_270 = arith.constant 0 : i32
        %dma_start3A_271 = tpu.memref_slice %arg2[%dma_start3A_269, %dma_start3A_270] : memref<10000x128xf32, #tpu.memory_space<hbm>> -> memref<10000x128xf32, #tpu.memory_space<hbm>>
        tpu.enqueue_indirect_dma source(%dma_start3A_271 : memref<10000x128xf32, #tpu.memory_space<hbm>>) target(%arg8 : memref<128x128xf32, #tpu.memory_space<vmem>>) offsets(%dma_start3A_268 : memref<128xi32, #tpu.memory_space<vmem>>) semaphore(%arg12 : memref<!tpu.dma_semaphore, #tpu.memory_space<semaphore_mem>>)
        %dma_wait3A_272 = arith.constant 8 : i32
        %dma_wait3A_273 = arith.constant 0 : i32
        %dma_wait3A_274 = tpu.memref_slice %arg6[%dma_wait3A_272, %dma_wait3A_273] : memref<16x128xi32, #tpu.memory_space<vmem>> -> memref<1x128xi32, #tpu.memory_space<vmem>>
        %dma_wait3A_275 = tpu.memref_squeeze %dma_wait3A_274 : memref<1x128xi32, #tpu.memory_space<vmem>> -> memref<128xi32, #tpu.memory_space<vmem>>
        %dma_wait3A_276 = arith.constant 0 : i32
        %dma_wait3A_277 = arith.constant 0 : i32
        %dma_wait3A_278 = tpu.memref_slice %arg2[%dma_wait3A_276, %dma_wait3A_277] : memref<10000x128xf32, #tpu.memory_space<hbm>> -> memref<10000x128xf32, #tpu.memory_space<hbm>>
        tpu.wait_indirect_dma semaphore(%arg12 : memref<!tpu.dma_semaphore, #tpu.memory_space<semaphore_mem>>) src(%dma_wait3A_278 : memref<10000x128xf32, #tpu.memory_space<hbm>>) dst(%arg8 : memref<128x128xf32, #tpu.memory_space<vmem>>)
        %dma_start3A_279 = arith.constant 8 : i32
        %dma_start3A_280 = arith.constant 0 : i32
        %dma_start3A_281 = tpu.memref_slice %arg7[%dma_start3A_279, %dma_start3A_280] : memref<16x128xi32, #tpu.memory_space<vmem>> -> memref<1x128xi32, #tpu.memory_space<vmem>>
        %dma_start3A_282 = tpu.memref_squeeze %dma_start3A_281 : memref<1x128xi32, #tpu.memory_space<vmem>> -> memref<128xi32, #tpu.memory_space<vmem>>
        %dma_start3A_283 = arith.constant 0 : i32
        %dma_start3A_284 = arith.constant 0 : i32
        %dma_start3A_285 = tpu.memref_slice %arg10[%dma_start3A_283, %dma_start3A_284] : memref<10240x128xf32, #tpu.memory_space<vmem_shared>> -> memref<10240x128xf32, #tpu.memory_space<vmem_shared>>
        tpu.enqueue_indirect_dma source(%arg8 : memref<128x128xf32, #tpu.memory_space<vmem>>) target(%dma_start3A_285 : memref<10240x128xf32, #tpu.memory_space<vmem_shared>>) offsets(%dma_start3A_282 : memref<128xi32, #tpu.memory_space<vmem>>) semaphore(%arg14 : memref<!tpu.dma_semaphore, #tpu.memory_space<semaphore_mem>>) {add = true}
        %dma_wait3A_286 = arith.constant 7 : i32
        %dma_wait3A_287 = arith.constant 0 : i32
        %dma_wait3A_288 = tpu.memref_slice %arg7[%dma_wait3A_286, %dma_wait3A_287] : memref<16x128xi32, #tpu.memory_space<vmem>> -> memref<1x128xi32, #tpu.memory_space<vmem>>
        %dma_wait3A_289 = tpu.memref_squeeze %dma_wait3A_288 : memref<1x128xi32, #tpu.memory_space<vmem>> -> memref<128xi32, #tpu.memory_space<vmem>>
        %dma_wait3A_290 = arith.constant 0 : i32
        %dma_wait3A_291 = arith.constant 0 : i32
        %dma_wait3A_292 = tpu.memref_slice %arg10[%dma_wait3A_290, %dma_wait3A_291] : memref<10240x128xf32, #tpu.memory_space<vmem_shared>> -> memref<10240x128xf32, #tpu.memory_space<vmem_shared>>
        tpu.wait_indirect_dma semaphore(%arg15 : memref<!tpu.dma_semaphore, #tpu.memory_space<semaphore_mem>>) src(%arg9 : memref<128x128xf32, #tpu.memory_space<vmem>>) dst(%dma_wait3A_292 : memref<10240x128xf32, #tpu.memory_space<vmem_shared>>)
        %dma_start3A_293 = arith.constant 9 : i32
        %dma_start3A_294 = arith.constant 0 : i32
        %dma_start3A_295 = tpu.memref_slice %arg6[%dma_start3A_293, %dma_start3A_294] : memref<16x128xi32, #tpu.memory_space<vmem>> -> memref<1x128xi32, #tpu.memory_space<vmem>>
        %dma_start3A_296 = tpu.memref_squeeze %dma_start3A_295 : memref<1x128xi32, #tpu.memory_space<vmem>> -> memref<128xi32, #tpu.memory_space<vmem>>
        %dma_start3A_297 = arith.constant 0 : i32
        %dma_start3A_298 = arith.constant 0 : i32
        %dma_start3A_299 = tpu.memref_slice %arg2[%dma_start3A_297, %dma_start3A_298] : memref<10000x128xf32, #tpu.memory_space<hbm>> -> memref<10000x128xf32, #tpu.memory_space<hbm>>
        tpu.enqueue_indirect_dma source(%dma_start3A_299 : memref<10000x128xf32, #tpu.memory_space<hbm>>) target(%arg9 : memref<128x128xf32, #tpu.memory_space<vmem>>) offsets(%dma_start3A_296 : memref<128xi32, #tpu.memory_space<vmem>>) semaphore(%arg13 : memref<!tpu.dma_semaphore, #tpu.memory_space<semaphore_mem>>)
        %dma_wait3A_300 = arith.constant 9 : i32
        %dma_wait3A_301 = arith.constant 0 : i32
        %dma_wait3A_302 = tpu.memref_slice %arg6[%dma_wait3A_300, %dma_wait3A_301] : memref<16x128xi32, #tpu.memory_space<vmem>> -> memref<1x128xi32, #tpu.memory_space<vmem>>
        %dma_wait3A_303 = tpu.memref_squeeze %dma_wait3A_302 : memref<1x128xi32, #tpu.memory_space<vmem>> -> memref<128xi32, #tpu.memory_space<vmem>>
        %dma_wait3A_304 = arith.constant 0 : i32
        %dma_wait3A_305 = arith.constant 0 : i32
        %dma_wait3A_306 = tpu.memref_slice %arg2[%dma_wait3A_304, %dma_wait3A_305] : memref<10000x128xf32, #tpu.memory_space<hbm>> -> memref<10000x128xf32, #tpu.memory_space<hbm>>
        tpu.wait_indirect_dma semaphore(%arg13 : memref<!tpu.dma_semaphore, #tpu.memory_space<semaphore_mem>>) src(%dma_wait3A_306 : memref<10000x128xf32, #tpu.memory_space<hbm>>) dst(%arg9 : memref<128x128xf32, #tpu.memory_space<vmem>>)
        %dma_start3A_307 = arith.constant 9 : i32
        %dma_start3A_308 = arith.constant 0 : i32
        %dma_start3A_309 = tpu.memref_slice %arg7[%dma_start3A_307, %dma_start3A_308] : memref<16x128xi32, #tpu.memory_space<vmem>> -> memref<1x128xi32, #tpu.memory_space<vmem>>
        %dma_start3A_310 = tpu.memref_squeeze %dma_start3A_309 : memref<1x128xi32, #tpu.memory_space<vmem>> -> memref<128xi32, #tpu.memory_space<vmem>>
        %dma_start3A_311 = arith.constant 0 : i32
        %dma_start3A_312 = arith.constant 0 : i32
        %dma_start3A_313 = tpu.memref_slice %arg10[%dma_start3A_311, %dma_start3A_312] : memref<10240x128xf32, #tpu.memory_space<vmem_shared>> -> memref<10240x128xf32, #tpu.memory_space<vmem_shared>>
        tpu.enqueue_indirect_dma source(%arg9 : memref<128x128xf32, #tpu.memory_space<vmem>>) target(%dma_start3A_313 : memref<10240x128xf32, #tpu.memory_space<vmem_shared>>) offsets(%dma_start3A_310 : memref<128xi32, #tpu.memory_space<vmem>>) semaphore(%arg15 : memref<!tpu.dma_semaphore, #tpu.memory_space<semaphore_mem>>) {add = true}
        %dma_wait3A_314 = arith.constant 8 : i32
        %dma_wait3A_315 = arith.constant 0 : i32
        %dma_wait3A_316 = tpu.memref_slice %arg7[%dma_wait3A_314, %dma_wait3A_315] : memref<16x128xi32, #tpu.memory_space<vmem>> -> memref<1x128xi32, #tpu.memory_space<vmem>>
        %dma_wait3A_317 = tpu.memref_squeeze %dma_wait3A_316 : memref<1x128xi32, #tpu.memory_space<vmem>> -> memref<128xi32, #tpu.memory_space<vmem>>
        %dma_wait3A_318 = arith.constant 0 : i32
        %dma_wait3A_319 = arith.constant 0 : i32
        %dma_wait3A_320 = tpu.memref_slice %arg10[%dma_wait3A_318, %dma_wait3A_319] : memref<10240x128xf32, #tpu.memory_space<vmem_shared>> -> memref<10240x128xf32, #tpu.memory_space<vmem_shared>>
        tpu.wait_indirect_dma semaphore(%arg14 : memref<!tpu.dma_semaphore, #tpu.memory_space<semaphore_mem>>) src(%arg8 : memref<128x128xf32, #tpu.memory_space<vmem>>) dst(%dma_wait3A_320 : memref<10240x128xf32, #tpu.memory_space<vmem_shared>>)
        %dma_start3A_321 = arith.constant 10 : i32
        %dma_start3A_322 = arith.constant 0 : i32
        %dma_start3A_323 = tpu.memref_slice %arg6[%dma_start3A_321, %dma_start3A_322] : memref<16x128xi32, #tpu.memory_space<vmem>> -> memref<1x128xi32, #tpu.memory_space<vmem>>
        %dma_start3A_324 = tpu.memref_squeeze %dma_start3A_323 : memref<1x128xi32, #tpu.memory_space<vmem>> -> memref<128xi32, #tpu.memory_space<vmem>>
        %dma_start3A_325 = arith.constant 0 : i32
        %dma_start3A_326 = arith.constant 0 : i32
        %dma_start3A_327 = tpu.memref_slice %arg2[%dma_start3A_325, %dma_start3A_326] : memref<10000x128xf32, #tpu.memory_space<hbm>> -> memref<10000x128xf32, #tpu.memory_space<hbm>>
        tpu.enqueue_indirect_dma source(%dma_start3A_327 : memref<10000x128xf32, #tpu.memory_space<hbm>>) target(%arg8 : memref<128x128xf32, #tpu.memory_space<vmem>>) offsets(%dma_start3A_324 : memref<128xi32, #tpu.memory_space<vmem>>) semaphore(%arg12 : memref<!tpu.dma_semaphore, #tpu.memory_space<semaphore_mem>>)
        %dma_wait3A_328 = arith.constant 10 : i32
        %dma_wait3A_329 = arith.constant 0 : i32
        %dma_wait3A_330 = tpu.memref_slice %arg6[%dma_wait3A_328, %dma_wait3A_329] : memref<16x128xi32, #tpu.memory_space<vmem>> -> memref<1x128xi32, #tpu.memory_space<vmem>>
        %dma_wait3A_331 = tpu.memref_squeeze %dma_wait3A_330 : memref<1x128xi32, #tpu.memory_space<vmem>> -> memref<128xi32, #tpu.memory_space<vmem>>
        %dma_wait3A_332 = arith.constant 0 : i32
        %dma_wait3A_333 = arith.constant 0 : i32
        %dma_wait3A_334 = tpu.memref_slice %arg2[%dma_wait3A_332, %dma_wait3A_333] : memref<10000x128xf32, #tpu.memory_space<hbm>> -> memref<10000x128xf32, #tpu.memory_space<hbm>>
        tpu.wait_indirect_dma semaphore(%arg12 : memref<!tpu.dma_semaphore, #tpu.memory_space<semaphore_mem>>) src(%dma_wait3A_334 : memref<10000x128xf32, #tpu.memory_space<hbm>>) dst(%arg8 : memref<128x128xf32, #tpu.memory_space<vmem>>)
        %dma_start3A_335 = arith.constant 10 : i32
        %dma_start3A_336 = arith.constant 0 : i32
        %dma_start3A_337 = tpu.memref_slice %arg7[%dma_start3A_335, %dma_start3A_336] : memref<16x128xi32, #tpu.memory_space<vmem>> -> memref<1x128xi32, #tpu.memory_space<vmem>>
        %dma_start3A_338 = tpu.memref_squeeze %dma_start3A_337 : memref<1x128xi32, #tpu.memory_space<vmem>> -> memref<128xi32, #tpu.memory_space<vmem>>
        %dma_start3A_339 = arith.constant 0 : i32
        %dma_start3A_340 = arith.constant 0 : i32
        %dma_start3A_341 = tpu.memref_slice %arg10[%dma_start3A_339, %dma_start3A_340] : memref<10240x128xf32, #tpu.memory_space<vmem_shared>> -> memref<10240x128xf32, #tpu.memory_space<vmem_shared>>
        tpu.enqueue_indirect_dma source(%arg8 : memref<128x128xf32, #tpu.memory_space<vmem>>) target(%dma_start3A_341 : memref<10240x128xf32, #tpu.memory_space<vmem_shared>>) offsets(%dma_start3A_338 : memref<128xi32, #tpu.memory_space<vmem>>) semaphore(%arg14 : memref<!tpu.dma_semaphore, #tpu.memory_space<semaphore_mem>>) {add = true}
        %dma_wait3A_342 = arith.constant 9 : i32
        %dma_wait3A_343 = arith.constant 0 : i32
        %dma_wait3A_344 = tpu.memref_slice %arg7[%dma_wait3A_342, %dma_wait3A_343] : memref<16x128xi32, #tpu.memory_space<vmem>> -> memref<1x128xi32, #tpu.memory_space<vmem>>
        %dma_wait3A_345 = tpu.memref_squeeze %dma_wait3A_344 : memref<1x128xi32, #tpu.memory_space<vmem>> -> memref<128xi32, #tpu.memory_space<vmem>>
        %dma_wait3A_346 = arith.constant 0 : i32
        %dma_wait3A_347 = arith.constant 0 : i32
        %dma_wait3A_348 = tpu.memref_slice %arg10[%dma_wait3A_346, %dma_wait3A_347] : memref<10240x128xf32, #tpu.memory_space<vmem_shared>> -> memref<10240x128xf32, #tpu.memory_space<vmem_shared>>
        tpu.wait_indirect_dma semaphore(%arg15 : memref<!tpu.dma_semaphore, #tpu.memory_space<semaphore_mem>>) src(%arg9 : memref<128x128xf32, #tpu.memory_space<vmem>>) dst(%dma_wait3A_348 : memref<10240x128xf32, #tpu.memory_space<vmem_shared>>)
        %dma_start3A_349 = arith.constant 11 : i32
        %dma_start3A_350 = arith.constant 0 : i32
        %dma_start3A_351 = tpu.memref_slice %arg6[%dma_start3A_349, %dma_start3A_350] : memref<16x128xi32, #tpu.memory_space<vmem>> -> memref<1x128xi32, #tpu.memory_space<vmem>>
        %dma_start3A_352 = tpu.memref_squeeze %dma_start3A_351 : memref<1x128xi32, #tpu.memory_space<vmem>> -> memref<128xi32, #tpu.memory_space<vmem>>
        %dma_start3A_353 = arith.constant 0 : i32
        %dma_start3A_354 = arith.constant 0 : i32
        %dma_start3A_355 = tpu.memref_slice %arg2[%dma_start3A_353, %dma_start3A_354] : memref<10000x128xf32, #tpu.memory_space<hbm>> -> memref<10000x128xf32, #tpu.memory_space<hbm>>
        tpu.enqueue_indirect_dma source(%dma_start3A_355 : memref<10000x128xf32, #tpu.memory_space<hbm>>) target(%arg9 : memref<128x128xf32, #tpu.memory_space<vmem>>) offsets(%dma_start3A_352 : memref<128xi32, #tpu.memory_space<vmem>>) semaphore(%arg13 : memref<!tpu.dma_semaphore, #tpu.memory_space<semaphore_mem>>)
        %dma_wait3A_356 = arith.constant 11 : i32
        %dma_wait3A_357 = arith.constant 0 : i32
        %dma_wait3A_358 = tpu.memref_slice %arg6[%dma_wait3A_356, %dma_wait3A_357] : memref<16x128xi32, #tpu.memory_space<vmem>> -> memref<1x128xi32, #tpu.memory_space<vmem>>
        %dma_wait3A_359 = tpu.memref_squeeze %dma_wait3A_358 : memref<1x128xi32, #tpu.memory_space<vmem>> -> memref<128xi32, #tpu.memory_space<vmem>>
        %dma_wait3A_360 = arith.constant 0 : i32
        %dma_wait3A_361 = arith.constant 0 : i32
        %dma_wait3A_362 = tpu.memref_slice %arg2[%dma_wait3A_360, %dma_wait3A_361] : memref<10000x128xf32, #tpu.memory_space<hbm>> -> memref<10000x128xf32, #tpu.memory_space<hbm>>
        tpu.wait_indirect_dma semaphore(%arg13 : memref<!tpu.dma_semaphore, #tpu.memory_space<semaphore_mem>>) src(%dma_wait3A_362 : memref<10000x128xf32, #tpu.memory_space<hbm>>) dst(%arg9 : memref<128x128xf32, #tpu.memory_space<vmem>>)
        %dma_start3A_363 = arith.constant 11 : i32
        %dma_start3A_364 = arith.constant 0 : i32
        %dma_start3A_365 = tpu.memref_slice %arg7[%dma_start3A_363, %dma_start3A_364] : memref<16x128xi32, #tpu.memory_space<vmem>> -> memref<1x128xi32, #tpu.memory_space<vmem>>
        %dma_start3A_366 = tpu.memref_squeeze %dma_start3A_365 : memref<1x128xi32, #tpu.memory_space<vmem>> -> memref<128xi32, #tpu.memory_space<vmem>>
        %dma_start3A_367 = arith.constant 0 : i32
        %dma_start3A_368 = arith.constant 0 : i32
        %dma_start3A_369 = tpu.memref_slice %arg10[%dma_start3A_367, %dma_start3A_368] : memref<10240x128xf32, #tpu.memory_space<vmem_shared>> -> memref<10240x128xf32, #tpu.memory_space<vmem_shared>>
        tpu.enqueue_indirect_dma source(%arg9 : memref<128x128xf32, #tpu.memory_space<vmem>>) target(%dma_start3A_369 : memref<10240x128xf32, #tpu.memory_space<vmem_shared>>) offsets(%dma_start3A_366 : memref<128xi32, #tpu.memory_space<vmem>>) semaphore(%arg15 : memref<!tpu.dma_semaphore, #tpu.memory_space<semaphore_mem>>) {add = true}
        %dma_wait3A_370 = arith.constant 10 : i32
        %dma_wait3A_371 = arith.constant 0 : i32
        %dma_wait3A_372 = tpu.memref_slice %arg7[%dma_wait3A_370, %dma_wait3A_371] : memref<16x128xi32, #tpu.memory_space<vmem>> -> memref<1x128xi32, #tpu.memory_space<vmem>>
        %dma_wait3A_373 = tpu.memref_squeeze %dma_wait3A_372 : memref<1x128xi32, #tpu.memory_space<vmem>> -> memref<128xi32, #tpu.memory_space<vmem>>
        %dma_wait3A_374 = arith.constant 0 : i32
        %dma_wait3A_375 = arith.constant 0 : i32
        %dma_wait3A_376 = tpu.memref_slice %arg10[%dma_wait3A_374, %dma_wait3A_375] : memref<10240x128xf32, #tpu.memory_space<vmem_shared>> -> memref<10240x128xf32, #tpu.memory_space<vmem_shared>>
        tpu.wait_indirect_dma semaphore(%arg14 : memref<!tpu.dma_semaphore, #tpu.memory_space<semaphore_mem>>) src(%arg8 : memref<128x128xf32, #tpu.memory_space<vmem>>) dst(%dma_wait3A_376 : memref<10240x128xf32, #tpu.memory_space<vmem_shared>>)
        %dma_start3A_377 = arith.constant 12 : i32
        %dma_start3A_378 = arith.constant 0 : i32
        %dma_start3A_379 = tpu.memref_slice %arg6[%dma_start3A_377, %dma_start3A_378] : memref<16x128xi32, #tpu.memory_space<vmem>> -> memref<1x128xi32, #tpu.memory_space<vmem>>
        %dma_start3A_380 = tpu.memref_squeeze %dma_start3A_379 : memref<1x128xi32, #tpu.memory_space<vmem>> -> memref<128xi32, #tpu.memory_space<vmem>>
        %dma_start3A_381 = arith.constant 0 : i32
        %dma_start3A_382 = arith.constant 0 : i32
        %dma_start3A_383 = tpu.memref_slice %arg2[%dma_start3A_381, %dma_start3A_382] : memref<10000x128xf32, #tpu.memory_space<hbm>> -> memref<10000x128xf32, #tpu.memory_space<hbm>>
        tpu.enqueue_indirect_dma source(%dma_start3A_383 : memref<10000x128xf32, #tpu.memory_space<hbm>>) target(%arg8 : memref<128x128xf32, #tpu.memory_space<vmem>>) offsets(%dma_start3A_380 : memref<128xi32, #tpu.memory_space<vmem>>) semaphore(%arg12 : memref<!tpu.dma_semaphore, #tpu.memory_space<semaphore_mem>>)
        %dma_wait3A_384 = arith.constant 12 : i32
        %dma_wait3A_385 = arith.constant 0 : i32
        %dma_wait3A_386 = tpu.memref_slice %arg6[%dma_wait3A_384, %dma_wait3A_385] : memref<16x128xi32, #tpu.memory_space<vmem>> -> memref<1x128xi32, #tpu.memory_space<vmem>>
        %dma_wait3A_387 = tpu.memref_squeeze %dma_wait3A_386 : memref<1x128xi32, #tpu.memory_space<vmem>> -> memref<128xi32, #tpu.memory_space<vmem>>
        %dma_wait3A_388 = arith.constant 0 : i32
        %dma_wait3A_389 = arith.constant 0 : i32
        %dma_wait3A_390 = tpu.memref_slice %arg2[%dma_wait3A_388, %dma_wait3A_389] : memref<10000x128xf32, #tpu.memory_space<hbm>> -> memref<10000x128xf32, #tpu.memory_space<hbm>>
        tpu.wait_indirect_dma semaphore(%arg12 : memref<!tpu.dma_semaphore, #tpu.memory_space<semaphore_mem>>) src(%dma_wait3A_390 : memref<10000x128xf32, #tpu.memory_space<hbm>>) dst(%arg8 : memref<128x128xf32, #tpu.memory_space<vmem>>)
        %dma_start3A_391 = arith.constant 12 : i32
        %dma_start3A_392 = arith.constant 0 : i32
        %dma_start3A_393 = tpu.memref_slice %arg7[%dma_start3A_391, %dma_start3A_392] : memref<16x128xi32, #tpu.memory_space<vmem>> -> memref<1x128xi32, #tpu.memory_space<vmem>>
        %dma_start3A_394 = tpu.memref_squeeze %dma_start3A_393 : memref<1x128xi32, #tpu.memory_space<vmem>> -> memref<128xi32, #tpu.memory_space<vmem>>
        %dma_start3A_395 = arith.constant 0 : i32
        %dma_start3A_396 = arith.constant 0 : i32
        %dma_start3A_397 = tpu.memref_slice %arg10[%dma_start3A_395, %dma_start3A_396] : memref<10240x128xf32, #tpu.memory_space<vmem_shared>> -> memref<10240x128xf32, #tpu.memory_space<vmem_shared>>
        tpu.enqueue_indirect_dma source(%arg8 : memref<128x128xf32, #tpu.memory_space<vmem>>) target(%dma_start3A_397 : memref<10240x128xf32, #tpu.memory_space<vmem_shared>>) offsets(%dma_start3A_394 : memref<128xi32, #tpu.memory_space<vmem>>) semaphore(%arg14 : memref<!tpu.dma_semaphore, #tpu.memory_space<semaphore_mem>>) {add = true}
        %dma_wait3A_398 = arith.constant 11 : i32
        %dma_wait3A_399 = arith.constant 0 : i32
        %dma_wait3A_400 = tpu.memref_slice %arg7[%dma_wait3A_398, %dma_wait3A_399] : memref<16x128xi32, #tpu.memory_space<vmem>> -> memref<1x128xi32, #tpu.memory_space<vmem>>
        %dma_wait3A_401 = tpu.memref_squeeze %dma_wait3A_400 : memref<1x128xi32, #tpu.memory_space<vmem>> -> memref<128xi32, #tpu.memory_space<vmem>>
        %dma_wait3A_402 = arith.constant 0 : i32
        %dma_wait3A_403 = arith.constant 0 : i32
        %dma_wait3A_404 = tpu.memref_slice %arg10[%dma_wait3A_402, %dma_wait3A_403] : memref<10240x128xf32, #tpu.memory_space<vmem_shared>> -> memref<10240x128xf32, #tpu.memory_space<vmem_shared>>
        tpu.wait_indirect_dma semaphore(%arg15 : memref<!tpu.dma_semaphore, #tpu.memory_space<semaphore_mem>>) src(%arg9 : memref<128x128xf32, #tpu.memory_space<vmem>>) dst(%dma_wait3A_404 : memref<10240x128xf32, #tpu.memory_space<vmem_shared>>)
        %dma_start3A_405 = arith.constant 13 : i32
        %dma_start3A_406 = arith.constant 0 : i32
        %dma_start3A_407 = tpu.memref_slice %arg6[%dma_start3A_405, %dma_start3A_406] : memref<16x128xi32, #tpu.memory_space<vmem>> -> memref<1x128xi32, #tpu.memory_space<vmem>>
        %dma_start3A_408 = tpu.memref_squeeze %dma_start3A_407 : memref<1x128xi32, #tpu.memory_space<vmem>> -> memref<128xi32, #tpu.memory_space<vmem>>
        %dma_start3A_409 = arith.constant 0 : i32
        %dma_start3A_410 = arith.constant 0 : i32
        %dma_start3A_411 = tpu.memref_slice %arg2[%dma_start3A_409, %dma_start3A_410] : memref<10000x128xf32, #tpu.memory_space<hbm>> -> memref<10000x128xf32, #tpu.memory_space<hbm>>
        tpu.enqueue_indirect_dma source(%dma_start3A_411 : memref<10000x128xf32, #tpu.memory_space<hbm>>) target(%arg9 : memref<128x128xf32, #tpu.memory_space<vmem>>) offsets(%dma_start3A_408 : memref<128xi32, #tpu.memory_space<vmem>>) semaphore(%arg13 : memref<!tpu.dma_semaphore, #tpu.memory_space<semaphore_mem>>)
        %dma_wait3A_412 = arith.constant 13 : i32
        %dma_wait3A_413 = arith.constant 0 : i32
        %dma_wait3A_414 = tpu.memref_slice %arg6[%dma_wait3A_412, %dma_wait3A_413] : memref<16x128xi32, #tpu.memory_space<vmem>> -> memref<1x128xi32, #tpu.memory_space<vmem>>
        %dma_wait3A_415 = tpu.memref_squeeze %dma_wait3A_414 : memref<1x128xi32, #tpu.memory_space<vmem>> -> memref<128xi32, #tpu.memory_space<vmem>>
        %dma_wait3A_416 = arith.constant 0 : i32
        %dma_wait3A_417 = arith.constant 0 : i32
        %dma_wait3A_418 = tpu.memref_slice %arg2[%dma_wait3A_416, %dma_wait3A_417] : memref<10000x128xf32, #tpu.memory_space<hbm>> -> memref<10000x128xf32, #tpu.memory_space<hbm>>
        tpu.wait_indirect_dma semaphore(%arg13 : memref<!tpu.dma_semaphore, #tpu.memory_space<semaphore_mem>>) src(%dma_wait3A_418 : memref<10000x128xf32, #tpu.memory_space<hbm>>) dst(%arg9 : memref<128x128xf32, #tpu.memory_space<vmem>>)
        %dma_start3A_419 = arith.constant 13 : i32
        %dma_start3A_420 = arith.constant 0 : i32
        %dma_start3A_421 = tpu.memref_slice %arg7[%dma_start3A_419, %dma_start3A_420] : memref<16x128xi32, #tpu.memory_space<vmem>> -> memref<1x128xi32, #tpu.memory_space<vmem>>
        %dma_start3A_422 = tpu.memref_squeeze %dma_start3A_421 : memref<1x128xi32, #tpu.memory_space<vmem>> -> memref<128xi32, #tpu.memory_space<vmem>>
        %dma_start3A_423 = arith.constant 0 : i32
        %dma_start3A_424 = arith.constant 0 : i32
        %dma_start3A_425 = tpu.memref_slice %arg10[%dma_start3A_423, %dma_start3A_424] : memref<10240x128xf32, #tpu.memory_space<vmem_shared>> -> memref<10240x128xf32, #tpu.memory_space<vmem_shared>>
        tpu.enqueue_indirect_dma source(%arg9 : memref<128x128xf32, #tpu.memory_space<vmem>>) target(%dma_start3A_425 : memref<10240x128xf32, #tpu.memory_space<vmem_shared>>) offsets(%dma_start3A_422 : memref<128xi32, #tpu.memory_space<vmem>>) semaphore(%arg15 : memref<!tpu.dma_semaphore, #tpu.memory_space<semaphore_mem>>) {add = true}
        %dma_wait3A_426 = arith.constant 12 : i32
        %dma_wait3A_427 = arith.constant 0 : i32
        %dma_wait3A_428 = tpu.memref_slice %arg7[%dma_wait3A_426, %dma_wait3A_427] : memref<16x128xi32, #tpu.memory_space<vmem>> -> memref<1x128xi32, #tpu.memory_space<vmem>>
        %dma_wait3A_429 = tpu.memref_squeeze %dma_wait3A_428 : memref<1x128xi32, #tpu.memory_space<vmem>> -> memref<128xi32, #tpu.memory_space<vmem>>
        %dma_wait3A_430 = arith.constant 0 : i32
        %dma_wait3A_431 = arith.constant 0 : i32
        %dma_wait3A_432 = tpu.memref_slice %arg10[%dma_wait3A_430, %dma_wait3A_431] : memref<10240x128xf32, #tpu.memory_space<vmem_shared>> -> memref<10240x128xf32, #tpu.memory_space<vmem_shared>>
        tpu.wait_indirect_dma semaphore(%arg14 : memref<!tpu.dma_semaphore, #tpu.memory_space<semaphore_mem>>) src(%arg8 : memref<128x128xf32, #tpu.memory_space<vmem>>) dst(%dma_wait3A_432 : memref<10240x128xf32, #tpu.memory_space<vmem_shared>>)
        %dma_start3A_433 = arith.constant 14 : i32
        %dma_start3A_434 = arith.constant 0 : i32
        %dma_start3A_435 = tpu.memref_slice %arg6[%dma_start3A_433, %dma_start3A_434] : memref<16x128xi32, #tpu.memory_space<vmem>> -> memref<1x128xi32, #tpu.memory_space<vmem>>
        %dma_start3A_436 = tpu.memref_squeeze %dma_start3A_435 : memref<1x128xi32, #tpu.memory_space<vmem>> -> memref<128xi32, #tpu.memory_space<vmem>>
        %dma_start3A_437 = arith.constant 0 : i32
        %dma_start3A_438 = arith.constant 0 : i32
        %dma_start3A_439 = tpu.memref_slice %arg2[%dma_start3A_437, %dma_start3A_438] : memref<10000x128xf32, #tpu.memory_space<hbm>> -> memref<10000x128xf32, #tpu.memory_space<hbm>>
        tpu.enqueue_indirect_dma source(%dma_start3A_439 : memref<10000x128xf32, #tpu.memory_space<hbm>>) target(%arg8 : memref<128x128xf32, #tpu.memory_space<vmem>>) offsets(%dma_start3A_436 : memref<128xi32, #tpu.memory_space<vmem>>) semaphore(%arg12 : memref<!tpu.dma_semaphore, #tpu.memory_space<semaphore_mem>>)
        %dma_wait3A_440 = arith.constant 14 : i32
        %dma_wait3A_441 = arith.constant 0 : i32
        %dma_wait3A_442 = tpu.memref_slice %arg6[%dma_wait3A_440, %dma_wait3A_441] : memref<16x128xi32, #tpu.memory_space<vmem>> -> memref<1x128xi32, #tpu.memory_space<vmem>>
        %dma_wait3A_443 = tpu.memref_squeeze %dma_wait3A_442 : memref<1x128xi32, #tpu.memory_space<vmem>> -> memref<128xi32, #tpu.memory_space<vmem>>
        %dma_wait3A_444 = arith.constant 0 : i32
        %dma_wait3A_445 = arith.constant 0 : i32
        %dma_wait3A_446 = tpu.memref_slice %arg2[%dma_wait3A_444, %dma_wait3A_445] : memref<10000x128xf32, #tpu.memory_space<hbm>> -> memref<10000x128xf32, #tpu.memory_space<hbm>>
        tpu.wait_indirect_dma semaphore(%arg12 : memref<!tpu.dma_semaphore, #tpu.memory_space<semaphore_mem>>) src(%dma_wait3A_446 : memref<10000x128xf32, #tpu.memory_space<hbm>>) dst(%arg8 : memref<128x128xf32, #tpu.memory_space<vmem>>)
        %dma_start3A_447 = arith.constant 14 : i32
        %dma_start3A_448 = arith.constant 0 : i32
        %dma_start3A_449 = tpu.memref_slice %arg7[%dma_start3A_447, %dma_start3A_448] : memref<16x128xi32, #tpu.memory_space<vmem>> -> memref<1x128xi32, #tpu.memory_space<vmem>>
        %dma_start3A_450 = tpu.memref_squeeze %dma_start3A_449 : memref<1x128xi32, #tpu.memory_space<vmem>> -> memref<128xi32, #tpu.memory_space<vmem>>
        %dma_start3A_451 = arith.constant 0 : i32
        %dma_start3A_452 = arith.constant 0 : i32
        %dma_start3A_453 = tpu.memref_slice %arg10[%dma_start3A_451, %dma_start3A_452] : memref<10240x128xf32, #tpu.memory_space<vmem_shared>> -> memref<10240x128xf32, #tpu.memory_space<vmem_shared>>
        tpu.enqueue_indirect_dma source(%arg8 : memref<128x128xf32, #tpu.memory_space<vmem>>) target(%dma_start3A_453 : memref<10240x128xf32, #tpu.memory_space<vmem_shared>>) offsets(%dma_start3A_450 : memref<128xi32, #tpu.memory_space<vmem>>) semaphore(%arg14 : memref<!tpu.dma_semaphore, #tpu.memory_space<semaphore_mem>>) {add = true}
        %dma_wait3A_454 = arith.constant 13 : i32
        %dma_wait3A_455 = arith.constant 0 : i32
        %dma_wait3A_456 = tpu.memref_slice %arg7[%dma_wait3A_454, %dma_wait3A_455] : memref<16x128xi32, #tpu.memory_space<vmem>> -> memref<1x128xi32, #tpu.memory_space<vmem>>
        %dma_wait3A_457 = tpu.memref_squeeze %dma_wait3A_456 : memref<1x128xi32, #tpu.memory_space<vmem>> -> memref<128xi32, #tpu.memory_space<vmem>>
        %dma_wait3A_458 = arith.constant 0 : i32
        %dma_wait3A_459 = arith.constant 0 : i32
        %dma_wait3A_460 = tpu.memref_slice %arg10[%dma_wait3A_458, %dma_wait3A_459] : memref<10240x128xf32, #tpu.memory_space<vmem_shared>> -> memref<10240x128xf32, #tpu.memory_space<vmem_shared>>
        tpu.wait_indirect_dma semaphore(%arg15 : memref<!tpu.dma_semaphore, #tpu.memory_space<semaphore_mem>>) src(%arg9 : memref<128x128xf32, #tpu.memory_space<vmem>>) dst(%dma_wait3A_460 : memref<10240x128xf32, #tpu.memory_space<vmem_shared>>)
        %dma_start3A_461 = arith.constant 15 : i32
        %dma_start3A_462 = arith.constant 0 : i32
        %dma_start3A_463 = tpu.memref_slice %arg6[%dma_start3A_461, %dma_start3A_462] : memref<16x128xi32, #tpu.memory_space<vmem>> -> memref<1x128xi32, #tpu.memory_space<vmem>>
        %dma_start3A_464 = tpu.memref_squeeze %dma_start3A_463 : memref<1x128xi32, #tpu.memory_space<vmem>> -> memref<128xi32, #tpu.memory_space<vmem>>
        %dma_start3A_465 = arith.constant 0 : i32
        %dma_start3A_466 = arith.constant 0 : i32
        %dma_start3A_467 = tpu.memref_slice %arg2[%dma_start3A_465, %dma_start3A_466] : memref<10000x128xf32, #tpu.memory_space<hbm>> -> memref<10000x128xf32, #tpu.memory_space<hbm>>
        tpu.enqueue_indirect_dma source(%dma_start3A_467 : memref<10000x128xf32, #tpu.memory_space<hbm>>) target(%arg9 : memref<128x128xf32, #tpu.memory_space<vmem>>) offsets(%dma_start3A_464 : memref<128xi32, #tpu.memory_space<vmem>>) semaphore(%arg13 : memref<!tpu.dma_semaphore, #tpu.memory_space<semaphore_mem>>)
        %dma_wait3A_468 = arith.constant 15 : i32
        %dma_wait3A_469 = arith.constant 0 : i32
        %dma_wait3A_470 = tpu.memref_slice %arg6[%dma_wait3A_468, %dma_wait3A_469] : memref<16x128xi32, #tpu.memory_space<vmem>> -> memref<1x128xi32, #tpu.memory_space<vmem>>
        %dma_wait3A_471 = tpu.memref_squeeze %dma_wait3A_470 : memref<1x128xi32, #tpu.memory_space<vmem>> -> memref<128xi32, #tpu.memory_space<vmem>>
        %dma_wait3A_472 = arith.constant 0 : i32
        %dma_wait3A_473 = arith.constant 0 : i32
        %dma_wait3A_474 = tpu.memref_slice %arg2[%dma_wait3A_472, %dma_wait3A_473] : memref<10000x128xf32, #tpu.memory_space<hbm>> -> memref<10000x128xf32, #tpu.memory_space<hbm>>
        tpu.wait_indirect_dma semaphore(%arg13 : memref<!tpu.dma_semaphore, #tpu.memory_space<semaphore_mem>>) src(%dma_wait3A_474 : memref<10000x128xf32, #tpu.memory_space<hbm>>) dst(%arg9 : memref<128x128xf32, #tpu.memory_space<vmem>>)
        %dma_start3A_475 = arith.constant 15 : i32
        %dma_start3A_476 = arith.constant 0 : i32
        %dma_start3A_477 = tpu.memref_slice %arg7[%dma_start3A_475, %dma_start3A_476] : memref<16x128xi32, #tpu.memory_space<vmem>> -> memref<1x128xi32, #tpu.memory_space<vmem>>
        %dma_start3A_478 = tpu.memref_squeeze %dma_start3A_477 : memref<1x128xi32, #tpu.memory_space<vmem>> -> memref<128xi32, #tpu.memory_space<vmem>>
        %dma_start3A_479 = arith.constant 0 : i32
        %dma_start3A_480 = arith.constant 0 : i32
        %dma_start3A_481 = tpu.memref_slice %arg10[%dma_start3A_479, %dma_start3A_480] : memref<10240x128xf32, #tpu.memory_space<vmem_shared>> -> memref<10240x128xf32, #tpu.memory_space<vmem_shared>>
        tpu.enqueue_indirect_dma source(%arg9 : memref<128x128xf32, #tpu.memory_space<vmem>>) target(%dma_start3A_481 : memref<10240x128xf32, #tpu.memory_space<vmem_shared>>) offsets(%dma_start3A_478 : memref<128xi32, #tpu.memory_space<vmem>>) semaphore(%arg15 : memref<!tpu.dma_semaphore, #tpu.memory_space<semaphore_mem>>) {add = true}
        %dma_wait3A_482 = arith.constant 14 : i32
        %dma_wait3A_483 = arith.constant 0 : i32
        %dma_wait3A_484 = tpu.memref_slice %arg7[%dma_wait3A_482, %dma_wait3A_483] : memref<16x128xi32, #tpu.memory_space<vmem>> -> memref<1x128xi32, #tpu.memory_space<vmem>>
        %dma_wait3A_485 = tpu.memref_squeeze %dma_wait3A_484 : memref<1x128xi32, #tpu.memory_space<vmem>> -> memref<128xi32, #tpu.memory_space<vmem>>
        %dma_wait3A_486 = arith.constant 0 : i32
        %dma_wait3A_487 = arith.constant 0 : i32
        %dma_wait3A_488 = tpu.memref_slice %arg10[%dma_wait3A_486, %dma_wait3A_487] : memref<10240x128xf32, #tpu.memory_space<vmem_shared>> -> memref<10240x128xf32, #tpu.memory_space<vmem_shared>>
        tpu.wait_indirect_dma semaphore(%arg14 : memref<!tpu.dma_semaphore, #tpu.memory_space<semaphore_mem>>) src(%arg8 : memref<128x128xf32, #tpu.memory_space<vmem>>) dst(%dma_wait3A_488 : memref<10240x128xf32, #tpu.memory_space<vmem_shared>>)
        %dma_wait3A_489 = arith.constant 15 : i32
        %dma_wait3A_490 = arith.constant 0 : i32
        %dma_wait3A_491 = tpu.memref_slice %arg7[%dma_wait3A_489, %dma_wait3A_490] : memref<16x128xi32, #tpu.memory_space<vmem>> -> memref<1x128xi32, #tpu.memory_space<vmem>>
        %dma_wait3A_492 = tpu.memref_squeeze %dma_wait3A_491 : memref<1x128xi32, #tpu.memory_space<vmem>> -> memref<128xi32, #tpu.memory_space<vmem>>
        %dma_wait3A_493 = arith.constant 0 : i32
        %dma_wait3A_494 = arith.constant 0 : i32
        %dma_wait3A_495 = tpu.memref_slice %arg10[%dma_wait3A_493, %dma_wait3A_494] : memref<10240x128xf32, #tpu.memory_space<vmem_shared>> -> memref<10240x128xf32, #tpu.memory_space<vmem_shared>>
        tpu.wait_indirect_dma semaphore(%arg15 : memref<!tpu.dma_semaphore, #tpu.memory_space<semaphore_mem>>) src(%arg9 : memref<128x128xf32, #tpu.memory_space<vmem>>) dst(%dma_wait3A_495 : memref<10240x128xf32, #tpu.memory_space<vmem_shared>>)
      }
      %scan3A_27 = arith.constant 3 : i32
    } else {
    }
    %barrier3A_16 = arith.constant 0 : index
    tpu.barrier barrier_id(%barrier3A_16)
    %mul3A = arith.constant 640 : i32
    %mul3A_17 = arith.muli %arg1, %mul3A : i32
    %mul3A_18 = arith.constant 640 : i32
    %mul3A_19 = arith.muli %arg1, %mul3A_18 : i32
    "tpu.region"() ({
      %run_scoped3A = tpu.sem_alloc : memref<!tpu.dma_semaphore, #tpu.memory_space<semaphore_mem>>
      %dma_start3A = arith.constant 0 : i32
      %dma_start3A_20 = tpu.memref_slice %arg5[%arg0, %mul3A_19, %dma_start3A] : memref<2x10240x128xf32, #tpu.memory_space<hbm>> -> memref<1x640x128xf32, #tpu.memory_space<hbm>>
      %dma_start3A_21 = tpu.memref_squeeze %dma_start3A_20 : memref<1x640x128xf32, #tpu.memory_space<hbm>> -> memref<640x128xf32, #tpu.memory_space<hbm>>
      %dma_start3A_22 = arith.constant 0 : i32
      %dma_start3A_23 = tpu.memref_slice %arg10[%mul3A_17, %dma_start3A_22] : memref<10240x128xf32, #tpu.memory_space<vmem_shared>> -> memref<640x128xf32, #tpu.memory_space<vmem_shared>>
      tpu.enqueue_dma source(%dma_start3A_23 : memref<640x128xf32, #tpu.memory_space<vmem_shared>>) target(%dma_start3A_21 : memref<640x128xf32, #tpu.memory_space<hbm>>) target_semaphore(%run_scoped3A : memref<!tpu.dma_semaphore, #tpu.memory_space<semaphore_mem>>)
      %dma_wait3A = arith.constant 0 : i32
      %dma_wait3A_24 = tpu.memref_slice %arg5[%arg0, %mul3A_19, %dma_wait3A] : memref<2x10240x128xf32, #tpu.memory_space<hbm>> -> memref<1x640x128xf32, #tpu.memory_space<hbm>>
      %dma_wait3A_25 = tpu.memref_squeeze %dma_wait3A_24 : memref<1x640x128xf32, #tpu.memory_space<hbm>> -> memref<640x128xf32, #tpu.memory_space<hbm>>
      %dma_wait3A_26 = arith.constant 0 : i32
      %dma_wait3A_27 = tpu.memref_slice %arg10[%mul3A_17, %dma_wait3A_26] : memref<10240x128xf32, #tpu.memory_space<vmem_shared>> -> memref<640x128xf32, #tpu.memory_space<vmem_shared>>
      tpu.wait_dma2 semaphore(%run_scoped3A : memref<!tpu.dma_semaphore, #tpu.memory_space<semaphore_mem>>) src(%dma_wait3A_27 : memref<640x128xf32, #tpu.memory_space<vmem_shared>>) dst(%dma_wait3A_25 : memref<640x128xf32, #tpu.memory_space<hbm>>)
      tpu.yield
    }) : () -> ()
    return
  }
}

module attributes {stable_mosaic.version = 14 : i64} {
  func.func @_tc_g1_body(%arg0: memref<10000x128xf32, #tpu.memory_space<vmem>>, %arg1: memref<128x128xf32, #tpu.memory_space<vmem>>, %arg2: memref<10000x1xf32, #tpu.memory_space<vmem>>, %arg3: memref<10000x128xf32, #tpu.memory_space<vmem>>) attributes {dimension_semantics = [], scalar_prefetch = 0 : i64, scratch_operands = 0 : i64, tpu.core_type = #tpu.core_type<tc>} {
    %get3A = arith.constant 0 : index
    %get3A_0 = arith.constant 0 : index
    %get3A_1 = vector.load %arg0[%get3A, %get3A_0] : memref<10000x128xf32, #tpu.memory_space<vmem>>, vector<10000x128xf32>
    %get3A_2 = arith.constant 0 : index
    %get3A_3 = arith.constant 0 : index
    %get3A_4 = vector.load %arg1[%get3A_2, %get3A_3] : memref<128x128xf32, #tpu.memory_space<vmem>>, vector<128x128xf32>
    %dot_general3A = arith.constant dense<0.000000e+00> : vector<10000x128xf32>
    %dot_general3A_5 = tpu.matmul %get3A_1, %get3A_4, %dot_general3A {dimension_numbers = #tpu.dot_dimension_numbers<[1], [0], [0], [1], [0, 0, 1, 1], [], []>, transpose_lhs_hint = false} : vector<10000x128xf32>, vector<128x128xf32>, vector<10000x128xf32> -> vector<10000x128xf32>
    %get3A_6 = arith.constant 0 : index
    %get3A_7 = arith.constant 0 : index
    %get3A_8 = vector.load %arg2[%get3A_6, %get3A_7] : memref<10000x1xf32, #tpu.memory_space<vmem>>, vector<10000x1xf32>
    %mul3A = vector.broadcast %get3A_8 : vector<10000x1xf32> to vector<10000x128xf32>
    %mul3A_9 = arith.mulf %dot_general3A_5, %mul3A : vector<10000x128xf32>
    %swap3A = arith.constant 0 : index
    %swap3A_10 = arith.constant 0 : index
    %swap3A_11 = vector.load %arg3[%swap3A, %swap3A_10] : memref<10000x128xf32, #tpu.memory_space<vmem>>, vector<10000x128xf32>
    tpu.vector_store %arg3[%swap3A, %swap3A_10], %mul3A_9 {strides = array<i32>} : memref<10000x128xf32, #tpu.memory_space<vmem>>, vector<10000x128xf32>,
    return
  }
}

module attributes {stable_mosaic.version = 14 : i64} {
  func.func @_tc_degsum_body(%arg0: memref<32x640x16xf32, #tpu.memory_space<vmem>>, %arg1: memref<640x16xf32, #tpu.memory_space<vmem>>) attributes {dimension_semantics = [], scalar_prefetch = 0 : i64, scratch_operands = 0 : i64, tpu.core_type = #tpu.core_type<tc>} {
    %get3A = arith.constant 0 : index
    %get3A_0 = arith.constant 0 : index
    %get3A_1 = arith.constant 0 : index
    %get3A_2 = vector.load %arg0[%get3A, %get3A_0, %get3A_1] : memref<32x640x16xf32, #tpu.memory_space<vmem>>, vector<32x640x16xf32>
    %reduce_sum3A = arith.constant dense<0.000000e+00> : vector<640x16xf32>
    %reduce_sum3A_3 = vector.multi_reduction <add>, %get3A_2, %reduce_sum3A [0] : vector<32x640x16xf32> to vector<640x16xf32>
    %add3A = arith.constant 1.000000e+00 : f32
    %add3A_4 = vector.broadcast %add3A : f32 to vector<640x16xf32>
    %add3A_5 = arith.addf %reduce_sum3A_3, %add3A_4 : vector<640x16xf32>
    %rsqrt3A = math.rsqrt %add3A_5 : vector<640x16xf32>
    %swap3A = arith.constant 0 : index
    %swap3A_6 = arith.constant 0 : index
    %swap3A_7 = vector.load %arg1[%swap3A, %swap3A_6] : memref<640x16xf32, #tpu.memory_space<vmem>>, vector<640x16xf32>
    tpu.vector_store %arg1[%swap3A, %swap3A_6], %rsqrt3A {strides = array<i32>} : memref<640x16xf32, #tpu.memory_space<vmem>>, vector<640x16xf32>,
    return
  }
}

module attributes {stable_mosaic.version = 14 : i64} {
  func.func @_tc_mid_body(%arg0: memref<2x10240x128xf32, #tpu.memory_space<vmem>>, %arg1: memref<10000x128xf32, #tpu.memory_space<vmem>>, %arg2: memref<10000x1xf32, #tpu.memory_space<vmem>>, %arg3: memref<1x128xf32, #tpu.memory_space<vmem>>, %arg4: memref<1x128xf32, #tpu.memory_space<vmem>>, %arg5: memref<1x128xf32, #tpu.memory_space<vmem>>, %arg6: memref<1x128xf32, #tpu.memory_space<vmem>>, %arg7: memref<128x128xf32, #tpu.memory_space<vmem>>, %arg8: memref<10000x128xf32, #tpu.memory_space<vmem>>) attributes {dimension_semantics = [], scalar_prefetch = 0 : i64, scratch_operands = 0 : i64, tpu.core_type = #tpu.core_type<tc>} {
    %get3A = arith.constant 0 : index
    %get3A_0 = arith.constant 0 : index
    %get3A_1 = vector.load %arg2[%get3A, %get3A_0] : memref<10000x1xf32, #tpu.memory_space<vmem>>, vector<10000x1xf32>
    %get3A_2 = arith.constant 0 : index
    %get3A_3 = arith.constant 0 : index
    %get3A_4 = arith.constant 0 : index
    %get3A_5 = vector.load %arg0[%get3A_2, %get3A_3, %get3A_4] : memref<2x10240x128xf32, #tpu.memory_space<vmem>>, vector<1x10000x128xf32>
    %get3A_6 = vector.shape_cast %get3A_5 : vector<1x10000x128xf32> to vector<10000x128xf32>
    %get3A_7 = arith.constant 1 : index
    %get3A_8 = arith.constant 0 : index
    %get3A_9 = arith.constant 0 : index
    %get3A_10 = vector.load %arg0[%get3A_7, %get3A_8, %get3A_9] : memref<2x10240x128xf32, #tpu.memory_space<vmem>>, vector<1x10000x128xf32>
    %get3A_11 = vector.shape_cast %get3A_10 : vector<1x10000x128xf32> to vector<10000x128xf32>
    %add3A = arith.addf %get3A_6, %get3A_11 : vector<10000x128xf32>
    %get3A_12 = arith.constant 0 : index
    %get3A_13 = arith.constant 0 : index
    %get3A_14 = vector.load %arg1[%get3A_12, %get3A_13] : memref<10000x128xf32, #tpu.memory_space<vmem>>, vector<10000x128xf32>
    %add3A_15 = arith.addf %add3A, %get3A_14 : vector<10000x128xf32>
    %mul3A = vector.broadcast %get3A_1 : vector<10000x1xf32> to vector<10000x128xf32>
    %mul3A_16 = arith.mulf %add3A_15, %mul3A : vector<10000x128xf32>
    %get3A_17 = arith.constant 0 : index
    %get3A_18 = arith.constant 0 : index
    %get3A_19 = vector.load %arg3[%get3A_17, %get3A_18] : memref<1x128xf32, #tpu.memory_space<vmem>>, vector<1x128xf32>
    %add3A_20 = vector.broadcast %get3A_19 : vector<1x128xf32> to vector<10000x128xf32>
    %add3A_21 = arith.addf %mul3A_16, %add3A_20 : vector<10000x128xf32>
    %reduce_sum3A = arith.constant dense<0.000000e+00> : vector<128xf32>
    %reduce_sum3A_22 = vector.multi_reduction <add>, %add3A_21, %reduce_sum3A [0] : vector<10000x128xf32> to vector<128xf32>
    %broadcast_in_dim3A = vector.shape_cast %reduce_sum3A_22 : vector<128xf32> to vector<1x128xf32>
    %div3A = arith.constant 1.000000e+04 : f32
    %div3A_23 = vector.broadcast %div3A : f32 to vector<1x128xf32>
    %div3A_24 = arith.divf %broadcast_in_dim3A, %div3A_23 : vector<1x128xf32>
    %get3A_25 = arith.constant 0 : index
    %get3A_26 = arith.constant 0 : index
    %get3A_27 = vector.load %arg6[%get3A_25, %get3A_26] : memref<1x128xf32, #tpu.memory_space<vmem>>, vector<1x128xf32>
    %mul3A_28 = arith.mulf %div3A_24, %get3A_27 : vector<1x128xf32>
    %sub3A = vector.broadcast %mul3A_28 : vector<1x128xf32> to vector<10000x128xf32>
    %sub3A_29 = arith.subf %add3A_21, %sub3A : vector<10000x128xf32>
    %mul3A_30 = arith.mulf %sub3A_29, %sub3A_29 : vector<10000x128xf32>
    %reduce_sum3A_31 = arith.constant dense<0.000000e+00> : vector<128xf32>
    %reduce_sum3A_32 = vector.multi_reduction <add>, %mul3A_30, %reduce_sum3A_31 [0] : vector<10000x128xf32> to vector<128xf32>
    %broadcast_in_dim3A_33 = vector.shape_cast %reduce_sum3A_32 : vector<128xf32> to vector<1x128xf32>
    %div3A_34 = arith.constant 1.000000e+04 : f32
    %div3A_35 = vector.broadcast %div3A_34 : f32 to vector<1x128xf32>
    %div3A_36 = arith.divf %broadcast_in_dim3A_33, %div3A_35 : vector<1x128xf32>
    %get3A_37 = arith.constant 0 : index
    %get3A_38 = arith.constant 0 : index
    %get3A_39 = vector.load %arg4[%get3A_37, %get3A_38] : memref<1x128xf32, #tpu.memory_space<vmem>>, vector<1x128xf32>
    %mul3A_40 = vector.broadcast %get3A_39 : vector<1x128xf32> to vector<10000x128xf32>
    %mul3A_41 = arith.mulf %mul3A_40, %sub3A_29 : vector<10000x128xf32>
    %add3A_42 = arith.constant 9.99999974E-6 : f32
    %add3A_43 = vector.broadcast %add3A_42 : f32 to vector<1x128xf32>
    %add3A_44 = arith.addf %div3A_36, %add3A_43 : vector<1x128xf32>
    %sqrt3A = math.sqrt %add3A_44 : vector<1x128xf32>
    %div3A_45 = vector.broadcast %sqrt3A : vector<1x128xf32> to vector<10000x128xf32>
    %div3A_46 = arith.divf %mul3A_41, %div3A_45 : vector<10000x128xf32>
    %get3A_47 = arith.constant 0 : index
    %get3A_48 = arith.constant 0 : index
    %get3A_49 = vector.load %arg5[%get3A_47, %get3A_48] : memref<1x128xf32, #tpu.memory_space<vmem>>, vector<1x128xf32>
    %add3A_50 = vector.broadcast %get3A_49 : vector<1x128xf32> to vector<10000x128xf32>
    %add3A_51 = arith.addf %div3A_46, %add3A_50 : vector<10000x128xf32>
    %max3A = arith.constant 0.000000e+00 : f32
    %max3A_52 = vector.broadcast %max3A : f32 to vector<10000x128xf32>
    %max3A_53 = arith.maximumf %add3A_51, %max3A_52 : vector<10000x128xf32>
    %get3A_54 = arith.constant 0 : index
    %get3A_55 = arith.constant 0 : index
    %get3A_56 = vector.load %arg7[%get3A_54, %get3A_55] : memref<128x128xf32, #tpu.memory_space<vmem>>, vector<128x128xf32>
    %dot_general3A = arith.constant dense<0.000000e+00> : vector<10000x128xf32>
    %dot_general3A_57 = tpu.matmul %max3A_53, %get3A_56, %dot_general3A {dimension_numbers = #tpu.dot_dimension_numbers<[1], [0], [0], [1], [0, 0, 1, 1], [], []>, transpose_lhs_hint = false} : vector<10000x128xf32>, vector<128x128xf32>, vector<10000x128xf32> -> vector<10000x128xf32>
    %mul3A_58 = vector.broadcast %get3A_1 : vector<10000x1xf32> to vector<10000x128xf32>
    %mul3A_59 = arith.mulf %dot_general3A_57, %mul3A_58 : vector<10000x128xf32>
    %swap3A = arith.constant 0 : index
    %swap3A_60 = arith.constant 0 : index
    %swap3A_61 = vector.load %arg8[%swap3A, %swap3A_60] : memref<10000x128xf32, #tpu.memory_space<vmem>>, vector<10000x128xf32>
    tpu.vector_store %arg8[%swap3A, %swap3A_60], %mul3A_59 {strides = array<i32>} : memref<10000x128xf32, #tpu.memory_space<vmem>>, vector<10000x128xf32>,
    return
  }
}

module attributes {stable_mosaic.version = 14 : i64} {
  func.func @_tc_out_body(%arg0: memref<2x10240x128xf32, #tpu.memory_space<vmem>>, %arg1: memref<10000x128xf32, #tpu.memory_space<vmem>>, %arg2: memref<10000x1xf32, #tpu.memory_space<vmem>>, %arg3: memref<1x128xf32, #tpu.memory_space<vmem>>, %arg4: memref<10000x128xf32, #tpu.memory_space<vmem>>) attributes {dimension_semantics = [], scalar_prefetch = 0 : i64, scratch_operands = 0 : i64, tpu.core_type = #tpu.core_type<tc>} {
    %get3A = arith.constant 0 : index
    %get3A_0 = arith.constant 0 : index
    %get3A_1 = arith.constant 0 : index
    %get3A_2 = vector.load %arg0[%get3A, %get3A_0, %get3A_1] : memref<2x10240x128xf32, #tpu.memory_space<vmem>>, vector<1x10000x128xf32>
    %get3A_3 = vector.shape_cast %get3A_2 : vector<1x10000x128xf32> to vector<10000x128xf32>
    %get3A_4 = arith.constant 1 : index
    %get3A_5 = arith.constant 0 : index
    %get3A_6 = arith.constant 0 : index
    %get3A_7 = vector.load %arg0[%get3A_4, %get3A_5, %get3A_6] : memref<2x10240x128xf32, #tpu.memory_space<vmem>>, vector<1x10000x128xf32>
    %get3A_8 = vector.shape_cast %get3A_7 : vector<1x10000x128xf32> to vector<10000x128xf32>
    %add3A = arith.addf %get3A_3, %get3A_8 : vector<10000x128xf32>
    %get3A_9 = arith.constant 0 : index
    %get3A_10 = arith.constant 0 : index
    %get3A_11 = vector.load %arg1[%get3A_9, %get3A_10] : memref<10000x128xf32, #tpu.memory_space<vmem>>, vector<10000x128xf32>
    %add3A_12 = arith.addf %add3A, %get3A_11 : vector<10000x128xf32>
    %get3A_13 = arith.constant 0 : index
    %get3A_14 = arith.constant 0 : index
    %get3A_15 = vector.load %arg2[%get3A_13, %get3A_14] : memref<10000x1xf32, #tpu.memory_space<vmem>>, vector<10000x1xf32>
    %mul3A = vector.broadcast %get3A_15 : vector<10000x1xf32> to vector<10000x128xf32>
    %mul3A_16 = arith.mulf %add3A_12, %mul3A : vector<10000x128xf32>
    %get3A_17 = arith.constant 0 : index
    %get3A_18 = arith.constant 0 : index
    %get3A_19 = vector.load %arg3[%get3A_17, %get3A_18] : memref<1x128xf32, #tpu.memory_space<vmem>>, vector<1x128xf32>
    %add3A_20 = vector.broadcast %get3A_19 : vector<1x128xf32> to vector<10000x128xf32>
    %add3A_21 = arith.addf %mul3A_16, %add3A_20 : vector<10000x128xf32>
    %swap3A = arith.constant 0 : index
    %swap3A_22 = arith.constant 0 : index
    %swap3A_23 = vector.load %arg4[%swap3A, %swap3A_22] : memref<10000x128xf32, #tpu.memory_space<vmem>>, vector<10000x128xf32>
    tpu.vector_store %arg4[%swap3A, %swap3A_22], %add3A_21 {strides = array<i32>} : memref<10000x128xf32, #tpu.memory_space<vmem>>, vector<10000x128xf32>,
    return
  }
}

</mosaic_0001>

<sc_bundles>
// kernel: kernel.12.cloned.1.call-start
scs
__scs_entry_jumppad:
0x0: {  	(pc) =	sbr.rel $0x88, $3  }
0x1: {  	(tag) =	ssettag $0x0;
	lr =	simm.s32 $0x1  }
0x2: {  	[smem:$0x3F98] =	sst lr;
	_ =	strace $0xD0000000  }
0x3: {  	_ = 	snop  }
0x4: {  	_ = 	snop  }
0x5: {  	_ = 	snop  }
0x6: {  	_ = 	snop  }
0x7: {  	_ = 	snop  }
__scs_overlays_trampoline_lowered:
0x8: {  	[smem:$0x3FA7] =	sst s0  }
0x9: {  	[smem:$0x3FA8] =	sst s1  }
0xa: {  	[smem:$0x3FA9] =	sst s2  }
0xb: {  	[smem:$0x3FAA] =	sst s3  }
0xc: {  	[smem:$0x3FAB] =	sst s4  }
0xd: {  	[smem:$0x3FAC] =	sst s5  }
0xe: {  	[smem:$0x3FAD] =	sst s6  }
0xf: {  	[smem:$0x3FAE] =	sst s7  }
0x10: {  	[smem:$0x3FAF] =	sst s8  }
0x11: {  	[smem:$0x3FB0] =	sst s9;
	s0 =	simm.s32 @!p0 $0x0  }
0x12: {  	s1 =	sld [smem:$0x3F96];
	s0 =	simm.s32 @p0 $0x1  }
0x13: {  	[smem:$0x3FB1] =	sst s0;
	s0 =	simm.s32 @!p1 $0x0  }
0x14: {  	s2 =	sld [smem:$0x3F95];
	s0 =	simm.s32 @p1 $0x1  }
0x15: {  	[smem:$0x3FB2] =	sst s0;
	s0 =	simm.s32 @!p2 $0x0  }
0x16: {  	s3 =	sld [smem:$0x3FDB];
	s0 =	simm.s32 @p2 $0x1  }
0x17: {  	s4 =	simm.s32 $0x1BF5;
	[smem:$0x3FB4] =	sst s0  }
0x18: {  	s0 =	sld [smem:$0x3F97];
	_ =	swait.ge [sflag:s4], $0x0  }
0x19: {  	s7 =	sld [smem:$0x3F98]  }
0x1a: {  	s8 =	sadd.s32 $0xFFFFE003, lr  }
0x1b: {  	s9 =	sadd.s32 $0xFFFFFEF7, lr;
	s5 =	simm.s32 $0xFFFFFFFF;
	p2 =	slt.u32 s8, $0xFFFFF086  }
0x1c: {  	p1 =	slt.u32 s9, $0xF7A;
	s5 =	simm.s32 @!p2 $0x0  }
0x1d: {  	s5 =	simm.s32 @p1 $0x1;
	p0 =	seq.s32 s7, s2  }
0x1e: {  	s7 =	smul.u32 @!p0 $0xF7A, s2;
	p2 =	seq.s32 @!p0 s5, $0x0  }
0x1f: {  	s9 =	smul.u32 $0xF7A, s1;
	s8 =	simm.s32 @!p0 $0x1BF5;
	p2 =	por !p2, p0  }
0x20: {  	[sflag:s8] =	ssyncset.s32 @!p0 $0xFFFFF086;
	s6 =	sadd.s32 @!p0 s3, s7;
	s7 =	simm.s32 @!p0 $0x108  }
0x21: {  	s3 =	sadd.s32 s3, s9;
	s6 =	sadd.s32 @!p0 $0x88, s6;
	s7 =	simm.s32 @p2 $0x1082  }
0x22: {  	[simem:s7], [sflag:s8] =	dma.local @!p0 [hbm:s6], $0xF7A  }
0x23: {  	s9 =	sor.u32 $0xD0000000, s2;
	s6 =	simm.s32 $0x108;
	_ =	swait.ge @!p0 [sflag:s8], $0x0  }
0x24: {  	s3 =	sadd.s32 $0x88, s3;
	s6 =	simm.s32 @!p1 $0x1082;
	[sflag:s4] =	ssyncset.s32 $0xFFFFF086  }
0x25: {  	[simem:s6], [sflag:s4] =	dma.local [hbm:s3], $0xF7A  }
0x26: {  	[smem:$0x3F98] =	sst s1;
	(tag) =	ssettag s2;
	_ =	strace s9  }
0x27: {  	s1 =	sld [smem:$0x3FA8]  }
0x28: {  	s2 =	sld [smem:$0x3FA9]  }
0x29: {  	s4 =	sld [smem:$0x3FAB]  }
0x2a: {  	p0 =	seq.s32 s5, $0x0;
	s5 =	sld [smem:$0x3FAC]  }
0x2b: {  	s6 =	sld [smem:$0x3FAD]  }
0x2c: {  	s7 =	sld [smem:$0x3FAE]  }
0x2d: {  	s3 =	simm.s32 $0x108;
	s8 =	sld [smem:$0x3FAF]  }
0x2e: {  	s3 =	simm.s32 @!p0 $0x1082;
	s9 =	sld [smem:$0x3FB0]  }
0x2f: {  	lr =	sadd.s32 s0, s3;
	s0 =	sld [smem:$0x3FA7]  }
0x30: {  	s3 =	sld [smem:$0x3FAA]  }
0x31: {  	[smem:$0x3FB3] =	sst s10  }
0x32: {  	s10 =	sld [smem:$0x3FB1];
	_ =	sdelay $0x3  }
0x33: {  	p0 =	seq.s32 s10, $0x1;
	s10 =	sld [smem:$0x3FB3];
	_ =	sdelay $0x3  }
0x34: {  	[smem:$0x3FB3] =	sst s10  }
0x35: {  	s10 =	sld [smem:$0x3FB2];
	_ =	sdelay $0x3  }
0x36: {  	p1 =	seq.s32 s10, $0x1;
	s10 =	sld [smem:$0x3FB3];
	_ =	sdelay $0x3  }
0x37: {  	[smem:$0x3FB3] =	sst s10  }
0x38: {  	s10 =	sld [smem:$0x3FB4]  }
0x39: {  	_ = 	snop;
	(pc) =	sbr.ind lr, $3  }
0x3a: {  	_ = 	snop  }
0x3b: {  	_ = 	snop  }
0x3c: {  	p2 =	seq.s32 s10, $0x1;
	s10 =	sld [smem:$0x3FB3]  }
0x3d: {  	_ =	shalt  }
0x3e: {  	_ =	shalt  }
0x3f: {  	_ =	shalt  }
0x40: {  	_ =	shalt  }
0x41: {  	_ =	shalt  }
0x42: {  	_ =	shalt  }
0x43: {  	_ =	shalt  }
0x44: {  	_ =	shalt  }
0x45: {  	_ =	shalt  }
0x46: {  	_ =	shalt  }
0x47: {  	_ =	shalt  }
0x48: {  	_ =	shalt  }
0x49: {  	_ =	shalt  }
0x4a: {  	_ =	shalt  }
0x4b: {  	_ =	shalt  }
0x4c: {  	_ =	shalt  }
0x4d: {  	_ =	shalt  }
0x4e: {  	_ =	shalt  }
0x4f: {  	_ =	shalt  }
0x50: {  	_ =	shalt  }
0x51: {  	_ =	shalt  }
0x52: {  	_ =	shalt  }
0x53: {  	_ =	shalt  }
0x54: {  	_ =	shalt  }
0x55: {  	_ =	shalt  }
0x56: {  	_ =	shalt  }
0x57: {  	_ =	shalt  }
0x58: {  	_ =	shalt  }
0x59: {  	_ =	shalt  }
0x5a: {  	_ =	shalt  }
0x5b: {  	_ =	shalt  }
0x5c: {  	_ =	shalt  }
0x5d: {  	_ =	shalt  }
0x5e: {  	_ =	shalt  }
0x5f: {  	_ =	shalt  }
0x60: {  	_ =	shalt  }
0x61: {  	_ =	shalt  }
0x62: {  	_ =	shalt  }
0x63: {  	_ =	shalt  }
0x64: {  	_ =	shalt  }
0x65: {  	_ =	shalt  }
0x66: {  	_ =	shalt  }
0x67: {  	_ =	shalt  }
0x68: {  	_ =	shalt  }
0x69: {  	_ =	shalt  }
0x6a: {  	_ =	shalt  }
0x6b: {  	_ =	shalt  }
0x6c: {  	_ =	shalt  }
0x6d: {  	_ =	shalt  }
0x6e: {  	_ =	shalt  }
0x6f: {  	_ =	shalt  }
0x70: {  	_ =	shalt  }
0x71: {  	_ =	shalt  }
0x72: {  	_ =	shalt  }
0x73: {  	_ =	shalt  }
0x74: {  	_ =	shalt  }
0x75: {  	_ =	shalt  }
0x76: {  	_ =	shalt  }
0x77: {  	_ =	shalt  }
0x78: {  	_ =	shalt  }
0x79: {  	_ =	shalt  }
0x7a: {  	_ =	shalt  }
0x7b: {  	_ =	shalt  }
0x7c: {  	_ =	shalt  }
0x7d: {  	_ =	shalt  }
0x7e: {  	_ =	shalt  }
0x7f: {  	_ =	shalt  }
0x80: {  	_ =	shalt  }
0x81: {  	_ =	shalt  }
0x82: {  	_ =	shalt  }
0x83: {  	_ =	shalt  }
0x84: {  	_ =	shalt  }
0x85: {  	_ =	shalt  }
0x86: {  	_ =	shalt  }
0x87: {  	_ =	shalt  }
.Lfunc_end0:
.L_simem_size_0:
called_computation.1_lowered:
.L_overlay_start_0:
0x88: {  	s2 =	sld [smem:$0x3FD9]  }
0x89: {  	s3 =	sld [smem:$0x3FFE];
	_ =	sdelay $0x1  }
0x8a: {  	s1 =	srdreg.scid  }
0x8b: {  	s0 =	sand.u32 $0x1, s1  }
0x8c: {  	s17 =	sshll.u32 s0, $0xA;
	s2 =	sadd.s32 s3, s2  }
0x8d: {  	s2 =	sadd.s32 s2, s17  }
0x8e: {  	[smem:$0x3FBF] =	sst s2  }
0x8f: {  	_ = 	snop  }
0x90: {  	s2 =	sld [smem:$0x3FD0];
	(tm) =	ssettm $0x1  }
0x91: {  	s18 =	sld [smem:$0x3FFB];
	_ =	sdelay $0x3  }
0x92: {  	_ =	strace s18  }
0x93: {  	s3 =	sld [smem:$0x3FFC];
	_ =	sdelay $0x3  }
0x94: {  	_ =	strace s3  }
0x95: {  	s3 =	sld [smem:$0x3FFD];
	_ =	sdelay $0x3  }
0x96: {  	_ =	strace s3  }
0x97: {  	_ =	strace $0x8FFFFFFF  }
0x98: {  	s19 =	sld [smem:$0x3FDB];
	_ =	sdelay $0x1  }
0x99: {  	s4 =	simm.s32 $_scs_section_size  }
0x9a: {  	s5 =	simm.s32 $_size__tile_overlayer_lowered;
	s6 =	simm.s32 $_tile_overlayer_lowered  }
0x9b: {  	s22 =	simm.s32 $0x1BFF;
	s21 =	sshll.u32 s6, $0x1;
	s3 =	sadd.s32 s4, s19  }
0x9c: {  	s7 =	simm.s32 $0x0;
	s20 =	sshll.u32 s5, $0x1;
	s5 =	sadd.s32 s21, s3  }
0x9d: {  	[timem:s7], [sflag:s22] =	dma.local [hbm:s5], s20  }
0x9e: {  	_ =	swait.ge [sflag:s22], s20  }
0x9f: {  	s4 =	ssub.s32 $0x0, s20;
	[sflag:s22] =	ssyncset.done $0x0  }
0xa0: {  	[sflag:s22] =	ssyncadd.s32 s4;
	_ =	sdelay $0x1  }
0xa1: {  	s23 =	simm.s32 $0x1B8B  }
0xa2: {  	_ =	swait.ge [sflag:s23], $0x1  }
0xa3: {  	[sflag:s23] =	ssyncset.done $0x0  }
0xa4: {  	s25 =	simm.s32 $0x1B8E;
	s24 =	sld [smem:$0x3FFE];
	[sflag:s23] =	ssyncadd.s32 $0xFFFFFFFF  }
0xa5: {  	s26 =	simm.s32 $execute0_lowered;
	[smem:$0x3FD2] =	sst s25  }
0xa6: {  	s5 =	sshll.u32 s26, $0x1;
	_ =	strace $0x80000049;
	[dreg:$0x1] =	wrdreg $0xFFFFFFFF  }
0xa7: {  	s28 =	simm.s32 $_size_execute0_lowered;
	s3 =	sadd.s32 s3, s5;
	[dreg:$0x0] =	wrdreg $0x0  }
0xa8: {  	s5 =	sshll.u32 s28, $0x1;
	[dreg:$0x2] =	wrdreg s3  }
0xa9: {  	[dreg:$0x3] =	wrdreg s5  }
0xaa: {  	[dreg:$0x4] =	wrdreg $0xC0  }
0xab: {  	_ =	task [dreg:s7], $0x5FFFF  }
0xac: {  	[dreg:$0x1] =	wrdreg $0xFFFFFFFF  }
0xad: {  	[dreg:$0x0] =	wrdreg $0x60  }
0xae: {  	[dreg:$0x2] =	wrdreg s2  }
0xaf: {  	[dreg:$0x3] =	wrdreg s24  }
0xb0: {  	[dreg:$0x4] =	wrdreg $0x90000  }
0xb1: {  	[dreg:$0x5] =	wrdreg $0x9  }
0xb2: {  	_ =	task.clear_ibuf [dreg:s7], $0x6FFFF;
	_ =	strace $0x90000049  }
0xb3: {  	s29 =	simm.s32 $0x9;
	_ =	strace $0x8000004B  }
0xb4: {  	_ =	swait.ge [sflag:s29], $0x1  }
0xb5: {  	[sflag:s29] =	ssyncadd.s32 $0xFFFFFFFF  }
0xb6: {  	_ =	strace $0x9000004B  }
0xb7: {  	_ =	sfence  }
0xb8: {  	s30 =	sld [smem:$0x0];
	_ =	sdelay $0x2  }
0xb9: {  	s31 =	sshll.u32 s1, $0xD;
	s1 =	sshrl.u32 s1, $0x2  }
0xba: {  	s3 =	sand.u32 $0x4000, s31;
	s1 =	sadd.s32 s1, s30  }
0xbb: {  	s0 =	sor.u32 s3, s0;
	s1 =	sshll.u32 s1, $0x11  }
0xbc: {  	s0 =	sor.u32 s1, s0  }
0xbd: {  	s0 =	sadd.s32 $0x8F2B, s0  }
0xbe: {  	[sflag:s0] =	ssyncadd.remote.s32 $0x1  }
0xbf: {  	_ =	sfence.sel $0xFFFF  }
0xc0: {  	[dreg:$0x0] =	wrdreg $0xFFFFFFFF;
	(pc) =	sbr.abs _section_cstart, $3  }
0xc1: {  	[dreg:$0x1] =	wrdreg $0xFFFFFFFF  }
0xc2: {  	_ =	task.clear_ibuf [dreg:s7], $0x2FFFF;
	_ =	strace $0x9FFFFFFF  }
0xc3: {  	(tm) =	ssettm $0x7FFFFFFF  }
tec
execute0_lowered:
.L_overlay_start_1:
0x0: {  	(tag) =	ssettag $0x1  }
0x1: {  	s1 =	rddreg [dreg:$0x0]  }
0x2: {  	s0 =	rddreg [dreg:$0x1]  }
0x3: {  	s2 =	rddreg [dreg:$0x2];
	s3 =	srdreg.scid  }
0x4: {  	s4 =	simm.s32 $0x0;
	s11 =	stileid.u32;
	s12 =	simm.s32 $0x1000  }
0x5: {  	s13 =	simm.s32 $0xD00;
	s28 =	simm.s32 $0xE80;
	s6 =	smul.u32 $0x14000, s11  }
0x6: {  	s29 =	simm.s32 $0x700;
	s30 =	simm.s32 $0xF00;
	s8 =	smul.u32 $0x50000, s11  }
0x7: {  	s31 =	simm.s32 $0x780;
	s3 =	sand.u32 $0x1, s3;
	s17 =	smul.u32 $0x700, s11  }
0x8: {  	[smem:$0x7FF] =	sst s4;
	s7 =	sadd.s32 $0x5CE00, s0;
	s19 =	smul.u32 $0x300, s11  }
0x9: {  	s9 =	sadd.s32 $0x2E00, s0;
	s11 =	simm.s32 $0xC80;
	s5 =	smul.u32 $0x140000, s3  }
0xa: {  	_ =	strace $0x8000004A;
	s14 =	ssub.s32 $0x2, s3;
	p0 =	seq.s32 s3, $0x1  }
0xb: {  	s10 =	sshrl.u32 s14, $0x1;
	s16 =	sshrl.u32 s8, $0x2;
	s22 =	sadd.s32 s17, s9  }
0xc: {  	s3 =	sadd.s32 s17, s7;
	s23 =	sadd.s32 s19, s9;
	s17 =	simm.s32 $0x2  }
0xd: {  	s8 =	simm.s32 $0x400;
	s9 =	simm.s32 $0xC00;
	s5 =	sadd.s32 s6, s5  }
0xe: {  	s15 =	ssub.s32 s14, s10;
	s6 =	sadd.s32 s16, s2;
	[dreg:$0x4] =	wrdreg s22  }
0xf: {  	[dreg:$0x5] =	wrdreg s3;
	s24 =	sadd.s32 $0x7000, s23;
	s14 =	simm.s32 $0x1  }
0x10: {  	s16 =	simm.s32 $0x80;
	s10 =	simm.s32 $0x480;
	[dreg:$0x6] =	wrdreg s24  }
0x11: {  	s22 =	simm.s32 $0xD80;
	s18 =	smax.u32 s15, $0x1;
	[dreg:$0x8] =	wrdreg s6  }
0x12: {  	s23 =	simm.s32 $0x600;
	s20 =	sadd.s32 $0x4000, s6;
	[dreg:$0xa] =	wrdreg s18  }
0x13: {  	s3 =	simm.s32 $0x0;
	s21 =	sadd.s32 $0x8000, s6;
	[dreg:$0xb] =	wrdreg s20  }
0x14: {  	s5 =	sshrl.u32 s5, $0x3;
	s25 =	sadd.s32 $0xC000, s6;
	[dreg:$0xc] =	wrdreg s21  }
0x15: {  	s26 =	sadd.s32 $0x10000, s6;
	s15 =	simm.s32 $0x800;
	[dreg:$0xd] =	wrdreg s25  }
0x16: {  	s24 =	simm.s32 $0x5;
	s0 =	sadd.s32 s5, s0;
	[dreg:$0xe] =	wrdreg s26  }
.Ltmp0:
0x17: {  	s18 =	simm.s32 $0x5000;
	s21 =	simm.s32 $0x4;
	(pc) =	sbr.rel .LBB2_1-.Ltmp0, $4  }
0x18: {  	s5 =	simm.s32 $0x500;
	s20 =	simm.s32 $0x580;
	s0 =	sadd.s32 $0xCE00, s0  }
0x19: {  	s25 =	simm.s32 $0xE00;
	[dreg:$0x9] =	wrdreg s0;
	s0 =	sadd.s32 s19, s7  }
0x1a: {  	s26 =	simm.s32 $0x680;
	s7 =	simm.s32 $0x6;
	s0 =	sadd.s32 $0x7000, s0  }
0x1b: {  	v0 =	vimm.f32 $0.0e+00;
	s19 =	simm.s32 $0x3;
	[dreg:$0x7] =	wrdreg s0;
	s0 =	simm.s32 $0xF80  }
.LBB2_6:
0x1c: {  	[sflag:s24] =	ssyncadd.s32 $0xFFFFC000  }
.LBB2_10:
0x1d: {  	s3 =	stileid.u32;
	[bflag:$0x0] =	sbarrier.arrive $0xFFFF  }
0x1e: {  	s3 =	sshll.u32 s3, $0x6;
	s6 =	rddreg [dreg:$0x8]  }
0x1f: {  	s7 =	rddreg [dreg:$0x9];
	s3 =	sor.u32 $0x1C06, s3;
	s6 =	sshrl.u32 s6, $0x3  }
0x20: {  	[hbm:s7], [sflag:s3] =	dma.local [spmem:s6], $0x2800  }
0x21: {  	s7 =	simm.s32 $0x6  }
0x22: {  	_ =	swait.ge [sflag:s7], $0x2800  }
0x23: {  	s3 =	rddreg [dreg:$0xf]  }
0x24: {  	s6 =	sadd.s32 $0x1, s3;
	s3 =	rddreg [dreg:$0xa]  }
0x25: {  	p1 =	sne.s32 s6, s3  }
.Ltmp1:
0x26: {  	_ = 	snop;
	(pc) =	sbr.rel @!p1 .LBB2_11-.Ltmp1, $3  }
0x27: {  	_ =	sdelay $0x1  }
0x28: {  	[sflag:s7] =	ssyncset.done $0x0  }
0x29: {  	[sflag:s7] =	ssyncadd.s32 $0xFFFFD800;
	s3 =	smov.u32 s6  }
.LBB2_1:
0x2a: {  	[dreg:$0xf] =	wrdreg s3;
	s3 =	simm.s32 $0x0;
	s6 =	simm.s32 $0x200  }
.LBB2_2:
0x2b: {  	p1 =	sne.s32 s6, $0xFE00;
	[tilespmem:s3+$0x1070] =	vst v0  }
0x2c: {  	[tilespmem:s3+$0x1000] =	vst v0  }
0x2d: {  	[tilespmem:s3+$0x1010] =	vst v0  }
.Ltmp2:
0x2e: {  	[tilespmem:s3+$0x1020] =	vst v0;
	(pc) =	sbr.rel @p1 .LBB2_2-.Ltmp2, $4  }
0x2f: {  	[tilespmem:s3+$0x1030] =	vst v0  }
0x30: {  	[tilespmem:s3+$0x1040] =	vst v0  }
0x31: {  	[tilespmem:s3+$0x1050] =	vst v0  }
0x32: {  	[tilespmem:s3+$0x1060] =	vst v0;
	s3 =	sshra.s32 s6, $0x2;
	s6 =	sadd.s32 $0x200, s6  }
0x33: {  	[tilespmem:s3+$0x1070] =	vst v0  }
0x34: {  	[tilespmem:s3+$0x1000] =	vst v0  }
0x35: {  	[tilespmem:s3+$0x1010] =	vst v0  }
0x36: {  	[tilespmem:s3+$0x1020] =	vst v0  }
0x37: {  	[tilespmem:s3+$0x1030] =	vst v0  }
0x38: {  	[tilespmem:s3+$0x1040] =	vst v0  }
0x39: {  	[tilespmem:s3+$0x1050] =	vst v0  }
0x3a: {  	[tilespmem:s3+$0x1060] =	vst v0;
	s6 =	rddreg [dreg:$0x8]  }
0x3b: {  	[spmem:s6] =	stream.linear.scatter [tilespmem:s12], [sflag:$0x6], $0x4000, $0x38;
	[tilespmem:$0x1D000] =	vst v63  }
0x3c: {  	_ =	swait.ge [sflag:s7], $0x4000  }
0x3d: {  	[sflag:s7] =	ssyncset.done $0x0  }
0x3e: {  	s6 =	rddreg [dreg:$0xb];
	[sflag:s7] =	ssyncadd.s32 $0xFFFFC000  }
0x3f: {  	[spmem:s6] =	stream.linear.scatter [tilespmem:s12], [sflag:$0x6], $0x4000, $0x38;
	[tilespmem:$0x1D000] =	vst v63  }
0x40: {  	_ =	swait.ge [sflag:s7], $0x4000  }
0x41: {  	[sflag:s7] =	ssyncset.done $0x0  }
0x42: {  	s6 =	rddreg [dreg:$0xc];
	[sflag:s7] =	ssyncadd.s32 $0xFFFFC000  }
0x43: {  	[spmem:s6] =	stream.linear.scatter [tilespmem:s12], [sflag:$0x6], $0x4000, $0x38;
	[tilespmem:$0x1D000] =	vst v63  }
0x44: {  	_ =	swait.ge [sflag:s7], $0x4000  }
0x45: {  	[sflag:s7] =	ssyncset.done $0x0  }
0x46: {  	s6 =	rddreg [dreg:$0xd];
	[sflag:s7] =	ssyncadd.s32 $0xFFFFC000  }
0x47: {  	[spmem:s6] =	stream.linear.scatter [tilespmem:s12], [sflag:$0x6], $0x4000, $0x38;
	[tilespmem:$0x1D000] =	vst v63  }
0x48: {  	_ =	swait.ge [sflag:s7], $0x4000  }
0x49: {  	[sflag:s7] =	ssyncset.done $0x0  }
0x4a: {  	s6 =	rddreg [dreg:$0xe];
	[sflag:s7] =	ssyncadd.s32 $0xFFFFC000  }
0x4b: {  	[spmem:s6] =	stream.linear.scatter [tilespmem:s12], [sflag:$0x6], $0x4000, $0x38;
	[tilespmem:$0x1D000] =	vst v63  }
.Ltmp3:
0x4c: {  	_ =	swait.ge [sflag:s7], $0x4000;
	(pc) =	sbr.rel @!p0 .LBB2_4-.Ltmp3, $3  }
0x4d: {  	[sflag:s7] =	ssyncset.done $0x0  }
0x4e: {  	[sflag:s7] =	ssyncadd.s32 $0xFFFFC000  }
0x4f: {  	[bflag:$0x0] =	sbarrier.arrive $0xFFFF;
	_ =	sdelay $0x1  }
0x50: {  	s3 =	rddreg [dreg:$0x7]  }
0x51: {  	s3 =	sadd.s32 $0x0, s3  }
0x52: {  	[tilespmem:s4], [sflag:$0x1] =	stream.linear.gather [hbm4b:s3+s4], $0x800, $0x38;
	[tilespmem:$0x1D000] =	vst v63  }
0x53: {  	_ =	swait.ge [sflag:s14], $0x800  }
0x54: {  	s6 =	rddreg [dreg:$0x6];
	[sflag:s14] =	ssyncset.done $0x0  }
0x55: {  	[sflag:s14] =	ssyncadd.s32 $0xFFFFF800;
	s3 =	sadd.s32 $0x0, s6  }
0x56: {  	[tilespmem:s15], [sflag:$0x1] =	stream.linear.gather [hbm4b:s3+s4], $0x800, $0x38;
	[tilespmem:$0x1D000] =	vst v63  }
0x57: {  	_ =	swait.ge [sflag:s14], $0x800  }
0x58: {  	[sflag:s14] =	ssyncset.done $0x0  }
0x59: {  	[sflag:s14] =	ssyncadd.s32 $0xFFFFF800  }
0x5a: {  	[tilespmem:s12], [sflag:$0x2] =	stream.indirect.gather [hbm4b:s1+s16], $0x80, s4, s16, $0xb8;
	[tilespmem:$0x1D000] =	vst v63  }
0x5b: {  	_ =	swait.ge [sflag:s17], $0x4000  }
0x5c: {  	[sflag:s17] =	ssyncset.done $0x0  }
0x5d: {  	[sflag:s17] =	ssyncadd.s32 $0xFFFFC000  }
0x5e: {  	[spmem:s2] =	stream.indirect.scatter.add.f32 [tilespmem:s12], [sflag:$0x4], $0x80, s15, s16, $0xb8;
	[tilespmem:$0x1D000] =	vst v63  }
0x5f: {  	_ = 	snop  }
0x60: {  	[tilespmem:s18], [sflag:$0x3] =	stream.indirect.gather [hbm4b:s1+s16], $0x80, s16, s16, $0xb8;
	[tilespmem:$0x1D000] =	vst v63  }
0x61: {  	_ =	swait.ge [sflag:s19], $0x4000  }
0x62: {  	[sflag:s19] =	ssyncset.done $0x0  }
0x63: {  	s7 =	simm.s32 $0x880;
	[sflag:s19] =	ssyncadd.s32 $0xFFFFC000  }
0x64: {  	[spmem:s2] =	stream.indirect.scatter.add.f32 [tilespmem:s18], [sflag:$0x5], $0x80, s7, s16, $0xb8;
	[tilespmem:$0x1D000] =	vst v63  }
0x65: {  	_ =	swait.ge [sflag:s21], $0x4000  }
0x66: {  	[sflag:s21] =	ssyncset.done $0x0  }
0x67: {  	s6 =	simm.s32 $0x100;
	[sflag:s21] =	ssyncadd.s32 $0xFFFFC000  }
0x68: {  	[tilespmem:s12], [sflag:$0x2] =	stream.indirect.gather [hbm4b:s1+s16], $0x80, s6, s16, $0xb8;
	[tilespmem:$0x1D000] =	vst v63  }
0x69: {  	_ =	swait.ge [sflag:s17], $0x4000  }
0x6a: {  	[sflag:s17] =	ssyncset.done $0x0  }
0x6b: {  	s7 =	simm.s32 $0x900;
	[sflag:s17] =	ssyncadd.s32 $0xFFFFC000  }
0x6c: {  	[spmem:s2] =	stream.indirect.scatter.add.f32 [tilespmem:s12], [sflag:$0x4], $0x80, s7, s16, $0xb8;
	[tilespmem:$0x1D000] =	vst v63  }
0x6d: {  	_ =	swait.ge [sflag:s24], $0x4000  }
0x6e: {  	[sflag:s24] =	ssyncset.done $0x0  }
0x6f: {  	s6 =	simm.s32 $0x180;
	[sflag:s24] =	ssyncadd.s32 $0xFFFFC000  }
0x70: {  	[tilespmem:s18], [sflag:$0x3] =	stream.indirect.gather [hbm4b:s1+s16], $0x80, s6, s16, $0xb8;
	[tilespmem:$0x1D000] =	vst v63  }
0x71: {  	_ =	swait.ge [sflag:s19], $0x4000  }
0x72: {  	[sflag:s19] =	ssyncset.done $0x0  }
0x73: {  	s7 =	simm.s32 $0x980;
	[sflag:s19] =	ssyncadd.s32 $0xFFFFC000  }
0x74: {  	[spmem:s2] =	stream.indirect.scatter.add.f32 [tilespmem:s18], [sflag:$0x5], $0x80, s7, s16, $0xb8;
	[tilespmem:$0x1D000] =	vst v63  }
0x75: {  	_ =	swait.ge [sflag:s21], $0x4000  }
0x76: {  	[sflag:s21] =	ssyncset.done $0x0  }
0x77: {  	s6 =	simm.s32 $0x200;
	[sflag:s21] =	ssyncadd.s32 $0xFFFFC000  }
0x78: {  	[tilespmem:s12], [sflag:$0x2] =	stream.indirect.gather [hbm4b:s1+s16], $0x80, s6, s16, $0xb8;
	[tilespmem:$0x1D000] =	vst v63  }
0x79: {  	_ =	swait.ge [sflag:s17], $0x4000  }
0x7a: {  	[sflag:s17] =	ssyncset.done $0x0  }
0x7b: {  	s7 =	simm.s32 $0xA00;
	[sflag:s17] =	ssyncadd.s32 $0xFFFFC000  }
0x7c: {  	[spmem:s2] =	stream.indirect.scatter.add.f32 [tilespmem:s12], [sflag:$0x4], $0x80, s7, s16, $0xb8;
	[tilespmem:$0x1D000] =	vst v63  }
0x7d: {  	_ =	swait.ge [sflag:s24], $0x4000  }
0x7e: {  	[sflag:s24] =	ssyncset.done $0x0  }
0x7f: {  	s6 =	simm.s32 $0x280;
	[sflag:s24] =	ssyncadd.s32 $0xFFFFC000  }
0x80: {  	[tilespmem:s18], [sflag:$0x3] =	stream.indirect.gather [hbm4b:s1+s16], $0x80, s6, s16, $0xb8;
	[tilespmem:$0x1D000] =	vst v63  }
0x81: {  	_ =	swait.ge [sflag:s19], $0x4000  }
0x82: {  	[sflag:s19] =	ssyncset.done $0x0  }
0x83: {  	s7 =	simm.s32 $0xA80;
	[sflag:s19] =	ssyncadd.s32 $0xFFFFC000  }
0x84: {  	[spmem:s2] =	stream.indirect.scatter.add.f32 [tilespmem:s18], [sflag:$0x5], $0x80, s7, s16, $0xb8;
	[tilespmem:$0x1D000] =	vst v63  }
0x85: {  	_ =	swait.ge [sflag:s21], $0x4000  }
0x86: {  	[sflag:s21] =	ssyncset.done $0x0  }
0x87: {  	s6 =	simm.s32 $0x300;
	[sflag:s21] =	ssyncadd.s32 $0xFFFFC000  }
0x88: {  	[tilespmem:s12], [sflag:$0x2] =	stream.indirect.gather [hbm4b:s1+s16], $0x80, s6, s16, $0xb8;
	[tilespmem:$0x1D000] =	vst v63  }
0x89: {  	_ =	swait.ge [sflag:s17], $0x4000  }
0x8a: {  	[sflag:s17] =	ssyncset.done $0x0  }
0x8b: {  	s7 =	simm.s32 $0xB00;
	[sflag:s17] =	ssyncadd.s32 $0xFFFFC000  }
0x8c: {  	[spmem:s2] =	stream.indirect.scatter.add.f32 [tilespmem:s12], [sflag:$0x4], $0x80, s7, s16, $0xb8;
	[tilespmem:$0x1D000] =	vst v63  }
0x8d: {  	_ =	swait.ge [sflag:s24], $0x4000  }
0x8e: {  	[sflag:s24] =	ssyncset.done $0x0  }
0x8f: {  	s6 =	simm.s32 $0x380;
	[sflag:s24] =	ssyncadd.s32 $0xFFFFC000  }
0x90: {  	[tilespmem:s18], [sflag:$0x3] =	stream.indirect.gather [hbm4b:s1+s16], $0x80, s6, s16, $0xb8;
	[tilespmem:$0x1D000] =	vst v63  }
0x91: {  	_ =	swait.ge [sflag:s19], $0x4000  }
0x92: {  	[sflag:s19] =	ssyncset.done $0x0  }
0x93: {  	s7 =	simm.s32 $0xB80;
	[sflag:s19] =	ssyncadd.s32 $0xFFFFC000  }
0x94: {  	[spmem:s2] =	stream.indirect.scatter.add.f32 [tilespmem:s18], [sflag:$0x5], $0x80, s7, s16, $0xb8;
	[tilespmem:$0x1D000] =	vst v63  }
0x95: {  	_ =	swait.ge [sflag:s21], $0x4000  }
0x96: {  	[sflag:s21] =	ssyncset.done $0x0  }
0x97: {  	[sflag:s21] =	ssyncadd.s32 $0xFFFFC000  }
0x98: {  	[tilespmem:s12], [sflag:$0x2] =	stream.indirect.gather [hbm4b:s1+s16], $0x80, s8, s16, $0xb8;
	[tilespmem:$0x1D000] =	vst v63  }
0x99: {  	_ =	swait.ge [sflag:s17], $0x4000  }
0x9a: {  	[sflag:s17] =	ssyncset.done $0x0  }
0x9b: {  	[sflag:s17] =	ssyncadd.s32 $0xFFFFC000  }
0x9c: {  	[spmem:s2] =	stream.indirect.scatter.add.f32 [tilespmem:s12], [sflag:$0x4], $0x80, s9, s16, $0xb8;
	[tilespmem:$0x1D000] =	vst v63  }
0x9d: {  	_ =	swait.ge [sflag:s24], $0x4000  }
0x9e: {  	[sflag:s24] =	ssyncset.done $0x0  }
0x9f: {  	[sflag:s24] =	ssyncadd.s32 $0xFFFFC000  }
0xa0: {  	[tilespmem:s18], [sflag:$0x3] =	stream.indirect.gather [hbm4b:s1+s16], $0x80, s10, s16, $0xb8;
	[tilespmem:$0x1D000] =	vst v63  }
0xa1: {  	_ =	swait.ge [sflag:s19], $0x4000  }
0xa2: {  	[sflag:s19] =	ssyncset.done $0x0  }
0xa3: {  	[sflag:s19] =	ssyncadd.s32 $0xFFFFC000  }
0xa4: {  	[spmem:s2] =	stream.indirect.scatter.add.f32 [tilespmem:s18], [sflag:$0x5], $0x80, s11, s16, $0xb8;
	[tilespmem:$0x1D000] =	vst v63  }
0xa5: {  	_ =	swait.ge [sflag:s21], $0x4000  }
0xa6: {  	[sflag:s21] =	ssyncset.done $0x0  }
0xa7: {  	[sflag:s21] =	ssyncadd.s32 $0xFFFFC000  }
0xa8: {  	[tilespmem:s12], [sflag:$0x2] =	stream.indirect.gather [hbm4b:s1+s16], $0x80, s5, s16, $0xb8;
	[tilespmem:$0x1D000] =	vst v63  }
0xa9: {  	_ =	swait.ge [sflag:s17], $0x4000  }
0xaa: {  	[sflag:s17] =	ssyncset.done $0x0  }
0xab: {  	[sflag:s17] =	ssyncadd.s32 $0xFFFFC000  }
0xac: {  	[spmem:s2] =	stream.indirect.scatter.add.f32 [tilespmem:s12], [sflag:$0x4], $0x80, s13, s16, $0xb8;
	[tilespmem:$0x1D000] =	vst v63  }
0xad: {  	_ =	swait.ge [sflag:s24], $0x4000  }
0xae: {  	[sflag:s24] =	ssyncset.done $0x0  }
0xaf: {  	[sflag:s24] =	ssyncadd.s32 $0xFFFFC000  }
0xb0: {  	[tilespmem:s18], [sflag:$0x3] =	stream.indirect.gather [hbm4b:s1+s16], $0x80, s20, s16, $0xb8;
	[tilespmem:$0x1D000] =	vst v63  }
0xb1: {  	_ =	swait.ge [sflag:s19], $0x4000  }
0xb2: {  	[sflag:s19] =	ssyncset.done $0x0  }
0xb3: {  	[sflag:s19] =	ssyncadd.s32 $0xFFFFC000  }
0xb4: {  	[spmem:s2] =	stream.indirect.scatter.add.f32 [tilespmem:s18], [sflag:$0x5], $0x80, s22, s16, $0xb8;
	[tilespmem:$0x1D000] =	vst v63  }
0xb5: {  	_ =	swait.ge [sflag:s21], $0x4000  }
0xb6: {  	[sflag:s21] =	ssyncset.done $0x0  }
0xb7: {  	[sflag:s21] =	ssyncadd.s32 $0xFFFFC000  }
0xb8: {  	[tilespmem:s12], [sflag:$0x2] =	stream.indirect.gather [hbm4b:s1+s16], $0x80, s23, s16, $0xb8;
	[tilespmem:$0x1D000] =	vst v63  }
0xb9: {  	_ =	swait.ge [sflag:s17], $0x4000  }
0xba: {  	[sflag:s17] =	ssyncset.done $0x0  }
0xbb: {  	[sflag:s17] =	ssyncadd.s32 $0xFFFFC000  }
0xbc: {  	[spmem:s2] =	stream.indirect.scatter.add.f32 [tilespmem:s12], [sflag:$0x4], $0x80, s25, s16, $0xb8;
	[tilespmem:$0x1D000] =	vst v63  }
0xbd: {  	_ =	swait.ge [sflag:s24], $0x4000  }
0xbe: {  	[sflag:s24] =	ssyncset.done $0x0  }
0xbf: {  	[sflag:s24] =	ssyncadd.s32 $0xFFFFC000  }
0xc0: {  	[tilespmem:s18], [sflag:$0x3] =	stream.indirect.gather [hbm4b:s1+s16], $0x80, s26, s16, $0xb8;
	[tilespmem:$0x1D000] =	vst v63  }
0xc1: {  	_ =	swait.ge [sflag:s19], $0x4000  }
0xc2: {  	[sflag:s19] =	ssyncset.done $0x0  }
0xc3: {  	[sflag:s19] =	ssyncadd.s32 $0xFFFFC000  }
0xc4: {  	[spmem:s2] =	stream.indirect.scatter.add.f32 [tilespmem:s18], [sflag:$0x5], $0x80, s28, s16, $0xb8;
	[tilespmem:$0x1D000] =	vst v63  }
0xc5: {  	_ =	swait.ge [sflag:s21], $0x4000  }
0xc6: {  	[sflag:s21] =	ssyncset.done $0x0  }
0xc7: {  	[sflag:s21] =	ssyncadd.s32 $0xFFFFC000  }
0xc8: {  	[tilespmem:s12], [sflag:$0x2] =	stream.indirect.gather [hbm4b:s1+s16], $0x80, s29, s16, $0xb8;
	[tilespmem:$0x1D000] =	vst v63  }
0xc9: {  	_ =	swait.ge [sflag:s17], $0x4000  }
0xca: {  	[sflag:s17] =	ssyncset.done $0x0  }
0xcb: {  	[sflag:s17] =	ssyncadd.s32 $0xFFFFC000  }
0xcc: {  	[spmem:s2] =	stream.indirect.scatter.add.f32 [tilespmem:s12], [sflag:$0x4], $0x80, s30, s16, $0xb8;
	[tilespmem:$0x1D000] =	vst v63  }
0xcd: {  	_ =	swait.ge [sflag:s24], $0x4000  }
0xce: {  	[sflag:s24] =	ssyncset.done $0x0  }
0xcf: {  	[sflag:s24] =	ssyncadd.s32 $0xFFFFC000  }
0xd0: {  	[tilespmem:s18], [sflag:$0x3] =	stream.indirect.gather [hbm4b:s1+s16], $0x80, s31, s16, $0xb8;
	[tilespmem:$0x1D000] =	vst v63  }
0xd1: {  	_ =	swait.ge [sflag:s19], $0x4000  }
0xd2: {  	[sflag:s19] =	ssyncset.done $0x0  }
0xd3: {  	[sflag:s19] =	ssyncadd.s32 $0xFFFFC000  }
0xd4: {  	[spmem:s2] =	stream.indirect.scatter.add.f32 [tilespmem:s18], [sflag:$0x5], $0x80, s0, s16, $0xb8;
	[tilespmem:$0x1D000] =	vst v63  }
0xd5: {  	_ =	swait.ge [sflag:s21], $0x4000  }
0xd6: {  	[sflag:s21] =	ssyncset.done $0x0  }
0xd7: {  	[sflag:s21] =	ssyncadd.s32 $0xFFFFC000  }
0xd8: {  	_ =	swait.ge [sflag:s24], $0x4000  }
0xd9: {  	s3 =	simm.s32 $0x100;
	[sflag:s24] =	ssyncset.done $0x0  }
.LBB2_8:
0xda: {  	s6 =	rddreg [dreg:$0x7];
	s7 =	smov.u32 s3  }
0xdb: {  	[sflag:s24] =	ssyncadd.s32 $0xFFFFC000;
	s6 =	sadd.s32 s7, s6  }
0xdc: {  	[tilespmem:s4], [sflag:$0x1] =	stream.linear.gather [hbm4b:s6+s4], $0x800, $0x38;
	[tilespmem:$0x1D000] =	vst v63  }
0xdd: {  	_ =	swait.ge [sflag:s14], $0x800  }
0xde: {  	s6 =	rddreg [dreg:$0x6];
	[sflag:s14] =	ssyncset.done $0x0  }
0xdf: {  	[sflag:s14] =	ssyncadd.s32 $0xFFFFF800;
	s6 =	sadd.s32 s7, s6  }
0xe0: {  	[tilespmem:s15], [sflag:$0x1] =	stream.linear.gather [hbm4b:s6+s4], $0x800, $0x38;
	[tilespmem:$0x1D000] =	vst v63  }
0xe1: {  	_ =	swait.ge [sflag:s14], $0x800  }
0xe2: {  	[sflag:s14] =	ssyncset.done $0x0  }
0xe3: {  	[sflag:s14] =	ssyncadd.s32 $0xFFFFF800  }
0xe4: {  	[tilespmem:s12], [sflag:$0x2] =	stream.indirect.gather [hbm4b:s1+s16], $0x80, s4, s16, $0xb8;
	[tilespmem:$0x1D000] =	vst v63  }
0xe5: {  	_ =	swait.ge [sflag:s17], $0x4000  }
0xe6: {  	[sflag:s17] =	ssyncset.done $0x0  }
0xe7: {  	[sflag:s17] =	ssyncadd.s32 $0xFFFFC000  }
0xe8: {  	[spmem:s2] =	stream.indirect.scatter.add.f32 [tilespmem:s12], [sflag:$0x4], $0x80, s15, s16, $0xb8;
	[tilespmem:$0x1D000] =	vst v63  }
0xe9: {  	_ = 	snop  }
0xea: {  	[tilespmem:s18], [sflag:$0x3] =	stream.indirect.gather [hbm4b:s1+s16], $0x80, s16, s16, $0xb8;
	[tilespmem:$0x1D000] =	vst v63  }
0xeb: {  	_ =	swait.ge [sflag:s19], $0x4000  }
0xec: {  	[sflag:s19] =	ssyncset.done $0x0  }
0xed: {  	s7 =	simm.s32 $0x880;
	[sflag:s19] =	ssyncadd.s32 $0xFFFFC000  }
0xee: {  	[spmem:s2] =	stream.indirect.scatter.add.f32 [tilespmem:s18], [sflag:$0x5], $0x80, s7, s16, $0xb8;
	[tilespmem:$0x1D000] =	vst v63  }
0xef: {  	_ =	swait.ge [sflag:s21], $0x4000  }
0xf0: {  	[sflag:s21] =	ssyncset.done $0x0  }
0xf1: {  	s7 =	simm.s32 $0x100;
	[sflag:s21] =	ssyncadd.s32 $0xFFFFC000  }
0xf2: {  	[tilespmem:s12], [sflag:$0x2] =	stream.indirect.gather [hbm4b:s1+s16], $0x80, s7, s16, $0xb8;
	[tilespmem:$0x1D000] =	vst v63  }
0xf3: {  	_ =	swait.ge [sflag:s17], $0x4000  }
0xf4: {  	[sflag:s17] =	ssyncset.done $0x0  }
0xf5: {  	s7 =	simm.s32 $0x900;
	[sflag:s17] =	ssyncadd.s32 $0xFFFFC000  }
0xf6: {  	[spmem:s2] =	stream.indirect.scatter.add.f32 [tilespmem:s12], [sflag:$0x4], $0x80, s7, s16, $0xb8;
	[tilespmem:$0x1D000] =	vst v63  }
0xf7: {  	_ =	swait.ge [sflag:s24], $0x4000  }
0xf8: {  	[sflag:s24] =	ssyncset.done $0x0  }
0xf9: {  	s7 =	simm.s32 $0x180;
	[sflag:s24] =	ssyncadd.s32 $0xFFFFC000  }
0xfa: {  	[tilespmem:s18], [sflag:$0x3] =	stream.indirect.gather [hbm4b:s1+s16], $0x80, s7, s16, $0xb8;
	[tilespmem:$0x1D000] =	vst v63  }
0xfb: {  	_ =	swait.ge [sflag:s19], $0x4000  }
0xfc: {  	[sflag:s19] =	ssyncset.done $0x0  }
0xfd: {  	s7 =	simm.s32 $0x980;
	[sflag:s19] =	ssyncadd.s32 $0xFFFFC000  }
0xfe: {  	[spmem:s2] =	stream.indirect.scatter.add.f32 [tilespmem:s18], [sflag:$0x5], $0x80, s7, s16, $0xb8;
	[tilespmem:$0x1D000] =	vst v63  }
0xff: {  	_ =	swait.ge [sflag:s21], $0x4000  }
0x100: {  	[sflag:s21] =	ssyncset.done $0x0  }
0x101: {  	s7 =	simm.s32 $0x200;
	[sflag:s21] =	ssyncadd.s32 $0xFFFFC000  }
0x102: {  	[tilespmem:s12], [sflag:$0x2] =	stream.indirect.gather [hbm4b:s1+s16], $0x80, s7, s16, $0xb8;
	[tilespmem:$0x1D000] =	vst v63  }
0x103: {  	_ =	swait.ge [sflag:s17], $0x4000  }
0x104: {  	[sflag:s17] =	ssyncset.done $0x0  }
0x105: {  	s7 =	simm.s32 $0xA00;
	[sflag:s17] =	ssyncadd.s32 $0xFFFFC000  }
0x106: {  	[spmem:s2] =	stream.indirect.scatter.add.f32 [tilespmem:s12], [sflag:$0x4], $0x80, s7, s16, $0xb8;
	[tilespmem:$0x1D000] =	vst v63  }
0x107: {  	_ =	swait.ge [sflag:s24], $0x4000  }
0x108: {  	[sflag:s24] =	ssyncset.done $0x0  }
0x109: {  	s7 =	simm.s32 $0x280;
	[sflag:s24] =	ssyncadd.s32 $0xFFFFC000  }
0x10a: {  	[tilespmem:s18], [sflag:$0x3] =	stream.indirect.gather [hbm4b:s1+s16], $0x80, s7, s16, $0xb8;
	[tilespmem:$0x1D000] =	vst v63  }
0x10b: {  	_ =	swait.ge [sflag:s19], $0x4000  }
0x10c: {  	[sflag:s19] =	ssyncset.done $0x0  }
0x10d: {  	s7 =	simm.s32 $0xA80;
	[sflag:s19] =	ssyncadd.s32 $0xFFFFC000  }
0x10e: {  	[spmem:s2] =	stream.indirect.scatter.add.f32 [tilespmem:s18], [sflag:$0x5], $0x80, s7, s16, $0xb8;
	[tilespmem:$0x1D000] =	vst v63  }
0x10f: {  	_ =	swait.ge [sflag:s21], $0x4000  }
0x110: {  	[sflag:s21] =	ssyncset.done $0x0  }
0x111: {  	s7 =	simm.s32 $0x300;
	[sflag:s21] =	ssyncadd.s32 $0xFFFFC000  }
0x112: {  	[tilespmem:s12], [sflag:$0x2] =	stream.indirect.gather [hbm4b:s1+s16], $0x80, s7, s16, $0xb8;
	[tilespmem:$0x1D000] =	vst v63  }
0x113: {  	_ =	swait.ge [sflag:s17], $0x4000  }
0x114: {  	[sflag:s17] =	ssyncset.done $0x0  }
0x115: {  	s7 =	simm.s32 $0xB00;
	[sflag:s17] =	ssyncadd.s32 $0xFFFFC000  }
0x116: {  	[spmem:s2] =	stream.indirect.scatter.add.f32 [tilespmem:s12], [sflag:$0x4], $0x80, s7, s16, $0xb8;
	[tilespmem:$0x1D000] =	vst v63  }
0x117: {  	_ =	swait.ge [sflag:s24], $0x4000  }
0x118: {  	[sflag:s24] =	ssyncset.done $0x0  }
0x119: {  	s7 =	simm.s32 $0x380;
	[sflag:s24] =	ssyncadd.s32 $0xFFFFC000  }
0x11a: {  	[tilespmem:s18], [sflag:$0x3] =	stream.indirect.gather [hbm4b:s1+s16], $0x80, s7, s16, $0xb8;
	[tilespmem:$0x1D000] =	vst v63  }
0x11b: {  	_ =	swait.ge [sflag:s19], $0x4000  }
0x11c: {  	[sflag:s19] =	ssyncset.done $0x0  }
0x11d: {  	s7 =	simm.s32 $0xB80;
	[sflag:s19] =	ssyncadd.s32 $0xFFFFC000  }
0x11e: {  	[spmem:s2] =	stream.indirect.scatter.add.f32 [tilespmem:s18], [sflag:$0x5], $0x80, s7, s16, $0xb8;
	[tilespmem:$0x1D000] =	vst v63  }
0x11f: {  	_ =	swait.ge [sflag:s21], $0x4000  }
0x120: {  	[sflag:s21] =	ssyncset.done $0x0  }
0x121: {  	[sflag:s21] =	ssyncadd.s32 $0xFFFFC000  }
0x122: {  	[tilespmem:s12], [sflag:$0x2] =	stream.indirect.gather [hbm4b:s1+s16], $0x80, s8, s16, $0xb8;
	[tilespmem:$0x1D000] =	vst v63  }
0x123: {  	_ =	swait.ge [sflag:s17], $0x4000  }
0x124: {  	[sflag:s17] =	ssyncset.done $0x0  }
0x125: {  	[sflag:s17] =	ssyncadd.s32 $0xFFFFC000  }
0x126: {  	[spmem:s2] =	stream.indirect.scatter.add.f32 [tilespmem:s12], [sflag:$0x4], $0x80, s9, s16, $0xb8;
	[tilespmem:$0x1D000] =	vst v63  }
0x127: {  	_ =	swait.ge [sflag:s24], $0x4000  }
0x128: {  	[sflag:s24] =	ssyncset.done $0x0  }
0x129: {  	[sflag:s24] =	ssyncadd.s32 $0xFFFFC000  }
0x12a: {  	[tilespmem:s18], [sflag:$0x3] =	stream.indirect.gather [hbm4b:s1+s16], $0x80, s10, s16, $0xb8;
	[tilespmem:$0x1D000] =	vst v63  }
0x12b: {  	_ =	swait.ge [sflag:s19], $0x4000  }
0x12c: {  	[sflag:s19] =	ssyncset.done $0x0  }
0x12d: {  	[sflag:s19] =	ssyncadd.s32 $0xFFFFC000  }
0x12e: {  	[spmem:s2] =	stream.indirect.scatter.add.f32 [tilespmem:s18], [sflag:$0x5], $0x80, s11, s16, $0xb8;
	[tilespmem:$0x1D000] =	vst v63  }
0x12f: {  	_ =	swait.ge [sflag:s21], $0x4000  }
0x130: {  	[sflag:s21] =	ssyncset.done $0x0  }
0x131: {  	[sflag:s21] =	ssyncadd.s32 $0xFFFFC000  }
0x132: {  	[tilespmem:s12], [sflag:$0x2] =	stream.indirect.gather [hbm4b:s1+s16], $0x80, s5, s16, $0xb8;
	[tilespmem:$0x1D000] =	vst v63  }
0x133: {  	_ =	swait.ge [sflag:s17], $0x4000  }
0x134: {  	[sflag:s17] =	ssyncset.done $0x0  }
0x135: {  	[sflag:s17] =	ssyncadd.s32 $0xFFFFC000  }
0x136: {  	[spmem:s2] =	stream.indirect.scatter.add.f32 [tilespmem:s12], [sflag:$0x4], $0x80, s13, s16, $0xb8;
	[tilespmem:$0x1D000] =	vst v63  }
0x137: {  	_ =	swait.ge [sflag:s24], $0x4000  }
0x138: {  	[sflag:s24] =	ssyncset.done $0x0  }
0x139: {  	[sflag:s24] =	ssyncadd.s32 $0xFFFFC000  }
0x13a: {  	[tilespmem:s18], [sflag:$0x3] =	stream.indirect.gather [hbm4b:s1+s16], $0x80, s20, s16, $0xb8;
	[tilespmem:$0x1D000] =	vst v63  }
0x13b: {  	_ =	swait.ge [sflag:s19], $0x4000  }
0x13c: {  	[sflag:s19] =	ssyncset.done $0x0  }
0x13d: {  	[sflag:s19] =	ssyncadd.s32 $0xFFFFC000  }
0x13e: {  	[spmem:s2] =	stream.indirect.scatter.add.f32 [tilespmem:s18], [sflag:$0x5], $0x80, s22, s16, $0xb8;
	[tilespmem:$0x1D000] =	vst v63  }
0x13f: {  	_ =	swait.ge [sflag:s21], $0x4000  }
0x140: {  	[sflag:s21] =	ssyncset.done $0x0  }
0x141: {  	[sflag:s21] =	ssyncadd.s32 $0xFFFFC000  }
0x142: {  	[tilespmem:s12], [sflag:$0x2] =	stream.indirect.gather [hbm4b:s1+s16], $0x80, s23, s16, $0xb8;
	[tilespmem:$0x1D000] =	vst v63  }
0x143: {  	_ =	swait.ge [sflag:s17], $0x4000  }
0x144: {  	[sflag:s17] =	ssyncset.done $0x0  }
0x145: {  	[sflag:s17] =	ssyncadd.s32 $0xFFFFC000  }
0x146: {  	[spmem:s2] =	stream.indirect.scatter.add.f32 [tilespmem:s12], [sflag:$0x4], $0x80, s25, s16, $0xb8;
	[tilespmem:$0x1D000] =	vst v63  }
0x147: {  	_ =	swait.ge [sflag:s24], $0x4000  }
0x148: {  	[sflag:s24] =	ssyncset.done $0x0  }
0x149: {  	[sflag:s24] =	ssyncadd.s32 $0xFFFFC000  }
0x14a: {  	[tilespmem:s18], [sflag:$0x3] =	stream.indirect.gather [hbm4b:s1+s16], $0x80, s26, s16, $0xb8;
	[tilespmem:$0x1D000] =	vst v63  }
0x14b: {  	_ =	swait.ge [sflag:s19], $0x4000  }
0x14c: {  	[sflag:s19] =	ssyncset.done $0x0  }
0x14d: {  	[sflag:s19] =	ssyncadd.s32 $0xFFFFC000  }
0x14e: {  	[spmem:s2] =	stream.indirect.scatter.add.f32 [tilespmem:s18], [sflag:$0x5], $0x80, s28, s16, $0xb8;
	[tilespmem:$0x1D000] =	vst v63  }
0x14f: {  	_ =	swait.ge [sflag:s21], $0x4000  }
0x150: {  	[sflag:s21] =	ssyncset.done $0x0  }
0x151: {  	[sflag:s21] =	ssyncadd.s32 $0xFFFFC000  }
0x152: {  	[tilespmem:s12], [sflag:$0x2] =	stream.indirect.gather [hbm4b:s1+s16], $0x80, s29, s16, $0xb8;
	[tilespmem:$0x1D000] =	vst v63  }
0x153: {  	_ =	swait.ge [sflag:s17], $0x4000  }
0x154: {  	[sflag:s17] =	ssyncset.done $0x0  }
0x155: {  	[sflag:s17] =	ssyncadd.s32 $0xFFFFC000  }
0x156: {  	[spmem:s2] =	stream.indirect.scatter.add.f32 [tilespmem:s12], [sflag:$0x4], $0x80, s30, s16, $0xb8;
	[tilespmem:$0x1D000] =	vst v63  }
0x157: {  	_ =	swait.ge [sflag:s24], $0x4000  }
0x158: {  	[sflag:s24] =	ssyncset.done $0x0  }
0x159: {  	[sflag:s24] =	ssyncadd.s32 $0xFFFFC000  }
0x15a: {  	[tilespmem:s18], [sflag:$0x3] =	stream.indirect.gather [hbm4b:s1+s16], $0x80, s31, s16, $0xb8;
	[tilespmem:$0x1D000] =	vst v63  }
0x15b: {  	_ =	swait.ge [sflag:s19], $0x4000  }
0x15c: {  	[sflag:s19] =	ssyncset.done $0x0  }
0x15d: {  	p1 =	sne.s32 s3, $0x200;
	[sflag:s19] =	ssyncadd.s32 $0xFFFFC000  }
0x15e: {  	[spmem:s2] =	stream.indirect.scatter.add.f32 [tilespmem:s18], [sflag:$0x5], $0x80, s0, s16, $0xb8;
	[tilespmem:$0x1D000] =	vst v63  }
.Ltmp4:
0x15f: {  	_ =	swait.ge [sflag:s21], $0x4000;
	(pc) =	sbr.rel @p1 .LBB2_8-.Ltmp4, $4  }
0x160: {  	[sflag:s21] =	ssyncset.done $0x0  }
0x161: {  	[sflag:s21] =	ssyncadd.s32 $0xFFFFC000  }
0x162: {  	_ =	swait.ge [sflag:s24], $0x4000  }
0x163: {  	s3 =	sadd.s32 $0x100, s3;
	[sflag:s24] =	ssyncset.done $0x0  }
.Ltmp5:
0x164: {  	(pc) =	sbr.rel .LBB2_10-.Ltmp5, $2  }
0x165: {  	_ =	sdelay $0x2  }
0x166: {  	[sflag:s24] =	ssyncadd.s32 $0xFFFFC000  }
.LBB2_4:
0x167: {  	s3 =	rddreg [dreg:$0x5]  }
0x168: {  	s3 =	sadd.s32 $0x0, s3  }
0x169: {  	[tilespmem:s4], [sflag:$0x1] =	stream.linear.gather [hbm4b:s3+s4], $0x800, $0x38;
	[tilespmem:$0x1D000] =	vst v63  }
0x16a: {  	_ =	swait.ge [sflag:s14], $0x800  }
0x16b: {  	s6 =	rddreg [dreg:$0x4];
	[sflag:s14] =	ssyncset.done $0x0  }
0x16c: {  	[sflag:s14] =	ssyncadd.s32 $0xFFFFF800;
	s3 =	sadd.s32 $0x0, s6  }
0x16d: {  	[tilespmem:s15], [sflag:$0x1] =	stream.linear.gather [hbm4b:s3+s4], $0x800, $0x38;
	[tilespmem:$0x1D000] =	vst v63  }
0x16e: {  	_ =	swait.ge [sflag:s14], $0x800  }
0x16f: {  	[sflag:s14] =	ssyncset.done $0x0  }
0x170: {  	[sflag:s14] =	ssyncadd.s32 $0xFFFFF800  }
0x171: {  	[tilespmem:s12], [sflag:$0x2] =	stream.indirect.gather [hbm4b:s1+s16], $0x80, s4, s16, $0xb8;
	[tilespmem:$0x1D000] =	vst v63  }
0x172: {  	_ =	swait.ge [sflag:s17], $0x4000  }
0x173: {  	[sflag:s17] =	ssyncset.done $0x0  }
0x174: {  	[sflag:s17] =	ssyncadd.s32 $0xFFFFC000  }
0x175: {  	[spmem:s2] =	stream.indirect.scatter.add.f32 [tilespmem:s12], [sflag:$0x4], $0x80, s15, s16, $0xb8;
	[tilespmem:$0x1D000] =	vst v63  }
0x176: {  	_ = 	snop  }
0x177: {  	[tilespmem:s18], [sflag:$0x3] =	stream.indirect.gather [hbm4b:s1+s16], $0x80, s16, s16, $0xb8;
	[tilespmem:$0x1D000] =	vst v63  }
0x178: {  	_ =	swait.ge [sflag:s19], $0x4000  }
0x179: {  	[sflag:s19] =	ssyncset.done $0x0  }
0x17a: {  	s7 =	simm.s32 $0x880;
	[sflag:s19] =	ssyncadd.s32 $0xFFFFC000  }
0x17b: {  	[spmem:s2] =	stream.indirect.scatter.add.f32 [tilespmem:s18], [sflag:$0x5], $0x80, s7, s16, $0xb8;
	[tilespmem:$0x1D000] =	vst v63  }
0x17c: {  	_ =	swait.ge [sflag:s21], $0x4000  }
0x17d: {  	[sflag:s21] =	ssyncset.done $0x0  }
0x17e: {  	s6 =	simm.s32 $0x100;
	[sflag:s21] =	ssyncadd.s32 $0xFFFFC000  }
0x17f: {  	[tilespmem:s12], [sflag:$0x2] =	stream.indirect.gather [hbm4b:s1+s16], $0x80, s6, s16, $0xb8;
	[tilespmem:$0x1D000] =	vst v63  }
0x180: {  	_ =	swait.ge [sflag:s17], $0x4000  }
0x181: {  	[sflag:s17] =	ssyncset.done $0x0  }
0x182: {  	s7 =	simm.s32 $0x900;
	[sflag:s17] =	ssyncadd.s32 $0xFFFFC000  }
0x183: {  	[spmem:s2] =	stream.indirect.scatter.add.f32 [tilespmem:s12], [sflag:$0x4], $0x80, s7, s16, $0xb8;
	[tilespmem:$0x1D000] =	vst v63  }
0x184: {  	_ =	swait.ge [sflag:s24], $0x4000  }
0x185: {  	[sflag:s24] =	ssyncset.done $0x0  }
0x186: {  	s6 =	simm.s32 $0x180;
	[sflag:s24] =	ssyncadd.s32 $0xFFFFC000  }
0x187: {  	[tilespmem:s18], [sflag:$0x3] =	stream.indirect.gather [hbm4b:s1+s16], $0x80, s6, s16, $0xb8;
	[tilespmem:$0x1D000] =	vst v63  }
0x188: {  	_ =	swait.ge [sflag:s19], $0x4000  }
0x189: {  	[sflag:s19] =	ssyncset.done $0x0  }
0x18a: {  	s7 =	simm.s32 $0x980;
	[sflag:s19] =	ssyncadd.s32 $0xFFFFC000  }
0x18b: {  	[spmem:s2] =	stream.indirect.scatter.add.f32 [tilespmem:s18], [sflag:$0x5], $0x80, s7, s16, $0xb8;
	[tilespmem:$0x1D000] =	vst v63  }
0x18c: {  	_ =	swait.ge [sflag:s21], $0x4000  }
0x18d: {  	[sflag:s21] =	ssyncset.done $0x0  }
0x18e: {  	s6 =	simm.s32 $0x200;
	[sflag:s21] =	ssyncadd.s32 $0xFFFFC000  }
0x18f: {  	[tilespmem:s12], [sflag:$0x2] =	stream.indirect.gather [hbm4b:s1+s16], $0x80, s6, s16, $0xb8;
	[tilespmem:$0x1D000] =	vst v63  }
0x190: {  	_ =	swait.ge [sflag:s17], $0x4000  }
0x191: {  	[sflag:s17] =	ssyncset.done $0x0  }
0x192: {  	s7 =	simm.s32 $0xA00;
	[sflag:s17] =	ssyncadd.s32 $0xFFFFC000  }
0x193: {  	[spmem:s2] =	stream.indirect.scatter.add.f32 [tilespmem:s12], [sflag:$0x4], $0x80, s7, s16, $0xb8;
	[tilespmem:$0x1D000] =	vst v63  }
0x194: {  	_ =	swait.ge [sflag:s24], $0x4000  }
0x195: {  	[sflag:s24] =	ssyncset.done $0x0  }
0x196: {  	s6 =	simm.s32 $0x280;
	[sflag:s24] =	ssyncadd.s32 $0xFFFFC000  }
0x197: {  	[tilespmem:s18], [sflag:$0x3] =	stream.indirect.gather [hbm4b:s1+s16], $0x80, s6, s16, $0xb8;
	[tilespmem:$0x1D000] =	vst v63  }
0x198: {  	_ =	swait.ge [sflag:s19], $0x4000  }
0x199: {  	[sflag:s19] =	ssyncset.done $0x0  }
0x19a: {  	s7 =	simm.s32 $0xA80;
	[sflag:s19] =	ssyncadd.s32 $0xFFFFC000  }
0x19b: {  	[spmem:s2] =	stream.indirect.scatter.add.f32 [tilespmem:s18], [sflag:$0x5], $0x80, s7, s16, $0xb8;
	[tilespmem:$0x1D000] =	vst v63  }
0x19c: {  	_ =	swait.ge [sflag:s21], $0x4000  }
0x19d: {  	[sflag:s21] =	ssyncset.done $0x0  }
0x19e: {  	s6 =	simm.s32 $0x300;
	[sflag:s21] =	ssyncadd.s32 $0xFFFFC000  }
0x19f: {  	[tilespmem:s12], [sflag:$0x2] =	stream.indirect.gather [hbm4b:s1+s16], $0x80, s6, s16, $0xb8;
	[tilespmem:$0x1D000] =	vst v63  }
0x1a0: {  	_ =	swait.ge [sflag:s17], $0x4000  }
0x1a1: {  	[sflag:s17] =	ssyncset.done $0x0  }
0x1a2: {  	s7 =	simm.s32 $0xB00;
	[sflag:s17] =	ssyncadd.s32 $0xFFFFC000  }
0x1a3: {  	[spmem:s2] =	stream.indirect.scatter.add.f32 [tilespmem:s12], [sflag:$0x4], $0x80, s7, s16, $0xb8;
	[tilespmem:$0x1D000] =	vst v63  }
0x1a4: {  	_ =	swait.ge [sflag:s24], $0x4000  }
0x1a5: {  	[sflag:s24] =	ssyncset.done $0x0  }
0x1a6: {  	s6 =	simm.s32 $0x380;
	[sflag:s24] =	ssyncadd.s32 $0xFFFFC000  }
0x1a7: {  	[tilespmem:s18], [sflag:$0x3] =	stream.indirect.gather [hbm4b:s1+s16], $0x80, s6, s16, $0xb8;
	[tilespmem:$0x1D000] =	vst v63  }
0x1a8: {  	_ =	swait.ge [sflag:s19], $0x4000  }
0x1a9: {  	[sflag:s19] =	ssyncset.done $0x0  }
0x1aa: {  	s7 =	simm.s32 $0xB80;
	[sflag:s19] =	ssyncadd.s32 $0xFFFFC000  }
0x1ab: {  	[spmem:s2] =	stream.indirect.scatter.add.f32 [tilespmem:s18], [sflag:$0x5], $0x80, s7, s16, $0xb8;
	[tilespmem:$0x1D000] =	vst v63  }
0x1ac: {  	_ =	swait.ge [sflag:s21], $0x4000  }
0x1ad: {  	[sflag:s21] =	ssyncset.done $0x0  }
0x1ae: {  	[sflag:s21] =	ssyncadd.s32 $0xFFFFC000  }
0x1af: {  	[tilespmem:s12], [sflag:$0x2] =	stream.indirect.gather [hbm4b:s1+s16], $0x80, s8, s16, $0xb8;
	[tilespmem:$0x1D000] =	vst v63  }
0x1b0: {  	_ =	swait.ge [sflag:s17], $0x4000  }
0x1b1: {  	[sflag:s17] =	ssyncset.done $0x0  }
0x1b2: {  	[sflag:s17] =	ssyncadd.s32 $0xFFFFC000  }
0x1b3: {  	[spmem:s2] =	stream.indirect.scatter.add.f32 [tilespmem:s12], [sflag:$0x4], $0x80, s9, s16, $0xb8;
	[tilespmem:$0x1D000] =	vst v63  }
0x1b4: {  	_ =	swait.ge [sflag:s24], $0x4000  }
0x1b5: {  	[sflag:s24] =	ssyncset.done $0x0  }
0x1b6: {  	[sflag:s24] =	ssyncadd.s32 $0xFFFFC000  }
0x1b7: {  	[tilespmem:s18], [sflag:$0x3] =	stream.indirect.gather [hbm4b:s1+s16], $0x80, s10, s16, $0xb8;
	[tilespmem:$0x1D000] =	vst v63  }
0x1b8: {  	_ =	swait.ge [sflag:s19], $0x4000  }
0x1b9: {  	[sflag:s19] =	ssyncset.done $0x0  }
0x1ba: {  	[sflag:s19] =	ssyncadd.s32 $0xFFFFC000  }
0x1bb: {  	[spmem:s2] =	stream.indirect.scatter.add.f32 [tilespmem:s18], [sflag:$0x5], $0x80, s11, s16, $0xb8;
	[tilespmem:$0x1D000] =	vst v63  }
0x1bc: {  	_ =	swait.ge [sflag:s21], $0x4000  }
0x1bd: {  	[sflag:s21] =	ssyncset.done $0x0  }
0x1be: {  	[sflag:s21] =	ssyncadd.s32 $0xFFFFC000  }
0x1bf: {  	[tilespmem:s12], [sflag:$0x2] =	stream.indirect.gather [hbm4b:s1+s16], $0x80, s5, s16, $0xb8;
	[tilespmem:$0x1D000] =	vst v63  }
0x1c0: {  	_ =	swait.ge [sflag:s17], $0x4000  }
0x1c1: {  	[sflag:s17] =	ssyncset.done $0x0  }
0x1c2: {  	[sflag:s17] =	ssyncadd.s32 $0xFFFFC000  }
0x1c3: {  	[spmem:s2] =	stream.indirect.scatter.add.f32 [tilespmem:s12], [sflag:$0x4], $0x80, s13, s16, $0xb8;
	[tilespmem:$0x1D000] =	vst v63  }
0x1c4: {  	_ =	swait.ge [sflag:s24], $0x4000  }
0x1c5: {  	[sflag:s24] =	ssyncset.done $0x0  }
0x1c6: {  	[sflag:s24] =	ssyncadd.s32 $0xFFFFC000  }
0x1c7: {  	[tilespmem:s18], [sflag:$0x3] =	stream.indirect.gather [hbm4b:s1+s16], $0x80, s20, s16, $0xb8;
	[tilespmem:$0x1D000] =	vst v63  }
0x1c8: {  	_ =	swait.ge [sflag:s19], $0x4000  }
0x1c9: {  	[sflag:s19] =	ssyncset.done $0x0  }
0x1ca: {  	[sflag:s19] =	ssyncadd.s32 $0xFFFFC000  }
0x1cb: {  	[spmem:s2] =	stream.indirect.scatter.add.f32 [tilespmem:s18], [sflag:$0x5], $0x80, s22, s16, $0xb8;
	[tilespmem:$0x1D000] =	vst v63  }
0x1cc: {  	_ =	swait.ge [sflag:s21], $0x4000  }
0x1cd: {  	[sflag:s21] =	ssyncset.done $0x0  }
0x1ce: {  	[sflag:s21] =	ssyncadd.s32 $0xFFFFC000  }
0x1cf: {  	[tilespmem:s12], [sflag:$0x2] =	stream.indirect.gather [hbm4b:s1+s16], $0x80, s23, s16, $0xb8;
	[tilespmem:$0x1D000] =	vst v63  }
0x1d0: {  	_ =	swait.ge [sflag:s17], $0x4000  }
0x1d1: {  	[sflag:s17] =	ssyncset.done $0x0  }
0x1d2: {  	[sflag:s17] =	ssyncadd.s32 $0xFFFFC000  }
0x1d3: {  	[spmem:s2] =	stream.indirect.scatter.add.f32 [tilespmem:s12], [sflag:$0x4], $0x80, s25, s16, $0xb8;
	[tilespmem:$0x1D000] =	vst v63  }
0x1d4: {  	_ =	swait.ge [sflag:s24], $0x4000  }
0x1d5: {  	[sflag:s24] =	ssyncset.done $0x0  }
0x1d6: {  	[sflag:s24] =	ssyncadd.s32 $0xFFFFC000  }
0x1d7: {  	[tilespmem:s18], [sflag:$0x3] =	stream.indirect.gather [hbm4b:s1+s16], $0x80, s26, s16, $0xb8;
	[tilespmem:$0x1D000] =	vst v63  }
0x1d8: {  	_ =	swait.ge [sflag:s19], $0x4000  }
0x1d9: {  	[sflag:s19] =	ssyncset.done $0x0  }
0x1da: {  	[sflag:s19] =	ssyncadd.s32 $0xFFFFC000  }
0x1db: {  	[spmem:s2] =	stream.indirect.scatter.add.f32 [tilespmem:s18], [sflag:$0x5], $0x80, s28, s16, $0xb8;
	[tilespmem:$0x1D000] =	vst v63  }
0x1dc: {  	_ =	swait.ge [sflag:s21], $0x4000  }
0x1dd: {  	[sflag:s21] =	ssyncset.done $0x0  }
0x1de: {  	[sflag:s21] =	ssyncadd.s32 $0xFFFFC000  }
0x1df: {  	[tilespmem:s12], [sflag:$0x2] =	stream.indirect.gather [hbm4b:s1+s16], $0x80, s29, s16, $0xb8;
	[tilespmem:$0x1D000] =	vst v63  }
0x1e0: {  	_ =	swait.ge [sflag:s17], $0x4000  }
0x1e1: {  	[sflag:s17] =	ssyncset.done $0x0  }
0x1e2: {  	[sflag:s17] =	ssyncadd.s32 $0xFFFFC000  }
0x1e3: {  	[spmem:s2] =	stream.indirect.scatter.add.f32 [tilespmem:s12], [sflag:$0x4], $0x80, s30, s16, $0xb8;
	[tilespmem:$0x1D000] =	vst v63  }
0x1e4: {  	_ =	swait.ge [sflag:s24], $0x4000  }
0x1e5: {  	[sflag:s24] =	ssyncset.done $0x0  }
0x1e6: {  	[sflag:s24] =	ssyncadd.s32 $0xFFFFC000  }
0x1e7: {  	[tilespmem:s18], [sflag:$0x3] =	stream.indirect.gather [hbm4b:s1+s16], $0x80, s31, s16, $0xb8;
	[tilespmem:$0x1D000] =	vst v63  }
0x1e8: {  	_ =	swait.ge [sflag:s19], $0x4000  }
0x1e9: {  	[sflag:s19] =	ssyncset.done $0x0  }
0x1ea: {  	[sflag:s19] =	ssyncadd.s32 $0xFFFFC000  }
0x1eb: {  	[spmem:s2] =	stream.indirect.scatter.add.f32 [tilespmem:s18], [sflag:$0x5], $0x80, s0, s16, $0xb8;
	[tilespmem:$0x1D000] =	vst v63  }
0x1ec: {  	_ =	swait.ge [sflag:s21], $0x4000  }
0x1ed: {  	[sflag:s21] =	ssyncset.done $0x0  }
0x1ee: {  	[sflag:s21] =	ssyncadd.s32 $0xFFFFC000  }
0x1ef: {  	_ =	swait.ge [sflag:s24], $0x4000  }
0x1f0: {  	s3 =	simm.s32 $0x100;
	[sflag:s24] =	ssyncset.done $0x0  }
.LBB2_5:
0x1f1: {  	s6 =	rddreg [dreg:$0x5];
	s7 =	smov.u32 s3  }
0x1f2: {  	[sflag:s24] =	ssyncadd.s32 $0xFFFFC000;
	s6 =	sadd.s32 s7, s6  }
0x1f3: {  	[tilespmem:s4], [sflag:$0x1] =	stream.linear.gather [hbm4b:s6+s4], $0x800, $0x38;
	[tilespmem:$0x1D000] =	vst v63  }
0x1f4: {  	_ =	swait.ge [sflag:s14], $0x800  }
0x1f5: {  	s6 =	rddreg [dreg:$0x4];
	[sflag:s14] =	ssyncset.done $0x0  }
0x1f6: {  	[sflag:s14] =	ssyncadd.s32 $0xFFFFF800;
	s6 =	sadd.s32 s7, s6  }
0x1f7: {  	[tilespmem:s15], [sflag:$0x1] =	stream.linear.gather [hbm4b:s6+s4], $0x800, $0x38;
	[tilespmem:$0x1D000] =	vst v63  }
0x1f8: {  	_ =	swait.ge [sflag:s14], $0x800  }
0x1f9: {  	[sflag:s14] =	ssyncset.done $0x0  }
0x1fa: {  	[sflag:s14] =	ssyncadd.s32 $0xFFFFF800  }
0x1fb: {  	[tilespmem:s12], [sflag:$0x2] =	stream.indirect.gather [hbm4b:s1+s16], $0x80, s4, s16, $0xb8;
	[tilespmem:$0x1D000] =	vst v63  }
0x1fc: {  	_ =	swait.ge [sflag:s17], $0x4000  }
0x1fd: {  	[sflag:s17] =	ssyncset.done $0x0  }
0x1fe: {  	[sflag:s17] =	ssyncadd.s32 $0xFFFFC000  }
0x1ff: {  	[spmem:s2] =	stream.indirect.scatter.add.f32 [tilespmem:s12], [sflag:$0x4], $0x80, s15, s16, $0xb8;
	[tilespmem:$0x1D000] =	vst v63  }
0x200: {  	_ = 	snop  }
0x201: {  	[tilespmem:s18], [sflag:$0x3] =	stream.indirect.gather [hbm4b:s1+s16], $0x80, s16, s16, $0xb8;
	[tilespmem:$0x1D000] =	vst v63  }
0x202: {  	_ =	swait.ge [sflag:s19], $0x4000  }
0x203: {  	[sflag:s19] =	ssyncset.done $0x0  }
0x204: {  	s7 =	simm.s32 $0x880;
	[sflag:s19] =	ssyncadd.s32 $0xFFFFC000  }
0x205: {  	[spmem:s2] =	stream.indirect.scatter.add.f32 [tilespmem:s18], [sflag:$0x5], $0x80, s7, s16, $0xb8;
	[tilespmem:$0x1D000] =	vst v63  }
0x206: {  	_ =	swait.ge [sflag:s21], $0x4000  }
0x207: {  	[sflag:s21] =	ssyncset.done $0x0  }
0x208: {  	s7 =	simm.s32 $0x100;
	[sflag:s21] =	ssyncadd.s32 $0xFFFFC000  }
0x209: {  	[tilespmem:s12], [sflag:$0x2] =	stream.indirect.gather [hbm4b:s1+s16], $0x80, s7, s16, $0xb8;
	[tilespmem:$0x1D000] =	vst v63  }
0x20a: {  	_ =	swait.ge [sflag:s17], $0x4000  }
0x20b: {  	[sflag:s17] =	ssyncset.done $0x0  }
0x20c: {  	s7 =	simm.s32 $0x900;
	[sflag:s17] =	ssyncadd.s32 $0xFFFFC000  }
0x20d: {  	[spmem:s2] =	stream.indirect.scatter.add.f32 [tilespmem:s12], [sflag:$0x4], $0x80, s7, s16, $0xb8;
	[tilespmem:$0x1D000] =	vst v63  }
0x20e: {  	_ =	swait.ge [sflag:s24], $0x4000  }
0x20f: {  	[sflag:s24] =	ssyncset.done $0x0  }
0x210: {  	s7 =	simm.s32 $0x180;
	[sflag:s24] =	ssyncadd.s32 $0xFFFFC000  }
0x211: {  	[tilespmem:s18], [sflag:$0x3] =	stream.indirect.gather [hbm4b:s1+s16], $0x80, s7, s16, $0xb8;
	[tilespmem:$0x1D000] =	vst v63  }
0x212: {  	_ =	swait.ge [sflag:s19], $0x4000  }
0x213: {  	[sflag:s19] =	ssyncset.done $0x0  }
0x214: {  	s7 =	simm.s32 $0x980;
	[sflag:s19] =	ssyncadd.s32 $0xFFFFC000  }
0x215: {  	[spmem:s2] =	stream.indirect.scatter.add.f32 [tilespmem:s18], [sflag:$0x5], $0x80, s7, s16, $0xb8;
	[tilespmem:$0x1D000] =	vst v63  }
0x216: {  	_ =	swait.ge [sflag:s21], $0x4000  }
0x217: {  	[sflag:s21] =	ssyncset.done $0x0  }
0x218: {  	s7 =	simm.s32 $0x200;
	[sflag:s21] =	ssyncadd.s32 $0xFFFFC000  }
0x219: {  	[tilespmem:s12], [sflag:$0x2] =	stream.indirect.gather [hbm4b:s1+s16], $0x80, s7, s16, $0xb8;
	[tilespmem:$0x1D000] =	vst v63  }
0x21a: {  	_ =	swait.ge [sflag:s17], $0x4000  }
0x21b: {  	[sflag:s17] =	ssyncset.done $0x0  }
0x21c: {  	s7 =	simm.s32 $0xA00;
	[sflag:s17] =	ssyncadd.s32 $0xFFFFC000  }
0x21d: {  	[spmem:s2] =	stream.indirect.scatter.add.f32 [tilespmem:s12], [sflag:$0x4], $0x80, s7, s16, $0xb8;
	[tilespmem:$0x1D000] =	vst v63  }
0x21e: {  	_ =	swait.ge [sflag:s24], $0x4000  }
0x21f: {  	[sflag:s24] =	ssyncset.done $0x0  }
0x220: {  	s7 =	simm.s32 $0x280;
	[sflag:s24] =	ssyncadd.s32 $0xFFFFC000  }
0x221: {  	[tilespmem:s18], [sflag:$0x3] =	stream.indirect.gather [hbm4b:s1+s16], $0x80, s7, s16, $0xb8;
	[tilespmem:$0x1D000] =	vst v63  }
0x222: {  	_ =	swait.ge [sflag:s19], $0x4000  }
0x223: {  	[sflag:s19] =	ssyncset.done $0x0  }
0x224: {  	s7 =	simm.s32 $0xA80;
	[sflag:s19] =	ssyncadd.s32 $0xFFFFC000  }
0x225: {  	[spmem:s2] =	stream.indirect.scatter.add.f32 [tilespmem:s18], [sflag:$0x5], $0x80, s7, s16, $0xb8;
	[tilespmem:$0x1D000] =	vst v63  }
0x226: {  	_ =	swait.ge [sflag:s21], $0x4000  }
0x227: {  	[sflag:s21] =	ssyncset.done $0x0  }
0x228: {  	s7 =	simm.s32 $0x300;
	[sflag:s21] =	ssyncadd.s32 $0xFFFFC000  }
0x229: {  	[tilespmem:s12], [sflag:$0x2] =	stream.indirect.gather [hbm4b:s1+s16], $0x80, s7, s16, $0xb8;
	[tilespmem:$0x1D000] =	vst v63  }
0x22a: {  	_ =	swait.ge [sflag:s17], $0x4000  }
0x22b: {  	[sflag:s17] =	ssyncset.done $0x0  }
0x22c: {  	s7 =	simm.s32 $0xB00;
	[sflag:s17] =	ssyncadd.s32 $0xFFFFC000  }
0x22d: {  	[spmem:s2] =	stream.indirect.scatter.add.f32 [tilespmem:s12], [sflag:$0x4], $0x80, s7, s16, $0xb8;
	[tilespmem:$0x1D000] =	vst v63  }
0x22e: {  	_ =	swait.ge [sflag:s24], $0x4000  }
0x22f: {  	[sflag:s24] =	ssyncset.done $0x0  }
0x230: {  	s7 =	simm.s32 $0x380;
	[sflag:s24] =	ssyncadd.s32 $0xFFFFC000  }
0x231: {  	[tilespmem:s18], [sflag:$0x3] =	stream.indirect.gather [hbm4b:s1+s16], $0x80, s7, s16, $0xb8;
	[tilespmem:$0x1D000] =	vst v63  }
0x232: {  	_ =	swait.ge [sflag:s19], $0x4000  }
0x233: {  	[sflag:s19] =	ssyncset.done $0x0  }
0x234: {  	s7 =	simm.s32 $0xB80;
	[sflag:s19] =	ssyncadd.s32 $0xFFFFC000  }
0x235: {  	[spmem:s2] =	stream.indirect.scatter.add.f32 [tilespmem:s18], [sflag:$0x5], $0x80, s7, s16, $0xb8;
	[tilespmem:$0x1D000] =	vst v63  }
0x236: {  	_ =	swait.ge [sflag:s21], $0x4000  }
0x237: {  	[sflag:s21] =	ssyncset.done $0x0  }
0x238: {  	[sflag:s21] =	ssyncadd.s32 $0xFFFFC000  }
0x239: {  	[tilespmem:s12], [sflag:$0x2] =	stream.indirect.gather [hbm4b:s1+s16], $0x80, s8, s16, $0xb8;
	[tilespmem:$0x1D000] =	vst v63  }
0x23a: {  	_ =	swait.ge [sflag:s17], $0x4000  }
0x23b: {  	[sflag:s17] =	ssyncset.done $0x0  }
0x23c: {  	[sflag:s17] =	ssyncadd.s32 $0xFFFFC000  }
0x23d: {  	[spmem:s2] =	stream.indirect.scatter.add.f32 [tilespmem:s12], [sflag:$0x4], $0x80, s9, s16, $0xb8;
	[tilespmem:$0x1D000] =	vst v63  }
0x23e: {  	_ =	swait.ge [sflag:s24], $0x4000  }
0x23f: {  	[sflag:s24] =	ssyncset.done $0x0  }
0x240: {  	[sflag:s24] =	ssyncadd.s32 $0xFFFFC000  }
0x241: {  	[tilespmem:s18], [sflag:$0x3] =	stream.indirect.gather [hbm4b:s1+s16], $0x80, s10, s16, $0xb8;
	[tilespmem:$0x1D000] =	vst v63  }
0x242: {  	_ =	swait.ge [sflag:s19], $0x4000  }
0x243: {  	[sflag:s19] =	ssyncset.done $0x0  }
0x244: {  	[sflag:s19] =	ssyncadd.s32 $0xFFFFC000  }
0x245: {  	[spmem:s2] =	stream.indirect.scatter.add.f32 [tilespmem:s18], [sflag:$0x5], $0x80, s11, s16, $0xb8;
	[tilespmem:$0x1D000] =	vst v63  }
0x246: {  	_ =	swait.ge [sflag:s21], $0x4000  }
0x247: {  	[sflag:s21] =	ssyncset.done $0x0  }
0x248: {  	[sflag:s21] =	ssyncadd.s32 $0xFFFFC000  }
0x249: {  	[tilespmem:s12], [sflag:$0x2] =	stream.indirect.gather [hbm4b:s1+s16], $0x80, s5, s16, $0xb8;
	[tilespmem:$0x1D000] =	vst v63  }
0x24a: {  	_ =	swait.ge [sflag:s17], $0x4000  }
0x24b: {  	[sflag:s17] =	ssyncset.done $0x0  }
0x24c: {  	[sflag:s17] =	ssyncadd.s32 $0xFFFFC000  }
0x24d: {  	[spmem:s2] =	stream.indirect.scatter.add.f32 [tilespmem:s12], [sflag:$0x4], $0x80, s13, s16, $0xb8;
	[tilespmem:$0x1D000] =	vst v63  }
0x24e: {  	_ =	swait.ge [sflag:s24], $0x4000  }
0x24f: {  	[sflag:s24] =	ssyncset.done $0x0  }
0x250: {  	[sflag:s24] =	ssyncadd.s32 $0xFFFFC000  }
0x251: {  	[tilespmem:s18], [sflag:$0x3] =	stream.indirect.gather [hbm4b:s1+s16], $0x80, s20, s16, $0xb8;
	[tilespmem:$0x1D000] =	vst v63  }
0x252: {  	_ =	swait.ge [sflag:s19], $0x4000  }
0x253: {  	[sflag:s19] =	ssyncset.done $0x0  }
0x254: {  	[sflag:s19] =	ssyncadd.s32 $0xFFFFC000  }
0x255: {  	[spmem:s2] =	stream.indirect.scatter.add.f32 [tilespmem:s18], [sflag:$0x5], $0x80, s22, s16, $0xb8;
	[tilespmem:$0x1D000] =	vst v63  }
0x256: {  	_ =	swait.ge [sflag:s21], $0x4000  }
0x257: {  	[sflag:s21] =	ssyncset.done $0x0  }
0x258: {  	[sflag:s21] =	ssyncadd.s32 $0xFFFFC000  }
0x259: {  	[tilespmem:s12], [sflag:$0x2] =	stream.indirect.gather [hbm4b:s1+s16], $0x80, s23, s16, $0xb8;
	[tilespmem:$0x1D000] =	vst v63  }
0x25a: {  	_ =	swait.ge [sflag:s17], $0x4000  }
0x25b: {  	[sflag:s17] =	ssyncset.done $0x0  }
0x25c: {  	[sflag:s17] =	ssyncadd.s32 $0xFFFFC000  }
0x25d: {  	[spmem:s2] =	stream.indirect.scatter.add.f32 [tilespmem:s12], [sflag:$0x4], $0x80, s25, s16, $0xb8;
	[tilespmem:$0x1D000] =	vst v63  }
0x25e: {  	_ =	swait.ge [sflag:s24], $0x4000  }
0x25f: {  	[sflag:s24] =	ssyncset.done $0x0  }
0x260: {  	[sflag:s24] =	ssyncadd.s32 $0xFFFFC000  }
0x261: {  	[tilespmem:s18], [sflag:$0x3] =	stream.indirect.gather [hbm4b:s1+s16], $0x80, s26, s16, $0xb8;
	[tilespmem:$0x1D000] =	vst v63  }
0x262: {  	_ =	swait.ge [sflag:s19], $0x4000  }
0x263: {  	[sflag:s19] =	ssyncset.done $0x0  }
0x264: {  	[sflag:s19] =	ssyncadd.s32 $0xFFFFC000  }
0x265: {  	[spmem:s2] =	stream.indirect.scatter.add.f32 [tilespmem:s18], [sflag:$0x5], $0x80, s28, s16, $0xb8;
	[tilespmem:$0x1D000] =	vst v63  }
0x266: {  	_ =	swait.ge [sflag:s21], $0x4000  }
0x267: {  	[sflag:s21] =	ssyncset.done $0x0  }
0x268: {  	[sflag:s21] =	ssyncadd.s32 $0xFFFFC000  }
0x269: {  	[tilespmem:s12], [sflag:$0x2] =	stream.indirect.gather [hbm4b:s1+s16], $0x80, s29, s16, $0xb8;
	[tilespmem:$0x1D000] =	vst v63  }
0x26a: {  	_ =	swait.ge [sflag:s17], $0x4000  }
0x26b: {  	[sflag:s17] =	ssyncset.done $0x0  }
0x26c: {  	[sflag:s17] =	ssyncadd.s32 $0xFFFFC000  }
0x26d: {  	[spmem:s2] =	stream.indirect.scatter.add.f32 [tilespmem:s12], [sflag:$0x4], $0x80, s30, s16, $0xb8;
	[tilespmem:$0x1D000] =	vst v63  }
0x26e: {  	_ =	swait.ge [sflag:s24], $0x4000  }
0x26f: {  	[sflag:s24] =	ssyncset.done $0x0  }
0x270: {  	[sflag:s24] =	ssyncadd.s32 $0xFFFFC000  }
0x271: {  	[tilespmem:s18], [sflag:$0x3] =	stream.indirect.gather [hbm4b:s1+s16], $0x80, s31, s16, $0xb8;
	[tilespmem:$0x1D000] =	vst v63  }
0x272: {  	_ =	swait.ge [sflag:s19], $0x4000  }
0x273: {  	[sflag:s19] =	ssyncset.done $0x0  }
0x274: {  	p1 =	seq.s32 s3, $0x600;
	[sflag:s19] =	ssyncadd.s32 $0xFFFFC000  }
0x275: {  	[spmem:s2] =	stream.indirect.scatter.add.f32 [tilespmem:s18], [sflag:$0x5], $0x80, s0, s16, $0xb8;
	[tilespmem:$0x1D000] =	vst v63  }
.Ltmp6:
0x276: {  	_ =	swait.ge [sflag:s21], $0x4000;
	(pc) =	sbr.rel @!p1 .LBB2_5-.Ltmp6, $4  }
0x277: {  	[sflag:s21] =	ssyncset.done $0x0  }
0x278: {  	[sflag:s21] =	ssyncadd.s32 $0xFFFFC000  }
0x279: {  	_ =	swait.ge [sflag:s24], $0x4000  }
0x27a: {  	s3 =	sadd.s32 $0x100, s3;
	[sflag:s24] =	ssyncset.done $0x0  }
.Ltmp7:
0x27b: {  	_ = 	snop;
	(pc) =	sbr.rel .LBB2_6-.Ltmp7, $1  }
0x27c: {  	_ =	sdelay $0x3  }
.LBB2_11:
0x27d: {  	_ =	sfence.sel $0x180000  }
0x27e: {  	[bflag:$0x0] =	sbarrier.arrive $0xFFFF  }
0x27f: {  	_ =	strace $0x9000004A  }
0x280: {  	s0 =	stileid.u32;
	[bflag:$0x2] =	sbarrier.arrive $0xFFFF  }
0x281: {  	p0 =	sne.s32 s0, $0x0;
	s0 =	rddreg [dreg:$0x3]  }
0x282: {  	s0 =	sadd.s32 @!p0 $0x100000, s0  }
0x283: {  	[sflag:s0] =	ssyncadd.tile.s32 @!p0 $0x1;
	_ =	shalt  }
.Lfunc_end2:
_tile_overlayer_lowered:
.L_overlay_start_2:
0x284: {  	(tag) =	ssettag $0x2  }
0x285: {  	s0 =	rddreg [dreg:$0x0];
	s2 =	stileid.u32  }
0x286: {  	s1 =	rddreg [dreg:$0x1];
	p0 =	sne.s32 s2, $0x0  }
0x287: {  	s3 =	rddreg [dreg:$0x2];
	[bflag:$0x3] =	sbarrier.arrive $0xFFFF;
	s2 =	simm.s32 @!p0 $0x1C06  }
0x288: {  	[timem:s3], [sflag:s2] =	dma.local @!p0 [hbm:s0], s1  }
0x289: {  	s0 =	simm.s32 @!p0 $0x6  }
0x28a: {  	_ =	swait.ge @!p0 [sflag:s0], s1  }
0x28b: {  	s1 =	ssub.s32 @!p0 $0x0, s1;
	[sflag:s0] =	ssyncset.done @!p0 $0x0  }
0x28c: {  	[sflag:s0] =	ssyncadd.s32 @!p0 s1  }
0x28d: {  	[bflag:$0x3] =	sbarrier.arrive $0xFFFF  }
0x28e: {  	_ =	shalt  }

// kernel: kernel.15.cloned.1.call-start
scs
__scs_entry_jumppad:
0x0: {  	(pc) =	sbr.rel $0x88, $3  }
0x1: {  	(tag) =	ssettag $0x0;
	lr =	simm.s32 $0x1  }
0x2: {  	[smem:$0x3F98] =	sst lr;
	_ =	strace $0xD0000000  }
0x3: {  	_ = 	snop  }
0x4: {  	_ = 	snop  }
0x5: {  	_ = 	snop  }
0x6: {  	_ = 	snop  }
0x7: {  	_ = 	snop  }
__scs_overlays_trampoline_lowered:
0x8: {  	[smem:$0x3FA7] =	sst s0  }
0x9: {  	[smem:$0x3FA8] =	sst s1  }
0xa: {  	[smem:$0x3FA9] =	sst s2  }
0xb: {  	[smem:$0x3FAA] =	sst s3  }
0xc: {  	[smem:$0x3FAB] =	sst s4  }
0xd: {  	[smem:$0x3FAC] =	sst s5  }
0xe: {  	[smem:$0x3FAD] =	sst s6  }
0xf: {  	[smem:$0x3FAE] =	sst s7  }
0x10: {  	[smem:$0x3FAF] =	sst s8  }
0x11: {  	[smem:$0x3FB0] =	sst s9;
	s0 =	simm.s32 @!p0 $0x0  }
0x12: {  	s1 =	sld [smem:$0x3F96];
	s0 =	simm.s32 @p0 $0x1  }
0x13: {  	[smem:$0x3FB1] =	sst s0;
	s0 =	simm.s32 @!p1 $0x0  }
0x14: {  	s2 =	sld [smem:$0x3F95];
	s0 =	simm.s32 @p1 $0x1  }
0x15: {  	[smem:$0x3FB2] =	sst s0;
	s0 =	simm.s32 @!p2 $0x0  }
0x16: {  	s3 =	sld [smem:$0x3FDB];
	s0 =	simm.s32 @p2 $0x1  }
0x17: {  	s4 =	simm.s32 $0x1BF5;
	[smem:$0x3FB4] =	sst s0  }
0x18: {  	s0 =	sld [smem:$0x3F97];
	_ =	swait.ge [sflag:s4], $0x0  }
0x19: {  	s7 =	sld [smem:$0x3F98]  }
0x1a: {  	s8 =	sadd.s32 $0xFFFFE003, lr  }
0x1b: {  	s9 =	sadd.s32 $0xFFFFFEF7, lr;
	s5 =	simm.s32 $0xFFFFFFFF;
	p2 =	slt.u32 s8, $0xFFFFF086  }
0x1c: {  	p1 =	slt.u32 s9, $0xF7A;
	s5 =	simm.s32 @!p2 $0x0  }
0x1d: {  	s5 =	simm.s32 @p1 $0x1;
	p0 =	seq.s32 s7, s2  }
0x1e: {  	s7 =	smul.u32 @!p0 $0xF7A, s2;
	p2 =	seq.s32 @!p0 s5, $0x0  }
0x1f: {  	s9 =	smul.u32 $0xF7A, s1;
	s8 =	simm.s32 @!p0 $0x1BF5;
	p2 =	por !p2, p0  }
0x20: {  	[sflag:s8] =	ssyncset.s32 @!p0 $0xFFFFF086;
	s6 =	sadd.s32 @!p0 s3, s7;
	s7 =	simm.s32 @!p0 $0x108  }
0x21: {  	s3 =	sadd.s32 s3, s9;
	s6 =	sadd.s32 @!p0 $0x88, s6;
	s7 =	simm.s32 @p2 $0x1082  }
0x22: {  	[simem:s7], [sflag:s8] =	dma.local @!p0 [hbm:s6], $0xF7A  }
0x23: {  	s9 =	sor.u32 $0xD0000000, s2;
	s6 =	simm.s32 $0x108;
	_ =	swait.ge @!p0 [sflag:s8], $0x0  }
0x24: {  	s3 =	sadd.s32 $0x88, s3;
	s6 =	simm.s32 @!p1 $0x1082;
	[sflag:s4] =	ssyncset.s32 $0xFFFFF086  }
0x25: {  	[simem:s6], [sflag:s4] =	dma.local [hbm:s3], $0xF7A  }
0x26: {  	[smem:$0x3F98] =	sst s1;
	(tag) =	ssettag s2;
	_ =	strace s9  }
0x27: {  	s1 =	sld [smem:$0x3FA8]  }
0x28: {  	s2 =	sld [smem:$0x3FA9]  }
0x29: {  	s4 =	sld [smem:$0x3FAB]  }
0x2a: {  	p0 =	seq.s32 s5, $0x0;
	s5 =	sld [smem:$0x3FAC]  }
0x2b: {  	s6 =	sld [smem:$0x3FAD]  }
0x2c: {  	s7 =	sld [smem:$0x3FAE]  }
0x2d: {  	s3 =	simm.s32 $0x108;
	s8 =	sld [smem:$0x3FAF]  }
0x2e: {  	s3 =	simm.s32 @!p0 $0x1082;
	s9 =	sld [smem:$0x3FB0]  }
0x2f: {  	lr =	sadd.s32 s0, s3;
	s0 =	sld [smem:$0x3FA7]  }
0x30: {  	s3 =	sld [smem:$0x3FAA]  }
0x31: {  	[smem:$0x3FB3] =	sst s10  }
0x32: {  	s10 =	sld [smem:$0x3FB1];
	_ =	sdelay $0x3  }
0x33: {  	p0 =	seq.s32 s10, $0x1;
	s10 =	sld [smem:$0x3FB3];
	_ =	sdelay $0x3  }
0x34: {  	[smem:$0x3FB3] =	sst s10  }
0x35: {  	s10 =	sld [smem:$0x3FB2];
	_ =	sdelay $0x3  }
0x36: {  	p1 =	seq.s32 s10, $0x1;
	s10 =	sld [smem:$0x3FB3];
	_ =	sdelay $0x3  }
0x37: {  	[smem:$0x3FB3] =	sst s10  }
0x38: {  	s10 =	sld [smem:$0x3FB4]  }
0x39: {  	_ = 	snop;
	(pc) =	sbr.ind lr, $3  }
0x3a: {  	_ = 	snop  }
0x3b: {  	_ = 	snop  }
0x3c: {  	p2 =	seq.s32 s10, $0x1;
	s10 =	sld [smem:$0x3FB3]  }
0x3d: {  	_ =	shalt  }
0x3e: {  	_ =	shalt  }
0x3f: {  	_ =	shalt  }
0x40: {  	_ =	shalt  }
0x41: {  	_ =	shalt  }
0x42: {  	_ =	shalt  }
0x43: {  	_ =	shalt  }
0x44: {  	_ =	shalt  }
0x45: {  	_ =	shalt  }
0x46: {  	_ =	shalt  }
0x47: {  	_ =	shalt  }
0x48: {  	_ =	shalt  }
0x49: {  	_ =	shalt  }
0x4a: {  	_ =	shalt  }
0x4b: {  	_ =	shalt  }
0x4c: {  	_ =	shalt  }
0x4d: {  	_ =	shalt  }
0x4e: {  	_ =	shalt  }
0x4f: {  	_ =	shalt  }
0x50: {  	_ =	shalt  }
0x51: {  	_ =	shalt  }
0x52: {  	_ =	shalt  }
0x53: {  	_ =	shalt  }
0x54: {  	_ =	shalt  }
0x55: {  	_ =	shalt  }
0x56: {  	_ =	shalt  }
0x57: {  	_ =	shalt  }
0x58: {  	_ =	shalt  }
0x59: {  	_ =	shalt  }
0x5a: {  	_ =	shalt  }
0x5b: {  	_ =	shalt  }
0x5c: {  	_ =	shalt  }
0x5d: {  	_ =	shalt  }
0x5e: {  	_ =	shalt  }
0x5f: {  	_ =	shalt  }
0x60: {  	_ =	shalt  }
0x61: {  	_ =	shalt  }
0x62: {  	_ =	shalt  }
0x63: {  	_ =	shalt  }
0x64: {  	_ =	shalt  }
0x65: {  	_ =	shalt  }
0x66: {  	_ =	shalt  }
0x67: {  	_ =	shalt  }
0x68: {  	_ =	shalt  }
0x69: {  	_ =	shalt  }
0x6a: {  	_ =	shalt  }
0x6b: {  	_ =	shalt  }
0x6c: {  	_ =	shalt  }
0x6d: {  	_ =	shalt  }
0x6e: {  	_ =	shalt  }
0x6f: {  	_ =	shalt  }
0x70: {  	_ =	shalt  }
0x71: {  	_ =	shalt  }
0x72: {  	_ =	shalt  }
0x73: {  	_ =	shalt  }
0x74: {  	_ =	shalt  }
0x75: {  	_ =	shalt  }
0x76: {  	_ =	shalt  }
0x77: {  	_ =	shalt  }
0x78: {  	_ =	shalt  }
0x79: {  	_ =	shalt  }
0x7a: {  	_ =	shalt  }
0x7b: {  	_ =	shalt  }
0x7c: {  	_ =	shalt  }
0x7d: {  	_ =	shalt  }
0x7e: {  	_ =	shalt  }
0x7f: {  	_ =	shalt  }
0x80: {  	_ =	shalt  }
0x81: {  	_ =	shalt  }
0x82: {  	_ =	shalt  }
0x83: {  	_ =	shalt  }
0x84: {  	_ =	shalt  }
0x85: {  	_ =	shalt  }
0x86: {  	_ =	shalt  }
0x87: {  	_ =	shalt  }
.Lfunc_end0:
.L_simem_size_0:
called_computation.2_lowered:
.L_overlay_start_0:
0x88: {  	s2 =	sld [smem:$0x3FD9]  }
0x89: {  	s3 =	sld [smem:$0x3FFE];
	_ =	sdelay $0x1  }
0x8a: {  	s1 =	srdreg.scid  }
0x8b: {  	s0 =	sand.u32 $0x1, s1  }
0x8c: {  	s17 =	sshll.u32 s0, $0xA;
	s2 =	sadd.s32 s3, s2  }
0x8d: {  	s2 =	sadd.s32 s2, s17  }
0x8e: {  	[smem:$0x3FBF] =	sst s2  }
0x8f: {  	_ = 	snop  }
0x90: {  	s2 =	sld [smem:$0x3FD0];
	(tm) =	ssettm $0x1  }
0x91: {  	s18 =	sld [smem:$0x3FFB];
	_ =	sdelay $0x3  }
0x92: {  	_ =	strace s18  }
0x93: {  	s3 =	sld [smem:$0x3FFC];
	_ =	sdelay $0x3  }
0x94: {  	_ =	strace s3  }
0x95: {  	s3 =	sld [smem:$0x3FFD];
	_ =	sdelay $0x3  }
0x96: {  	_ =	strace s3  }
0x97: {  	_ =	strace $0x8FFFFFFF  }
0x98: {  	s19 =	sld [smem:$0x3FDB];
	_ =	sdelay $0x1  }
0x99: {  	s4 =	simm.s32 $_scs_section_size  }
0x9a: {  	s5 =	simm.s32 $_size__tile_overlayer_lowered;
	s6 =	simm.s32 $_tile_overlayer_lowered  }
0x9b: {  	s22 =	simm.s32 $0x1BFF;
	s21 =	sshll.u32 s6, $0x1;
	s3 =	sadd.s32 s4, s19  }
0x9c: {  	s7 =	simm.s32 $0x0;
	s20 =	sshll.u32 s5, $0x1;
	s5 =	sadd.s32 s21, s3  }
0x9d: {  	[timem:s7], [sflag:s22] =	dma.local [hbm:s5], s20  }
0x9e: {  	_ =	swait.ge [sflag:s22], s20  }
0x9f: {  	s4 =	ssub.s32 $0x0, s20;
	[sflag:s22] =	ssyncset.done $0x0  }
0xa0: {  	[sflag:s22] =	ssyncadd.s32 s4;
	_ =	sdelay $0x1  }
0xa1: {  	s23 =	simm.s32 $0x1B8B  }
0xa2: {  	_ =	swait.ge [sflag:s23], $0x1  }
0xa3: {  	[sflag:s23] =	ssyncset.done $0x0  }
0xa4: {  	s25 =	simm.s32 $0x1B8E;
	s24 =	sld [smem:$0x3FFE];
	[sflag:s23] =	ssyncadd.s32 $0xFFFFFFFF  }
0xa5: {  	s26 =	simm.s32 $execute0_lowered;
	[smem:$0x3FD2] =	sst s25  }
0xa6: {  	s5 =	sshll.u32 s26, $0x1;
	_ =	strace $0x8000004C;
	[dreg:$0x1] =	wrdreg $0xFFFFFFFF  }
0xa7: {  	s28 =	simm.s32 $_size_execute0_lowered;
	s3 =	sadd.s32 s3, s5;
	[dreg:$0x0] =	wrdreg $0x0  }
0xa8: {  	s5 =	sshll.u32 s28, $0x1;
	[dreg:$0x2] =	wrdreg s3  }
0xa9: {  	[dreg:$0x3] =	wrdreg s5  }
0xaa: {  	[dreg:$0x4] =	wrdreg $0xC0  }
0xab: {  	_ =	task [dreg:s7], $0x5FFFF  }
0xac: {  	[dreg:$0x1] =	wrdreg $0xFFFFFFFF  }
0xad: {  	[dreg:$0x0] =	wrdreg $0x60  }
0xae: {  	[dreg:$0x2] =	wrdreg s2  }
0xaf: {  	[dreg:$0x3] =	wrdreg s24  }
0xb0: {  	[dreg:$0x4] =	wrdreg $0x90000  }
0xb1: {  	[dreg:$0x5] =	wrdreg $0x9  }
0xb2: {  	_ =	task.clear_ibuf [dreg:s7], $0x6FFFF;
	_ =	strace $0x9000004C  }
0xb3: {  	s29 =	simm.s32 $0x9;
	_ =	strace $0x8000004E  }
0xb4: {  	_ =	swait.ge [sflag:s29], $0x1  }
0xb5: {  	[sflag:s29] =	ssyncadd.s32 $0xFFFFFFFF  }
0xb6: {  	_ =	strace $0x9000004E  }
0xb7: {  	_ =	sfence  }
0xb8: {  	s30 =	sld [smem:$0x0];
	_ =	sdelay $0x2  }
0xb9: {  	s31 =	sshll.u32 s1, $0xD;
	s1 =	sshrl.u32 s1, $0x2  }
0xba: {  	s3 =	sand.u32 $0x4000, s31;
	s1 =	sadd.s32 s1, s30  }
0xbb: {  	s0 =	sor.u32 s3, s0;
	s1 =	sshll.u32 s1, $0x11  }
0xbc: {  	s0 =	sor.u32 s1, s0  }
0xbd: {  	s0 =	sadd.s32 $0x8F2B, s0  }
0xbe: {  	[sflag:s0] =	ssyncadd.remote.s32 $0x1  }
0xbf: {  	_ =	sfence.sel $0xFFFF  }
0xc0: {  	[dreg:$0x0] =	wrdreg $0xFFFFFFFF;
	(pc) =	sbr.abs _section_cstart, $3  }
0xc1: {  	[dreg:$0x1] =	wrdreg $0xFFFFFFFF  }
0xc2: {  	_ =	task.clear_ibuf [dreg:s7], $0x2FFFF;
	_ =	strace $0x9FFFFFFF  }
0xc3: {  	(tm) =	ssettm $0x7FFFFFFF  }
tec
execute0_lowered:
.L_overlay_start_1:
0x0: {  	(tag) =	ssettag $0x1  }
0x1: {  	s1 =	rddreg [dreg:$0x0]  }
0x2: {  	s0 =	rddreg [dreg:$0x1]  }
0x3: {  	s2 =	rddreg [dreg:$0x2];
	s3 =	srdreg.scid  }
0x4: {  	s4 =	simm.s32 $0x0;
	s11 =	stileid.u32;
	s12 =	simm.s32 $0x1000  }
0x5: {  	s13 =	simm.s32 $0xD00;
	s28 =	simm.s32 $0xE80;
	s6 =	smul.u32 $0x14000, s11  }
0x6: {  	s29 =	simm.s32 $0x700;
	s30 =	simm.s32 $0xF00;
	s8 =	smul.u32 $0x50000, s11  }
0x7: {  	s31 =	simm.s32 $0x780;
	s3 =	sand.u32 $0x1, s3;
	s17 =	smul.u32 $0x700, s11  }
0x8: {  	[smem:$0x7FF] =	sst s4;
	s7 =	sadd.s32 $0x5CE00, s0;
	s19 =	smul.u32 $0x300, s11  }
0x9: {  	s9 =	sadd.s32 $0x2E00, s0;
	s11 =	simm.s32 $0xC80;
	s5 =	smul.u32 $0x140000, s3  }
0xa: {  	_ =	strace $0x8000004D;
	s14 =	ssub.s32 $0x2, s3;
	p0 =	seq.s32 s3, $0x1  }
0xb: {  	s10 =	sshrl.u32 s14, $0x1;
	s16 =	sshrl.u32 s8, $0x2;
	s22 =	sadd.s32 s17, s9  }
0xc: {  	s3 =	sadd.s32 s17, s7;
	s23 =	sadd.s32 s19, s9;
	s17 =	simm.s32 $0x2  }
0xd: {  	s8 =	simm.s32 $0x400;
	s9 =	simm.s32 $0xC00;
	s5 =	sadd.s32 s6, s5  }
0xe: {  	s15 =	ssub.s32 s14, s10;
	s6 =	sadd.s32 s16, s2;
	[dreg:$0x4] =	wrdreg s22  }
0xf: {  	[dreg:$0x5] =	wrdreg s3;
	s24 =	sadd.s32 $0x7000, s23;
	s14 =	simm.s32 $0x1  }
0x10: {  	s16 =	simm.s32 $0x80;
	s10 =	simm.s32 $0x480;
	[dreg:$0x6] =	wrdreg s24  }
0x11: {  	s22 =	simm.s32 $0xD80;
	s18 =	smax.u32 s15, $0x1;
	[dreg:$0x8] =	wrdreg s6  }
0x12: {  	s23 =	simm.s32 $0x600;
	s20 =	sadd.s32 $0x4000, s6;
	[dreg:$0xa] =	wrdreg s18  }
0x13: {  	s3 =	simm.s32 $0x0;
	s21 =	sadd.s32 $0x8000, s6;
	[dreg:$0xb] =	wrdreg s20  }
0x14: {  	s5 =	sshrl.u32 s5, $0x3;
	s25 =	sadd.s32 $0xC000, s6;
	[dreg:$0xc] =	wrdreg s21  }
0x15: {  	s26 =	sadd.s32 $0x10000, s6;
	s15 =	simm.s32 $0x800;
	[dreg:$0xd] =	wrdreg s25  }
0x16: {  	s24 =	simm.s32 $0x5;
	s0 =	sadd.s32 s5, s0;
	[dreg:$0xe] =	wrdreg s26  }
.Ltmp0:
0x17: {  	s18 =	simm.s32 $0x5000;
	s21 =	simm.s32 $0x4;
	(pc) =	sbr.rel .LBB2_1-.Ltmp0, $4  }
0x18: {  	s5 =	simm.s32 $0x500;
	s20 =	simm.s32 $0x580;
	s0 =	sadd.s32 $0xCE00, s0  }
0x19: {  	s25 =	simm.s32 $0xE00;
	[dreg:$0x9] =	wrdreg s0;
	s0 =	sadd.s32 s19, s7  }
0x1a: {  	s26 =	simm.s32 $0x680;
	s7 =	simm.s32 $0x6;
	s0 =	sadd.s32 $0x7000, s0  }
0x1b: {  	v0 =	vimm.f32 $0.0e+00;
	s19 =	simm.s32 $0x3;
	[dreg:$0x7] =	wrdreg s0;
	s0 =	simm.s32 $0xF80  }
.LBB2_6:
0x1c: {  	[sflag:s24] =	ssyncadd.s32 $0xFFFFC000  }
.LBB2_10:
0x1d: {  	s3 =	stileid.u32;
	[bflag:$0x0] =	sbarrier.arrive $0xFFFF  }
0x1e: {  	s3 =	sshll.u32 s3, $0x6;
	s6 =	rddreg [dreg:$0x8]  }
0x1f: {  	s7 =	rddreg [dreg:$0x9];
	s3 =	sor.u32 $0x1C06, s3;
	s6 =	sshrl.u32 s6, $0x3  }
0x20: {  	[hbm:s7], [sflag:s3] =	dma.local [spmem:s6], $0x2800  }
0x21: {  	s7 =	simm.s32 $0x6  }
0x22: {  	_ =	swait.ge [sflag:s7], $0x2800  }
0x23: {  	s3 =	rddreg [dreg:$0xf]  }
0x24: {  	s6 =	sadd.s32 $0x1, s3;
	s3 =	rddreg [dreg:$0xa]  }
0x25: {  	p1 =	sne.s32 s6, s3  }
.Ltmp1:
0x26: {  	_ = 	snop;
	(pc) =	sbr.rel @!p1 .LBB2_11-.Ltmp1, $3  }
0x27: {  	_ =	sdelay $0x1  }
0x28: {  	[sflag:s7] =	ssyncset.done $0x0  }
0x29: {  	[sflag:s7] =	ssyncadd.s32 $0xFFFFD800;
	s3 =	smov.u32 s6  }
.LBB2_1:
0x2a: {  	[dreg:$0xf] =	wrdreg s3;
	s3 =	simm.s32 $0x0;
	s6 =	simm.s32 $0x200  }
.LBB2_2:
0x2b: {  	p1 =	sne.s32 s6, $0xFE00;
	[tilespmem:s3+$0x1070] =	vst v0  }
0x2c: {  	[tilespmem:s3+$0x1000] =	vst v0  }
0x2d: {  	[tilespmem:s3+$0x1010] =	vst v0  }
.Ltmp2:
0x2e: {  	[tilespmem:s3+$0x1020] =	vst v0;
	(pc) =	sbr.rel @p1 .LBB2_2-.Ltmp2, $4  }
0x2f: {  	[tilespmem:s3+$0x1030] =	vst v0  }
0x30: {  	[tilespmem:s3+$0x1040] =	vst v0  }
0x31: {  	[tilespmem:s3+$0x1050] =	vst v0  }
0x32: {  	[tilespmem:s3+$0x1060] =	vst v0;
	s3 =	sshra.s32 s6, $0x2;
	s6 =	sadd.s32 $0x200, s6  }
0x33: {  	[tilespmem:s3+$0x1070] =	vst v0  }
0x34: {  	[tilespmem:s3+$0x1000] =	vst v0  }
0x35: {  	[tilespmem:s3+$0x1010] =	vst v0  }
0x36: {  	[tilespmem:s3+$0x1020] =	vst v0  }
0x37: {  	[tilespmem:s3+$0x1030] =	vst v0  }
0x38: {  	[tilespmem:s3+$0x1040] =	vst v0  }
0x39: {  	[tilespmem:s3+$0x1050] =	vst v0  }
0x3a: {  	[tilespmem:s3+$0x1060] =	vst v0;
	s6 =	rddreg [dreg:$0x8]  }
0x3b: {  	[spmem:s6] =	stream.linear.scatter [tilespmem:s12], [sflag:$0x6], $0x4000, $0x38;
	[tilespmem:$0x1D000] =	vst v63  }
0x3c: {  	_ =	swait.ge [sflag:s7], $0x4000  }
0x3d: {  	[sflag:s7] =	ssyncset.done $0x0  }
0x3e: {  	s6 =	rddreg [dreg:$0xb];
	[sflag:s7] =	ssyncadd.s32 $0xFFFFC000  }
0x3f: {  	[spmem:s6] =	stream.linear.scatter [tilespmem:s12], [sflag:$0x6], $0x4000, $0x38;
	[tilespmem:$0x1D000] =	vst v63  }
0x40: {  	_ =	swait.ge [sflag:s7], $0x4000  }
0x41: {  	[sflag:s7] =	ssyncset.done $0x0  }
0x42: {  	s6 =	rddreg [dreg:$0xc];
	[sflag:s7] =	ssyncadd.s32 $0xFFFFC000  }
0x43: {  	[spmem:s6] =	stream.linear.scatter [tilespmem:s12], [sflag:$0x6], $0x4000, $0x38;
	[tilespmem:$0x1D000] =	vst v63  }
0x44: {  	_ =	swait.ge [sflag:s7], $0x4000  }
0x45: {  	[sflag:s7] =	ssyncset.done $0x0  }
0x46: {  	s6 =	rddreg [dreg:$0xd];
	[sflag:s7] =	ssyncadd.s32 $0xFFFFC000  }
0x47: {  	[spmem:s6] =	stream.linear.scatter [tilespmem:s12], [sflag:$0x6], $0x4000, $0x38;
	[tilespmem:$0x1D000] =	vst v63  }
0x48: {  	_ =	swait.ge [sflag:s7], $0x4000  }
0x49: {  	[sflag:s7] =	ssyncset.done $0x0  }
0x4a: {  	s6 =	rddreg [dreg:$0xe];
	[sflag:s7] =	ssyncadd.s32 $0xFFFFC000  }
0x4b: {  	[spmem:s6] =	stream.linear.scatter [tilespmem:s12], [sflag:$0x6], $0x4000, $0x38;
	[tilespmem:$0x1D000] =	vst v63  }
.Ltmp3:
0x4c: {  	_ =	swait.ge [sflag:s7], $0x4000;
	(pc) =	sbr.rel @!p0 .LBB2_4-.Ltmp3, $3  }
0x4d: {  	[sflag:s7] =	ssyncset.done $0x0  }
0x4e: {  	[sflag:s7] =	ssyncadd.s32 $0xFFFFC000  }
0x4f: {  	[bflag:$0x0] =	sbarrier.arrive $0xFFFF;
	_ =	sdelay $0x1  }
0x50: {  	s3 =	rddreg [dreg:$0x7]  }
0x51: {  	s3 =	sadd.s32 $0x0, s3  }
0x52: {  	[tilespmem:s4], [sflag:$0x1] =	stream.linear.gather [hbm4b:s3+s4], $0x800, $0x38;
	[tilespmem:$0x1D000] =	vst v63  }
0x53: {  	_ =	swait.ge [sflag:s14], $0x800  }
0x54: {  	s6 =	rddreg [dreg:$0x6];
	[sflag:s14] =	ssyncset.done $0x0  }
0x55: {  	[sflag:s14] =	ssyncadd.s32 $0xFFFFF800;
	s3 =	sadd.s32 $0x0, s6  }
0x56: {  	[tilespmem:s15], [sflag:$0x1] =	stream.linear.gather [hbm4b:s3+s4], $0x800, $0x38;
	[tilespmem:$0x1D000] =	vst v63  }
0x57: {  	_ =	swait.ge [sflag:s14], $0x800  }
0x58: {  	[sflag:s14] =	ssyncset.done $0x0  }
0x59: {  	[sflag:s14] =	ssyncadd.s32 $0xFFFFF800  }
0x5a: {  	[tilespmem:s12], [sflag:$0x2] =	stream.indirect.gather [hbm4b:s1+s16], $0x80, s4, s16, $0xb8;
	[tilespmem:$0x1D000] =	vst v63  }
0x5b: {  	_ =	swait.ge [sflag:s17], $0x4000  }
0x5c: {  	[sflag:s17] =	ssyncset.done $0x0  }
0x5d: {  	[sflag:s17] =	ssyncadd.s32 $0xFFFFC000  }
0x5e: {  	[spmem:s2] =	stream.indirect.scatter.add.f32 [tilespmem:s12], [sflag:$0x4], $0x80, s15, s16, $0xb8;
	[tilespmem:$0x1D000] =	vst v63  }
0x5f: {  	_ = 	snop  }
0x60: {  	[tilespmem:s18], [sflag:$0x3] =	stream.indirect.gather [hbm4b:s1+s16], $0x80, s16, s16, $0xb8;
	[tilespmem:$0x1D000] =	vst v63  }
0x61: {  	_ =	swait.ge [sflag:s19], $0x4000  }
0x62: {  	[sflag:s19] =	ssyncset.done $0x0  }
0x63: {  	s7 =	simm.s32 $0x880;
	[sflag:s19] =	ssyncadd.s32 $0xFFFFC000  }
0x64: {  	[spmem:s2] =	stream.indirect.scatter.add.f32 [tilespmem:s18], [sflag:$0x5], $0x80, s7, s16, $0xb8;
	[tilespmem:$0x1D000] =	vst v63  }
0x65: {  	_ =	swait.ge [sflag:s21], $0x4000  }
0x66: {  	[sflag:s21] =	ssyncset.done $0x0  }
0x67: {  	s6 =	simm.s32 $0x100;
	[sflag:s21] =	ssyncadd.s32 $0xFFFFC000  }
0x68: {  	[tilespmem:s12], [sflag:$0x2] =	stream.indirect.gather [hbm4b:s1+s16], $0x80, s6, s16, $0xb8;
	[tilespmem:$0x1D000] =	vst v63  }
0x69: {  	_ =	swait.ge [sflag:s17], $0x4000  }
0x6a: {  	[sflag:s17] =	ssyncset.done $0x0  }
0x6b: {  	s7 =	simm.s32 $0x900;
	[sflag:s17] =	ssyncadd.s32 $0xFFFFC000  }
0x6c: {  	[spmem:s2] =	stream.indirect.scatter.add.f32 [tilespmem:s12], [sflag:$0x4], $0x80, s7, s16, $0xb8;
	[tilespmem:$0x1D000] =	vst v63  }
0x6d: {  	_ =	swait.ge [sflag:s24], $0x4000  }
0x6e: {  	[sflag:s24] =	ssyncset.done $0x0  }
0x6f: {  	s6 =	simm.s32 $0x180;
	[sflag:s24] =	ssyncadd.s32 $0xFFFFC000  }
0x70: {  	[tilespmem:s18], [sflag:$0x3] =	stream.indirect.gather [hbm4b:s1+s16], $0x80, s6, s16, $0xb8;
	[tilespmem:$0x1D000] =	vst v63  }
0x71: {  	_ =	swait.ge [sflag:s19], $0x4000  }
0x72: {  	[sflag:s19] =	ssyncset.done $0x0  }
0x73: {  	s7 =	simm.s32 $0x980;
	[sflag:s19] =	ssyncadd.s32 $0xFFFFC000  }
0x74: {  	[spmem:s2] =	stream.indirect.scatter.add.f32 [tilespmem:s18], [sflag:$0x5], $0x80, s7, s16, $0xb8;
	[tilespmem:$0x1D000] =	vst v63  }
0x75: {  	_ =	swait.ge [sflag:s21], $0x4000  }
0x76: {  	[sflag:s21] =	ssyncset.done $0x0  }
0x77: {  	s6 =	simm.s32 $0x200;
	[sflag:s21] =	ssyncadd.s32 $0xFFFFC000  }
0x78: {  	[tilespmem:s12], [sflag:$0x2] =	stream.indirect.gather [hbm4b:s1+s16], $0x80, s6, s16, $0xb8;
	[tilespmem:$0x1D000] =	vst v63  }
0x79: {  	_ =	swait.ge [sflag:s17], $0x4000  }
0x7a: {  	[sflag:s17] =	ssyncset.done $0x0  }
0x7b: {  	s7 =	simm.s32 $0xA00;
	[sflag:s17] =	ssyncadd.s32 $0xFFFFC000  }
0x7c: {  	[spmem:s2] =	stream.indirect.scatter.add.f32 [tilespmem:s12], [sflag:$0x4], $0x80, s7, s16, $0xb8;
	[tilespmem:$0x1D000] =	vst v63  }
0x7d: {  	_ =	swait.ge [sflag:s24], $0x4000  }
0x7e: {  	[sflag:s24] =	ssyncset.done $0x0  }
0x7f: {  	s6 =	simm.s32 $0x280;
	[sflag:s24] =	ssyncadd.s32 $0xFFFFC000  }
0x80: {  	[tilespmem:s18], [sflag:$0x3] =	stream.indirect.gather [hbm4b:s1+s16], $0x80, s6, s16, $0xb8;
	[tilespmem:$0x1D000] =	vst v63  }
0x81: {  	_ =	swait.ge [sflag:s19], $0x4000  }
0x82: {  	[sflag:s19] =	ssyncset.done $0x0  }
0x83: {  	s7 =	simm.s32 $0xA80;
	[sflag:s19] =	ssyncadd.s32 $0xFFFFC000  }
0x84: {  	[spmem:s2] =	stream.indirect.scatter.add.f32 [tilespmem:s18], [sflag:$0x5], $0x80, s7, s16, $0xb8;
	[tilespmem:$0x1D000] =	vst v63  }
0x85: {  	_ =	swait.ge [sflag:s21], $0x4000  }
0x86: {  	[sflag:s21] =	ssyncset.done $0x0  }
0x87: {  	s6 =	simm.s32 $0x300;
	[sflag:s21] =	ssyncadd.s32 $0xFFFFC000  }
0x88: {  	[tilespmem:s12], [sflag:$0x2] =	stream.indirect.gather [hbm4b:s1+s16], $0x80, s6, s16, $0xb8;
	[tilespmem:$0x1D000] =	vst v63  }
0x89: {  	_ =	swait.ge [sflag:s17], $0x4000  }
0x8a: {  	[sflag:s17] =	ssyncset.done $0x0  }
0x8b: {  	s7 =	simm.s32 $0xB00;
	[sflag:s17] =	ssyncadd.s32 $0xFFFFC000  }
0x8c: {  	[spmem:s2] =	stream.indirect.scatter.add.f32 [tilespmem:s12], [sflag:$0x4], $0x80, s7, s16, $0xb8;
	[tilespmem:$0x1D000] =	vst v63  }
0x8d: {  	_ =	swait.ge [sflag:s24], $0x4000  }
0x8e: {  	[sflag:s24] =	ssyncset.done $0x0  }
0x8f: {  	s6 =	simm.s32 $0x380;
	[sflag:s24] =	ssyncadd.s32 $0xFFFFC000  }
0x90: {  	[tilespmem:s18], [sflag:$0x3] =	stream.indirect.gather [hbm4b:s1+s16], $0x80, s6, s16, $0xb8;
	[tilespmem:$0x1D000] =	vst v63  }
0x91: {  	_ =	swait.ge [sflag:s19], $0x4000  }
0x92: {  	[sflag:s19] =	ssyncset.done $0x0  }
0x93: {  	s7 =	simm.s32 $0xB80;
	[sflag:s19] =	ssyncadd.s32 $0xFFFFC000  }
0x94: {  	[spmem:s2] =	stream.indirect.scatter.add.f32 [tilespmem:s18], [sflag:$0x5], $0x80, s7, s16, $0xb8;
	[tilespmem:$0x1D000] =	vst v63  }
0x95: {  	_ =	swait.ge [sflag:s21], $0x4000  }
0x96: {  	[sflag:s21] =	ssyncset.done $0x0  }
0x97: {  	[sflag:s21] =	ssyncadd.s32 $0xFFFFC000  }
0x98: {  	[tilespmem:s12], [sflag:$0x2] =	stream.indirect.gather [hbm4b:s1+s16], $0x80, s8, s16, $0xb8;
	[tilespmem:$0x1D000] =	vst v63  }
0x99: {  	_ =	swait.ge [sflag:s17], $0x4000  }
0x9a: {  	[sflag:s17] =	ssyncset.done $0x0  }
0x9b: {  	[sflag:s17] =	ssyncadd.s32 $0xFFFFC000  }
0x9c: {  	[spmem:s2] =	stream.indirect.scatter.add.f32 [tilespmem:s12], [sflag:$0x4], $0x80, s9, s16, $0xb8;
	[tilespmem:$0x1D000] =	vst v63  }
0x9d: {  	_ =	swait.ge [sflag:s24], $0x4000  }
0x9e: {  	[sflag:s24] =	ssyncset.done $0x0  }
0x9f: {  	[sflag:s24] =	ssyncadd.s32 $0xFFFFC000  }
0xa0: {  	[tilespmem:s18], [sflag:$0x3] =	stream.indirect.gather [hbm4b:s1+s16], $0x80, s10, s16, $0xb8;
	[tilespmem:$0x1D000] =	vst v63  }
0xa1: {  	_ =	swait.ge [sflag:s19], $0x4000  }
0xa2: {  	[sflag:s19] =	ssyncset.done $0x0  }
0xa3: {  	[sflag:s19] =	ssyncadd.s32 $0xFFFFC000  }
0xa4: {  	[spmem:s2] =	stream.indirect.scatter.add.f32 [tilespmem:s18], [sflag:$0x5], $0x80, s11, s16, $0xb8;
	[tilespmem:$0x1D000] =	vst v63  }
0xa5: {  	_ =	swait.ge [sflag:s21], $0x4000  }
0xa6: {  	[sflag:s21] =	ssyncset.done $0x0  }
0xa7: {  	[sflag:s21] =	ssyncadd.s32 $0xFFFFC000  }
0xa8: {  	[tilespmem:s12], [sflag:$0x2] =	stream.indirect.gather [hbm4b:s1+s16], $0x80, s5, s16, $0xb8;
	[tilespmem:$0x1D000] =	vst v63  }
0xa9: {  	_ =	swait.ge [sflag:s17], $0x4000  }
0xaa: {  	[sflag:s17] =	ssyncset.done $0x0  }
0xab: {  	[sflag:s17] =	ssyncadd.s32 $0xFFFFC000  }
0xac: {  	[spmem:s2] =	stream.indirect.scatter.add.f32 [tilespmem:s12], [sflag:$0x4], $0x80, s13, s16, $0xb8;
	[tilespmem:$0x1D000] =	vst v63  }
0xad: {  	_ =	swait.ge [sflag:s24], $0x4000  }
0xae: {  	[sflag:s24] =	ssyncset.done $0x0  }
0xaf: {  	[sflag:s24] =	ssyncadd.s32 $0xFFFFC000  }
0xb0: {  	[tilespmem:s18], [sflag:$0x3] =	stream.indirect.gather [hbm4b:s1+s16], $0x80, s20, s16, $0xb8;
	[tilespmem:$0x1D000] =	vst v63  }
0xb1: {  	_ =	swait.ge [sflag:s19], $0x4000  }
0xb2: {  	[sflag:s19] =	ssyncset.done $0x0  }
0xb3: {  	[sflag:s19] =	ssyncadd.s32 $0xFFFFC000  }
0xb4: {  	[spmem:s2] =	stream.indirect.scatter.add.f32 [tilespmem:s18], [sflag:$0x5], $0x80, s22, s16, $0xb8;
	[tilespmem:$0x1D000] =	vst v63  }
0xb5: {  	_ =	swait.ge [sflag:s21], $0x4000  }
0xb6: {  	[sflag:s21] =	ssyncset.done $0x0  }
0xb7: {  	[sflag:s21] =	ssyncadd.s32 $0xFFFFC000  }
0xb8: {  	[tilespmem:s12], [sflag:$0x2] =	stream.indirect.gather [hbm4b:s1+s16], $0x80, s23, s16, $0xb8;
	[tilespmem:$0x1D000] =	vst v63  }
0xb9: {  	_ =	swait.ge [sflag:s17], $0x4000  }
0xba: {  	[sflag:s17] =	ssyncset.done $0x0  }
0xbb: {  	[sflag:s17] =	ssyncadd.s32 $0xFFFFC000  }
0xbc: {  	[spmem:s2] =	stream.indirect.scatter.add.f32 [tilespmem:s12], [sflag:$0x4], $0x80, s25, s16, $0xb8;
	[tilespmem:$0x1D000] =	vst v63  }
0xbd: {  	_ =	swait.ge [sflag:s24], $0x4000  }
0xbe: {  	[sflag:s24] =	ssyncset.done $0x0  }
0xbf: {  	[sflag:s24] =	ssyncadd.s32 $0xFFFFC000  }
0xc0: {  	[tilespmem:s18], [sflag:$0x3] =	stream.indirect.gather [hbm4b:s1+s16], $0x80, s26, s16, $0xb8;
	[tilespmem:$0x1D000] =	vst v63  }
0xc1: {  	_ =	swait.ge [sflag:s19], $0x4000  }
0xc2: {  	[sflag:s19] =	ssyncset.done $0x0  }
0xc3: {  	[sflag:s19] =	ssyncadd.s32 $0xFFFFC000  }
0xc4: {  	[spmem:s2] =	stream.indirect.scatter.add.f32 [tilespmem:s18], [sflag:$0x5], $0x80, s28, s16, $0xb8;
	[tilespmem:$0x1D000] =	vst v63  }
0xc5: {  	_ =	swait.ge [sflag:s21], $0x4000  }
0xc6: {  	[sflag:s21] =	ssyncset.done $0x0  }
0xc7: {  	[sflag:s21] =	ssyncadd.s32 $0xFFFFC000  }
0xc8: {  	[tilespmem:s12], [sflag:$0x2] =	stream.indirect.gather [hbm4b:s1+s16], $0x80, s29, s16, $0xb8;
	[tilespmem:$0x1D000] =	vst v63  }
0xc9: {  	_ =	swait.ge [sflag:s17], $0x4000  }
0xca: {  	[sflag:s17] =	ssyncset.done $0x0  }
0xcb: {  	[sflag:s17] =	ssyncadd.s32 $0xFFFFC000  }
0xcc: {  	[spmem:s2] =	stream.indirect.scatter.add.f32 [tilespmem:s12], [sflag:$0x4], $0x80, s30, s16, $0xb8;
	[tilespmem:$0x1D000] =	vst v63  }
0xcd: {  	_ =	swait.ge [sflag:s24], $0x4000  }
0xce: {  	[sflag:s24] =	ssyncset.done $0x0  }
0xcf: {  	[sflag:s24] =	ssyncadd.s32 $0xFFFFC000  }
0xd0: {  	[tilespmem:s18], [sflag:$0x3] =	stream.indirect.gather [hbm4b:s1+s16], $0x80, s31, s16, $0xb8;
	[tilespmem:$0x1D000] =	vst v63  }
0xd1: {  	_ =	swait.ge [sflag:s19], $0x4000  }
0xd2: {  	[sflag:s19] =	ssyncset.done $0x0  }
0xd3: {  	[sflag:s19] =	ssyncadd.s32 $0xFFFFC000  }
0xd4: {  	[spmem:s2] =	stream.indirect.scatter.add.f32 [tilespmem:s18], [sflag:$0x5], $0x80, s0, s16, $0xb8;
	[tilespmem:$0x1D000] =	vst v63  }
0xd5: {  	_ =	swait.ge [sflag:s21], $0x4000  }
0xd6: {  	[sflag:s21] =	ssyncset.done $0x0  }
0xd7: {  	[sflag:s21] =	ssyncadd.s32 $0xFFFFC000  }
0xd8: {  	_ =	swait.ge [sflag:s24], $0x4000  }
0xd9: {  	s3 =	simm.s32 $0x100;
	[sflag:s24] =	ssyncset.done $0x0  }
.LBB2_8:
0xda: {  	s6 =	rddreg [dreg:$0x7];
	s7 =	smov.u32 s3  }
0xdb: {  	[sflag:s24] =	ssyncadd.s32 $0xFFFFC000;
	s6 =	sadd.s32 s7, s6  }
0xdc: {  	[tilespmem:s4], [sflag:$0x1] =	stream.linear.gather [hbm4b:s6+s4], $0x800, $0x38;
	[tilespmem:$0x1D000] =	vst v63  }
0xdd: {  	_ =	swait.ge [sflag:s14], $0x800  }
0xde: {  	s6 =	rddreg [dreg:$0x6];
	[sflag:s14] =	ssyncset.done $0x0  }
0xdf: {  	[sflag:s14] =	ssyncadd.s32 $0xFFFFF800;
	s6 =	sadd.s32 s7, s6  }
0xe0: {  	[tilespmem:s15], [sflag:$0x1] =	stream.linear.gather [hbm4b:s6+s4], $0x800, $0x38;
	[tilespmem:$0x1D000] =	vst v63  }
0xe1: {  	_ =	swait.ge [sflag:s14], $0x800  }
0xe2: {  	[sflag:s14] =	ssyncset.done $0x0  }
0xe3: {  	[sflag:s14] =	ssyncadd.s32 $0xFFFFF800  }
0xe4: {  	[tilespmem:s12], [sflag:$0x2] =	stream.indirect.gather [hbm4b:s1+s16], $0x80, s4, s16, $0xb8;
	[tilespmem:$0x1D000] =	vst v63  }
0xe5: {  	_ =	swait.ge [sflag:s17], $0x4000  }
0xe6: {  	[sflag:s17] =	ssyncset.done $0x0  }
0xe7: {  	[sflag:s17] =	ssyncadd.s32 $0xFFFFC000  }
0xe8: {  	[spmem:s2] =	stream.indirect.scatter.add.f32 [tilespmem:s12], [sflag:$0x4], $0x80, s15, s16, $0xb8;
	[tilespmem:$0x1D000] =	vst v63  }
0xe9: {  	_ = 	snop  }
0xea: {  	[tilespmem:s18], [sflag:$0x3] =	stream.indirect.gather [hbm4b:s1+s16], $0x80, s16, s16, $0xb8;
	[tilespmem:$0x1D000] =	vst v63  }
0xeb: {  	_ =	swait.ge [sflag:s19], $0x4000  }
0xec: {  	[sflag:s19] =	ssyncset.done $0x0  }
0xed: {  	s7 =	simm.s32 $0x880;
	[sflag:s19] =	ssyncadd.s32 $0xFFFFC000  }
0xee: {  	[spmem:s2] =	stream.indirect.scatter.add.f32 [tilespmem:s18], [sflag:$0x5], $0x80, s7, s16, $0xb8;
	[tilespmem:$0x1D000] =	vst v63  }
0xef: {  	_ =	swait.ge [sflag:s21], $0x4000  }
0xf0: {  	[sflag:s21] =	ssyncset.done $0x0  }
0xf1: {  	s7 =	simm.s32 $0x100;
	[sflag:s21] =	ssyncadd.s32 $0xFFFFC000  }
0xf2: {  	[tilespmem:s12], [sflag:$0x2] =	stream.indirect.gather [hbm4b:s1+s16], $0x80, s7, s16, $0xb8;
	[tilespmem:$0x1D000] =	vst v63  }
0xf3: {  	_ =	swait.ge [sflag:s17], $0x4000  }
0xf4: {  	[sflag:s17] =	ssyncset.done $0x0  }
0xf5: {  	s7 =	simm.s32 $0x900;
	[sflag:s17] =	ssyncadd.s32 $0xFFFFC000  }
0xf6: {  	[spmem:s2] =	stream.indirect.scatter.add.f32 [tilespmem:s12], [sflag:$0x4], $0x80, s7, s16, $0xb8;
	[tilespmem:$0x1D000] =	vst v63  }
0xf7: {  	_ =	swait.ge [sflag:s24], $0x4000  }
0xf8: {  	[sflag:s24] =	ssyncset.done $0x0  }
0xf9: {  	s7 =	simm.s32 $0x180;
	[sflag:s24] =	ssyncadd.s32 $0xFFFFC000  }
0xfa: {  	[tilespmem:s18], [sflag:$0x3] =	stream.indirect.gather [hbm4b:s1+s16], $0x80, s7, s16, $0xb8;
	[tilespmem:$0x1D000] =	vst v63  }
0xfb: {  	_ =	swait.ge [sflag:s19], $0x4000  }
0xfc: {  	[sflag:s19] =	ssyncset.done $0x0  }
0xfd: {  	s7 =	simm.s32 $0x980;
	[sflag:s19] =	ssyncadd.s32 $0xFFFFC000  }
0xfe: {  	[spmem:s2] =	stream.indirect.scatter.add.f32 [tilespmem:s18], [sflag:$0x5], $0x80, s7, s16, $0xb8;
	[tilespmem:$0x1D000] =	vst v63  }
0xff: {  	_ =	swait.ge [sflag:s21], $0x4000  }
0x100: {  	[sflag:s21] =	ssyncset.done $0x0  }
0x101: {  	s7 =	simm.s32 $0x200;
	[sflag:s21] =	ssyncadd.s32 $0xFFFFC000  }
0x102: {  	[tilespmem:s12], [sflag:$0x2] =	stream.indirect.gather [hbm4b:s1+s16], $0x80, s7, s16, $0xb8;
	[tilespmem:$0x1D000] =	vst v63  }
0x103: {  	_ =	swait.ge [sflag:s17], $0x4000  }
0x104: {  	[sflag:s17] =	ssyncset.done $0x0  }
0x105: {  	s7 =	simm.s32 $0xA00;
	[sflag:s17] =	ssyncadd.s32 $0xFFFFC000  }
0x106: {  	[spmem:s2] =	stream.indirect.scatter.add.f32 [tilespmem:s12], [sflag:$0x4], $0x80, s7, s16, $0xb8;
	[tilespmem:$0x1D000] =	vst v63  }
0x107: {  	_ =	swait.ge [sflag:s24], $0x4000  }
0x108: {  	[sflag:s24] =	ssyncset.done $0x0  }
0x109: {  	s7 =	simm.s32 $0x280;
	[sflag:s24] =	ssyncadd.s32 $0xFFFFC000  }
0x10a: {  	[tilespmem:s18], [sflag:$0x3] =	stream.indirect.gather [hbm4b:s1+s16], $0x80, s7, s16, $0xb8;
	[tilespmem:$0x1D000] =	vst v63  }
0x10b: {  	_ =	swait.ge [sflag:s19], $0x4000  }
0x10c: {  	[sflag:s19] =	ssyncset.done $0x0  }
0x10d: {  	s7 =	simm.s32 $0xA80;
	[sflag:s19] =	ssyncadd.s32 $0xFFFFC000  }
0x10e: {  	[spmem:s2] =	stream.indirect.scatter.add.f32 [tilespmem:s18], [sflag:$0x5], $0x80, s7, s16, $0xb8;
	[tilespmem:$0x1D000] =	vst v63  }
0x10f: {  	_ =	swait.ge [sflag:s21], $0x4000  }
0x110: {  	[sflag:s21] =	ssyncset.done $0x0  }
0x111: {  	s7 =	simm.s32 $0x300;
	[sflag:s21] =	ssyncadd.s32 $0xFFFFC000  }
0x112: {  	[tilespmem:s12], [sflag:$0x2] =	stream.indirect.gather [hbm4b:s1+s16], $0x80, s7, s16, $0xb8;
	[tilespmem:$0x1D000] =	vst v63  }
0x113: {  	_ =	swait.ge [sflag:s17], $0x4000  }
0x114: {  	[sflag:s17] =	ssyncset.done $0x0  }
0x115: {  	s7 =	simm.s32 $0xB00;
	[sflag:s17] =	ssyncadd.s32 $0xFFFFC000  }
0x116: {  	[spmem:s2] =	stream.indirect.scatter.add.f32 [tilespmem:s12], [sflag:$0x4], $0x80, s7, s16, $0xb8;
	[tilespmem:$0x1D000] =	vst v63  }
0x117: {  	_ =	swait.ge [sflag:s24], $0x4000  }
0x118: {  	[sflag:s24] =	ssyncset.done $0x0  }
0x119: {  	s7 =	simm.s32 $0x380;
	[sflag:s24] =	ssyncadd.s32 $0xFFFFC000  }
0x11a: {  	[tilespmem:s18], [sflag:$0x3] =	stream.indirect.gather [hbm4b:s1+s16], $0x80, s7, s16, $0xb8;
	[tilespmem:$0x1D000] =	vst v63  }
0x11b: {  	_ =	swait.ge [sflag:s19], $0x4000  }
0x11c: {  	[sflag:s19] =	ssyncset.done $0x0  }
0x11d: {  	s7 =	simm.s32 $0xB80;
	[sflag:s19] =	ssyncadd.s32 $0xFFFFC000  }
0x11e: {  	[spmem:s2] =	stream.indirect.scatter.add.f32 [tilespmem:s18], [sflag:$0x5], $0x80, s7, s16, $0xb8;
	[tilespmem:$0x1D000] =	vst v63  }
0x11f: {  	_ =	swait.ge [sflag:s21], $0x4000  }
0x120: {  	[sflag:s21] =	ssyncset.done $0x0  }
0x121: {  	[sflag:s21] =	ssyncadd.s32 $0xFFFFC000  }
0x122: {  	[tilespmem:s12], [sflag:$0x2] =	stream.indirect.gather [hbm4b:s1+s16], $0x80, s8, s16, $0xb8;
	[tilespmem:$0x1D000] =	vst v63  }
0x123: {  	_ =	swait.ge [sflag:s17], $0x4000  }
0x124: {  	[sflag:s17] =	ssyncset.done $0x0  }
0x125: {  	[sflag:s17] =	ssyncadd.s32 $0xFFFFC000  }
0x126: {  	[spmem:s2] =	stream.indirect.scatter.add.f32 [tilespmem:s12], [sflag:$0x4], $0x80, s9, s16, $0xb8;
	[tilespmem:$0x1D000] =	vst v63  }
0x127: {  	_ =	swait.ge [sflag:s24], $0x4000  }
0x128: {  	[sflag:s24] =	ssyncset.done $0x0  }
0x129: {  	[sflag:s24] =	ssyncadd.s32 $0xFFFFC000  }
0x12a: {  	[tilespmem:s18], [sflag:$0x3] =	stream.indirect.gather [hbm4b:s1+s16], $0x80, s10, s16, $0xb8;
	[tilespmem:$0x1D000] =	vst v63  }
0x12b: {  	_ =	swait.ge [sflag:s19], $0x4000  }
0x12c: {  	[sflag:s19] =	ssyncset.done $0x0  }
0x12d: {  	[sflag:s19] =	ssyncadd.s32 $0xFFFFC000  }
0x12e: {  	[spmem:s2] =	stream.indirect.scatter.add.f32 [tilespmem:s18], [sflag:$0x5], $0x80, s11, s16, $0xb8;
	[tilespmem:$0x1D000] =	vst v63  }
0x12f: {  	_ =	swait.ge [sflag:s21], $0x4000  }
0x130: {  	[sflag:s21] =	ssyncset.done $0x0  }
0x131: {  	[sflag:s21] =	ssyncadd.s32 $0xFFFFC000  }
0x132: {  	[tilespmem:s12], [sflag:$0x2] =	stream.indirect.gather [hbm4b:s1+s16], $0x80, s5, s16, $0xb8;
	[tilespmem:$0x1D000] =	vst v63  }
0x133: {  	_ =	swait.ge [sflag:s17], $0x4000  }
0x134: {  	[sflag:s17] =	ssyncset.done $0x0  }
0x135: {  	[sflag:s17] =	ssyncadd.s32 $0xFFFFC000  }
0x136: {  	[spmem:s2] =	stream.indirect.scatter.add.f32 [tilespmem:s12], [sflag:$0x4], $0x80, s13, s16, $0xb8;
	[tilespmem:$0x1D000] =	vst v63  }
0x137: {  	_ =	swait.ge [sflag:s24], $0x4000  }
0x138: {  	[sflag:s24] =	ssyncset.done $0x0  }
0x139: {  	[sflag:s24] =	ssyncadd.s32 $0xFFFFC000  }
0x13a: {  	[tilespmem:s18], [sflag:$0x3] =	stream.indirect.gather [hbm4b:s1+s16], $0x80, s20, s16, $0xb8;
	[tilespmem:$0x1D000] =	vst v63  }
0x13b: {  	_ =	swait.ge [sflag:s19], $0x4000  }
0x13c: {  	[sflag:s19] =	ssyncset.done $0x0  }
0x13d: {  	[sflag:s19] =	ssyncadd.s32 $0xFFFFC000  }
0x13e: {  	[spmem:s2] =	stream.indirect.scatter.add.f32 [tilespmem:s18], [sflag:$0x5], $0x80, s22, s16, $0xb8;
	[tilespmem:$0x1D000] =	vst v63  }
0x13f: {  	_ =	swait.ge [sflag:s21], $0x4000  }
0x140: {  	[sflag:s21] =	ssyncset.done $0x0  }
0x141: {  	[sflag:s21] =	ssyncadd.s32 $0xFFFFC000  }
0x142: {  	[tilespmem:s12], [sflag:$0x2] =	stream.indirect.gather [hbm4b:s1+s16], $0x80, s23, s16, $0xb8;
	[tilespmem:$0x1D000] =	vst v63  }
0x143: {  	_ =	swait.ge [sflag:s17], $0x4000  }
0x144: {  	[sflag:s17] =	ssyncset.done $0x0  }
0x145: {  	[sflag:s17] =	ssyncadd.s32 $0xFFFFC000  }
0x146: {  	[spmem:s2] =	stream.indirect.scatter.add.f32 [tilespmem:s12], [sflag:$0x4], $0x80, s25, s16, $0xb8;
	[tilespmem:$0x1D000] =	vst v63  }
0x147: {  	_ =	swait.ge [sflag:s24], $0x4000  }
0x148: {  	[sflag:s24] =	ssyncset.done $0x0  }
0x149: {  	[sflag:s24] =	ssyncadd.s32 $0xFFFFC000  }
0x14a: {  	[tilespmem:s18], [sflag:$0x3] =	stream.indirect.gather [hbm4b:s1+s16], $0x80, s26, s16, $0xb8;
	[tilespmem:$0x1D000] =	vst v63  }
0x14b: {  	_ =	swait.ge [sflag:s19], $0x4000  }
0x14c: {  	[sflag:s19] =	ssyncset.done $0x0  }
0x14d: {  	[sflag:s19] =	ssyncadd.s32 $0xFFFFC000  }
0x14e: {  	[spmem:s2] =	stream.indirect.scatter.add.f32 [tilespmem:s18], [sflag:$0x5], $0x80, s28, s16, $0xb8;
	[tilespmem:$0x1D000] =	vst v63  }
0x14f: {  	_ =	swait.ge [sflag:s21], $0x4000  }
0x150: {  	[sflag:s21] =	ssyncset.done $0x0  }
0x151: {  	[sflag:s21] =	ssyncadd.s32 $0xFFFFC000  }
0x152: {  	[tilespmem:s12], [sflag:$0x2] =	stream.indirect.gather [hbm4b:s1+s16], $0x80, s29, s16, $0xb8;
	[tilespmem:$0x1D000] =	vst v63  }
0x153: {  	_ =	swait.ge [sflag:s17], $0x4000  }
0x154: {  	[sflag:s17] =	ssyncset.done $0x0  }
0x155: {  	[sflag:s17] =	ssyncadd.s32 $0xFFFFC000  }
0x156: {  	[spmem:s2] =	stream.indirect.scatter.add.f32 [tilespmem:s12], [sflag:$0x4], $0x80, s30, s16, $0xb8;
	[tilespmem:$0x1D000] =	vst v63  }
0x157: {  	_ =	swait.ge [sflag:s24], $0x4000  }
0x158: {  	[sflag:s24] =	ssyncset.done $0x0  }
0x159: {  	[sflag:s24] =	ssyncadd.s32 $0xFFFFC000  }
0x15a: {  	[tilespmem:s18], [sflag:$0x3] =	stream.indirect.gather [hbm4b:s1+s16], $0x80, s31, s16, $0xb8;
	[tilespmem:$0x1D000] =	vst v63  }
0x15b: {  	_ =	swait.ge [sflag:s19], $0x4000  }
0x15c: {  	[sflag:s19] =	ssyncset.done $0x0  }
0x15d: {  	p1 =	sne.s32 s3, $0x200;
	[sflag:s19] =	ssyncadd.s32 $0xFFFFC000  }
0x15e: {  	[spmem:s2] =	stream.indirect.scatter.add.f32 [tilespmem:s18], [sflag:$0x5], $0x80, s0, s16, $0xb8;
	[tilespmem:$0x1D000] =	vst v63  }
.Ltmp4:
0x15f: {  	_ =	swait.ge [sflag:s21], $0x4000;
	(pc) =	sbr.rel @p1 .LBB2_8-.Ltmp4, $4  }
0x160: {  	[sflag:s21] =	ssyncset.done $0x0  }
0x161: {  	[sflag:s21] =	ssyncadd.s32 $0xFFFFC000  }
0x162: {  	_ =	swait.ge [sflag:s24], $0x4000  }
0x163: {  	s3 =	sadd.s32 $0x100, s3;
	[sflag:s24] =	ssyncset.done $0x0  }
.Ltmp5:
0x164: {  	(pc) =	sbr.rel .LBB2_10-.Ltmp5, $2  }
0x165: {  	_ =	sdelay $0x2  }
0x166: {  	[sflag:s24] =	ssyncadd.s32 $0xFFFFC000  }
.LBB2_4:
0x167: {  	s3 =	rddreg [dreg:$0x5]  }
0x168: {  	s3 =	sadd.s32 $0x0, s3  }
0x169: {  	[tilespmem:s4], [sflag:$0x1] =	stream.linear.gather [hbm4b:s3+s4], $0x800, $0x38;
	[tilespmem:$0x1D000] =	vst v63  }
0x16a: {  	_ =	swait.ge [sflag:s14], $0x800  }
0x16b: {  	s6 =	rddreg [dreg:$0x4];
	[sflag:s14] =	ssyncset.done $0x0  }
0x16c: {  	[sflag:s14] =	ssyncadd.s32 $0xFFFFF800;
	s3 =	sadd.s32 $0x0, s6  }
0x16d: {  	[tilespmem:s15], [sflag:$0x1] =	stream.linear.gather [hbm4b:s3+s4], $0x800, $0x38;
	[tilespmem:$0x1D000] =	vst v63  }
0x16e: {  	_ =	swait.ge [sflag:s14], $0x800  }
0x16f: {  	[sflag:s14] =	ssyncset.done $0x0  }
0x170: {  	[sflag:s14] =	ssyncadd.s32 $0xFFFFF800  }
0x171: {  	[tilespmem:s12], [sflag:$0x2] =	stream.indirect.gather [hbm4b:s1+s16], $0x80, s4, s16, $0xb8;
	[tilespmem:$0x1D000] =	vst v63  }
0x172: {  	_ =	swait.ge [sflag:s17], $0x4000  }
0x173: {  	[sflag:s17] =	ssyncset.done $0x0  }
0x174: {  	[sflag:s17] =	ssyncadd.s32 $0xFFFFC000  }
0x175: {  	[spmem:s2] =	stream.indirect.scatter.add.f32 [tilespmem:s12], [sflag:$0x4], $0x80, s15, s16, $0xb8;
	[tilespmem:$0x1D000] =	vst v63  }
0x176: {  	_ = 	snop  }
0x177: {  	[tilespmem:s18], [sflag:$0x3] =	stream.indirect.gather [hbm4b:s1+s16], $0x80, s16, s16, $0xb8;
	[tilespmem:$0x1D000] =	vst v63  }
0x178: {  	_ =	swait.ge [sflag:s19], $0x4000  }
0x179: {  	[sflag:s19] =	ssyncset.done $0x0  }
0x17a: {  	s7 =	simm.s32 $0x880;
	[sflag:s19] =	ssyncadd.s32 $0xFFFFC000  }
0x17b: {  	[spmem:s2] =	stream.indirect.scatter.add.f32 [tilespmem:s18], [sflag:$0x5], $0x80, s7, s16, $0xb8;
	[tilespmem:$0x1D000] =	vst v63  }
0x17c: {  	_ =	swait.ge [sflag:s21], $0x4000  }
0x17d: {  	[sflag:s21] =	ssyncset.done $0x0  }
0x17e: {  	s6 =	simm.s32 $0x100;
	[sflag:s21] =	ssyncadd.s32 $0xFFFFC000  }
0x17f: {  	[tilespmem:s12], [sflag:$0x2] =	stream.indirect.gather [hbm4b:s1+s16], $0x80, s6, s16, $0xb8;
	[tilespmem:$0x1D000] =	vst v63  }
0x180: {  	_ =	swait.ge [sflag:s17], $0x4000  }
0x181: {  	[sflag:s17] =	ssyncset.done $0x0  }
0x182: {  	s7 =	simm.s32 $0x900;
	[sflag:s17] =	ssyncadd.s32 $0xFFFFC000  }
0x183: {  	[spmem:s2] =	stream.indirect.scatter.add.f32 [tilespmem:s12], [sflag:$0x4], $0x80, s7, s16, $0xb8;
	[tilespmem:$0x1D000] =	vst v63  }
0x184: {  	_ =	swait.ge [sflag:s24], $0x4000  }
0x185: {  	[sflag:s24] =	ssyncset.done $0x0  }
0x186: {  	s6 =	simm.s32 $0x180;
	[sflag:s24] =	ssyncadd.s32 $0xFFFFC000  }
0x187: {  	[tilespmem:s18], [sflag:$0x3] =	stream.indirect.gather [hbm4b:s1+s16], $0x80, s6, s16, $0xb8;
	[tilespmem:$0x1D000] =	vst v63  }
0x188: {  	_ =	swait.ge [sflag:s19], $0x4000  }
0x189: {  	[sflag:s19] =	ssyncset.done $0x0  }
0x18a: {  	s7 =	simm.s32 $0x980;
	[sflag:s19] =	ssyncadd.s32 $0xFFFFC000  }
0x18b: {  	[spmem:s2] =	stream.indirect.scatter.add.f32 [tilespmem:s18], [sflag:$0x5], $0x80, s7, s16, $0xb8;
	[tilespmem:$0x1D000] =	vst v63  }
0x18c: {  	_ =	swait.ge [sflag:s21], $0x4000  }
0x18d: {  	[sflag:s21] =	ssyncset.done $0x0  }
0x18e: {  	s6 =	simm.s32 $0x200;
	[sflag:s21] =	ssyncadd.s32 $0xFFFFC000  }
0x18f: {  	[tilespmem:s12], [sflag:$0x2] =	stream.indirect.gather [hbm4b:s1+s16], $0x80, s6, s16, $0xb8;
	[tilespmem:$0x1D000] =	vst v63  }
0x190: {  	_ =	swait.ge [sflag:s17], $0x4000  }
0x191: {  	[sflag:s17] =	ssyncset.done $0x0  }
0x192: {  	s7 =	simm.s32 $0xA00;
	[sflag:s17] =	ssyncadd.s32 $0xFFFFC000  }
0x193: {  	[spmem:s2] =	stream.indirect.scatter.add.f32 [tilespmem:s12], [sflag:$0x4], $0x80, s7, s16, $0xb8;
	[tilespmem:$0x1D000] =	vst v63  }
0x194: {  	_ =	swait.ge [sflag:s24], $0x4000  }
0x195: {  	[sflag:s24] =	ssyncset.done $0x0  }
0x196: {  	s6 =	simm.s32 $0x280;
	[sflag:s24] =	ssyncadd.s32 $0xFFFFC000  }
0x197: {  	[tilespmem:s18], [sflag:$0x3] =	stream.indirect.gather [hbm4b:s1+s16], $0x80, s6, s16, $0xb8;
	[tilespmem:$0x1D000] =	vst v63  }
0x198: {  	_ =	swait.ge [sflag:s19], $0x4000  }
0x199: {  	[sflag:s19] =	ssyncset.done $0x0  }
0x19a: {  	s7 =	simm.s32 $0xA80;
	[sflag:s19] =	ssyncadd.s32 $0xFFFFC000  }
0x19b: {  	[spmem:s2] =	stream.indirect.scatter.add.f32 [tilespmem:s18], [sflag:$0x5], $0x80, s7, s16, $0xb8;
	[tilespmem:$0x1D000] =	vst v63  }
0x19c: {  	_ =	swait.ge [sflag:s21], $0x4000  }
0x19d: {  	[sflag:s21] =	ssyncset.done $0x0  }
0x19e: {  	s6 =	simm.s32 $0x300;
	[sflag:s21] =	ssyncadd.s32 $0xFFFFC000  }
0x19f: {  	[tilespmem:s12], [sflag:$0x2] =	stream.indirect.gather [hbm4b:s1+s16], $0x80, s6, s16, $0xb8;
	[tilespmem:$0x1D000] =	vst v63  }
0x1a0: {  	_ =	swait.ge [sflag:s17], $0x4000  }
0x1a1: {  	[sflag:s17] =	ssyncset.done $0x0  }
0x1a2: {  	s7 =	simm.s32 $0xB00;
	[sflag:s17] =	ssyncadd.s32 $0xFFFFC000  }
0x1a3: {  	[spmem:s2] =	stream.indirect.scatter.add.f32 [tilespmem:s12], [sflag:$0x4], $0x80, s7, s16, $0xb8;
	[tilespmem:$0x1D000] =	vst v63  }
0x1a4: {  	_ =	swait.ge [sflag:s24], $0x4000  }
0x1a5: {  	[sflag:s24] =	ssyncset.done $0x0  }
0x1a6: {  	s6 =	simm.s32 $0x380;
	[sflag:s24] =	ssyncadd.s32 $0xFFFFC000  }
0x1a7: {  	[tilespmem:s18], [sflag:$0x3] =	stream.indirect.gather [hbm4b:s1+s16], $0x80, s6, s16, $0xb8;
	[tilespmem:$0x1D000] =	vst v63  }
0x1a8: {  	_ =	swait.ge [sflag:s19], $0x4000  }
0x1a9: {  	[sflag:s19] =	ssyncset.done $0x0  }
0x1aa: {  	s7 =	simm.s32 $0xB80;
	[sflag:s19] =	ssyncadd.s32 $0xFFFFC000  }
0x1ab: {  	[spmem:s2] =	stream.indirect.scatter.add.f32 [tilespmem:s18], [sflag:$0x5], $0x80, s7, s16, $0xb8;
	[tilespmem:$0x1D000] =	vst v63  }
0x1ac: {  	_ =	swait.ge [sflag:s21], $0x4000  }
0x1ad: {  	[sflag:s21] =	ssyncset.done $0x0  }
0x1ae: {  	[sflag:s21] =	ssyncadd.s32 $0xFFFFC000  }
0x1af: {  	[tilespmem:s12], [sflag:$0x2] =	stream.indirect.gather [hbm4b:s1+s16], $0x80, s8, s16, $0xb8;
	[tilespmem:$0x1D000] =	vst v63  }
0x1b0: {  	_ =	swait.ge [sflag:s17], $0x4000  }
0x1b1: {  	[sflag:s17] =	ssyncset.done $0x0  }
0x1b2: {  	[sflag:s17] =	ssyncadd.s32 $0xFFFFC000  }
0x1b3: {  	[spmem:s2] =	stream.indirect.scatter.add.f32 [tilespmem:s12], [sflag:$0x4], $0x80, s9, s16, $0xb8;
	[tilespmem:$0x1D000] =	vst v63  }
0x1b4: {  	_ =	swait.ge [sflag:s24], $0x4000  }
0x1b5: {  	[sflag:s24] =	ssyncset.done $0x0  }
0x1b6: {  	[sflag:s24] =	ssyncadd.s32 $0xFFFFC000  }
0x1b7: {  	[tilespmem:s18], [sflag:$0x3] =	stream.indirect.gather [hbm4b:s1+s16], $0x80, s10, s16, $0xb8;
	[tilespmem:$0x1D000] =	vst v63  }
0x1b8: {  	_ =	swait.ge [sflag:s19], $0x4000  }
0x1b9: {  	[sflag:s19] =	ssyncset.done $0x0  }
0x1ba: {  	[sflag:s19] =	ssyncadd.s32 $0xFFFFC000  }
0x1bb: {  	[spmem:s2] =	stream.indirect.scatter.add.f32 [tilespmem:s18], [sflag:$0x5], $0x80, s11, s16, $0xb8;
	[tilespmem:$0x1D000] =	vst v63  }
0x1bc: {  	_ =	swait.ge [sflag:s21], $0x4000  }
0x1bd: {  	[sflag:s21] =	ssyncset.done $0x0  }
0x1be: {  	[sflag:s21] =	ssyncadd.s32 $0xFFFFC000  }
0x1bf: {  	[tilespmem:s12], [sflag:$0x2] =	stream.indirect.gather [hbm4b:s1+s16], $0x80, s5, s16, $0xb8;
	[tilespmem:$0x1D000] =	vst v63  }
0x1c0: {  	_ =	swait.ge [sflag:s17], $0x4000  }
0x1c1: {  	[sflag:s17] =	ssyncset.done $0x0  }
0x1c2: {  	[sflag:s17] =	ssyncadd.s32 $0xFFFFC000  }
0x1c3: {  	[spmem:s2] =	stream.indirect.scatter.add.f32 [tilespmem:s12], [sflag:$0x4], $0x80, s13, s16, $0xb8;
	[tilespmem:$0x1D000] =	vst v63  }
0x1c4: {  	_ =	swait.ge [sflag:s24], $0x4000  }
0x1c5: {  	[sflag:s24] =	ssyncset.done $0x0  }
0x1c6: {  	[sflag:s24] =	ssyncadd.s32 $0xFFFFC000  }
0x1c7: {  	[tilespmem:s18], [sflag:$0x3] =	stream.indirect.gather [hbm4b:s1+s16], $0x80, s20, s16, $0xb8;
	[tilespmem:$0x1D000] =	vst v63  }
0x1c8: {  	_ =	swait.ge [sflag:s19], $0x4000  }
0x1c9: {  	[sflag:s19] =	ssyncset.done $0x0  }
0x1ca: {  	[sflag:s19] =	ssyncadd.s32 $0xFFFFC000  }
0x1cb: {  	[spmem:s2] =	stream.indirect.scatter.add.f32 [tilespmem:s18], [sflag:$0x5], $0x80, s22, s16, $0xb8;
	[tilespmem:$0x1D000] =	vst v63  }
0x1cc: {  	_ =	swait.ge [sflag:s21], $0x4000  }
0x1cd: {  	[sflag:s21] =	ssyncset.done $0x0  }
0x1ce: {  	[sflag:s21] =	ssyncadd.s32 $0xFFFFC000  }
0x1cf: {  	[tilespmem:s12], [sflag:$0x2] =	stream.indirect.gather [hbm4b:s1+s16], $0x80, s23, s16, $0xb8;
	[tilespmem:$0x1D000] =	vst v63  }
0x1d0: {  	_ =	swait.ge [sflag:s17], $0x4000  }
0x1d1: {  	[sflag:s17] =	ssyncset.done $0x0  }
0x1d2: {  	[sflag:s17] =	ssyncadd.s32 $0xFFFFC000  }
0x1d3: {  	[spmem:s2] =	stream.indirect.scatter.add.f32 [tilespmem:s12], [sflag:$0x4], $0x80, s25, s16, $0xb8;
	[tilespmem:$0x1D000] =	vst v63  }
0x1d4: {  	_ =	swait.ge [sflag:s24], $0x4000  }
0x1d5: {  	[sflag:s24] =	ssyncset.done $0x0  }
0x1d6: {  	[sflag:s24] =	ssyncadd.s32 $0xFFFFC000  }
0x1d7: {  	[tilespmem:s18], [sflag:$0x3] =	stream.indirect.gather [hbm4b:s1+s16], $0x80, s26, s16, $0xb8;
	[tilespmem:$0x1D000] =	vst v63  }
0x1d8: {  	_ =	swait.ge [sflag:s19], $0x4000  }
0x1d9: {  	[sflag:s19] =	ssyncset.done $0x0  }
0x1da: {  	[sflag:s19] =	ssyncadd.s32 $0xFFFFC000  }
0x1db: {  	[spmem:s2] =	stream.indirect.scatter.add.f32 [tilespmem:s18], [sflag:$0x5], $0x80, s28, s16, $0xb8;
	[tilespmem:$0x1D000] =	vst v63  }
0x1dc: {  	_ =	swait.ge [sflag:s21], $0x4000  }
0x1dd: {  	[sflag:s21] =	ssyncset.done $0x0  }
0x1de: {  	[sflag:s21] =	ssyncadd.s32 $0xFFFFC000  }
0x1df: {  	[tilespmem:s12], [sflag:$0x2] =	stream.indirect.gather [hbm4b:s1+s16], $0x80, s29, s16, $0xb8;
	[tilespmem:$0x1D000] =	vst v63  }
0x1e0: {  	_ =	swait.ge [sflag:s17], $0x4000  }
0x1e1: {  	[sflag:s17] =	ssyncset.done $0x0  }
0x1e2: {  	[sflag:s17] =	ssyncadd.s32 $0xFFFFC000  }
0x1e3: {  	[spmem:s2] =	stream.indirect.scatter.add.f32 [tilespmem:s12], [sflag:$0x4], $0x80, s30, s16, $0xb8;
	[tilespmem:$0x1D000] =	vst v63  }
0x1e4: {  	_ =	swait.ge [sflag:s24], $0x4000  }
0x1e5: {  	[sflag:s24] =	ssyncset.done $0x0  }
0x1e6: {  	[sflag:s24] =	ssyncadd.s32 $0xFFFFC000  }
0x1e7: {  	[tilespmem:s18], [sflag:$0x3] =	stream.indirect.gather [hbm4b:s1+s16], $0x80, s31, s16, $0xb8;
	[tilespmem:$0x1D000] =	vst v63  }
0x1e8: {  	_ =	swait.ge [sflag:s19], $0x4000  }
0x1e9: {  	[sflag:s19] =	ssyncset.done $0x0  }
0x1ea: {  	[sflag:s19] =	ssyncadd.s32 $0xFFFFC000  }
0x1eb: {  	[spmem:s2] =	stream.indirect.scatter.add.f32 [tilespmem:s18], [sflag:$0x5], $0x80, s0, s16, $0xb8;
	[tilespmem:$0x1D000] =	vst v63  }
0x1ec: {  	_ =	swait.ge [sflag:s21], $0x4000  }
0x1ed: {  	[sflag:s21] =	ssyncset.done $0x0  }
0x1ee: {  	[sflag:s21] =	ssyncadd.s32 $0xFFFFC000  }
0x1ef: {  	_ =	swait.ge [sflag:s24], $0x4000  }
0x1f0: {  	s3 =	simm.s32 $0x100;
	[sflag:s24] =	ssyncset.done $0x0  }
.LBB2_5:
0x1f1: {  	s6 =	rddreg [dreg:$0x5];
	s7 =	smov.u32 s3  }
0x1f2: {  	[sflag:s24] =	ssyncadd.s32 $0xFFFFC000;
	s6 =	sadd.s32 s7, s6  }
0x1f3: {  	[tilespmem:s4], [sflag:$0x1] =	stream.linear.gather [hbm4b:s6+s4], $0x800, $0x38;
	[tilespmem:$0x1D000] =	vst v63  }
0x1f4: {  	_ =	swait.ge [sflag:s14], $0x800  }
0x1f5: {  	s6 =	rddreg [dreg:$0x4];
	[sflag:s14] =	ssyncset.done $0x0  }
0x1f6: {  	[sflag:s14] =	ssyncadd.s32 $0xFFFFF800;
	s6 =	sadd.s32 s7, s6  }
0x1f7: {  	[tilespmem:s15], [sflag:$0x1] =	stream.linear.gather [hbm4b:s6+s4], $0x800, $0x38;
	[tilespmem:$0x1D000] =	vst v63  }
0x1f8: {  	_ =	swait.ge [sflag:s14], $0x800  }
0x1f9: {  	[sflag:s14] =	ssyncset.done $0x0  }
0x1fa: {  	[sflag:s14] =	ssyncadd.s32 $0xFFFFF800  }
0x1fb: {  	[tilespmem:s12], [sflag:$0x2] =	stream.indirect.gather [hbm4b:s1+s16], $0x80, s4, s16, $0xb8;
	[tilespmem:$0x1D000] =	vst v63  }
0x1fc: {  	_ =	swait.ge [sflag:s17], $0x4000  }
0x1fd: {  	[sflag:s17] =	ssyncset.done $0x0  }
0x1fe: {  	[sflag:s17] =	ssyncadd.s32 $0xFFFFC000  }
0x1ff: {  	[spmem:s2] =	stream.indirect.scatter.add.f32 [tilespmem:s12], [sflag:$0x4], $0x80, s15, s16, $0xb8;
	[tilespmem:$0x1D000] =	vst v63  }
0x200: {  	_ = 	snop  }
0x201: {  	[tilespmem:s18], [sflag:$0x3] =	stream.indirect.gather [hbm4b:s1+s16], $0x80, s16, s16, $0xb8;
	[tilespmem:$0x1D000] =	vst v63  }
0x202: {  	_ =	swait.ge [sflag:s19], $0x4000  }
0x203: {  	[sflag:s19] =	ssyncset.done $0x0  }
0x204: {  	s7 =	simm.s32 $0x880;
	[sflag:s19] =	ssyncadd.s32 $0xFFFFC000  }
0x205: {  	[spmem:s2] =	stream.indirect.scatter.add.f32 [tilespmem:s18], [sflag:$0x5], $0x80, s7, s16, $0xb8;
	[tilespmem:$0x1D000] =	vst v63  }
0x206: {  	_ =	swait.ge [sflag:s21], $0x4000  }
0x207: {  	[sflag:s21] =	ssyncset.done $0x0  }
0x208: {  	s7 =	simm.s32 $0x100;
	[sflag:s21] =	ssyncadd.s32 $0xFFFFC000  }
0x209: {  	[tilespmem:s12], [sflag:$0x2] =	stream.indirect.gather [hbm4b:s1+s16], $0x80, s7, s16, $0xb8;
	[tilespmem:$0x1D000] =	vst v63  }
0x20a: {  	_ =	swait.ge [sflag:s17], $0x4000  }
0x20b: {  	[sflag:s17] =	ssyncset.done $0x0  }
0x20c: {  	s7 =	simm.s32 $0x900;
	[sflag:s17] =	ssyncadd.s32 $0xFFFFC000  }
0x20d: {  	[spmem:s2] =	stream.indirect.scatter.add.f32 [tilespmem:s12], [sflag:$0x4], $0x80, s7, s16, $0xb8;
	[tilespmem:$0x1D000] =	vst v63  }
0x20e: {  	_ =	swait.ge [sflag:s24], $0x4000  }
0x20f: {  	[sflag:s24] =	ssyncset.done $0x0  }
0x210: {  	s7 =	simm.s32 $0x180;
	[sflag:s24] =	ssyncadd.s32 $0xFFFFC000  }
0x211: {  	[tilespmem:s18], [sflag:$0x3] =	stream.indirect.gather [hbm4b:s1+s16], $0x80, s7, s16, $0xb8;
	[tilespmem:$0x1D000] =	vst v63  }
0x212: {  	_ =	swait.ge [sflag:s19], $0x4000  }
0x213: {  	[sflag:s19] =	ssyncset.done $0x0  }
0x214: {  	s7 =	simm.s32 $0x980;
	[sflag:s19] =	ssyncadd.s32 $0xFFFFC000  }
0x215: {  	[spmem:s2] =	stream.indirect.scatter.add.f32 [tilespmem:s18], [sflag:$0x5], $0x80, s7, s16, $0xb8;
	[tilespmem:$0x1D000] =	vst v63  }
0x216: {  	_ =	swait.ge [sflag:s21], $0x4000  }
0x217: {  	[sflag:s21] =	ssyncset.done $0x0  }
0x218: {  	s7 =	simm.s32 $0x200;
	[sflag:s21] =	ssyncadd.s32 $0xFFFFC000  }
0x219: {  	[tilespmem:s12], [sflag:$0x2] =	stream.indirect.gather [hbm4b:s1+s16], $0x80, s7, s16, $0xb8;
	[tilespmem:$0x1D000] =	vst v63  }
0x21a: {  	_ =	swait.ge [sflag:s17], $0x4000  }
0x21b: {  	[sflag:s17] =	ssyncset.done $0x0  }
0x21c: {  	s7 =	simm.s32 $0xA00;
	[sflag:s17] =	ssyncadd.s32 $0xFFFFC000  }
0x21d: {  	[spmem:s2] =	stream.indirect.scatter.add.f32 [tilespmem:s12], [sflag:$0x4], $0x80, s7, s16, $0xb8;
	[tilespmem:$0x1D000] =	vst v63  }
0x21e: {  	_ =	swait.ge [sflag:s24], $0x4000  }
0x21f: {  	[sflag:s24] =	ssyncset.done $0x0  }
0x220: {  	s7 =	simm.s32 $0x280;
	[sflag:s24] =	ssyncadd.s32 $0xFFFFC000  }
0x221: {  	[tilespmem:s18], [sflag:$0x3] =	stream.indirect.gather [hbm4b:s1+s16], $0x80, s7, s16, $0xb8;
	[tilespmem:$0x1D000] =	vst v63  }
0x222: {  	_ =	swait.ge [sflag:s19], $0x4000  }
0x223: {  	[sflag:s19] =	ssyncset.done $0x0  }
0x224: {  	s7 =	simm.s32 $0xA80;
	[sflag:s19] =	ssyncadd.s32 $0xFFFFC000  }
0x225: {  	[spmem:s2] =	stream.indirect.scatter.add.f32 [tilespmem:s18], [sflag:$0x5], $0x80, s7, s16, $0xb8;
	[tilespmem:$0x1D000] =	vst v63  }
0x226: {  	_ =	swait.ge [sflag:s21], $0x4000  }
0x227: {  	[sflag:s21] =	ssyncset.done $0x0  }
0x228: {  	s7 =	simm.s32 $0x300;
	[sflag:s21] =	ssyncadd.s32 $0xFFFFC000  }
0x229: {  	[tilespmem:s12], [sflag:$0x2] =	stream.indirect.gather [hbm4b:s1+s16], $0x80, s7, s16, $0xb8;
	[tilespmem:$0x1D000] =	vst v63  }
0x22a: {  	_ =	swait.ge [sflag:s17], $0x4000  }
0x22b: {  	[sflag:s17] =	ssyncset.done $0x0  }
0x22c: {  	s7 =	simm.s32 $0xB00;
	[sflag:s17] =	ssyncadd.s32 $0xFFFFC000  }
0x22d: {  	[spmem:s2] =	stream.indirect.scatter.add.f32 [tilespmem:s12], [sflag:$0x4], $0x80, s7, s16, $0xb8;
	[tilespmem:$0x1D000] =	vst v63  }
0x22e: {  	_ =	swait.ge [sflag:s24], $0x4000  }
0x22f: {  	[sflag:s24] =	ssyncset.done $0x0  }
0x230: {  	s7 =	simm.s32 $0x380;
	[sflag:s24] =	ssyncadd.s32 $0xFFFFC000  }
0x231: {  	[tilespmem:s18], [sflag:$0x3] =	stream.indirect.gather [hbm4b:s1+s16], $0x80, s7, s16, $0xb8;
	[tilespmem:$0x1D000] =	vst v63  }
0x232: {  	_ =	swait.ge [sflag:s19], $0x4000  }
0x233: {  	[sflag:s19] =	ssyncset.done $0x0  }
0x234: {  	s7 =	simm.s32 $0xB80;
	[sflag:s19] =	ssyncadd.s32 $0xFFFFC000  }
0x235: {  	[spmem:s2] =	stream.indirect.scatter.add.f32 [tilespmem:s18], [sflag:$0x5], $0x80, s7, s16, $0xb8;
	[tilespmem:$0x1D000] =	vst v63  }
0x236: {  	_ =	swait.ge [sflag:s21], $0x4000  }
0x237: {  	[sflag:s21] =	ssyncset.done $0x0  }
0x238: {  	[sflag:s21] =	ssyncadd.s32 $0xFFFFC000  }
0x239: {  	[tilespmem:s12], [sflag:$0x2] =	stream.indirect.gather [hbm4b:s1+s16], $0x80, s8, s16, $0xb8;
	[tilespmem:$0x1D000] =	vst v63  }
0x23a: {  	_ =	swait.ge [sflag:s17], $0x4000  }
0x23b: {  	[sflag:s17] =	ssyncset.done $0x0  }
0x23c: {  	[sflag:s17] =	ssyncadd.s32 $0xFFFFC000  }
0x23d: {  	[spmem:s2] =	stream.indirect.scatter.add.f32 [tilespmem:s12], [sflag:$0x4], $0x80, s9, s16, $0xb8;
	[tilespmem:$0x1D000] =	vst v63  }
0x23e: {  	_ =	swait.ge [sflag:s24], $0x4000  }
0x23f: {  	[sflag:s24] =	ssyncset.done $0x0  }
0x240: {  	[sflag:s24] =	ssyncadd.s32 $0xFFFFC000  }
0x241: {  	[tilespmem:s18], [sflag:$0x3] =	stream.indirect.gather [hbm4b:s1+s16], $0x80, s10, s16, $0xb8;
	[tilespmem:$0x1D000] =	vst v63  }
0x242: {  	_ =	swait.ge [sflag:s19], $0x4000  }
0x243: {  	[sflag:s19] =	ssyncset.done $0x0  }
0x244: {  	[sflag:s19] =	ssyncadd.s32 $0xFFFFC000  }
0x245: {  	[spmem:s2] =	stream.indirect.scatter.add.f32 [tilespmem:s18], [sflag:$0x5], $0x80, s11, s16, $0xb8;
	[tilespmem:$0x1D000] =	vst v63  }
0x246: {  	_ =	swait.ge [sflag:s21], $0x4000  }
0x247: {  	[sflag:s21] =	ssyncset.done $0x0  }
0x248: {  	[sflag:s21] =	ssyncadd.s32 $0xFFFFC000  }
0x249: {  	[tilespmem:s12], [sflag:$0x2] =	stream.indirect.gather [hbm4b:s1+s16], $0x80, s5, s16, $0xb8;
	[tilespmem:$0x1D000] =	vst v63  }
0x24a: {  	_ =	swait.ge [sflag:s17], $0x4000  }
0x24b: {  	[sflag:s17] =	ssyncset.done $0x0  }
0x24c: {  	[sflag:s17] =	ssyncadd.s32 $0xFFFFC000  }
0x24d: {  	[spmem:s2] =	stream.indirect.scatter.add.f32 [tilespmem:s12], [sflag:$0x4], $0x80, s13, s16, $0xb8;
	[tilespmem:$0x1D000] =	vst v63  }
0x24e: {  	_ =	swait.ge [sflag:s24], $0x4000  }
0x24f: {  	[sflag:s24] =	ssyncset.done $0x0  }
0x250: {  	[sflag:s24] =	ssyncadd.s32 $0xFFFFC000  }
0x251: {  	[tilespmem:s18], [sflag:$0x3] =	stream.indirect.gather [hbm4b:s1+s16], $0x80, s20, s16, $0xb8;
	[tilespmem:$0x1D000] =	vst v63  }
0x252: {  	_ =	swait.ge [sflag:s19], $0x4000  }
0x253: {  	[sflag:s19] =	ssyncset.done $0x0  }
0x254: {  	[sflag:s19] =	ssyncadd.s32 $0xFFFFC000  }
0x255: {  	[spmem:s2] =	stream.indirect.scatter.add.f32 [tilespmem:s18], [sflag:$0x5], $0x80, s22, s16, $0xb8;
	[tilespmem:$0x1D000] =	vst v63  }
0x256: {  	_ =	swait.ge [sflag:s21], $0x4000  }
0x257: {  	[sflag:s21] =	ssyncset.done $0x0  }
0x258: {  	[sflag:s21] =	ssyncadd.s32 $0xFFFFC000  }
0x259: {  	[tilespmem:s12], [sflag:$0x2] =	stream.indirect.gather [hbm4b:s1+s16], $0x80, s23, s16, $0xb8;
	[tilespmem:$0x1D000] =	vst v63  }
0x25a: {  	_ =	swait.ge [sflag:s17], $0x4000  }
0x25b: {  	[sflag:s17] =	ssyncset.done $0x0  }
0x25c: {  	[sflag:s17] =	ssyncadd.s32 $0xFFFFC000  }
0x25d: {  	[spmem:s2] =	stream.indirect.scatter.add.f32 [tilespmem:s12], [sflag:$0x4], $0x80, s25, s16, $0xb8;
	[tilespmem:$0x1D000] =	vst v63  }
0x25e: {  	_ =	swait.ge [sflag:s24], $0x4000  }
0x25f: {  	[sflag:s24] =	ssyncset.done $0x0  }
0x260: {  	[sflag:s24] =	ssyncadd.s32 $0xFFFFC000  }
0x261: {  	[tilespmem:s18], [sflag:$0x3] =	stream.indirect.gather [hbm4b:s1+s16], $0x80, s26, s16, $0xb8;
	[tilespmem:$0x1D000] =	vst v63  }
0x262: {  	_ =	swait.ge [sflag:s19], $0x4000  }
0x263: {  	[sflag:s19] =	ssyncset.done $0x0  }
0x264: {  	[sflag:s19] =	ssyncadd.s32 $0xFFFFC000  }
0x265: {  	[spmem:s2] =	stream.indirect.scatter.add.f32 [tilespmem:s18], [sflag:$0x5], $0x80, s28, s16, $0xb8;
	[tilespmem:$0x1D000] =	vst v63  }
0x266: {  	_ =	swait.ge [sflag:s21], $0x4000  }
0x267: {  	[sflag:s21] =	ssyncset.done $0x0  }
0x268: {  	[sflag:s21] =	ssyncadd.s32 $0xFFFFC000  }
0x269: {  	[tilespmem:s12], [sflag:$0x2] =	stream.indirect.gather [hbm4b:s1+s16], $0x80, s29, s16, $0xb8;
	[tilespmem:$0x1D000] =	vst v63  }
0x26a: {  	_ =	swait.ge [sflag:s17], $0x4000  }
0x26b: {  	[sflag:s17] =	ssyncset.done $0x0  }
0x26c: {  	[sflag:s17] =	ssyncadd.s32 $0xFFFFC000  }
0x26d: {  	[spmem:s2] =	stream.indirect.scatter.add.f32 [tilespmem:s12], [sflag:$0x4], $0x80, s30, s16, $0xb8;
	[tilespmem:$0x1D000] =	vst v63  }
0x26e: {  	_ =	swait.ge [sflag:s24], $0x4000  }
0x26f: {  	[sflag:s24] =	ssyncset.done $0x0  }
0x270: {  	[sflag:s24] =	ssyncadd.s32 $0xFFFFC000  }
0x271: {  	[tilespmem:s18], [sflag:$0x3] =	stream.indirect.gather [hbm4b:s1+s16], $0x80, s31, s16, $0xb8;
	[tilespmem:$0x1D000] =	vst v63  }
0x272: {  	_ =	swait.ge [sflag:s19], $0x4000  }
0x273: {  	[sflag:s19] =	ssyncset.done $0x0  }
0x274: {  	p1 =	seq.s32 s3, $0x600;
	[sflag:s19] =	ssyncadd.s32 $0xFFFFC000  }
0x275: {  	[spmem:s2] =	stream.indirect.scatter.add.f32 [tilespmem:s18], [sflag:$0x5], $0x80, s0, s16, $0xb8;
	[tilespmem:$0x1D000] =	vst v63  }
.Ltmp6:
0x276: {  	_ =	swait.ge [sflag:s21], $0x4000;
	(pc) =	sbr.rel @!p1 .LBB2_5-.Ltmp6, $4  }
0x277: {  	[sflag:s21] =	ssyncset.done $0x0  }
0x278: {  	[sflag:s21] =	ssyncadd.s32 $0xFFFFC000  }
0x279: {  	_ =	swait.ge [sflag:s24], $0x4000  }
0x27a: {  	s3 =	sadd.s32 $0x100, s3;
	[sflag:s24] =	ssyncset.done $0x0  }
.Ltmp7:
0x27b: {  	_ = 	snop;
	(pc) =	sbr.rel .LBB2_6-.Ltmp7, $1  }
0x27c: {  	_ =	sdelay $0x3  }
.LBB2_11:
0x27d: {  	_ =	sfence.sel $0x180000  }
0x27e: {  	[bflag:$0x0] =	sbarrier.arrive $0xFFFF  }
0x27f: {  	_ =	strace $0x9000004D  }
0x280: {  	s0 =	stileid.u32;
	[bflag:$0x2] =	sbarrier.arrive $0xFFFF  }
0x281: {  	p0 =	sne.s32 s0, $0x0;
	s0 =	rddreg [dreg:$0x3]  }
0x282: {  	s0 =	sadd.s32 @!p0 $0x100000, s0  }
0x283: {  	[sflag:s0] =	ssyncadd.tile.s32 @!p0 $0x1;
	_ =	shalt  }
.Lfunc_end2:
_tile_overlayer_lowered:
.L_overlay_start_2:
0x284: {  	(tag) =	ssettag $0x2  }
0x285: {  	s0 =	rddreg [dreg:$0x0];
	s2 =	stileid.u32  }
0x286: {  	s1 =	rddreg [dreg:$0x1];
	p0 =	sne.s32 s2, $0x0  }
0x287: {  	s3 =	rddreg [dreg:$0x2];
	[bflag:$0x3] =	sbarrier.arrive $0xFFFF;
	s2 =	simm.s32 @!p0 $0x1C06  }
0x288: {  	[timem:s3], [sflag:s2] =	dma.local @!p0 [hbm:s0], s1  }
0x289: {  	s0 =	simm.s32 @!p0 $0x6  }
0x28a: {  	_ =	swait.ge @!p0 [sflag:s0], s1  }
0x28b: {  	s1 =	ssub.s32 @!p0 $0x0, s1;
	[sflag:s0] =	ssyncset.done @!p0 $0x0  }
0x28c: {  	[sflag:s0] =	ssyncadd.s32 @!p0 s1  }
0x28d: {  	[bflag:$0x3] =	sbarrier.arrive $0xFFFF  }
0x28e: {  	_ =	shalt  }

// kernel: kernel.9.cloned.1.call-start
scs
__scs_entry_jumppad:
0x0: {  	(pc) =	sbr.rel $0x88, $3  }
0x1: {  	(tag) =	ssettag $0x0;
	lr =	simm.s32 $0x1  }
0x2: {  	[smem:$0x3F98] =	sst lr;
	_ =	strace $0xD0000000  }
0x3: {  	_ = 	snop  }
0x4: {  	_ = 	snop  }
0x5: {  	_ = 	snop  }
0x6: {  	_ = 	snop  }
0x7: {  	_ = 	snop  }
__scs_overlays_trampoline_lowered:
0x8: {  	[smem:$0x3FA7] =	sst s0  }
0x9: {  	[smem:$0x3FA8] =	sst s1  }
0xa: {  	[smem:$0x3FA9] =	sst s2  }
0xb: {  	[smem:$0x3FAA] =	sst s3  }
0xc: {  	[smem:$0x3FAB] =	sst s4  }
0xd: {  	[smem:$0x3FAC] =	sst s5  }
0xe: {  	[smem:$0x3FAD] =	sst s6  }
0xf: {  	[smem:$0x3FAE] =	sst s7  }
0x10: {  	[smem:$0x3FAF] =	sst s8  }
0x11: {  	[smem:$0x3FB0] =	sst s9;
	s0 =	simm.s32 @!p0 $0x0  }
0x12: {  	s1 =	sld [smem:$0x3F96];
	s0 =	simm.s32 @p0 $0x1  }
0x13: {  	[smem:$0x3FB1] =	sst s0;
	s0 =	simm.s32 @!p1 $0x0  }
0x14: {  	s2 =	sld [smem:$0x3F95];
	s0 =	simm.s32 @p1 $0x1  }
0x15: {  	[smem:$0x3FB2] =	sst s0;
	s0 =	simm.s32 @!p2 $0x0  }
0x16: {  	s3 =	sld [smem:$0x3FDB];
	s0 =	simm.s32 @p2 $0x1  }
0x17: {  	s4 =	simm.s32 $0x1BF5;
	[smem:$0x3FB4] =	sst s0  }
0x18: {  	s0 =	sld [smem:$0x3F97];
	_ =	swait.ge [sflag:s4], $0x0  }
0x19: {  	s7 =	sld [smem:$0x3F98]  }
0x1a: {  	s8 =	sadd.s32 $0xFFFFE003, lr  }
0x1b: {  	s9 =	sadd.s32 $0xFFFFFEF7, lr;
	s5 =	simm.s32 $0xFFFFFFFF;
	p2 =	slt.u32 s8, $0xFFFFF086  }
0x1c: {  	p1 =	slt.u32 s9, $0xF7A;
	s5 =	simm.s32 @!p2 $0x0  }
0x1d: {  	s5 =	simm.s32 @p1 $0x1;
	p0 =	seq.s32 s7, s2  }
0x1e: {  	s7 =	smul.u32 @!p0 $0xF7A, s2;
	p2 =	seq.s32 @!p0 s5, $0x0  }
0x1f: {  	s9 =	smul.u32 $0xF7A, s1;
	s8 =	simm.s32 @!p0 $0x1BF5;
	p2 =	por !p2, p0  }
0x20: {  	[sflag:s8] =	ssyncset.s32 @!p0 $0xFFFFF086;
	s6 =	sadd.s32 @!p0 s3, s7;
	s7 =	simm.s32 @!p0 $0x108  }
0x21: {  	s3 =	sadd.s32 s3, s9;
	s6 =	sadd.s32 @!p0 $0x88, s6;
	s7 =	simm.s32 @p2 $0x1082  }
0x22: {  	[simem:s7], [sflag:s8] =	dma.local @!p0 [hbm:s6], $0xF7A  }
0x23: {  	s9 =	sor.u32 $0xD0000000, s2;
	s6 =	simm.s32 $0x108;
	_ =	swait.ge @!p0 [sflag:s8], $0x0  }
0x24: {  	s3 =	sadd.s32 $0x88, s3;
	s6 =	simm.s32 @!p1 $0x1082;
	[sflag:s4] =	ssyncset.s32 $0xFFFFF086  }
0x25: {  	[simem:s6], [sflag:s4] =	dma.local [hbm:s3], $0xF7A  }
0x26: {  	[smem:$0x3F98] =	sst s1;
	(tag) =	ssettag s2;
	_ =	strace s9  }
0x27: {  	s1 =	sld [smem:$0x3FA8]  }
0x28: {  	s2 =	sld [smem:$0x3FA9]  }
0x29: {  	s4 =	sld [smem:$0x3FAB]  }
0x2a: {  	p0 =	seq.s32 s5, $0x0;
	s5 =	sld [smem:$0x3FAC]  }
0x2b: {  	s6 =	sld [smem:$0x3FAD]  }
0x2c: {  	s7 =	sld [smem:$0x3FAE]  }
0x2d: {  	s3 =	simm.s32 $0x108;
	s8 =	sld [smem:$0x3FAF]  }
0x2e: {  	s3 =	simm.s32 @!p0 $0x1082;
	s9 =	sld [smem:$0x3FB0]  }
0x2f: {  	lr =	sadd.s32 s0, s3;
	s0 =	sld [smem:$0x3FA7]  }
0x30: {  	s3 =	sld [smem:$0x3FAA]  }
0x31: {  	[smem:$0x3FB3] =	sst s10  }
0x32: {  	s10 =	sld [smem:$0x3FB1];
	_ =	sdelay $0x3  }
0x33: {  	p0 =	seq.s32 s10, $0x1;
	s10 =	sld [smem:$0x3FB3];
	_ =	sdelay $0x3  }
0x34: {  	[smem:$0x3FB3] =	sst s10  }
0x35: {  	s10 =	sld [smem:$0x3FB2];
	_ =	sdelay $0x3  }
0x36: {  	p1 =	seq.s32 s10, $0x1;
	s10 =	sld [smem:$0x3FB3];
	_ =	sdelay $0x3  }
0x37: {  	[smem:$0x3FB3] =	sst s10  }
0x38: {  	s10 =	sld [smem:$0x3FB4]  }
0x39: {  	_ = 	snop;
	(pc) =	sbr.ind lr, $3  }
0x3a: {  	_ = 	snop  }
0x3b: {  	_ = 	snop  }
0x3c: {  	p2 =	seq.s32 s10, $0x1;
	s10 =	sld [smem:$0x3FB3]  }
0x3d: {  	_ =	shalt  }
0x3e: {  	_ =	shalt  }
0x3f: {  	_ =	shalt  }
0x40: {  	_ =	shalt  }
0x41: {  	_ =	shalt  }
0x42: {  	_ =	shalt  }
0x43: {  	_ =	shalt  }
0x44: {  	_ =	shalt  }
0x45: {  	_ =	shalt  }
0x46: {  	_ =	shalt  }
0x47: {  	_ =	shalt  }
0x48: {  	_ =	shalt  }
0x49: {  	_ =	shalt  }
0x4a: {  	_ =	shalt  }
0x4b: {  	_ =	shalt  }
0x4c: {  	_ =	shalt  }
0x4d: {  	_ =	shalt  }
0x4e: {  	_ =	shalt  }
0x4f: {  	_ =	shalt  }
0x50: {  	_ =	shalt  }
0x51: {  	_ =	shalt  }
0x52: {  	_ =	shalt  }
0x53: {  	_ =	shalt  }
0x54: {  	_ =	shalt  }
0x55: {  	_ =	shalt  }
0x56: {  	_ =	shalt  }
0x57: {  	_ =	shalt  }
0x58: {  	_ =	shalt  }
0x59: {  	_ =	shalt  }
0x5a: {  	_ =	shalt  }
0x5b: {  	_ =	shalt  }
0x5c: {  	_ =	shalt  }
0x5d: {  	_ =	shalt  }
0x5e: {  	_ =	shalt  }
0x5f: {  	_ =	shalt  }
0x60: {  	_ =	shalt  }
0x61: {  	_ =	shalt  }
0x62: {  	_ =	shalt  }
0x63: {  	_ =	shalt  }
0x64: {  	_ =	shalt  }
0x65: {  	_ =	shalt  }
0x66: {  	_ =	shalt  }
0x67: {  	_ =	shalt  }
0x68: {  	_ =	shalt  }
0x69: {  	_ =	shalt  }
0x6a: {  	_ =	shalt  }
0x6b: {  	_ =	shalt  }
0x6c: {  	_ =	shalt  }
0x6d: {  	_ =	shalt  }
0x6e: {  	_ =	shalt  }
0x6f: {  	_ =	shalt  }
0x70: {  	_ =	shalt  }
0x71: {  	_ =	shalt  }
0x72: {  	_ =	shalt  }
0x73: {  	_ =	shalt  }
0x74: {  	_ =	shalt  }
0x75: {  	_ =	shalt  }
0x76: {  	_ =	shalt  }
0x77: {  	_ =	shalt  }
0x78: {  	_ =	shalt  }
0x79: {  	_ =	shalt  }
0x7a: {  	_ =	shalt  }
0x7b: {  	_ =	shalt  }
0x7c: {  	_ =	shalt  }
0x7d: {  	_ =	shalt  }
0x7e: {  	_ =	shalt  }
0x7f: {  	_ =	shalt  }
0x80: {  	_ =	shalt  }
0x81: {  	_ =	shalt  }
0x82: {  	_ =	shalt  }
0x83: {  	_ =	shalt  }
0x84: {  	_ =	shalt  }
0x85: {  	_ =	shalt  }
0x86: {  	_ =	shalt  }
0x87: {  	_ =	shalt  }
.Lfunc_end0:
.L_simem_size_0:
called_computation_lowered:
.L_overlay_start_0:
0x88: {  	s2 =	sld [smem:$0x3FD9]  }
0x89: {  	s3 =	sld [smem:$0x3FFE];
	_ =	sdelay $0x1  }
0x8a: {  	s1 =	srdreg.scid  }
0x8b: {  	s0 =	sand.u32 $0x1, s1  }
0x8c: {  	s17 =	sshll.u32 s0, $0xA;
	s2 =	sadd.s32 s3, s2  }
0x8d: {  	s2 =	sadd.s32 s2, s17  }
0x8e: {  	[smem:$0x3FBF] =	sst s2  }
0x8f: {  	_ = 	snop  }
0x90: {  	s2 =	sld [smem:$0x3FD0];
	(tm) =	ssettm $0x1  }
0x91: {  	s18 =	sld [smem:$0x3FFB];
	_ =	sdelay $0x3  }
0x92: {  	_ =	strace s18  }
0x93: {  	s3 =	sld [smem:$0x3FFC];
	_ =	sdelay $0x3  }
0x94: {  	_ =	strace s3  }
0x95: {  	s3 =	sld [smem:$0x3FFD];
	_ =	sdelay $0x3  }
0x96: {  	_ =	strace s3  }
0x97: {  	_ =	strace $0x8FFFFFFF  }
0x98: {  	s19 =	sld [smem:$0x3FDB];
	_ =	sdelay $0x1  }
0x99: {  	s4 =	simm.s32 $_scs_section_size  }
0x9a: {  	s5 =	simm.s32 $_size__tile_overlayer_lowered;
	s6 =	simm.s32 $_tile_overlayer_lowered  }
0x9b: {  	s22 =	simm.s32 $0x1BFF;
	s21 =	sshll.u32 s6, $0x1;
	s3 =	sadd.s32 s4, s19  }
0x9c: {  	s7 =	simm.s32 $0x0;
	s20 =	sshll.u32 s5, $0x1;
	s5 =	sadd.s32 s21, s3  }
0x9d: {  	[timem:s7], [sflag:s22] =	dma.local [hbm:s5], s20  }
0x9e: {  	_ =	swait.ge [sflag:s22], s20  }
0x9f: {  	s4 =	ssub.s32 $0x0, s20;
	[sflag:s22] =	ssyncset.done $0x0  }
0xa0: {  	[sflag:s22] =	ssyncadd.s32 s4;
	_ =	sdelay $0x1  }
0xa1: {  	s23 =	simm.s32 $0x1B8B  }
0xa2: {  	_ =	swait.ge [sflag:s23], $0x1  }
0xa3: {  	[sflag:s23] =	ssyncset.done $0x0  }
0xa4: {  	s25 =	simm.s32 $0x1B8E;
	s24 =	sld [smem:$0x3FFE];
	[sflag:s23] =	ssyncadd.s32 $0xFFFFFFFF  }
0xa5: {  	s26 =	simm.s32 $execute0_lowered;
	[smem:$0x3FD2] =	sst s25  }
0xa6: {  	s5 =	sshll.u32 s26, $0x1;
	_ =	strace $0x80000046;
	[dreg:$0x1] =	wrdreg $0xFFFFFFFF  }
0xa7: {  	s28 =	simm.s32 $_size_execute0_lowered;
	s3 =	sadd.s32 s3, s5;
	[dreg:$0x0] =	wrdreg $0x0  }
0xa8: {  	s5 =	sshll.u32 s28, $0x1;
	[dreg:$0x2] =	wrdreg s3  }
0xa9: {  	[dreg:$0x3] =	wrdreg s5  }
0xaa: {  	[dreg:$0x4] =	wrdreg $0xC0  }
0xab: {  	_ =	task [dreg:s7], $0x5FFFF  }
0xac: {  	[dreg:$0x1] =	wrdreg $0xFFFFFFFF  }
0xad: {  	[dreg:$0x0] =	wrdreg $0x60  }
0xae: {  	[dreg:$0x2] =	wrdreg s2  }
0xaf: {  	[dreg:$0x3] =	wrdreg s24  }
0xb0: {  	[dreg:$0x4] =	wrdreg $0x9  }
0xb1: {  	_ =	task.clear_ibuf [dreg:s7], $0x5FFFF;
	_ =	strace $0x90000046  }
0xb2: {  	s29 =	simm.s32 $0x9;
	_ =	strace $0x80000048  }
0xb3: {  	_ =	swait.ge [sflag:s29], $0x1  }
0xb4: {  	[sflag:s29] =	ssyncadd.s32 $0xFFFFFFFF  }
0xb5: {  	_ =	strace $0x90000048  }
0xb6: {  	_ =	sfence  }
0xb7: {  	s30 =	sld [smem:$0x0];
	_ =	sdelay $0x2  }
0xb8: {  	s31 =	sshll.u32 s1, $0xD;
	s1 =	sshrl.u32 s1, $0x2  }
0xb9: {  	s3 =	sand.u32 $0x4000, s31;
	s1 =	sadd.s32 s1, s30  }
0xba: {  	s0 =	sor.u32 s3, s0;
	s1 =	sshll.u32 s1, $0x11  }
0xbb: {  	s0 =	sor.u32 s1, s0  }
0xbc: {  	s0 =	sadd.s32 $0x8F2B, s0  }
0xbd: {  	[sflag:s0] =	ssyncadd.remote.s32 $0x1  }
0xbe: {  	_ =	sfence.sel $0xFFFF  }
0xbf: {  	[dreg:$0x0] =	wrdreg $0xFFFFFFFF;
	(pc) =	sbr.abs _section_cstart, $3  }
0xc0: {  	[dreg:$0x1] =	wrdreg $0xFFFFFFFF  }
0xc1: {  	_ =	task.clear_ibuf [dreg:s7], $0x2FFFF;
	_ =	strace $0x9FFFFFFF  }
0xc2: {  	(tm) =	ssettm $0x7FFFFFFF  }
0xc3: {  	_ =	shalt  }
tec
execute0_lowered:
.L_overlay_start_1:
0x0: {  	(tag) =	ssettag $0x1  }
0x1: {  	s3 =	rddreg [dreg:$0x0]  }
0x2: {  	s0 =	srdreg.scid;
	s5 =	rddreg [dreg:$0x1]  }
0x3: {  	s1 =	stileid.u32;
	s10 =	simm.s32 $0x0;
	s4 =	sand.u32 $0x1, s0  }
0x4: {  	s0 =	rddreg [dreg:$0x2];
	s8 =	smul.u32 $0x14000, s1;
	s9 =	sshll.u32 s1, $0x7  }
0x5: {  	s2 =	sshll.u32 s4, $0x4;
	s6 =	smul.u32 $0x140000, s4;
	s30 =	sand.u32 $0x380, s9  }
0x6: {  	s4 =	ssub.s32 $0x2, s4;
	s9 =	simm.s32 $0x2800;
	s7 =	sor.u32 s1, s2  }
0x7: {  	s2 =	simm.s32 $0x0;
	s31 =	sshrl.u32 s4, $0x1;
	s7 =	sshrl.u32 s7, $0x3  }
0x8: {  	[smem:$0x7FF] =	sst s2;
	s6 =	sadd.s32 s8, s6;
	s7 =	smul.u32 $0x14000, s7  }
0x9: {  	s8 =	simm.s32 $0x1;
	_ =	strace $0x80000047;
	s6 =	sshrl.u32 s6, $0x3  }
0xa: {  	s5 =	sadd.s32 s6, s5;
	s6 =	ssub.s32 s4, s31;
	s7 =	sor.u32 s30, s7  }
0xb: {  	s4 =	sadd.s32 $0xCE00, s5;
	s5 =	smax.u32 s6, $0x1;
	s7 =	sshrl.u32 s7, $0x3  }
0xc: {  	v0 =	vimm.f32 $0.0e+00;
	v1 =	vimm.f32 $1.000000000e+00;
	s6 =	simm.s32 $0x80;
	s3 =	sadd.s32 s3, s7;
	s7 =	simm.s32 $0x400  }
.LBB2_1:
0xd: {  	s11 =	simm.s32 $0x200;
	s12 =	simm.s32 $0x0  }
.LBB2_2:
0xe: {  	p0 =	sne.s32 s11, $0x4FE00;
	[tilespmem:s12+$0x2800] =	vst v0;
	s12 =	smov.u32 s11;
	s11 =	sadd.s32 $0x200, s11  }
.Ltmp0:
0xf: {  	(pc) =	sbr.rel @p0 .LBB2_2-.Ltmp0, $2  }
0x10: {  	_ =	sdelay $0x2  }
0x11: {  	s12 =	sshra.s32 s12, $0x2  }
0x12: {  	[tilespmem:s12+$0x2800] =	vst v0;
	s11 =	simm.s32 $0x0  }
0x13: {  	[tilespmem:s11], [sflag:$0x1] =	stream.strided.gather [hbm4b:s3+s6], $0x2800, s7, s6, $0x38;
	[tilespmem:$0x16800] =	vst v63  }
0x14: {  	_ =	swait.ge [sflag:s8], $0x2800  }
0x15: {  	[sflag:s8] =	ssyncset.done $0x0  }
0x16: {  	s12 =	simm.s32 $0x0;
	s11 =	simm.s32 $0x40;
	[sflag:s8] =	ssyncadd.s32 $0xFFFFD800  }
.LBB2_4:
0x17: {  	p0 =	sne.s32 s11, $0x9FC0;
	v2 =	vld [tilespmem:s12+$0x0];
	_ =	sdelay $0x4  }
0x18: {  	v3 =	vshll.u32 v2, $0x3  }
0x19: {  	v2 =	vand.u32 $0xF, v2;
	v3 =	vand.u32 $0xFFFFFF80, v3  }
0x1a: {  	v2 =	vor.u32 v2, v3  }
.Ltmp1:
0x1b: {  	(pc) =	sbr.rel @p0 .LBB2_4-.Ltmp1, $2  }
0x1c: {  	_ =	sdelay $0x2  }
0x1d: {  	s12 =	sshra.s32 s11, $0x2;
	s11 =	sadd.s32 $0x40, s11;
	[tilespmem:v2+s9+$0x0] =	vst.idx.add.f32.msk $0xffff, v1  }
0x1e: {  	v2 =	vld [tilespmem:s12+$0x0];
	_ =	sdelay $0x4  }
0x1f: {  	v3 =	vshll.u32 v2, $0x3  }
0x20: {  	v2 =	vand.u32 $0xF, v2;
	v3 =	vand.u32 $0xFFFFFF80, v3  }
0x21: {  	v2 =	vor.u32 v2, v3;
	_ =	sdelay $0x2  }
0x22: {  	s10 =	sadd.s32 $0x1, s10  }
0x23: {  	p0 =	sne.s32 s10, s5  }
.Ltmp2:
0x24: {  	[tilespmem:v2+s9+$0x0] =	vst.idx.add.f32.msk $0xffff, v1;
	(pc) =	sbr.rel @p0 .LBB2_1-.Ltmp2, $4  }
0x25: {  	[hbm4b:s4+s2] =	stream.linear.scatter [tilespmem:s9], [sflag:$0x1], $0x14000, $0x38;
	[tilespmem:$0x16800] =	vst v63  }
0x26: {  	_ =	swait.ge [sflag:s8], $0x14000  }
0x27: {  	[sflag:s8] =	ssyncset.done $0x0  }
0x28: {  	[sflag:s8] =	ssyncadd.s32 $0xFFFEC000  }
0x29: {  	_ =	sfence.sel $0x180000  }
0x2a: {  	[bflag:$0x0] =	sbarrier.arrive $0xFFFF  }
0x2b: {  	p0 =	sne.s32 s1, $0x0;
	_ =	strace $0x90000047  }
0x2c: {  	s0 =	sadd.s32 @!p0 $0x100000, s0;
	[bflag:$0x2] =	sbarrier.arrive $0xFFFF  }
0x2d: {  	[sflag:s0] =	ssyncadd.tile.s32 @!p0 $0x1;
	_ =	shalt  }
.Lfunc_end2:
_tile_overlayer_lowered:
.L_overlay_start_2:
0x2e: {  	(tag) =	ssettag $0x2  }
0x2f: {  	s0 =	rddreg [dreg:$0x0];
	s2 =	stileid.u32  }
0x30: {  	s1 =	rddreg [dreg:$0x1];
	p0 =	sne.s32 s2, $0x0  }
0x31: {  	s3 =	rddreg [dreg:$0x2];
	[bflag:$0x3] =	sbarrier.arrive $0xFFFF;
	s2 =	simm.s32 @!p0 $0x1C01  }
0x32: {  	[timem:s3], [sflag:s2] =	dma.local @!p0 [hbm:s0], s1  }
0x33: {  	s0 =	simm.s32 @!p0 $0x1  }
0x34: {  	_ =	swait.ge @!p0 [sflag:s0], s1  }
0x35: {  	s1 =	ssub.s32 @!p0 $0x0, s1;
	[sflag:s0] =	ssyncset.done @!p0 $0x0  }
0x36: {  	[sflag:s0] =	ssyncadd.s32 @!p0 s1  }
0x37: {  	[bflag:$0x3] =	sbarrier.arrive $0xFFFF  }
0x38: {  	_ =	shalt  }

</sc_bundles>
